<compile_context>
chip_gen: v7x
topology: tpu7x:2x2x1
jax: 0.10.2.dev20260603
libtpu: 0.0.44.dev20260713+nightly
codegen_flags: <defaults>
</compile_context>

<pallas_src>
import functools

import jax
import jax.numpy as jnp
from jax.experimental import pallas as pl
from jax.experimental.pallas import tpu as pltpu
from jax.experimental.pallas import tpu_sc as plsc


def _sc_gather(v2, jj, gw):
    m = jj.shape[1]
    r = v2.shape[1]
    mesh = plsc.VectorSubcoreMesh(core_axis_name="core", subcore_axis_name="subcore")

    @pl.kernel(out_type=jax.ShapeDtypeStruct((m, r), v2.dtype), mesh=mesh)
    def gather_kernel(v_hbm, i_hbm, o_hbm):
        def body(i_vmem, o_vmem):
            pltpu.sync_copy(v_hbm.at[i_vmem.at[0]], o_vmem)

        pltpu.emit_pipeline(
            body,
            grid=(m // gw,),
            in_specs=[pl.BlockSpec((1, gw), index_map=lambda i: (0, i))],
            out_specs=[pl.BlockSpec((gw, r), index_map=lambda i: (i, 0))],
            core_axis_name=("core", "subcore"),
            dimension_semantics=(pltpu.PARALLEL,),
        )(i_hbm, o_hbm)

    return gather_kernel(v2, jj)


def _tc_body(vg_ref, utf_ref, o_ref, *, d, n, dn_out):
    xs = []
    for dd in range(d):
        xd = vg_ref[:, dd * n:(dd + 1) * n]
        xs.append(jnp.concatenate([xd, xd], axis=1))
    for u in range(dn_out // 128):
        sl = pl.ds(u * 128, 128)
        acc = xs[0] * utf_ref[0, sl][None, :]
        for dd in range(1, d):
            acc += xs[dd] * utf_ref[dd, sl][None, :]
        o_ref[:, sl] = acc


def _tc_einsum(vg2, utf, bB):
    b, dn_in = vg2.shape
    d, dn_out = utf.shape
    n = dn_in // d
    body = functools.partial(_tc_body, d=d, n=n, dn_out=dn_out)
    return pl.pallas_call(
        body,
        grid=(b // bB,),
        in_specs=[
            pl.BlockSpec((bB, dn_in), lambda i: (i, 0)),
            pl.BlockSpec((d, dn_out), lambda i: (0, 0)),
        ],
        out_specs=pl.BlockSpec((bB, dn_out), lambda i: (i, 0)),
        out_shape=jax.ShapeDtypeStruct((b, dn_out), vg2.dtype),
        compiler_params=pltpu.CompilerParams(
            dimension_semantics=("arbitrary",),
        ),
    )(vg2, utf)


def kernel(ii, C, V, Us):
    del C
    nN, d, n = V.shape
    _, dD, _ = Us.shape
    b = ii.shape[0]
    rpe = (d * n) // 128
    v2 = V.reshape(nN * rpe, 128)
    jj = (ii[:, None].astype(jnp.int32) * rpe
          + jnp.arange(rpe, dtype=jnp.int32)[None, :]).reshape(1, b * rpe)
    vg2 = _sc_gather(v2, jj, gw=128).reshape(b, d * n)
    utf = jnp.transpose(Us, (2, 1, 0)).reshape(d, dD * n)
    y = _tc_einsum(vg2, utf, bB=256)
    return y.reshape(b, dD, n)

# --- scband reference (transcript-rebuilt; emitter-appended) ---
"""Pipeline reference for scband-kmanifold-cluster-model-7937099563489 (READ-ONLY COPY).

The authoritative reference and input builder live on the scoring server;
editing this copy changes nothing except your own understanding.
"""

import jax, jax.numpy as jnp
import numpy as np


def setup_inputs(seed: int = 0) -> dict:
    key = jax.random.key(seed)
    n, d, D, N, B = 64, 8, 128, 100000, 4096
    k1, k2, k3, k4 = jax.random.split(key, 4)
    ii = jax.random.randint(k1, (B,), 0, N)
    # V init: normal with std 0.1/sqrt(d)
    V = jax.random.normal(k2, (N, d, n), dtype=jnp.float32) * (0.1 / np.sqrt(d))
    # C init: normal(mean=1.0, std=0.01), abs, row-normalized
    C = jnp.abs(jax.random.normal(k3, (N, n), dtype=jnp.float32) * 0.01 + 1.0)
    C = C / jnp.sum(C, axis=1, keepdims=True)
    # Stacked subspace bases U_j: each [D, d], init std 0.1/sqrt(D), no affine term
    Us = jax.random.normal(k4, (n, D, d), dtype=jnp.float32) * (0.1 / np.sqrt(D))
    return {"ii": ii, "C": C, "V": V, "Us": Us}


def reference(ii, C, V, Us):
    # self.c.data.copy_(self.C.data[ii, :])  -> gather of cluster assignment coeffs
    c = jnp.take(C, ii, axis=0)  # [B, n] (state copy; not used in embedding output)
    # self.v.data.copy_(self.V.data[ii, :, :]) -> gather of per-point subspace coords
    v = jnp.take(V, ii, axis=0)  # [B, d, n]
    # x_ = stack([F.linear(v[:, :, j], U_j) for j in range(n)], dim=2)
    # F.linear(v_j, U_j) = v_j @ U_j.T, U_j: [D, d] -> batched einsum over groups
    x_ = jnp.einsum('bdj,jkd->bkj', v, Us)  # [B, D, n]
    return x_

if __name__ == "__main__":
    import jax
    _d = setup_inputs()
    print(jax.jit(kernel)(*tuple(_d.values())))

</pallas_src>

<mosaic_0001>
#map = affine_map<(d0, d1) -> (0, 0)>
module attributes {stable_mosaic.version = 14 : i64} {
  func.func @gather_kernel(%arg0: i32, %arg1: i32, %arg2: memref<400000x128xf32, #tpu.memory_space<hbm>>, %arg3: memref<1x16384xi32, #tpu.memory_space<hbm>>, %arg4: memref<16384x128xf32, #tpu.memory_space<hbm>>) attributes {dimension_semantics = [#tpu.dimension_semantics<core_parallel>, #tpu.dimension_semantics<subcore_parallel>], iteration_bounds = array<i64: 2, 16>, scalar_prefetch = 0 : i64, scratch_operands = 0 : i64, tpu.core_type = #tpu.core_type<sc_vector_subcore>, window_params = [{transform_indices = #map}, {transform_indices = #map}, {transform_indices = #map}]} {
    %mul3A = arith.constant 1 : i32
    %mul3A_0 = arith.muli %arg1, %mul3A : i32
    %add3A = arith.constant 0 : i32
    %add3A_1 = arith.addi %add3A, %mul3A_0 : i32
    %mul3A_2 = arith.constant 16 : i32
    %mul3A_3 = arith.muli %arg0, %mul3A_2 : i32
    %add3A_4 = arith.addi %add3A_1, %mul3A_3 : i32
    %mul3A_5 = arith.constant 4 : i32
    %mul3A_6 = arith.muli %add3A_4, %mul3A_5 : i32
    "tpu.region"() ({
      %run_scoped3A = memref.alloca() : memref<2x1x128xi32, #tpu.memory_space<vmem>>
      %run_scoped3A_7 = tpu.sem_alloc : memref<2x!tpu.dma_semaphore, #tpu.memory_space<semaphore_mem>>
      %run_scoped3A_8 = memref.alloca() : memref<2x128x128xf32, #tpu.memory_space<vmem>>
      %run_scoped3A_9 = tpu.sem_alloc : memref<2x!tpu.dma_semaphore, #tpu.memory_space<semaphore_mem>>
      %add3A_10 = arith.constant 0 : i32
      %add3A_11 = arith.addi %add3A_10, %mul3A_6 : i32
      %select_n3A = arith.constant true
      %select_n3A_12 = arith.constant 0 : i32
      %select_n3A_13 = arith.constant -1 : i32
      %select_n3A_14 = arith.select %select_n3A, %select_n3A_13, %select_n3A_12 : i32
      %eq3A = arith.constant -1 : i32
      %eq3A_15 = arith.cmpi eq, %select_n3A_14, %eq3A : i32
      %select_n3A_16 = arith.constant 3 : i32
      %select_n3A_17 = arith.select %eq3A_15, %select_n3A_16, %select_n3A_14 : i32
      %add3A_18 = arith.addi %select_n3A_17, %mul3A_6 : i32
      %select_n3A_19 = arith.constant true
      %select_n3A_20 = arith.constant 0 : i32
      %select_n3A_21 = arith.constant 1 : i32
      %select_n3A_22 = arith.select %select_n3A_19, %select_n3A_21, %select_n3A_20 : i32
      %eq3A_23 = arith.constant 4 : i32
      %eq3A_24 = arith.cmpi eq, %select_n3A_22, %eq3A_23 : i32
      %select_n3A_25 = arith.constant 0 : i32
      %select_n3A_26 = arith.select %eq3A_24, %select_n3A_25, %select_n3A_22 : i32
      %add3A_27 = arith.addi %select_n3A_26, %mul3A_6 : i32
      %add3A_28 = arith.constant 1 : i32
      %add3A_29 = arith.addi %select_n3A_26, %add3A_28 : i32
      %select_n3A_30 = arith.constant true
      %select_n3A_31 = arith.select %select_n3A_30, %add3A_29, %select_n3A_26 : i32
      %eq3A_32 = arith.constant 4 : i32
      %eq3A_33 = arith.cmpi eq, %select_n3A_31, %eq3A_32 : i32
      %select_n3A_34 = arith.constant 0 : i32
      %select_n3A_35 = arith.select %eq3A_33, %select_n3A_34, %select_n3A_31 : i32
      %add3A_36 = arith.addi %select_n3A_35, %mul3A_6 : i32
      "tpu.trace_start"() <{level = 10 : i32, message = "ep_initialize_0"}> : () -> ()
      %rem3A = arith.constant 0 : i32
      %rem3A_37 = arith.constant 2 : i32
      %rem3A_38 = arith.remui %rem3A, %rem3A_37 : i32
      %mul3A_39 = arith.constant 128 : i32
      %mul3A_40 = arith.muli %mul3A_39, %add3A_11 : i32
      %dma_start3A = arith.constant 0 : i32
      %dma_start3A_41 = arith.constant 0 : i32
      %dma_start3A_42 = tpu.memref_slice %run_scoped3A[%rem3A_38, %dma_start3A, %dma_start3A_41] : memref<2x1x128xi32, #tpu.memory_space<vmem>> -> memref<1x1x128xi32, #tpu.memory_space<vmem>>
      %dma_start3A_43 = tpu.memref_squeeze %dma_start3A_42 : memref<1x1x128xi32, #tpu.memory_space<vmem>> -> memref<1x128xi32, #tpu.memory_space<vmem>>
      %dma_start3A_44 = arith.constant 0 : i32
      %dma_start3A_45 = tpu.memref_slice %arg3[%dma_start3A_44, %mul3A_40] : memref<1x16384xi32, #tpu.memory_space<hbm>> -> memref<1x128xi32, #tpu.memory_space<hbm>>
      %dma_start3A_46 = tpu.memref_slice %run_scoped3A_7[%rem3A_38] : memref<2x!tpu.dma_semaphore, #tpu.memory_space<semaphore_mem>> -> memref<1x!tpu.dma_semaphore, #tpu.memory_space<semaphore_mem>>
      %dma_start3A_47 = tpu.memref_squeeze %dma_start3A_46 : memref<1x!tpu.dma_semaphore, #tpu.memory_space<semaphore_mem>> -> memref<!tpu.dma_semaphore, #tpu.memory_space<semaphore_mem>>
      %dma_start3A_48 = arith.constant 0 : i32
      %dma_start3A_49 = arith.constant 0 : i32
      %dma_start3A_50 = tpu.memref_slice %run_scoped3A[%rem3A_38, %dma_start3A_48, %dma_start3A_49] : memref<2x1x128xi32, #tpu.memory_space<vmem>> -> memref<1x1x128xi32, #tpu.memory_space<vmem>>
      %dma_start3A_51 = tpu.memref_squeeze %dma_start3A_50 : memref<1x1x128xi32, #tpu.memory_space<vmem>> -> memref<1x128xi32, #tpu.memory_space<vmem>>
      %dma_start3A_52 = arith.constant 0 : i32
      %dma_start3A_53 = tpu.memref_slice %arg3[%dma_start3A_52, %mul3A_40] : memref<1x16384xi32, #tpu.memory_space<hbm>> -> memref<1x128xi32, #tpu.memory_space<hbm>>
      tpu.enqueue_dma source(%dma_start3A_53 : memref<1x128xi32, #tpu.memory_space<hbm>>) target(%dma_start3A_51 : memref<1x128xi32, #tpu.memory_space<vmem>>) target_semaphore(%dma_start3A_47 : memref<!tpu.dma_semaphore, #tpu.memory_space<semaphore_mem>>)
      %add3A_54 = arith.constant 0 : i32
      %add3A_55 = arith.constant 1 : i32
      %add3A_56 = arith.addi %add3A_54, %add3A_55 : i32
      %select_n3A_57 = arith.constant true
      %select_n3A_58 = arith.constant 0 : i32
      %select_n3A_59 = arith.select %select_n3A_57, %add3A_56, %select_n3A_58 : i32
      "tpu.trace_stop"() : () -> ()
      %scan3A = arith.constant 0 : i32
      %scan3A_60 = arith.constant 0 : i32
      %scan3A_61 = arith.constant 0 : i32
      %scan3A_62 = arith.constant 0 : i32
      %scan3A_63 = arith.constant 0 : i32
      %scan3A_64 = arith.constant 4 : i32
      %scan3A_65 = arith.addi %scan3A_63, %scan3A_64 : i32
      %scan3A_66 = arith.constant 1 : i32
      %scan3A_67:5 = scf.for %scan3A_121 = %scan3A_63 to %scan3A_65 step %scan3A_66 iter_args(%scan3A_122 = %select_n3A_59, %scan3A_123 = %scan3A, %scan3A_124 = %scan3A_60, %scan3A_125 = %scan3A_61, %scan3A_126 = %scan3A_62) -> (i32, i32, i32, i32, i32)  : i32 {
        %eq3A_127 = arith.constant 0 : i32
        %eq3A_128 = arith.cmpi eq, %scan3A_121, %eq3A_127 : i32
        %eq3A_129 = arith.constant 3 : i32
        %eq3A_130 = arith.cmpi eq, %scan3A_121, %eq3A_129 : i32
        %add3A_131 = arith.addi %scan3A_126, %mul3A_6 : i32
        %sub3A_132 = arith.constant 1 : i32
        %sub3A_133 = arith.subi %scan3A_126, %sub3A_132 : i32
        %select_n3A_134 = arith.constant true
        %select_n3A_135 = arith.select %select_n3A_134, %sub3A_133, %scan3A_126 : i32
        %eq3A_136 = arith.constant -1 : i32
        %eq3A_137 = arith.cmpi eq, %select_n3A_135, %eq3A_136 : i32
        %select_n3A_138 = arith.constant 3 : i32
        %select_n3A_139 = arith.select %eq3A_137, %select_n3A_138, %select_n3A_135 : i32
        %add3A_140 = arith.addi %select_n3A_139, %mul3A_6 : i32
        %add3A_141 = arith.constant 1 : i32
        %add3A_142 = arith.addi %scan3A_126, %add3A_141 : i32
        %select_n3A_143 = arith.constant true
        %select_n3A_144 = arith.select %select_n3A_143, %add3A_142, %scan3A_126 : i32
        %eq3A_145 = arith.constant 4 : i32
        %eq3A_146 = arith.cmpi eq, %select_n3A_144, %eq3A_145 : i32
        %select_n3A_147 = arith.constant 0 : i32
        %select_n3A_148 = arith.select %eq3A_146, %select_n3A_147, %select_n3A_144 : i32
        %add3A_149 = arith.addi %select_n3A_148, %mul3A_6 : i32
        %add3A_150 = arith.constant 1 : i32
        %add3A_151 = arith.addi %select_n3A_148, %add3A_150 : i32
        %select_n3A_152 = arith.constant true
        %select_n3A_153 = arith.select %select_n3A_152, %add3A_151, %select_n3A_148 : i32
        %eq3A_154 = arith.constant 4 : i32
        %eq3A_155 = arith.cmpi eq, %select_n3A_153, %eq3A_154 : i32
        %select_n3A_156 = arith.constant 0 : i32
        %select_n3A_157 = arith.select %eq3A_155, %select_n3A_156, %select_n3A_153 : i32
        %add3A_158 = arith.addi %select_n3A_157, %mul3A_6 : i32
        %ne3A = arith.cmpi ne, %add3A_131, %add3A_149 : i32
        %or3A = arith.constant false
        %or3A_159 = arith.ori %or3A, %ne3A : i1
        %ge3A = arith.constant 3 : i32
        %ge3A_160 = arith.cmpi sge, %scan3A_121, %ge3A : i32
        %not3A = arith.constant true
        %not3A_161 = arith.xori %ge3A_160, %not3A : i1
        %and3A = arith.andi %or3A_159, %not3A_161 : i1
        %convert_element_type3A = arith.extui %and3A : i1 to i32
        %cond3A = arith.constant 0 : i32
        %cond3A_162 = arith.cmpi ne, %convert_element_type3A, %cond3A : i32
        scf.if %cond3A_162 {
          "tpu.trace_start"() <{level = 10 : i32, message = "ep_copy_in"}> : () -> ()
          %rem3A_264 = arith.constant 2 : i32
          %rem3A_265 = arith.remui %scan3A_122, %rem3A_264 : i32
          %mul3A_266 = arith.constant 128 : i32
          %mul3A_267 = arith.muli %mul3A_266, %add3A_149 : i32
          %dma_start3A_268 = arith.constant 0 : i32
          %dma_start3A_269 = arith.constant 0 : i32
          %dma_start3A_270 = tpu.memref_slice %run_scoped3A[%rem3A_265, %dma_start3A_268, %dma_start3A_269] : memref<2x1x128xi32, #tpu.memory_space<vmem>> -> memref<1x1x128xi32, #tpu.memory_space<vmem>>
          %dma_start3A_271 = tpu.memref_squeeze %dma_start3A_270 : memref<1x1x128xi32, #tpu.memory_space<vmem>> -> memref<1x128xi32, #tpu.memory_space<vmem>>
          %dma_start3A_272 = arith.constant 0 : i32
          %dma_start3A_273 = tpu.memref_slice %arg3[%dma_start3A_272, %mul3A_267] : memref<1x16384xi32, #tpu.memory_space<hbm>> -> memref<1x128xi32, #tpu.memory_space<hbm>>
          %dma_start3A_274 = tpu.memref_slice %run_scoped3A_7[%rem3A_265] : memref<2x!tpu.dma_semaphore, #tpu.memory_space<semaphore_mem>> -> memref<1x!tpu.dma_semaphore, #tpu.memory_space<semaphore_mem>>
          %dma_start3A_275 = tpu.memref_squeeze %dma_start3A_274 : memref<1x!tpu.dma_semaphore, #tpu.memory_space<semaphore_mem>> -> memref<!tpu.dma_semaphore, #tpu.memory_space<semaphore_mem>>
          %dma_start3A_276 = arith.constant 0 : i32
          %dma_start3A_277 = arith.constant 0 : i32
          %dma_start3A_278 = tpu.memref_slice %run_scoped3A[%rem3A_265, %dma_start3A_276, %dma_start3A_277] : memref<2x1x128xi32, #tpu.memory_space<vmem>> -> memref<1x1x128xi32, #tpu.memory_space<vmem>>
          %dma_start3A_279 = tpu.memref_squeeze %dma_start3A_278 : memref<1x1x128xi32, #tpu.memory_space<vmem>> -> memref<1x128xi32, #tpu.memory_space<vmem>>
          %dma_start3A_280 = arith.constant 0 : i32
          %dma_start3A_281 = tpu.memref_slice %arg3[%dma_start3A_280, %mul3A_267] : memref<1x16384xi32, #tpu.memory_space<hbm>> -> memref<1x128xi32, #tpu.memory_space<hbm>>
          tpu.enqueue_dma source(%dma_start3A_281 : memref<1x128xi32, #tpu.memory_space<hbm>>) target(%dma_start3A_279 : memref<1x128xi32, #tpu.memory_space<vmem>>) target_semaphore(%dma_start3A_275 : memref<!tpu.dma_semaphore, #tpu.memory_space<semaphore_mem>>)
          "tpu.trace_stop"() : () -> ()
        } else {
        }
        %and3A_163 = arith.constant true
        %and3A_164 = arith.andi %and3A, %and3A_163 : i1
        %add3A_165 = arith.constant 1 : i32
        %add3A_166 = arith.addi %scan3A_122, %add3A_165 : i32
        %select_n3A_167 = arith.select %and3A_164, %add3A_166, %scan3A_122 : i32
        %ne3A_168 = arith.cmpi ne, %add3A_131, %add3A_149 : i32
        %or3A_169 = arith.constant false
        %or3A_170 = arith.ori %or3A_169, %ne3A_168 : i1
        %or3A_171 = arith.constant false
        %or3A_172 = arith.ori %or3A_170, %or3A_171 : i1
        %ge3A_173 = arith.constant 3 : i32
        %ge3A_174 = arith.cmpi sge, %scan3A_121, %ge3A_173 : i32
        %not3A_175 = arith.constant true
        %not3A_176 = arith.xori %ge3A_174, %not3A_175 : i1
        %and3A_177 = arith.andi %or3A_172, %not3A_176 : i1
        %ne3A_178 = arith.cmpi ne, %add3A_131, %add3A_140 : i32
        %or3A_179 = arith.constant false
        %or3A_180 = arith.ori %or3A_179, %ne3A_178 : i1
        %or3A_181 = arith.ori %or3A_180, %eq3A_128 : i1
        %convert_element_type3A_182 = arith.extui %or3A_181 : i1 to i32
        %cond3A_183 = arith.constant 0 : i32
        %cond3A_184 = arith.cmpi ne, %convert_element_type3A_182, %cond3A_183 : i32
        scf.if %cond3A_184 {
          "tpu.trace_start"() <{level = 10 : i32, message = "ep_wait_in"}> : () -> ()
          %mul3A_264 = arith.constant 128 : i32
          %mul3A_265 = arith.muli %mul3A_264, %add3A_131 : i32
          %rem3A_266 = arith.constant 2 : i32
          %rem3A_267 = arith.remui %scan3A_123, %rem3A_266 : i32
          %dma_wait3A_268 = arith.constant 0 : i32
          %dma_wait3A_269 = arith.constant 0 : i32
          %dma_wait3A_270 = tpu.memref_slice %run_scoped3A[%rem3A_267, %dma_wait3A_268, %dma_wait3A_269] : memref<2x1x128xi32, #tpu.memory_space<vmem>> -> memref<1x1x128xi32, #tpu.memory_space<vmem>>
          %dma_wait3A_271 = tpu.memref_squeeze %dma_wait3A_270 : memref<1x1x128xi32, #tpu.memory_space<vmem>> -> memref<1x128xi32, #tpu.memory_space<vmem>>
          %dma_wait3A_272 = arith.constant 0 : i32
          %dma_wait3A_273 = tpu.memref_slice %arg3[%dma_wait3A_272, %mul3A_265] : memref<1x16384xi32, #tpu.memory_space<hbm>> -> memref<1x128xi32, #tpu.memory_space<hbm>>
          %dma_wait3A_274 = tpu.memref_slice %run_scoped3A_7[%rem3A_267] : memref<2x!tpu.dma_semaphore, #tpu.memory_space<semaphore_mem>> -> memref<1x!tpu.dma_semaphore, #tpu.memory_space<semaphore_mem>>
          %dma_wait3A_275 = tpu.memref_squeeze %dma_wait3A_274 : memref<1x!tpu.dma_semaphore, #tpu.memory_space<semaphore_mem>> -> memref<!tpu.dma_semaphore, #tpu.memory_space<semaphore_mem>>
          %dma_wait3A_276 = arith.constant 0 : i32
          %dma_wait3A_277 = arith.constant 0 : i32
          %dma_wait3A_278 = tpu.memref_slice %run_scoped3A[%rem3A_267, %dma_wait3A_276, %dma_wait3A_277] : memref<2x1x128xi32, #tpu.memory_space<vmem>> -> memref<1x1x128xi32, #tpu.memory_space<vmem>>
          %dma_wait3A_279 = tpu.memref_squeeze %dma_wait3A_278 : memref<1x1x128xi32, #tpu.memory_space<vmem>> -> memref<1x128xi32, #tpu.memory_space<vmem>>
          %dma_wait3A_280 = arith.constant 0 : i32
          %dma_wait3A_281 = tpu.memref_slice %arg3[%dma_wait3A_280, %mul3A_265] : memref<1x16384xi32, #tpu.memory_space<hbm>> -> memref<1x128xi32, #tpu.memory_space<hbm>>
          tpu.wait_dma2 semaphore(%dma_wait3A_275 : memref<!tpu.dma_semaphore, #tpu.memory_space<semaphore_mem>>) src(%dma_wait3A_281 : memref<1x128xi32, #tpu.memory_space<hbm>>) dst(%dma_wait3A_279 : memref<1x128xi32, #tpu.memory_space<vmem>>)
          "tpu.trace_stop"() : () -> ()
        } else {
        }
        %ne3A_185 = arith.cmpi ne, %add3A_131, %add3A_140 : i32
        %or3A_186 = arith.constant false
        %or3A_187 = arith.ori %or3A_186, %ne3A_185 : i1
        %or3A_188 = arith.constant false
        %or3A_189 = arith.ori %or3A_187, %or3A_188 : i1
        %or3A_190 = arith.ori %or3A_189, %eq3A_128 : i1
        %convert_element_type3A_191 = arith.extui %or3A_190 : i1 to i32
        %cond3A_192 = arith.constant 0 : i32
        %cond3A_193 = arith.cmpi ne, %convert_element_type3A_191, %cond3A_192 : i32
        scf.if %cond3A_193 {
        } else {
        }
        %rem3A_194 = arith.constant 2 : i32
        %rem3A_195 = arith.remui %scan3A_123, %rem3A_194 : i32
        %rem3A_196 = arith.constant 2 : i32
        %rem3A_197 = arith.remui %scan3A_124, %rem3A_196 : i32
        %run_scoped3A_198 = arith.constant 0 : i32
        "tpu.trace_start"() <{level = 10 : i32, message = "ep_run_kernel"}> : () -> ()
        "tpu.region"() ({
          %run_scoped3A_264 = tpu.sem_alloc : memref<!tpu.dma_semaphore, #tpu.memory_space<semaphore_mem>>
          %dma_start3A_265 = arith.constant 0 : i32
          %dma_start3A_266 = arith.constant 0 : i32
          %dma_start3A_267 = tpu.memref_slice %run_scoped3A_8[%rem3A_197, %dma_start3A_265, %dma_start3A_266] : memref<2x128x128xf32, #tpu.memory_space<vmem>> -> memref<1x128x128xf32, #tpu.memory_space<vmem>>
          %dma_start3A_268 = tpu.memref_squeeze %dma_start3A_267 : memref<1x128x128xf32, #tpu.memory_space<vmem>> -> memref<128x128xf32, #tpu.memory_space<vmem>>
          %dma_start3A_269 = arith.constant 0 : i32
          %dma_start3A_270 = arith.constant 0 : i32
          %dma_start3A_271 = tpu.memref_slice %run_scoped3A[%rem3A_195, %dma_start3A_269, %dma_start3A_270] : memref<2x1x128xi32, #tpu.memory_space<vmem>> -> memref<1x1x128xi32, #tpu.memory_space<vmem>>
          %dma_start3A_272 = tpu.memref_squeeze %dma_start3A_271 : memref<1x1x128xi32, #tpu.memory_space<vmem>> -> memref<1x128xi32, #tpu.memory_space<vmem>>
          %dma_start3A_273 = arith.constant 0 : i32
          %dma_start3A_274 = tpu.memref_slice %dma_start3A_272[%run_scoped3A_198, %dma_start3A_273] : memref<1x128xi32, #tpu.memory_space<vmem>> -> memref<1x128xi32, #tpu.memory_space<vmem>>
          %dma_start3A_275 = tpu.memref_squeeze %dma_start3A_274 : memref<1x128xi32, #tpu.memory_space<vmem>> -> memref<128xi32, #tpu.memory_space<vmem>>
          %dma_start3A_276 = arith.constant 0 : i32
          %dma_start3A_277 = arith.constant 0 : i32
          %dma_start3A_278 = tpu.memref_slice %arg2[%dma_start3A_276, %dma_start3A_277] : memref<400000x128xf32, #tpu.memory_space<hbm>> -> memref<400000x128xf32, #tpu.memory_space<hbm>>
          tpu.enqueue_indirect_dma source(%dma_start3A_278 : memref<400000x128xf32, #tpu.memory_space<hbm>>) target(%dma_start3A_268 : memref<128x128xf32, #tpu.memory_space<vmem>>) offsets(%dma_start3A_275 : memref<128xi32, #tpu.memory_space<vmem>>) semaphore(%run_scoped3A_264 : memref<!tpu.dma_semaphore, #tpu.memory_space<semaphore_mem>>)
          %dma_wait3A_279 = arith.constant 0 : i32
          %dma_wait3A_280 = arith.constant 0 : i32
          %dma_wait3A_281 = tpu.memref_slice %run_scoped3A_8[%rem3A_197, %dma_wait3A_279, %dma_wait3A_280] : memref<2x128x128xf32, #tpu.memory_space<vmem>> -> memref<1x128x128xf32, #tpu.memory_space<vmem>>
          %dma_wait3A_282 = tpu.memref_squeeze %dma_wait3A_281 : memref<1x128x128xf32, #tpu.memory_space<vmem>> -> memref<128x128xf32, #tpu.memory_space<vmem>>
          %dma_wait3A_283 = arith.constant 0 : i32
          %dma_wait3A_284 = arith.constant 0 : i32
          %dma_wait3A_285 = tpu.memref_slice %run_scoped3A[%rem3A_195, %dma_wait3A_283, %dma_wait3A_284] : memref<2x1x128xi32, #tpu.memory_space<vmem>> -> memref<1x1x128xi32, #tpu.memory_space<vmem>>
          %dma_wait3A_286 = tpu.memref_squeeze %dma_wait3A_285 : memref<1x1x128xi32, #tpu.memory_space<vmem>> -> memref<1x128xi32, #tpu.memory_space<vmem>>
          %dma_wait3A_287 = arith.constant 0 : i32
          %dma_wait3A_288 = tpu.memref_slice %dma_wait3A_286[%run_scoped3A_198, %dma_wait3A_287] : memref<1x128xi32, #tpu.memory_space<vmem>> -> memref<1x128xi32, #tpu.memory_space<vmem>>
          %dma_wait3A_289 = tpu.memref_squeeze %dma_wait3A_288 : memref<1x128xi32, #tpu.memory_space<vmem>> -> memref<128xi32, #tpu.memory_space<vmem>>
          %dma_wait3A_290 = arith.constant 0 : i32
          %dma_wait3A_291 = arith.constant 0 : i32
          %dma_wait3A_292 = tpu.memref_slice %arg2[%dma_wait3A_290, %dma_wait3A_291] : memref<400000x128xf32, #tpu.memory_space<hbm>> -> memref<400000x128xf32, #tpu.memory_space<hbm>>
          tpu.wait_indirect_dma semaphore(%run_scoped3A_264 : memref<!tpu.dma_semaphore, #tpu.memory_space<semaphore_mem>>) src(%dma_wait3A_292 : memref<400000x128xf32, #tpu.memory_space<hbm>>) dst(%dma_wait3A_282 : memref<128x128xf32, #tpu.memory_space<vmem>>)
          tpu.yield
        }) : () -> ()
        "tpu.trace_stop"() : () -> ()
        %ne3A_199 = arith.cmpi ne, %add3A_131, %add3A_149 : i32
        %or3A_200 = arith.constant false
        %or3A_201 = arith.ori %or3A_200, %ne3A_199 : i1
        %or3A_202 = arith.ori %or3A_201, %eq3A_130 : i1
        %convert_element_type3A_203 = arith.extui %or3A_202 : i1 to i32
        %cond3A_204 = arith.constant 0 : i32
        %cond3A_205 = arith.cmpi ne, %convert_element_type3A_203, %cond3A_204 : i32
        scf.if %cond3A_205 {
        } else {
        }
        %and3A_206 = arith.constant false
        %and3A_207 = arith.andi %or3A_202, %and3A_206 : i1
        %ne3A_208 = arith.cmpi ne, %add3A_131, %add3A_149 : i32
        %or3A_209 = arith.constant false
        %or3A_210 = arith.ori %or3A_209, %ne3A_208 : i1
        %or3A_211 = arith.constant false
        %or3A_212 = arith.ori %or3A_210, %or3A_211 : i1
        %or3A_213 = arith.ori %or3A_212, %eq3A_130 : i1
        %convert_element_type3A_214 = arith.extui %or3A_213 : i1 to i32
        %cond3A_215 = arith.constant 0 : i32
        %cond3A_216 = arith.cmpi ne, %convert_element_type3A_214, %cond3A_215 : i32
        scf.if %cond3A_216 {
          "tpu.trace_start"() <{level = 10 : i32, message = "ep_copy_out"}> : () -> ()
          %rem3A_264 = arith.constant 2 : i32
          %rem3A_265 = arith.remui %scan3A_124, %rem3A_264 : i32
          %mul3A_266 = arith.constant 128 : i32
          %mul3A_267 = arith.muli %mul3A_266, %add3A_131 : i32
          %dma_start3A_268 = arith.constant 0 : i32
          %dma_start3A_269 = arith.constant 0 : i32
          %dma_start3A_270 = tpu.memref_slice %run_scoped3A_8[%rem3A_265, %dma_start3A_268, %dma_start3A_269] : memref<2x128x128xf32, #tpu.memory_space<vmem>> -> memref<1x128x128xf32, #tpu.memory_space<vmem>>
          %dma_start3A_271 = tpu.memref_squeeze %dma_start3A_270 : memref<1x128x128xf32, #tpu.memory_space<vmem>> -> memref<128x128xf32, #tpu.memory_space<vmem>>
          %dma_start3A_272 = arith.constant 0 : i32
          %dma_start3A_273 = tpu.memref_slice %arg4[%mul3A_267, %dma_start3A_272] : memref<16384x128xf32, #tpu.memory_space<hbm>> -> memref<128x128xf32, #tpu.memory_space<hbm>>
          %dma_start3A_274 = tpu.memref_slice %run_scoped3A_9[%rem3A_265] : memref<2x!tpu.dma_semaphore, #tpu.memory_space<semaphore_mem>> -> memref<1x!tpu.dma_semaphore, #tpu.memory_space<semaphore_mem>>
          %dma_start3A_275 = tpu.memref_squeeze %dma_start3A_274 : memref<1x!tpu.dma_semaphore, #tpu.memory_space<semaphore_mem>> -> memref<!tpu.dma_semaphore, #tpu.memory_space<semaphore_mem>>
          %dma_start3A_276 = arith.constant 0 : i32
          %dma_start3A_277 = tpu.memref_slice %arg4[%mul3A_267, %dma_start3A_276] : memref<16384x128xf32, #tpu.memory_space<hbm>> -> memref<128x128xf32, #tpu.memory_space<hbm>>
          %dma_start3A_278 = arith.constant 0 : i32
          %dma_start3A_279 = arith.constant 0 : i32
          %dma_start3A_280 = tpu.memref_slice %run_scoped3A_8[%rem3A_265, %dma_start3A_278, %dma_start3A_279] : memref<2x128x128xf32, #tpu.memory_space<vmem>> -> memref<1x128x128xf32, #tpu.memory_space<vmem>>
          %dma_start3A_281 = tpu.memref_squeeze %dma_start3A_280 : memref<1x128x128xf32, #tpu.memory_space<vmem>> -> memref<128x128xf32, #tpu.memory_space<vmem>>
          tpu.enqueue_dma source(%dma_start3A_281 : memref<128x128xf32, #tpu.memory_space<vmem>>) target(%dma_start3A_277 : memref<128x128xf32, #tpu.memory_space<hbm>>) target_semaphore(%dma_start3A_275 : memref<!tpu.dma_semaphore, #tpu.memory_space<semaphore_mem>>)
          "tpu.trace_stop"() : () -> ()
        } else {
        }
        %and3A_217 = arith.constant true
        %and3A_218 = arith.andi %or3A_213, %and3A_217 : i1
        %add3A_219 = arith.constant 1 : i32
        %add3A_220 = arith.addi %scan3A_124, %add3A_219 : i32
        %select_n3A_221 = arith.select %and3A_218, %add3A_220, %scan3A_124 : i32
        %ne3A_222 = arith.cmpi ne, %add3A_131, %add3A_140 : i32
        %or3A_223 = arith.constant false
        %or3A_224 = arith.ori %or3A_223, %ne3A_222 : i1
        %not3A_225 = arith.constant true
        %not3A_226 = arith.xori %eq3A_128, %not3A_225 : i1
        %and3A_227 = arith.andi %or3A_224, %not3A_226 : i1
        %convert_element_type3A_228 = arith.extui %and3A_227 : i1 to i32
        %cond3A_229 = arith.constant 0 : i32
        %cond3A_230 = arith.cmpi ne, %convert_element_type3A_228, %cond3A_229 : i32
        scf.if %cond3A_230 {
        } else {
        }
        %and3A_231 = arith.constant false
        %and3A_232 = arith.andi %and3A_227, %and3A_231 : i1
        %ne3A_233 = arith.cmpi ne, %add3A_131, %add3A_140 : i32
        %or3A_234 = arith.constant false
        %or3A_235 = arith.ori %or3A_234, %ne3A_233 : i1
        %or3A_236 = arith.constant false
        %or3A_237 = arith.ori %or3A_235, %or3A_236 : i1
        %not3A_238 = arith.constant true
        %not3A_239 = arith.xori %eq3A_128, %not3A_238 : i1
        %and3A_240 = arith.andi %or3A_237, %not3A_239 : i1
        %convert_element_type3A_241 = arith.extui %and3A_240 : i1 to i32
        %cond3A_242 = arith.constant 0 : i32
        %cond3A_243 = arith.cmpi ne, %convert_element_type3A_241, %cond3A_242 : i32
        scf.if %cond3A_243 {
          "tpu.trace_start"() <{level = 10 : i32, message = "ep_wait_out"}> : () -> ()
          %rem3A_264 = arith.constant 2 : i32
          %rem3A_265 = arith.remui %scan3A_125, %rem3A_264 : i32
          %mul3A_266 = arith.constant 128 : i32
          %mul3A_267 = arith.muli %mul3A_266, %add3A_140 : i32
          %dma_wait3A_268 = arith.constant 0 : i32
          %dma_wait3A_269 = arith.constant 0 : i32
          %dma_wait3A_270 = tpu.memref_slice %run_scoped3A_8[%rem3A_265, %dma_wait3A_268, %dma_wait3A_269] : memref<2x128x128xf32, #tpu.memory_space<vmem>> -> memref<1x128x128xf32, #tpu.memory_space<vmem>>
          %dma_wait3A_271 = tpu.memref_squeeze %dma_wait3A_270 : memref<1x128x128xf32, #tpu.memory_space<vmem>> -> memref<128x128xf32, #tpu.memory_space<vmem>>
          %dma_wait3A_272 = arith.constant 0 : i32
          %dma_wait3A_273 = tpu.memref_slice %arg4[%mul3A_267, %dma_wait3A_272] : memref<16384x128xf32, #tpu.memory_space<hbm>> -> memref<128x128xf32, #tpu.memory_space<hbm>>
          %dma_wait3A_274 = tpu.memref_slice %run_scoped3A_9[%rem3A_265] : memref<2x!tpu.dma_semaphore, #tpu.memory_space<semaphore_mem>> -> memref<1x!tpu.dma_semaphore, #tpu.memory_space<semaphore_mem>>
          %dma_wait3A_275 = tpu.memref_squeeze %dma_wait3A_274 : memref<1x!tpu.dma_semaphore, #tpu.memory_space<semaphore_mem>> -> memref<!tpu.dma_semaphore, #tpu.memory_space<semaphore_mem>>
          %dma_wait3A_276 = arith.constant 0 : i32
          %dma_wait3A_277 = tpu.memref_slice %arg4[%mul3A_267, %dma_wait3A_276] : memref<16384x128xf32, #tpu.memory_space<hbm>> -> memref<128x128xf32, #tpu.memory_space<hbm>>
          %dma_wait3A_278 = arith.constant 0 : i32
          %dma_wait3A_279 = arith.constant 0 : i32
          %dma_wait3A_280 = tpu.memref_slice %run_scoped3A_8[%rem3A_265, %dma_wait3A_278, %dma_wait3A_279] : memref<2x128x128xf32, #tpu.memory_space<vmem>> -> memref<1x128x128xf32, #tpu.memory_space<vmem>>
          %dma_wait3A_281 = tpu.memref_squeeze %dma_wait3A_280 : memref<1x128x128xf32, #tpu.memory_space<vmem>> -> memref<128x128xf32, #tpu.memory_space<vmem>>
          tpu.wait_dma2 semaphore(%dma_wait3A_275 : memref<!tpu.dma_semaphore, #tpu.memory_space<semaphore_mem>>) src(%dma_wait3A_281 : memref<128x128xf32, #tpu.memory_space<vmem>>) dst(%dma_wait3A_277 : memref<128x128xf32, #tpu.memory_space<hbm>>)
          "tpu.trace_stop"() : () -> ()
        } else {
        }
        %and3A_244 = arith.constant true
        %and3A_245 = arith.andi %and3A_240, %and3A_244 : i1
        %add3A_246 = arith.constant 1 : i32
        %add3A_247 = arith.addi %scan3A_125, %add3A_246 : i32
        %select_n3A_248 = arith.select %and3A_245, %add3A_247, %scan3A_125 : i32
        %ne3A_249 = arith.cmpi ne, %add3A_131, %add3A_149 : i32
        %or3A_250 = arith.constant false
        %or3A_251 = arith.ori %or3A_250, %ne3A_249 : i1
        %or3A_252 = arith.ori %or3A_251, %eq3A_130 : i1
        %add3A_253 = arith.constant 1 : i32
        %add3A_254 = arith.addi %scan3A_123, %add3A_253 : i32
        %select_n3A_255 = arith.select %or3A_252, %add3A_254, %scan3A_123 : i32
        %add3A_256 = arith.constant 1 : i32
        %add3A_257 = arith.addi %scan3A_126, %add3A_256 : i32
        %select_n3A_258 = arith.constant true
        %select_n3A_259 = arith.select %select_n3A_258, %add3A_257, %scan3A_126 : i32
        %eq3A_260 = arith.constant 4 : i32
        %eq3A_261 = arith.cmpi eq, %select_n3A_259, %eq3A_260 : i32
        %select_n3A_262 = arith.constant 0 : i32
        %select_n3A_263 = arith.select %eq3A_261, %select_n3A_262, %select_n3A_259 : i32
        scf.yield %select_n3A_167, %select_n3A_255, %select_n3A_221, %select_n3A_248, %select_n3A_263 : i32, i32, i32, i32, i32
      }
      %scan3A_68 = arith.constant 4 : i32
      %sub3A = arith.constant 1 : i32
      %sub3A_69 = arith.subi %scan3A_67#4, %sub3A : i32
      %select_n3A_70 = arith.constant true
      %select_n3A_71 = arith.select %select_n3A_70, %sub3A_69, %scan3A_67#4 : i32
      %eq3A_72 = arith.constant -1 : i32
      %eq3A_73 = arith.cmpi eq, %select_n3A_71, %eq3A_72 : i32
      %select_n3A_74 = arith.constant 3 : i32
      %select_n3A_75 = arith.select %eq3A_73, %select_n3A_74, %select_n3A_71 : i32
      %add3A_76 = arith.addi %select_n3A_75, %mul3A_6 : i32
      %sub3A_77 = arith.constant 1 : i32
      %sub3A_78 = arith.subi %select_n3A_75, %sub3A_77 : i32
      %select_n3A_79 = arith.constant true
      %select_n3A_80 = arith.select %select_n3A_79, %sub3A_78, %select_n3A_75 : i32
      %eq3A_81 = arith.constant -1 : i32
      %eq3A_82 = arith.cmpi eq, %select_n3A_80, %eq3A_81 : i32
      %select_n3A_83 = arith.constant 3 : i32
      %select_n3A_84 = arith.select %eq3A_82, %select_n3A_83, %select_n3A_80 : i32
      %add3A_85 = arith.addi %select_n3A_84, %mul3A_6 : i32
      %add3A_86 = arith.constant 1 : i32
      %add3A_87 = arith.addi %select_n3A_75, %add3A_86 : i32
      %select_n3A_88 = arith.constant true
      %select_n3A_89 = arith.select %select_n3A_88, %add3A_87, %select_n3A_75 : i32
      %eq3A_90 = arith.constant 4 : i32
      %eq3A_91 = arith.cmpi eq, %select_n3A_89, %eq3A_90 : i32
      %select_n3A_92 = arith.constant 0 : i32
      %select_n3A_93 = arith.select %eq3A_91, %select_n3A_92, %select_n3A_89 : i32
      %add3A_94 = arith.addi %select_n3A_93, %mul3A_6 : i32
      %add3A_95 = arith.constant 1 : i32
      %add3A_96 = arith.addi %select_n3A_93, %add3A_95 : i32
      %select_n3A_97 = arith.constant true
      %select_n3A_98 = arith.select %select_n3A_97, %add3A_96, %select_n3A_93 : i32
      %eq3A_99 = arith.constant 4 : i32
      %eq3A_100 = arith.cmpi eq, %select_n3A_98, %eq3A_99 : i32
      %select_n3A_101 = arith.constant 0 : i32
      %select_n3A_102 = arith.select %eq3A_100, %select_n3A_101, %select_n3A_98 : i32
      %add3A_103 = arith.addi %select_n3A_102, %mul3A_6 : i32
      "tpu.trace_start"() <{level = 10 : i32, message = "ep_finalize"}> : () -> ()
      %rem3A_104 = arith.constant 2 : i32
      %rem3A_105 = arith.remui %scan3A_67#3, %rem3A_104 : i32
      %mul3A_106 = arith.constant 128 : i32
      %mul3A_107 = arith.muli %mul3A_106, %add3A_76 : i32
      %dma_wait3A = arith.constant 0 : i32
      %dma_wait3A_108 = arith.constant 0 : i32
      %dma_wait3A_109 = tpu.memref_slice %run_scoped3A_8[%rem3A_105, %dma_wait3A, %dma_wait3A_108] : memref<2x128x128xf32, #tpu.memory_space<vmem>> -> memref<1x128x128xf32, #tpu.memory_space<vmem>>
      %dma_wait3A_110 = tpu.memref_squeeze %dma_wait3A_109 : memref<1x128x128xf32, #tpu.memory_space<vmem>> -> memref<128x128xf32, #tpu.memory_space<vmem>>
      %dma_wait3A_111 = arith.constant 0 : i32
      %dma_wait3A_112 = tpu.memref_slice %arg4[%mul3A_107, %dma_wait3A_111] : memref<16384x128xf32, #tpu.memory_space<hbm>> -> memref<128x128xf32, #tpu.memory_space<hbm>>
      %dma_wait3A_113 = tpu.memref_slice %run_scoped3A_9[%rem3A_105] : memref<2x!tpu.dma_semaphore, #tpu.memory_space<semaphore_mem>> -> memref<1x!tpu.dma_semaphore, #tpu.memory_space<semaphore_mem>>
      %dma_wait3A_114 = tpu.memref_squeeze %dma_wait3A_113 : memref<1x!tpu.dma_semaphore, #tpu.memory_space<semaphore_mem>> -> memref<!tpu.dma_semaphore, #tpu.memory_space<semaphore_mem>>
      %dma_wait3A_115 = arith.constant 0 : i32
      %dma_wait3A_116 = tpu.memref_slice %arg4[%mul3A_107, %dma_wait3A_115] : memref<16384x128xf32, #tpu.memory_space<hbm>> -> memref<128x128xf32, #tpu.memory_space<hbm>>
      %dma_wait3A_117 = arith.constant 0 : i32
      %dma_wait3A_118 = arith.constant 0 : i32
      %dma_wait3A_119 = tpu.memref_slice %run_scoped3A_8[%rem3A_105, %dma_wait3A_117, %dma_wait3A_118] : memref<2x128x128xf32, #tpu.memory_space<vmem>> -> memref<1x128x128xf32, #tpu.memory_space<vmem>>
      %dma_wait3A_120 = tpu.memref_squeeze %dma_wait3A_119 : memref<1x128x128xf32, #tpu.memory_space<vmem>> -> memref<128x128xf32, #tpu.memory_space<vmem>>
      tpu.wait_dma2 semaphore(%dma_wait3A_114 : memref<!tpu.dma_semaphore, #tpu.memory_space<semaphore_mem>>) src(%dma_wait3A_120 : memref<128x128xf32, #tpu.memory_space<vmem>>) dst(%dma_wait3A_116 : memref<128x128xf32, #tpu.memory_space<hbm>>)
      "tpu.trace_stop"() : () -> ()
      tpu.yield
    }) : () -> ()
    return
  }
}

module attributes {stable_mosaic.version = 14 : i64} {
  func.func @_tc_body(%arg0: i32, %arg1: memref<256x512xf32, #tpu.memory_space<vmem>>, %arg2: memref<8x8192xf32, #tpu.memory_space<vmem>>, %arg3: memref<256x8192xf32, #tpu.memory_space<vmem>>) attributes {dimension_semantics = [#tpu.dimension_semantics<arbitrary>], iteration_bounds = array<i64: 16>, scalar_prefetch = 0 : i64, scratch_operands = 0 : i64, tpu.core_type = #tpu.core_type<tc>, window_params = [{transform_indices = @transform_0, window_bounds = array<i64: 256, 512>}, {pipeline_mode = #tpu.pipeline_mode<synchronous>, transform_indices = @transform_1, window_bounds = array<i64: 8, 8192>}, {transform_indices = @transform_2, window_bounds = array<i64: 256, 8192>}]} {
    %get3A = arith.constant 0 : index
    %get3A_0 = arith.constant 0 : index
    %get3A_1 = vector.load %arg1[%get3A, %get3A_0] : memref<256x512xf32, #tpu.memory_space<vmem>>, vector<256x64xf32>
    %concatenate3A = tpu.concatenate %get3A_1, %get3A_1 in 1 : vector<256x64xf32>, vector<256x64xf32> -> vector<256x128xf32>
    %get3A_2 = arith.constant 0 : index
    %get3A_3 = arith.constant 64 : index
    %get3A_4 = vector.load %arg1[%get3A_2, %get3A_3] : memref<256x512xf32, #tpu.memory_space<vmem>>, vector<256x64xf32>
    %concatenate3A_5 = tpu.concatenate %get3A_4, %get3A_4 in 1 : vector<256x64xf32>, vector<256x64xf32> -> vector<256x128xf32>
    %get3A_6 = arith.constant 0 : index
    %get3A_7 = arith.constant 128 : index
    %get3A_8 = vector.load %arg1[%get3A_6, %get3A_7] : memref<256x512xf32, #tpu.memory_space<vmem>>, vector<256x64xf32>
    %concatenate3A_9 = tpu.concatenate %get3A_8, %get3A_8 in 1 : vector<256x64xf32>, vector<256x64xf32> -> vector<256x128xf32>
    %get3A_10 = arith.constant 0 : index
    %get3A_11 = arith.constant 192 : index
    %get3A_12 = vector.load %arg1[%get3A_10, %get3A_11] : memref<256x512xf32, #tpu.memory_space<vmem>>, vector<256x64xf32>
    %concatenate3A_13 = tpu.concatenate %get3A_12, %get3A_12 in 1 : vector<256x64xf32>, vector<256x64xf32> -> vector<256x128xf32>
    %get3A_14 = arith.constant 0 : index
    %get3A_15 = arith.constant 256 : index
    %get3A_16 = vector.load %arg1[%get3A_14, %get3A_15] : memref<256x512xf32, #tpu.memory_space<vmem>>, vector<256x64xf32>
    %concatenate3A_17 = tpu.concatenate %get3A_16, %get3A_16 in 1 : vector<256x64xf32>, vector<256x64xf32> -> vector<256x128xf32>
    %get3A_18 = arith.constant 0 : index
    %get3A_19 = arith.constant 320 : index
    %get3A_20 = vector.load %arg1[%get3A_18, %get3A_19] : memref<256x512xf32, #tpu.memory_space<vmem>>, vector<256x64xf32>
    %concatenate3A_21 = tpu.concatenate %get3A_20, %get3A_20 in 1 : vector<256x64xf32>, vector<256x64xf32> -> vector<256x128xf32>
    %get3A_22 = arith.constant 0 : index
    %get3A_23 = arith.constant 384 : index
    %get3A_24 = vector.load %arg1[%get3A_22, %get3A_23] : memref<256x512xf32, #tpu.memory_space<vmem>>, vector<256x64xf32>
    %concatenate3A_25 = tpu.concatenate %get3A_24, %get3A_24 in 1 : vector<256x64xf32>, vector<256x64xf32> -> vector<256x128xf32>
    %get3A_26 = arith.constant 0 : index
    %get3A_27 = arith.constant 448 : index
    %get3A_28 = vector.load %arg1[%get3A_26, %get3A_27] : memref<256x512xf32, #tpu.memory_space<vmem>>, vector<256x64xf32>
    %concatenate3A_29 = tpu.concatenate %get3A_28, %get3A_28 in 1 : vector<256x64xf32>, vector<256x64xf32> -> vector<256x128xf32>
    %get3A_30 = arith.constant 0 : index
    %get3A_31 = arith.constant 0 : index
    %get3A_32 = vector.load %arg2[%get3A_30, %get3A_31] : memref<8x8192xf32, #tpu.memory_space<vmem>>, vector<1x128xf32>
    %get3A_33 = vector.shape_cast %get3A_32 : vector<1x128xf32> to vector<128xf32>
    %broadcast_in_dim3A = vector.shape_cast %get3A_33 : vector<128xf32> to vector<1x128xf32>
    %mul3A = vector.broadcast %broadcast_in_dim3A : vector<1x128xf32> to vector<256x128xf32>
    %mul3A_34 = arith.mulf %concatenate3A, %mul3A : vector<256x128xf32>
    %get3A_35 = arith.constant 1 : index
    %get3A_36 = arith.constant 0 : index
    %get3A_37 = vector.load %arg2[%get3A_35, %get3A_36] : memref<8x8192xf32, #tpu.memory_space<vmem>>, vector<1x128xf32>
    %get3A_38 = vector.shape_cast %get3A_37 : vector<1x128xf32> to vector<128xf32>
    %broadcast_in_dim3A_39 = vector.shape_cast %get3A_38 : vector<128xf32> to vector<1x128xf32>
    %mul3A_40 = vector.broadcast %broadcast_in_dim3A_39 : vector<1x128xf32> to vector<256x128xf32>
    %mul3A_41 = arith.mulf %concatenate3A_5, %mul3A_40 : vector<256x128xf32>
    %add3A = arith.addf %mul3A_34, %mul3A_41 : vector<256x128xf32>
    %get3A_42 = arith.constant 2 : index
    %get3A_43 = arith.constant 0 : index
    %get3A_44 = vector.load %arg2[%get3A_42, %get3A_43] : memref<8x8192xf32, #tpu.memory_space<vmem>>, vector<1x128xf32>
    %get3A_45 = vector.shape_cast %get3A_44 : vector<1x128xf32> to vector<128xf32>
    %broadcast_in_dim3A_46 = vector.shape_cast %get3A_45 : vector<128xf32> to vector<1x128xf32>
    %mul3A_47 = vector.broadcast %broadcast_in_dim3A_46 : vector<1x128xf32> to vector<256x128xf32>
    %mul3A_48 = arith.mulf %concatenate3A_9, %mul3A_47 : vector<256x128xf32>
    %add3A_49 = arith.addf %add3A, %mul3A_48 : vector<256x128xf32>
    %get3A_50 = arith.constant 3 : index
    %get3A_51 = arith.constant 0 : index
    %get3A_52 = vector.load %arg2[%get3A_50, %get3A_51] : memref<8x8192xf32, #tpu.memory_space<vmem>>, vector<1x128xf32>
    %get3A_53 = vector.shape_cast %get3A_52 : vector<1x128xf32> to vector<128xf32>
    %broadcast_in_dim3A_54 = vector.shape_cast %get3A_53 : vector<128xf32> to vector<1x128xf32>
    %mul3A_55 = vector.broadcast %broadcast_in_dim3A_54 : vector<1x128xf32> to vector<256x128xf32>
    %mul3A_56 = arith.mulf %concatenate3A_13, %mul3A_55 : vector<256x128xf32>
    %add3A_57 = arith.addf %add3A_49, %mul3A_56 : vector<256x128xf32>
    %get3A_58 = arith.constant 4 : index
    %get3A_59 = arith.constant 0 : index
    %get3A_60 = vector.load %arg2[%get3A_58, %get3A_59] : memref<8x8192xf32, #tpu.memory_space<vmem>>, vector<1x128xf32>
    %get3A_61 = vector.shape_cast %get3A_60 : vector<1x128xf32> to vector<128xf32>
    %broadcast_in_dim3A_62 = vector.shape_cast %get3A_61 : vector<128xf32> to vector<1x128xf32>
    %mul3A_63 = vector.broadcast %broadcast_in_dim3A_62 : vector<1x128xf32> to vector<256x128xf32>
    %mul3A_64 = arith.mulf %concatenate3A_17, %mul3A_63 : vector<256x128xf32>
    %add3A_65 = arith.addf %add3A_57, %mul3A_64 : vector<256x128xf32>
    %get3A_66 = arith.constant 5 : index
    %get3A_67 = arith.constant 0 : index
    %get3A_68 = vector.load %arg2[%get3A_66, %get3A_67] : memref<8x8192xf32, #tpu.memory_space<vmem>>, vector<1x128xf32>
    %get3A_69 = vector.shape_cast %get3A_68 : vector<1x128xf32> to vector<128xf32>
    %broadcast_in_dim3A_70 = vector.shape_cast %get3A_69 : vector<128xf32> to vector<1x128xf32>
    %mul3A_71 = vector.broadcast %broadcast_in_dim3A_70 : vector<1x128xf32> to vector<256x128xf32>
    %mul3A_72 = arith.mulf %concatenate3A_21, %mul3A_71 : vector<256x128xf32>
    %add3A_73 = arith.addf %add3A_65, %mul3A_72 : vector<256x128xf32>
    %get3A_74 = arith.constant 6 : index
    %get3A_75 = arith.constant 0 : index
    %get3A_76 = vector.load %arg2[%get3A_74, %get3A_75] : memref<8x8192xf32, #tpu.memory_space<vmem>>, vector<1x128xf32>
    %get3A_77 = vector.shape_cast %get3A_76 : vector<1x128xf32> to vector<128xf32>
    %broadcast_in_dim3A_78 = vector.shape_cast %get3A_77 : vector<128xf32> to vector<1x128xf32>
    %mul3A_79 = vector.broadcast %broadcast_in_dim3A_78 : vector<1x128xf32> to vector<256x128xf32>
    %mul3A_80 = arith.mulf %concatenate3A_25, %mul3A_79 : vector<256x128xf32>
    %add3A_81 = arith.addf %add3A_73, %mul3A_80 : vector<256x128xf32>
    %get3A_82 = arith.constant 7 : index
    %get3A_83 = arith.constant 0 : index
    %get3A_84 = vector.load %arg2[%get3A_82, %get3A_83] : memref<8x8192xf32, #tpu.memory_space<vmem>>, vector<1x128xf32>
    %get3A_85 = vector.shape_cast %get3A_84 : vector<1x128xf32> to vector<128xf32>
    %broadcast_in_dim3A_86 = vector.shape_cast %get3A_85 : vector<128xf32> to vector<1x128xf32>
    %mul3A_87 = vector.broadcast %broadcast_in_dim3A_86 : vector<1x128xf32> to vector<256x128xf32>
    %mul3A_88 = arith.mulf %concatenate3A_29, %mul3A_87 : vector<256x128xf32>
    %add3A_89 = arith.addf %add3A_81, %mul3A_88 : vector<256x128xf32>
    %swap3A = arith.constant 0 : index
    %swap3A_90 = arith.constant 0 : index
    %swap3A_91 = vector.load %arg3[%swap3A, %swap3A_90] : memref<256x8192xf32, #tpu.memory_space<vmem>>, vector<256x128xf32>
    tpu.vector_store %arg3[%swap3A, %swap3A_90], %add3A_89 {strides = array<i32>} : memref<256x8192xf32, #tpu.memory_space<vmem>>, vector<256x128xf32>,
    %get3A_92 = arith.constant 0 : index
    %get3A_93 = arith.constant 128 : index
    %get3A_94 = vector.load %arg2[%get3A_92, %get3A_93] : memref<8x8192xf32, #tpu.memory_space<vmem>>, vector<1x128xf32>
    %get3A_95 = vector.shape_cast %get3A_94 : vector<1x128xf32> to vector<128xf32>
    %broadcast_in_dim3A_96 = vector.shape_cast %get3A_95 : vector<128xf32> to vector<1x128xf32>
    %mul3A_97 = vector.broadcast %broadcast_in_dim3A_96 : vector<1x128xf32> to vector<256x128xf32>
    %mul3A_98 = arith.mulf %concatenate3A, %mul3A_97 : vector<256x128xf32>
    %get3A_99 = arith.constant 1 : index
    %get3A_100 = arith.constant 128 : index
    %get3A_101 = vector.load %arg2[%get3A_99, %get3A_100] : memref<8x8192xf32, #tpu.memory_space<vmem>>, vector<1x128xf32>
    %get3A_102 = vector.shape_cast %get3A_101 : vector<1x128xf32> to vector<128xf32>
    %broadcast_in_dim3A_103 = vector.shape_cast %get3A_102 : vector<128xf32> to vector<1x128xf32>
    %mul3A_104 = vector.broadcast %broadcast_in_dim3A_103 : vector<1x128xf32> to vector<256x128xf32>
    %mul3A_105 = arith.mulf %concatenate3A_5, %mul3A_104 : vector<256x128xf32>
    %add3A_106 = arith.addf %mul3A_98, %mul3A_105 : vector<256x128xf32>
    %get3A_107 = arith.constant 2 : index
    %get3A_108 = arith.constant 128 : index
    %get3A_109 = vector.load %arg2[%get3A_107, %get3A_108] : memref<8x8192xf32, #tpu.memory_space<vmem>>, vector<1x128xf32>
    %get3A_110 = vector.shape_cast %get3A_109 : vector<1x128xf32> to vector<128xf32>
    %broadcast_in_dim3A_111 = vector.shape_cast %get3A_110 : vector<128xf32> to vector<1x128xf32>
    %mul3A_112 = vector.broadcast %broadcast_in_dim3A_111 : vector<1x128xf32> to vector<256x128xf32>
    %mul3A_113 = arith.mulf %concatenate3A_9, %mul3A_112 : vector<256x128xf32>
    %add3A_114 = arith.addf %add3A_106, %mul3A_113 : vector<256x128xf32>
    %get3A_115 = arith.constant 3 : index
    %get3A_116 = arith.constant 128 : index
    %get3A_117 = vector.load %arg2[%get3A_115, %get3A_116] : memref<8x8192xf32, #tpu.memory_space<vmem>>, vector<1x128xf32>
    %get3A_118 = vector.shape_cast %get3A_117 : vector<1x128xf32> to vector<128xf32>
    %broadcast_in_dim3A_119 = vector.shape_cast %get3A_118 : vector<128xf32> to vector<1x128xf32>
    %mul3A_120 = vector.broadcast %broadcast_in_dim3A_119 : vector<1x128xf32> to vector<256x128xf32>
    %mul3A_121 = arith.mulf %concatenate3A_13, %mul3A_120 : vector<256x128xf32>
    %add3A_122 = arith.addf %add3A_114, %mul3A_121 : vector<256x128xf32>
    %get3A_123 = arith.constant 4 : index
    %get3A_124 = arith.constant 128 : index
    %get3A_125 = vector.load %arg2[%get3A_123, %get3A_124] : memref<8x8192xf32, #tpu.memory_space<vmem>>, vector<1x128xf32>
    %get3A_126 = vector.shape_cast %get3A_125 : vector<1x128xf32> to vector<128xf32>
    %broadcast_in_dim3A_127 = vector.shape_cast %get3A_126 : vector<128xf32> to vector<1x128xf32>
    %mul3A_128 = vector.broadcast %broadcast_in_dim3A_127 : vector<1x128xf32> to vector<256x128xf32>
    %mul3A_129 = arith.mulf %concatenate3A_17, %mul3A_128 : vector<256x128xf32>
    %add3A_130 = arith.addf %add3A_122, %mul3A_129 : vector<256x128xf32>
    %get3A_131 = arith.constant 5 : index
    %get3A_132 = arith.constant 128 : index
    %get3A_133 = vector.load %arg2[%get3A_131, %get3A_132] : memref<8x8192xf32, #tpu.memory_space<vmem>>, vector<1x128xf32>
    %get3A_134 = vector.shape_cast %get3A_133 : vector<1x128xf32> to vector<128xf32>
    %broadcast_in_dim3A_135 = vector.shape_cast %get3A_134 : vector<128xf32> to vector<1x128xf32>
    %mul3A_136 = vector.broadcast %broadcast_in_dim3A_135 : vector<1x128xf32> to vector<256x128xf32>
    %mul3A_137 = arith.mulf %concatenate3A_21, %mul3A_136 : vector<256x128xf32>
    %add3A_138 = arith.addf %add3A_130, %mul3A_137 : vector<256x128xf32>
    %get3A_139 = arith.constant 6 : index
    %get3A_140 = arith.constant 128 : index
    %get3A_141 = vector.load %arg2[%get3A_139, %get3A_140] : memref<8x8192xf32, #tpu.memory_space<vmem>>, vector<1x128xf32>
    %get3A_142 = vector.shape_cast %get3A_141 : vector<1x128xf32> to vector<128xf32>
    %broadcast_in_dim3A_143 = vector.shape_cast %get3A_142 : vector<128xf32> to vector<1x128xf32>
    %mul3A_144 = vector.broadcast %broadcast_in_dim3A_143 : vector<1x128xf32> to vector<256x128xf32>
    %mul3A_145 = arith.mulf %concatenate3A_25, %mul3A_144 : vector<256x128xf32>
    %add3A_146 = arith.addf %add3A_138, %mul3A_145 : vector<256x128xf32>
    %get3A_147 = arith.constant 7 : index
    %get3A_148 = arith.constant 128 : index
    %get3A_149 = vector.load %arg2[%get3A_147, %get3A_148] : memref<8x8192xf32, #tpu.memory_space<vmem>>, vector<1x128xf32>
    %get3A_150 = vector.shape_cast %get3A_149 : vector<1x128xf32> to vector<128xf32>
    %broadcast_in_dim3A_151 = vector.shape_cast %get3A_150 : vector<128xf32> to vector<1x128xf32>
    %mul3A_152 = vector.broadcast %broadcast_in_dim3A_151 : vector<1x128xf32> to vector<256x128xf32>
    %mul3A_153 = arith.mulf %concatenate3A_29, %mul3A_152 : vector<256x128xf32>
    %add3A_154 = arith.addf %add3A_146, %mul3A_153 : vector<256x128xf32>
    %swap3A_155 = arith.constant 0 : index
    %swap3A_156 = arith.constant 128 : index
    %swap3A_157 = vector.load %arg3[%swap3A_155, %swap3A_156] : memref<256x8192xf32, #tpu.memory_space<vmem>>, vector<256x128xf32>
    tpu.vector_store %arg3[%swap3A_155, %swap3A_156], %add3A_154 {strides = array<i32>} : memref<256x8192xf32, #tpu.memory_space<vmem>>, vector<256x128xf32>,
    %get3A_158 = arith.constant 0 : index
    %get3A_159 = arith.constant 256 : index
    %get3A_160 = vector.load %arg2[%get3A_158, %get3A_159] : memref<8x8192xf32, #tpu.memory_space<vmem>>, vector<1x128xf32>
    %get3A_161 = vector.shape_cast %get3A_160 : vector<1x128xf32> to vector<128xf32>
    %broadcast_in_dim3A_162 = vector.shape_cast %get3A_161 : vector<128xf32> to vector<1x128xf32>
    %mul3A_163 = vector.broadcast %broadcast_in_dim3A_162 : vector<1x128xf32> to vector<256x128xf32>
    %mul3A_164 = arith.mulf %concatenate3A, %mul3A_163 : vector<256x128xf32>
    %get3A_165 = arith.constant 1 : index
    %get3A_166 = arith.constant 256 : index
    %get3A_167 = vector.load %arg2[%get3A_165, %get3A_166] : memref<8x8192xf32, #tpu.memory_space<vmem>>, vector<1x128xf32>
    %get3A_168 = vector.shape_cast %get3A_167 : vector<1x128xf32> to vector<128xf32>
    %broadcast_in_dim3A_169 = vector.shape_cast %get3A_168 : vector<128xf32> to vector<1x128xf32>
    %mul3A_170 = vector.broadcast %broadcast_in_dim3A_169 : vector<1x128xf32> to vector<256x128xf32>
    %mul3A_171 = arith.mulf %concatenate3A_5, %mul3A_170 : vector<256x128xf32>
    %add3A_172 = arith.addf %mul3A_164, %mul3A_171 : vector<256x128xf32>
    %get3A_173 = arith.constant 2 : index
    %get3A_174 = arith.constant 256 : index
    %get3A_175 = vector.load %arg2[%get3A_173, %get3A_174] : memref<8x8192xf32, #tpu.memory_space<vmem>>, vector<1x128xf32>
    %get3A_176 = vector.shape_cast %get3A_175 : vector<1x128xf32> to vector<128xf32>
    %broadcast_in_dim3A_177 = vector.shape_cast %get3A_176 : vector<128xf32> to vector<1x128xf32>
    %mul3A_178 = vector.broadcast %broadcast_in_dim3A_177 : vector<1x128xf32> to vector<256x128xf32>
    %mul3A_179 = arith.mulf %concatenate3A_9, %mul3A_178 : vector<256x128xf32>
    %add3A_180 = arith.addf %add3A_172, %mul3A_179 : vector<256x128xf32>
    %get3A_181 = arith.constant 3 : index
    %get3A_182 = arith.constant 256 : index
    %get3A_183 = vector.load %arg2[%get3A_181, %get3A_182] : memref<8x8192xf32, #tpu.memory_space<vmem>>, vector<1x128xf32>
    %get3A_184 = vector.shape_cast %get3A_183 : vector<1x128xf32> to vector<128xf32>
    %broadcast_in_dim3A_185 = vector.shape_cast %get3A_184 : vector<128xf32> to vector<1x128xf32>
    %mul3A_186 = vector.broadcast %broadcast_in_dim3A_185 : vector<1x128xf32> to vector<256x128xf32>
    %mul3A_187 = arith.mulf %concatenate3A_13, %mul3A_186 : vector<256x128xf32>
    %add3A_188 = arith.addf %add3A_180, %mul3A_187 : vector<256x128xf32>
    %get3A_189 = arith.constant 4 : index
    %get3A_190 = arith.constant 256 : index
    %get3A_191 = vector.load %arg2[%get3A_189, %get3A_190] : memref<8x8192xf32, #tpu.memory_space<vmem>>, vector<1x128xf32>
    %get3A_192 = vector.shape_cast %get3A_191 : vector<1x128xf32> to vector<128xf32>
    %broadcast_in_dim3A_193 = vector.shape_cast %get3A_192 : vector<128xf32> to vector<1x128xf32>
    %mul3A_194 = vector.broadcast %broadcast_in_dim3A_193 : vector<1x128xf32> to vector<256x128xf32>
    %mul3A_195 = arith.mulf %concatenate3A_17, %mul3A_194 : vector<256x128xf32>
    %add3A_196 = arith.addf %add3A_188, %mul3A_195 : vector<256x128xf32>
    %get3A_197 = arith.constant 5 : index
    %get3A_198 = arith.constant 256 : index
    %get3A_199 = vector.load %arg2[%get3A_197, %get3A_198] : memref<8x8192xf32, #tpu.memory_space<vmem>>, vector<1x128xf32>
    %get3A_200 = vector.shape_cast %get3A_199 : vector<1x128xf32> to vector<128xf32>
    %broadcast_in_dim3A_201 = vector.shape_cast %get3A_200 : vector<128xf32> to vector<1x128xf32>
    %mul3A_202 = vector.broadcast %broadcast_in_dim3A_201 : vector<1x128xf32> to vector<256x128xf32>
    %mul3A_203 = arith.mulf %concatenate3A_21, %mul3A_202 : vector<256x128xf32>
    %add3A_204 = arith.addf %add3A_196, %mul3A_203 : vector<256x128xf32>
    %get3A_205 = arith.constant 6 : index
    %get3A_206 = arith.constant 256 : index
    %get3A_207 = vector.load %arg2[%get3A_205, %get3A_206] : memref<8x8192xf32, #tpu.memory_space<vmem>>, vector<1x128xf32>
    %get3A_208 = vector.shape_cast %get3A_207 : vector<1x128xf32> to vector<128xf32>
    %broadcast_in_dim3A_209 = vector.shape_cast %get3A_208 : vector<128xf32> to vector<1x128xf32>
    %mul3A_210 = vector.broadcast %broadcast_in_dim3A_209 : vector<1x128xf32> to vector<256x128xf32>
    %mul3A_211 = arith.mulf %concatenate3A_25, %mul3A_210 : vector<256x128xf32>
    %add3A_212 = arith.addf %add3A_204, %mul3A_211 : vector<256x128xf32>
    %get3A_213 = arith.constant 7 : index
    %get3A_214 = arith.constant 256 : index
    %get3A_215 = vector.load %arg2[%get3A_213, %get3A_214] : memref<8x8192xf32, #tpu.memory_space<vmem>>, vector<1x128xf32>
    %get3A_216 = vector.shape_cast %get3A_215 : vector<1x128xf32> to vector<128xf32>
    %broadcast_in_dim3A_217 = vector.shape_cast %get3A_216 : vector<128xf32> to vector<1x128xf32>
    %mul3A_218 = vector.broadcast %broadcast_in_dim3A_217 : vector<1x128xf32> to vector<256x128xf32>
    %mul3A_219 = arith.mulf %concatenate3A_29, %mul3A_218 : vector<256x128xf32>
    %add3A_220 = arith.addf %add3A_212, %mul3A_219 : vector<256x128xf32>
    %swap3A_221 = arith.constant 0 : index
    %swap3A_222 = arith.constant 256 : index
    %swap3A_223 = vector.load %arg3[%swap3A_221, %swap3A_222] : memref<256x8192xf32, #tpu.memory_space<vmem>>, vector<256x128xf32>
    tpu.vector_store %arg3[%swap3A_221, %swap3A_222], %add3A_220 {strides = array<i32>} : memref<256x8192xf32, #tpu.memory_space<vmem>>, vector<256x128xf32>,
    %get3A_224 = arith.constant 0 : index
    %get3A_225 = arith.constant 384 : index
    %get3A_226 = vector.load %arg2[%get3A_224, %get3A_225] : memref<8x8192xf32, #tpu.memory_space<vmem>>, vector<1x128xf32>
    %get3A_227 = vector.shape_cast %get3A_226 : vector<1x128xf32> to vector<128xf32>
    %broadcast_in_dim3A_228 = vector.shape_cast %get3A_227 : vector<128xf32> to vector<1x128xf32>
    %mul3A_229 = vector.broadcast %broadcast_in_dim3A_228 : vector<1x128xf32> to vector<256x128xf32>
    %mul3A_230 = arith.mulf %concatenate3A, %mul3A_229 : vector<256x128xf32>
    %get3A_231 = arith.constant 1 : index
    %get3A_232 = arith.constant 384 : index
    %get3A_233 = vector.load %arg2[%get3A_231, %get3A_232] : memref<8x8192xf32, #tpu.memory_space<vmem>>, vector<1x128xf32>
    %get3A_234 = vector.shape_cast %get3A_233 : vector<1x128xf32> to vector<128xf32>
    %broadcast_in_dim3A_235 = vector.shape_cast %get3A_234 : vector<128xf32> to vector<1x128xf32>
    %mul3A_236 = vector.broadcast %broadcast_in_dim3A_235 : vector<1x128xf32> to vector<256x128xf32>
    %mul3A_237 = arith.mulf %concatenate3A_5, %mul3A_236 : vector<256x128xf32>
    %add3A_238 = arith.addf %mul3A_230, %mul3A_237 : vector<256x128xf32>
    %get3A_239 = arith.constant 2 : index
    %get3A_240 = arith.constant 384 : index
    %get3A_241 = vector.load %arg2[%get3A_239, %get3A_240] : memref<8x8192xf32, #tpu.memory_space<vmem>>, vector<1x128xf32>
    %get3A_242 = vector.shape_cast %get3A_241 : vector<1x128xf32> to vector<128xf32>
    %broadcast_in_dim3A_243 = vector.shape_cast %get3A_242 : vector<128xf32> to vector<1x128xf32>
    %mul3A_244 = vector.broadcast %broadcast_in_dim3A_243 : vector<1x128xf32> to vector<256x128xf32>
    %mul3A_245 = arith.mulf %concatenate3A_9, %mul3A_244 : vector<256x128xf32>
    %add3A_246 = arith.addf %add3A_238, %mul3A_245 : vector<256x128xf32>
    %get3A_247 = arith.constant 3 : index
    %get3A_248 = arith.constant 384 : index
    %get3A_249 = vector.load %arg2[%get3A_247, %get3A_248] : memref<8x8192xf32, #tpu.memory_space<vmem>>, vector<1x128xf32>
    %get3A_250 = vector.shape_cast %get3A_249 : vector<1x128xf32> to vector<128xf32>
    %broadcast_in_dim3A_251 = vector.shape_cast %get3A_250 : vector<128xf32> to vector<1x128xf32>
    %mul3A_252 = vector.broadcast %broadcast_in_dim3A_251 : vector<1x128xf32> to vector<256x128xf32>
    %mul3A_253 = arith.mulf %concatenate3A_13, %mul3A_252 : vector<256x128xf32>
    %add3A_254 = arith.addf %add3A_246, %mul3A_253 : vector<256x128xf32>
    %get3A_255 = arith.constant 4 : index
    %get3A_256 = arith.constant 384 : index
    %get3A_257 = vector.load %arg2[%get3A_255, %get3A_256] : memref<8x8192xf32, #tpu.memory_space<vmem>>, vector<1x128xf32>
    %get3A_258 = vector.shape_cast %get3A_257 : vector<1x128xf32> to vector<128xf32>
    %broadcast_in_dim3A_259 = vector.shape_cast %get3A_258 : vector<128xf32> to vector<1x128xf32>
    %mul3A_260 = vector.broadcast %broadcast_in_dim3A_259 : vector<1x128xf32> to vector<256x128xf32>
    %mul3A_261 = arith.mulf %concatenate3A_17, %mul3A_260 : vector<256x128xf32>
    %add3A_262 = arith.addf %add3A_254, %mul3A_261 : vector<256x128xf32>
    %get3A_263 = arith.constant 5 : index
    %get3A_264 = arith.constant 384 : index
    %get3A_265 = vector.load %arg2[%get3A_263, %get3A_264] : memref<8x8192xf32, #tpu.memory_space<vmem>>, vector<1x128xf32>
    %get3A_266 = vector.shape_cast %get3A_265 : vector<1x128xf32> to vector<128xf32>
    %broadcast_in_dim3A_267 = vector.shape_cast %get3A_266 : vector<128xf32> to vector<1x128xf32>
    %mul3A_268 = vector.broadcast %broadcast_in_dim3A_267 : vector<1x128xf32> to vector<256x128xf32>
    %mul3A_269 = arith.mulf %concatenate3A_21, %mul3A_268 : vector<256x128xf32>
    %add3A_270 = arith.addf %add3A_262, %mul3A_269 : vector<256x128xf32>
    %get3A_271 = arith.constant 6 : index
    %get3A_272 = arith.constant 384 : index
    %get3A_273 = vector.load %arg2[%get3A_271, %get3A_272] : memref<8x8192xf32, #tpu.memory_space<vmem>>, vector<1x128xf32>
    %get3A_274 = vector.shape_cast %get3A_273 : vector<1x128xf32> to vector<128xf32>
    %broadcast_in_dim3A_275 = vector.shape_cast %get3A_274 : vector<128xf32> to vector<1x128xf32>
    %mul3A_276 = vector.broadcast %broadcast_in_dim3A_275 : vector<1x128xf32> to vector<256x128xf32>
    %mul3A_277 = arith.mulf %concatenate3A_25, %mul3A_276 : vector<256x128xf32>
    %add3A_278 = arith.addf %add3A_270, %mul3A_277 : vector<256x128xf32>
    %get3A_279 = arith.constant 7 : index
    %get3A_280 = arith.constant 384 : index
    %get3A_281 = vector.load %arg2[%get3A_279, %get3A_280] : memref<8x8192xf32, #tpu.memory_space<vmem>>, vector<1x128xf32>
    %get3A_282 = vector.shape_cast %get3A_281 : vector<1x128xf32> to vector<128xf32>
    %broadcast_in_dim3A_283 = vector.shape_cast %get3A_282 : vector<128xf32> to vector<1x128xf32>
    %mul3A_284 = vector.broadcast %broadcast_in_dim3A_283 : vector<1x128xf32> to vector<256x128xf32>
    %mul3A_285 = arith.mulf %concatenate3A_29, %mul3A_284 : vector<256x128xf32>
    %add3A_286 = arith.addf %add3A_278, %mul3A_285 : vector<256x128xf32>
    %swap3A_287 = arith.constant 0 : index
    %swap3A_288 = arith.constant 384 : index
    %swap3A_289 = vector.load %arg3[%swap3A_287, %swap3A_288] : memref<256x8192xf32, #tpu.memory_space<vmem>>, vector<256x128xf32>
    tpu.vector_store %arg3[%swap3A_287, %swap3A_288], %add3A_286 {strides = array<i32>} : memref<256x8192xf32, #tpu.memory_space<vmem>>, vector<256x128xf32>,
    %get3A_290 = arith.constant 0 : index
    %get3A_291 = arith.constant 512 : index
    %get3A_292 = vector.load %arg2[%get3A_290, %get3A_291] : memref<8x8192xf32, #tpu.memory_space<vmem>>, vector<1x128xf32>
    %get3A_293 = vector.shape_cast %get3A_292 : vector<1x128xf32> to vector<128xf32>
    %broadcast_in_dim3A_294 = vector.shape_cast %get3A_293 : vector<128xf32> to vector<1x128xf32>
    %mul3A_295 = vector.broadcast %broadcast_in_dim3A_294 : vector<1x128xf32> to vector<256x128xf32>
    %mul3A_296 = arith.mulf %concatenate3A, %mul3A_295 : vector<256x128xf32>
    %get3A_297 = arith.constant 1 : index
    %get3A_298 = arith.constant 512 : index
    %get3A_299 = vector.load %arg2[%get3A_297, %get3A_298] : memref<8x8192xf32, #tpu.memory_space<vmem>>, vector<1x128xf32>
    %get3A_300 = vector.shape_cast %get3A_299 : vector<1x128xf32> to vector<128xf32>
    %broadcast_in_dim3A_301 = vector.shape_cast %get3A_300 : vector<128xf32> to vector<1x128xf32>
    %mul3A_302 = vector.broadcast %broadcast_in_dim3A_301 : vector<1x128xf32> to vector<256x128xf32>
    %mul3A_303 = arith.mulf %concatenate3A_5, %mul3A_302 : vector<256x128xf32>
    %add3A_304 = arith.addf %mul3A_296, %mul3A_303 : vector<256x128xf32>
    %get3A_305 = arith.constant 2 : index
    %get3A_306 = arith.constant 512 : index
    %get3A_307 = vector.load %arg2[%get3A_305, %get3A_306] : memref<8x8192xf32, #tpu.memory_space<vmem>>, vector<1x128xf32>
    %get3A_308 = vector.shape_cast %get3A_307 : vector<1x128xf32> to vector<128xf32>
    %broadcast_in_dim3A_309 = vector.shape_cast %get3A_308 : vector<128xf32> to vector<1x128xf32>
    %mul3A_310 = vector.broadcast %broadcast_in_dim3A_309 : vector<1x128xf32> to vector<256x128xf32>
    %mul3A_311 = arith.mulf %concatenate3A_9, %mul3A_310 : vector<256x128xf32>
    %add3A_312 = arith.addf %add3A_304, %mul3A_311 : vector<256x128xf32>
    %get3A_313 = arith.constant 3 : index
    %get3A_314 = arith.constant 512 : index
    %get3A_315 = vector.load %arg2[%get3A_313, %get3A_314] : memref<8x8192xf32, #tpu.memory_space<vmem>>, vector<1x128xf32>
    %get3A_316 = vector.shape_cast %get3A_315 : vector<1x128xf32> to vector<128xf32>
    %broadcast_in_dim3A_317 = vector.shape_cast %get3A_316 : vector<128xf32> to vector<1x128xf32>
    %mul3A_318 = vector.broadcast %broadcast_in_dim3A_317 : vector<1x128xf32> to vector<256x128xf32>
    %mul3A_319 = arith.mulf %concatenate3A_13, %mul3A_318 : vector<256x128xf32>
    %add3A_320 = arith.addf %add3A_312, %mul3A_319 : vector<256x128xf32>
    %get3A_321 = arith.constant 4 : index
    %get3A_322 = arith.constant 512 : index
    %get3A_323 = vector.load %arg2[%get3A_321, %get3A_322] : memref<8x8192xf32, #tpu.memory_space<vmem>>, vector<1x128xf32>
    %get3A_324 = vector.shape_cast %get3A_323 : vector<1x128xf32> to vector<128xf32>
    %broadcast_in_dim3A_325 = vector.shape_cast %get3A_324 : vector<128xf32> to vector<1x128xf32>
    %mul3A_326 = vector.broadcast %broadcast_in_dim3A_325 : vector<1x128xf32> to vector<256x128xf32>
    %mul3A_327 = arith.mulf %concatenate3A_17, %mul3A_326 : vector<256x128xf32>
    %add3A_328 = arith.addf %add3A_320, %mul3A_327 : vector<256x128xf32>
    %get3A_329 = arith.constant 5 : index
    %get3A_330 = arith.constant 512 : index
    %get3A_331 = vector.load %arg2[%get3A_329, %get3A_330] : memref<8x8192xf32, #tpu.memory_space<vmem>>, vector<1x128xf32>
    %get3A_332 = vector.shape_cast %get3A_331 : vector<1x128xf32> to vector<128xf32>
    %broadcast_in_dim3A_333 = vector.shape_cast %get3A_332 : vector<128xf32> to vector<1x128xf32>
    %mul3A_334 = vector.broadcast %broadcast_in_dim3A_333 : vector<1x128xf32> to vector<256x128xf32>
    %mul3A_335 = arith.mulf %concatenate3A_21, %mul3A_334 : vector<256x128xf32>
    %add3A_336 = arith.addf %add3A_328, %mul3A_335 : vector<256x128xf32>
    %get3A_337 = arith.constant 6 : index
    %get3A_338 = arith.constant 512 : index
    %get3A_339 = vector.load %arg2[%get3A_337, %get3A_338] : memref<8x8192xf32, #tpu.memory_space<vmem>>, vector<1x128xf32>
    %get3A_340 = vector.shape_cast %get3A_339 : vector<1x128xf32> to vector<128xf32>
    %broadcast_in_dim3A_341 = vector.shape_cast %get3A_340 : vector<128xf32> to vector<1x128xf32>
    %mul3A_342 = vector.broadcast %broadcast_in_dim3A_341 : vector<1x128xf32> to vector<256x128xf32>
    %mul3A_343 = arith.mulf %concatenate3A_25, %mul3A_342 : vector<256x128xf32>
    %add3A_344 = arith.addf %add3A_336, %mul3A_343 : vector<256x128xf32>
    %get3A_345 = arith.constant 7 : index
    %get3A_346 = arith.constant 512 : index
    %get3A_347 = vector.load %arg2[%get3A_345, %get3A_346] : memref<8x8192xf32, #tpu.memory_space<vmem>>, vector<1x128xf32>
    %get3A_348 = vector.shape_cast %get3A_347 : vector<1x128xf32> to vector<128xf32>
    %broadcast_in_dim3A_349 = vector.shape_cast %get3A_348 : vector<128xf32> to vector<1x128xf32>
    %mul3A_350 = vector.broadcast %broadcast_in_dim3A_349 : vector<1x128xf32> to vector<256x128xf32>
    %mul3A_351 = arith.mulf %concatenate3A_29, %mul3A_350 : vector<256x128xf32>
    %add3A_352 = arith.addf %add3A_344, %mul3A_351 : vector<256x128xf32>
    %swap3A_353 = arith.constant 0 : index
    %swap3A_354 = arith.constant 512 : index
    %swap3A_355 = vector.load %arg3[%swap3A_353, %swap3A_354] : memref<256x8192xf32, #tpu.memory_space<vmem>>, vector<256x128xf32>
    tpu.vector_store %arg3[%swap3A_353, %swap3A_354], %add3A_352 {strides = array<i32>} : memref<256x8192xf32, #tpu.memory_space<vmem>>, vector<256x128xf32>,
    %get3A_356 = arith.constant 0 : index
    %get3A_357 = arith.constant 640 : index
    %get3A_358 = vector.load %arg2[%get3A_356, %get3A_357] : memref<8x8192xf32, #tpu.memory_space<vmem>>, vector<1x128xf32>
    %get3A_359 = vector.shape_cast %get3A_358 : vector<1x128xf32> to vector<128xf32>
    %broadcast_in_dim3A_360 = vector.shape_cast %get3A_359 : vector<128xf32> to vector<1x128xf32>
    %mul3A_361 = vector.broadcast %broadcast_in_dim3A_360 : vector<1x128xf32> to vector<256x128xf32>
    %mul3A_362 = arith.mulf %concatenate3A, %mul3A_361 : vector<256x128xf32>
    %get3A_363 = arith.constant 1 : index
    %get3A_364 = arith.constant 640 : index
    %get3A_365 = vector.load %arg2[%get3A_363, %get3A_364] : memref<8x8192xf32, #tpu.memory_space<vmem>>, vector<1x128xf32>
    %get3A_366 = vector.shape_cast %get3A_365 : vector<1x128xf32> to vector<128xf32>
    %broadcast_in_dim3A_367 = vector.shape_cast %get3A_366 : vector<128xf32> to vector<1x128xf32>
    %mul3A_368 = vector.broadcast %broadcast_in_dim3A_367 : vector<1x128xf32> to vector<256x128xf32>
    %mul3A_369 = arith.mulf %concatenate3A_5, %mul3A_368 : vector<256x128xf32>
    %add3A_370 = arith.addf %mul3A_362, %mul3A_369 : vector<256x128xf32>
    %get3A_371 = arith.constant 2 : index
    %get3A_372 = arith.constant 640 : index
    %get3A_373 = vector.load %arg2[%get3A_371, %get3A_372] : memref<8x8192xf32, #tpu.memory_space<vmem>>, vector<1x128xf32>
    %get3A_374 = vector.shape_cast %get3A_373 : vector<1x128xf32> to vector<128xf32>
    %broadcast_in_dim3A_375 = vector.shape_cast %get3A_374 : vector<128xf32> to vector<1x128xf32>
    %mul3A_376 = vector.broadcast %broadcast_in_dim3A_375 : vector<1x128xf32> to vector<256x128xf32>
    %mul3A_377 = arith.mulf %concatenate3A_9, %mul3A_376 : vector<256x128xf32>
    %add3A_378 = arith.addf %add3A_370, %mul3A_377 : vector<256x128xf32>
    %get3A_379 = arith.constant 3 : index
    %get3A_380 = arith.constant 640 : index
    %get3A_381 = vector.load %arg2[%get3A_379, %get3A_380] : memref<8x8192xf32, #tpu.memory_space<vmem>>, vector<1x128xf32>
    %get3A_382 = vector.shape_cast %get3A_381 : vector<1x128xf32> to vector<128xf32>
    %broadcast_in_dim3A_383 = vector.shape_cast %get3A_382 : vector<128xf32> to vector<1x128xf32>
    %mul3A_384 = vector.broadcast %broadcast_in_dim3A_383 : vector<1x128xf32> to vector<256x128xf32>
    %mul3A_385 = arith.mulf %concatenate3A_13, %mul3A_384 : vector<256x128xf32>
    %add3A_386 = arith.addf %add3A_378, %mul3A_385 : vector<256x128xf32>
    %get3A_387 = arith.constant 4 : index
    %get3A_388 = arith.constant 640 : index
    %get3A_389 = vector.load %arg2[%get3A_387, %get3A_388] : memref<8x8192xf32, #tpu.memory_space<vmem>>, vector<1x128xf32>
    %get3A_390 = vector.shape_cast %get3A_389 : vector<1x128xf32> to vector<128xf32>
    %broadcast_in_dim3A_391 = vector.shape_cast %get3A_390 : vector<128xf32> to vector<1x128xf32>
    %mul3A_392 = vector.broadcast %broadcast_in_dim3A_391 : vector<1x128xf32> to vector<256x128xf32>
    %mul3A_393 = arith.mulf %concatenate3A_17, %mul3A_392 : vector<256x128xf32>
    %add3A_394 = arith.addf %add3A_386, %mul3A_393 : vector<256x128xf32>
    %get3A_395 = arith.constant 5 : index
    %get3A_396 = arith.constant 640 : index
    %get3A_397 = vector.load %arg2[%get3A_395, %get3A_396] : memref<8x8192xf32, #tpu.memory_space<vmem>>, vector<1x128xf32>
    %get3A_398 = vector.shape_cast %get3A_397 : vector<1x128xf32> to vector<128xf32>
    %broadcast_in_dim3A_399 = vector.shape_cast %get3A_398 : vector<128xf32> to vector<1x128xf32>
    %mul3A_400 = vector.broadcast %broadcast_in_dim3A_399 : vector<1x128xf32> to vector<256x128xf32>
    %mul3A_401 = arith.mulf %concatenate3A_21, %mul3A_400 : vector<256x128xf32>
    %add3A_402 = arith.addf %add3A_394, %mul3A_401 : vector<256x128xf32>
    %get3A_403 = arith.constant 6 : index
    %get3A_404 = arith.constant 640 : index
    %get3A_405 = vector.load %arg2[%get3A_403, %get3A_404] : memref<8x8192xf32, #tpu.memory_space<vmem>>, vector<1x128xf32>
    %get3A_406 = vector.shape_cast %get3A_405 : vector<1x128xf32> to vector<128xf32>
    %broadcast_in_dim3A_407 = vector.shape_cast %get3A_406 : vector<128xf32> to vector<1x128xf32>
    %mul3A_408 = vector.broadcast %broadcast_in_dim3A_407 : vector<1x128xf32> to vector<256x128xf32>
    %mul3A_409 = arith.mulf %concatenate3A_25, %mul3A_408 : vector<256x128xf32>
    %add3A_410 = arith.addf %add3A_402, %mul3A_409 : vector<256x128xf32>
    %get3A_411 = arith.constant 7 : index
    %get3A_412 = arith.constant 640 : index
    %get3A_413 = vector.load %arg2[%get3A_411, %get3A_412] : memref<8x8192xf32, #tpu.memory_space<vmem>>, vector<1x128xf32>
    %get3A_414 = vector.shape_cast %get3A_413 : vector<1x128xf32> to vector<128xf32>
    %broadcast_in_dim3A_415 = vector.shape_cast %get3A_414 : vector<128xf32> to vector<1x128xf32>
    %mul3A_416 = vector.broadcast %broadcast_in_dim3A_415 : vector<1x128xf32> to vector<256x128xf32>
    %mul3A_417 = arith.mulf %concatenate3A_29, %mul3A_416 : vector<256x128xf32>
    %add3A_418 = arith.addf %add3A_410, %mul3A_417 : vector<256x128xf32>
    %swap3A_419 = arith.constant 0 : index
    %swap3A_420 = arith.constant 640 : index
    %swap3A_421 = vector.load %arg3[%swap3A_419, %swap3A_420] : memref<256x8192xf32, #tpu.memory_space<vmem>>, vector<256x128xf32>
    tpu.vector_store %arg3[%swap3A_419, %swap3A_420], %add3A_418 {strides = array<i32>} : memref<256x8192xf32, #tpu.memory_space<vmem>>, vector<256x128xf32>,
    %get3A_422 = arith.constant 0 : index
    %get3A_423 = arith.constant 768 : index
    %get3A_424 = vector.load %arg2[%get3A_422, %get3A_423] : memref<8x8192xf32, #tpu.memory_space<vmem>>, vector<1x128xf32>
    %get3A_425 = vector.shape_cast %get3A_424 : vector<1x128xf32> to vector<128xf32>
    %broadcast_in_dim3A_426 = vector.shape_cast %get3A_425 : vector<128xf32> to vector<1x128xf32>
    %mul3A_427 = vector.broadcast %broadcast_in_dim3A_426 : vector<1x128xf32> to vector<256x128xf32>
    %mul3A_428 = arith.mulf %concatenate3A, %mul3A_427 : vector<256x128xf32>
    %get3A_429 = arith.constant 1 : index
    %get3A_430 = arith.constant 768 : index
    %get3A_431 = vector.load %arg2[%get3A_429, %get3A_430] : memref<8x8192xf32, #tpu.memory_space<vmem>>, vector<1x128xf32>
    %get3A_432 = vector.shape_cast %get3A_431 : vector<1x128xf32> to vector<128xf32>
    %broadcast_in_dim3A_433 = vector.shape_cast %get3A_432 : vector<128xf32> to vector<1x128xf32>
    %mul3A_434 = vector.broadcast %broadcast_in_dim3A_433 : vector<1x128xf32> to vector<256x128xf32>
    %mul3A_435 = arith.mulf %concatenate3A_5, %mul3A_434 : vector<256x128xf32>
    %add3A_436 = arith.addf %mul3A_428, %mul3A_435 : vector<256x128xf32>
    %get3A_437 = arith.constant 2 : index
    %get3A_438 = arith.constant 768 : index
    %get3A_439 = vector.load %arg2[%get3A_437, %get3A_438] : memref<8x8192xf32, #tpu.memory_space<vmem>>, vector<1x128xf32>
    %get3A_440 = vector.shape_cast %get3A_439 : vector<1x128xf32> to vector<128xf32>
    %broadcast_in_dim3A_441 = vector.shape_cast %get3A_440 : vector<128xf32> to vector<1x128xf32>
    %mul3A_442 = vector.broadcast %broadcast_in_dim3A_441 : vector<1x128xf32> to vector<256x128xf32>
    %mul3A_443 = arith.mulf %concatenate3A_9, %mul3A_442 : vector<256x128xf32>
    %add3A_444 = arith.addf %add3A_436, %mul3A_443 : vector<256x128xf32>
    %get3A_445 = arith.constant 3 : index
    %get3A_446 = arith.constant 768 : index
    %get3A_447 = vector.load %arg2[%get3A_445, %get3A_446] : memref<8x8192xf32, #tpu.memory_space<vmem>>, vector<1x128xf32>
    %get3A_448 = vector.shape_cast %get3A_447 : vector<1x128xf32> to vector<128xf32>
    %broadcast_in_dim3A_449 = vector.shape_cast %get3A_448 : vector<128xf32> to vector<1x128xf32>
    %mul3A_450 = vector.broadcast %broadcast_in_dim3A_449 : vector<1x128xf32> to vector<256x128xf32>
    %mul3A_451 = arith.mulf %concatenate3A_13, %mul3A_450 : vector<256x128xf32>
    %add3A_452 = arith.addf %add3A_444, %mul3A_451 : vector<256x128xf32>
    %get3A_453 = arith.constant 4 : index
    %get3A_454 = arith.constant 768 : index
    %get3A_455 = vector.load %arg2[%get3A_453, %get3A_454] : memref<8x8192xf32, #tpu.memory_space<vmem>>, vector<1x128xf32>
    %get3A_456 = vector.shape_cast %get3A_455 : vector<1x128xf32> to vector<128xf32>
    %broadcast_in_dim3A_457 = vector.shape_cast %get3A_456 : vector<128xf32> to vector<1x128xf32>
    %mul3A_458 = vector.broadcast %broadcast_in_dim3A_457 : vector<1x128xf32> to vector<256x128xf32>
    %mul3A_459 = arith.mulf %concatenate3A_17, %mul3A_458 : vector<256x128xf32>
    %add3A_460 = arith.addf %add3A_452, %mul3A_459 : vector<256x128xf32>
    %get3A_461 = arith.constant 5 : index
    %get3A_462 = arith.constant 768 : index
    %get3A_463 = vector.load %arg2[%get3A_461, %get3A_462] : memref<8x8192xf32, #tpu.memory_space<vmem>>, vector<1x128xf32>
    %get3A_464 = vector.shape_cast %get3A_463 : vector<1x128xf32> to vector<128xf32>
    %broadcast_in_dim3A_465 = vector.shape_cast %get3A_464 : vector<128xf32> to vector<1x128xf32>
    %mul3A_466 = vector.broadcast %broadcast_in_dim3A_465 : vector<1x128xf32> to vector<256x128xf32>
    %mul3A_467 = arith.mulf %concatenate3A_21, %mul3A_466 : vector<256x128xf32>
    %add3A_468 = arith.addf %add3A_460, %mul3A_467 : vector<256x128xf32>
    %get3A_469 = arith.constant 6 : index
    %get3A_470 = arith.constant 768 : index
    %get3A_471 = vector.load %arg2[%get3A_469, %get3A_470] : memref<8x8192xf32, #tpu.memory_space<vmem>>, vector<1x128xf32>
    %get3A_472 = vector.shape_cast %get3A_471 : vector<1x128xf32> to vector<128xf32>
    %broadcast_in_dim3A_473 = vector.shape_cast %get3A_472 : vector<128xf32> to vector<1x128xf32>
    %mul3A_474 = vector.broadcast %broadcast_in_dim3A_473 : vector<1x128xf32> to vector<256x128xf32>
    %mul3A_475 = arith.mulf %concatenate3A_25, %mul3A_474 : vector<256x128xf32>
    %add3A_476 = arith.addf %add3A_468, %mul3A_475 : vector<256x128xf32>
    %get3A_477 = arith.constant 7 : index
    %get3A_478 = arith.constant 768 : index
    %get3A_479 = vector.load %arg2[%get3A_477, %get3A_478] : memref<8x8192xf32, #tpu.memory_space<vmem>>, vector<1x128xf32>
    %get3A_480 = vector.shape_cast %get3A_479 : vector<1x128xf32> to vector<128xf32>
    %broadcast_in_dim3A_481 = vector.shape_cast %get3A_480 : vector<128xf32> to vector<1x128xf32>
    %mul3A_482 = vector.broadcast %broadcast_in_dim3A_481 : vector<1x128xf32> to vector<256x128xf32>
    %mul3A_483 = arith.mulf %concatenate3A_29, %mul3A_482 : vector<256x128xf32>
    %add3A_484 = arith.addf %add3A_476, %mul3A_483 : vector<256x128xf32>
    %swap3A_485 = arith.constant 0 : index
    %swap3A_486 = arith.constant 768 : index
    %swap3A_487 = vector.load %arg3[%swap3A_485, %swap3A_486] : memref<256x8192xf32, #tpu.memory_space<vmem>>, vector<256x128xf32>
    tpu.vector_store %arg3[%swap3A_485, %swap3A_486], %add3A_484 {strides = array<i32>} : memref<256x8192xf32, #tpu.memory_space<vmem>>, vector<256x128xf32>,
    %get3A_488 = arith.constant 0 : index
    %get3A_489 = arith.constant 896 : index
    %get3A_490 = vector.load %arg2[%get3A_488, %get3A_489] : memref<8x8192xf32, #tpu.memory_space<vmem>>, vector<1x128xf32>
    %get3A_491 = vector.shape_cast %get3A_490 : vector<1x128xf32> to vector<128xf32>
    %broadcast_in_dim3A_492 = vector.shape_cast %get3A_491 : vector<128xf32> to vector<1x128xf32>
    %mul3A_493 = vector.broadcast %broadcast_in_dim3A_492 : vector<1x128xf32> to vector<256x128xf32>
    %mul3A_494 = arith.mulf %concatenate3A, %mul3A_493 : vector<256x128xf32>
    %get3A_495 = arith.constant 1 : index
    %get3A_496 = arith.constant 896 : index
    %get3A_497 = vector.load %arg2[%get3A_495, %get3A_496] : memref<8x8192xf32, #tpu.memory_space<vmem>>, vector<1x128xf32>
    %get3A_498 = vector.shape_cast %get3A_497 : vector<1x128xf32> to vector<128xf32>
    %broadcast_in_dim3A_499 = vector.shape_cast %get3A_498 : vector<128xf32> to vector<1x128xf32>
    %mul3A_500 = vector.broadcast %broadcast_in_dim3A_499 : vector<1x128xf32> to vector<256x128xf32>
    %mul3A_501 = arith.mulf %concatenate3A_5, %mul3A_500 : vector<256x128xf32>
    %add3A_502 = arith.addf %mul3A_494, %mul3A_501 : vector<256x128xf32>
    %get3A_503 = arith.constant 2 : index
    %get3A_504 = arith.constant 896 : index
    %get3A_505 = vector.load %arg2[%get3A_503, %get3A_504] : memref<8x8192xf32, #tpu.memory_space<vmem>>, vector<1x128xf32>
    %get3A_506 = vector.shape_cast %get3A_505 : vector<1x128xf32> to vector<128xf32>
    %broadcast_in_dim3A_507 = vector.shape_cast %get3A_506 : vector<128xf32> to vector<1x128xf32>
    %mul3A_508 = vector.broadcast %broadcast_in_dim3A_507 : vector<1x128xf32> to vector<256x128xf32>
    %mul3A_509 = arith.mulf %concatenate3A_9, %mul3A_508 : vector<256x128xf32>
    %add3A_510 = arith.addf %add3A_502, %mul3A_509 : vector<256x128xf32>
    %get3A_511 = arith.constant 3 : index
    %get3A_512 = arith.constant 896 : index
    %get3A_513 = vector.load %arg2[%get3A_511, %get3A_512] : memref<8x8192xf32, #tpu.memory_space<vmem>>, vector<1x128xf32>
    %get3A_514 = vector.shape_cast %get3A_513 : vector<1x128xf32> to vector<128xf32>
    %broadcast_in_dim3A_515 = vector.shape_cast %get3A_514 : vector<128xf32> to vector<1x128xf32>
    %mul3A_516 = vector.broadcast %broadcast_in_dim3A_515 : vector<1x128xf32> to vector<256x128xf32>
    %mul3A_517 = arith.mulf %concatenate3A_13, %mul3A_516 : vector<256x128xf32>
    %add3A_518 = arith.addf %add3A_510, %mul3A_517 : vector<256x128xf32>
    %get3A_519 = arith.constant 4 : index
    %get3A_520 = arith.constant 896 : index
    %get3A_521 = vector.load %arg2[%get3A_519, %get3A_520] : memref<8x8192xf32, #tpu.memory_space<vmem>>, vector<1x128xf32>
    %get3A_522 = vector.shape_cast %get3A_521 : vector<1x128xf32> to vector<128xf32>
    %broadcast_in_dim3A_523 = vector.shape_cast %get3A_522 : vector<128xf32> to vector<1x128xf32>
    %mul3A_524 = vector.broadcast %broadcast_in_dim3A_523 : vector<1x128xf32> to vector<256x128xf32>
    %mul3A_525 = arith.mulf %concatenate3A_17, %mul3A_524 : vector<256x128xf32>
    %add3A_526 = arith.addf %add3A_518, %mul3A_525 : vector<256x128xf32>
    %get3A_527 = arith.constant 5 : index
    %get3A_528 = arith.constant 896 : index
    %get3A_529 = vector.load %arg2[%get3A_527, %get3A_528] : memref<8x8192xf32, #tpu.memory_space<vmem>>, vector<1x128xf32>
    %get3A_530 = vector.shape_cast %get3A_529 : vector<1x128xf32> to vector<128xf32>
    %broadcast_in_dim3A_531 = vector.shape_cast %get3A_530 : vector<128xf32> to vector<1x128xf32>
    %mul3A_532 = vector.broadcast %broadcast_in_dim3A_531 : vector<1x128xf32> to vector<256x128xf32>
    %mul3A_533 = arith.mulf %concatenate3A_21, %mul3A_532 : vector<256x128xf32>
    %add3A_534 = arith.addf %add3A_526, %mul3A_533 : vector<256x128xf32>
    %get3A_535 = arith.constant 6 : index
    %get3A_536 = arith.constant 896 : index
    %get3A_537 = vector.load %arg2[%get3A_535, %get3A_536] : memref<8x8192xf32, #tpu.memory_space<vmem>>, vector<1x128xf32>
    %get3A_538 = vector.shape_cast %get3A_537 : vector<1x128xf32> to vector<128xf32>
    %broadcast_in_dim3A_539 = vector.shape_cast %get3A_538 : vector<128xf32> to vector<1x128xf32>
    %mul3A_540 = vector.broadcast %broadcast_in_dim3A_539 : vector<1x128xf32> to vector<256x128xf32>
    %mul3A_541 = arith.mulf %concatenate3A_25, %mul3A_540 : vector<256x128xf32>
    %add3A_542 = arith.addf %add3A_534, %mul3A_541 : vector<256x128xf32>
    %get3A_543 = arith.constant 7 : index
    %get3A_544 = arith.constant 896 : index
    %get3A_545 = vector.load %arg2[%get3A_543, %get3A_544] : memref<8x8192xf32, #tpu.memory_space<vmem>>, vector<1x128xf32>
    %get3A_546 = vector.shape_cast %get3A_545 : vector<1x128xf32> to vector<128xf32>
    %broadcast_in_dim3A_547 = vector.shape_cast %get3A_546 : vector<128xf32> to vector<1x128xf32>
    %mul3A_548 = vector.broadcast %broadcast_in_dim3A_547 : vector<1x128xf32> to vector<256x128xf32>
    %mul3A_549 = arith.mulf %concatenate3A_29, %mul3A_548 : vector<256x128xf32>
    %add3A_550 = arith.addf %add3A_542, %mul3A_549 : vector<256x128xf32>
    %swap3A_551 = arith.constant 0 : index
    %swap3A_552 = arith.constant 896 : index
    %swap3A_553 = vector.load %arg3[%swap3A_551, %swap3A_552] : memref<256x8192xf32, #tpu.memory_space<vmem>>, vector<256x128xf32>
    tpu.vector_store %arg3[%swap3A_551, %swap3A_552], %add3A_550 {strides = array<i32>} : memref<256x8192xf32, #tpu.memory_space<vmem>>, vector<256x128xf32>,
    %get3A_554 = arith.constant 0 : index
    %get3A_555 = arith.constant 1024 : index
    %get3A_556 = vector.load %arg2[%get3A_554, %get3A_555] : memref<8x8192xf32, #tpu.memory_space<vmem>>, vector<1x128xf32>
    %get3A_557 = vector.shape_cast %get3A_556 : vector<1x128xf32> to vector<128xf32>
    %broadcast_in_dim3A_558 = vector.shape_cast %get3A_557 : vector<128xf32> to vector<1x128xf32>
    %mul3A_559 = vector.broadcast %broadcast_in_dim3A_558 : vector<1x128xf32> to vector<256x128xf32>
    %mul3A_560 = arith.mulf %concatenate3A, %mul3A_559 : vector<256x128xf32>
    %get3A_561 = arith.constant 1 : index
    %get3A_562 = arith.constant 1024 : index
    %get3A_563 = vector.load %arg2[%get3A_561, %get3A_562] : memref<8x8192xf32, #tpu.memory_space<vmem>>, vector<1x128xf32>
    %get3A_564 = vector.shape_cast %get3A_563 : vector<1x128xf32> to vector<128xf32>
    %broadcast_in_dim3A_565 = vector.shape_cast %get3A_564 : vector<128xf32> to vector<1x128xf32>
    %mul3A_566 = vector.broadcast %broadcast_in_dim3A_565 : vector<1x128xf32> to vector<256x128xf32>
    %mul3A_567 = arith.mulf %concatenate3A_5, %mul3A_566 : vector<256x128xf32>
    %add3A_568 = arith.addf %mul3A_560, %mul3A_567 : vector<256x128xf32>
    %get3A_569 = arith.constant 2 : index
    %get3A_570 = arith.constant 1024 : index
    %get3A_571 = vector.load %arg2[%get3A_569, %get3A_570] : memref<8x8192xf32, #tpu.memory_space<vmem>>, vector<1x128xf32>
    %get3A_572 = vector.shape_cast %get3A_571 : vector<1x128xf32> to vector<128xf32>
    %broadcast_in_dim3A_573 = vector.shape_cast %get3A_572 : vector<128xf32> to vector<1x128xf32>
    %mul3A_574 = vector.broadcast %broadcast_in_dim3A_573 : vector<1x128xf32> to vector<256x128xf32>
    %mul3A_575 = arith.mulf %concatenate3A_9, %mul3A_574 : vector<256x128xf32>
    %add3A_576 = arith.addf %add3A_568, %mul3A_575 : vector<256x128xf32>
    %get3A_577 = arith.constant 3 : index
    %get3A_578 = arith.constant 1024 : index
    %get3A_579 = vector.load %arg2[%get3A_577, %get3A_578] : memref<8x8192xf32, #tpu.memory_space<vmem>>, vector<1x128xf32>
    %get3A_580 = vector.shape_cast %get3A_579 : vector<1x128xf32> to vector<128xf32>
    %broadcast_in_dim3A_581 = vector.shape_cast %get3A_580 : vector<128xf32> to vector<1x128xf32>
    %mul3A_582 = vector.broadcast %broadcast_in_dim3A_581 : vector<1x128xf32> to vector<256x128xf32>
    %mul3A_583 = arith.mulf %concatenate3A_13, %mul3A_582 : vector<256x128xf32>
    %add3A_584 = arith.addf %add3A_576, %mul3A_583 : vector<256x128xf32>
    %get3A_585 = arith.constant 4 : index
    %get3A_586 = arith.constant 1024 : index
    %get3A_587 = vector.load %arg2[%get3A_585, %get3A_586] : memref<8x8192xf32, #tpu.memory_space<vmem>>, vector<1x128xf32>
    %get3A_588 = vector.shape_cast %get3A_587 : vector<1x128xf32> to vector<128xf32>
    %broadcast_in_dim3A_589 = vector.shape_cast %get3A_588 : vector<128xf32> to vector<1x128xf32>
    %mul3A_590 = vector.broadcast %broadcast_in_dim3A_589 : vector<1x128xf32> to vector<256x128xf32>
    %mul3A_591 = arith.mulf %concatenate3A_17, %mul3A_590 : vector<256x128xf32>
    %add3A_592 = arith.addf %add3A_584, %mul3A_591 : vector<256x128xf32>
    %get3A_593 = arith.constant 5 : index
    %get3A_594 = arith.constant 1024 : index
    %get3A_595 = vector.load %arg2[%get3A_593, %get3A_594] : memref<8x8192xf32, #tpu.memory_space<vmem>>, vector<1x128xf32>
    %get3A_596 = vector.shape_cast %get3A_595 : vector<1x128xf32> to vector<128xf32>
    %broadcast_in_dim3A_597 = vector.shape_cast %get3A_596 : vector<128xf32> to vector<1x128xf32>
    %mul3A_598 = vector.broadcast %broadcast_in_dim3A_597 : vector<1x128xf32> to vector<256x128xf32>
    %mul3A_599 = arith.mulf %concatenate3A_21, %mul3A_598 : vector<256x128xf32>
    %add3A_600 = arith.addf %add3A_592, %mul3A_599 : vector<256x128xf32>
    %get3A_601 = arith.constant 6 : index
    %get3A_602 = arith.constant 1024 : index
    %get3A_603 = vector.load %arg2[%get3A_601, %get3A_602] : memref<8x8192xf32, #tpu.memory_space<vmem>>, vector<1x128xf32>
    %get3A_604 = vector.shape_cast %get3A_603 : vector<1x128xf32> to vector<128xf32>
    %broadcast_in_dim3A_605 = vector.shape_cast %get3A_604 : vector<128xf32> to vector<1x128xf32>
    %mul3A_606 = vector.broadcast %broadcast_in_dim3A_605 : vector<1x128xf32> to vector<256x128xf32>
    %mul3A_607 = arith.mulf %concatenate3A_25, %mul3A_606 : vector<256x128xf32>
    %add3A_608 = arith.addf %add3A_600, %mul3A_607 : vector<256x128xf32>
    %get3A_609 = arith.constant 7 : index
    %get3A_610 = arith.constant 1024 : index
    %get3A_611 = vector.load %arg2[%get3A_609, %get3A_610] : memref<8x8192xf32, #tpu.memory_space<vmem>>, vector<1x128xf32>
    %get3A_612 = vector.shape_cast %get3A_611 : vector<1x128xf32> to vector<128xf32>
    %broadcast_in_dim3A_613 = vector.shape_cast %get3A_612 : vector<128xf32> to vector<1x128xf32>
    %mul3A_614 = vector.broadcast %broadcast_in_dim3A_613 : vector<1x128xf32> to vector<256x128xf32>
    %mul3A_615 = arith.mulf %concatenate3A_29, %mul3A_614 : vector<256x128xf32>
    %add3A_616 = arith.addf %add3A_608, %mul3A_615 : vector<256x128xf32>
    %swap3A_617 = arith.constant 0 : index
    %swap3A_618 = arith.constant 1024 : index
    %swap3A_619 = vector.load %arg3[%swap3A_617, %swap3A_618] : memref<256x8192xf32, #tpu.memory_space<vmem>>, vector<256x128xf32>
    tpu.vector_store %arg3[%swap3A_617, %swap3A_618], %add3A_616 {strides = array<i32>} : memref<256x8192xf32, #tpu.memory_space<vmem>>, vector<256x128xf32>,
    %get3A_620 = arith.constant 0 : index
    %get3A_621 = arith.constant 1152 : index
    %get3A_622 = vector.load %arg2[%get3A_620, %get3A_621] : memref<8x8192xf32, #tpu.memory_space<vmem>>, vector<1x128xf32>
    %get3A_623 = vector.shape_cast %get3A_622 : vector<1x128xf32> to vector<128xf32>
    %broadcast_in_dim3A_624 = vector.shape_cast %get3A_623 : vector<128xf32> to vector<1x128xf32>
    %mul3A_625 = vector.broadcast %broadcast_in_dim3A_624 : vector<1x128xf32> to vector<256x128xf32>
    %mul3A_626 = arith.mulf %concatenate3A, %mul3A_625 : vector<256x128xf32>
    %get3A_627 = arith.constant 1 : index
    %get3A_628 = arith.constant 1152 : index
    %get3A_629 = vector.load %arg2[%get3A_627, %get3A_628] : memref<8x8192xf32, #tpu.memory_space<vmem>>, vector<1x128xf32>
    %get3A_630 = vector.shape_cast %get3A_629 : vector<1x128xf32> to vector<128xf32>
    %broadcast_in_dim3A_631 = vector.shape_cast %get3A_630 : vector<128xf32> to vector<1x128xf32>
    %mul3A_632 = vector.broadcast %broadcast_in_dim3A_631 : vector<1x128xf32> to vector<256x128xf32>
    %mul3A_633 = arith.mulf %concatenate3A_5, %mul3A_632 : vector<256x128xf32>
    %add3A_634 = arith.addf %mul3A_626, %mul3A_633 : vector<256x128xf32>
    %get3A_635 = arith.constant 2 : index
    %get3A_636 = arith.constant 1152 : index
    %get3A_637 = vector.load %arg2[%get3A_635, %get3A_636] : memref<8x8192xf32, #tpu.memory_space<vmem>>, vector<1x128xf32>
    %get3A_638 = vector.shape_cast %get3A_637 : vector<1x128xf32> to vector<128xf32>
    %broadcast_in_dim3A_639 = vector.shape_cast %get3A_638 : vector<128xf32> to vector<1x128xf32>
    %mul3A_640 = vector.broadcast %broadcast_in_dim3A_639 : vector<1x128xf32> to vector<256x128xf32>
    %mul3A_641 = arith.mulf %concatenate3A_9, %mul3A_640 : vector<256x128xf32>
    %add3A_642 = arith.addf %add3A_634, %mul3A_641 : vector<256x128xf32>
    %get3A_643 = arith.constant 3 : index
    %get3A_644 = arith.constant 1152 : index
    %get3A_645 = vector.load %arg2[%get3A_643, %get3A_644] : memref<8x8192xf32, #tpu.memory_space<vmem>>, vector<1x128xf32>
    %get3A_646 = vector.shape_cast %get3A_645 : vector<1x128xf32> to vector<128xf32>
    %broadcast_in_dim3A_647 = vector.shape_cast %get3A_646 : vector<128xf32> to vector<1x128xf32>
    %mul3A_648 = vector.broadcast %broadcast_in_dim3A_647 : vector<1x128xf32> to vector<256x128xf32>
    %mul3A_649 = arith.mulf %concatenate3A_13, %mul3A_648 : vector<256x128xf32>
    %add3A_650 = arith.addf %add3A_642, %mul3A_649 : vector<256x128xf32>
    %get3A_651 = arith.constant 4 : index
    %get3A_652 = arith.constant 1152 : index
    %get3A_653 = vector.load %arg2[%get3A_651, %get3A_652] : memref<8x8192xf32, #tpu.memory_space<vmem>>, vector<1x128xf32>
    %get3A_654 = vector.shape_cast %get3A_653 : vector<1x128xf32> to vector<128xf32>
    %broadcast_in_dim3A_655 = vector.shape_cast %get3A_654 : vector<128xf32> to vector<1x128xf32>
    %mul3A_656 = vector.broadcast %broadcast_in_dim3A_655 : vector<1x128xf32> to vector<256x128xf32>
    %mul3A_657 = arith.mulf %concatenate3A_17, %mul3A_656 : vector<256x128xf32>
    %add3A_658 = arith.addf %add3A_650, %mul3A_657 : vector<256x128xf32>
    %get3A_659 = arith.constant 5 : index
    %get3A_660 = arith.constant 1152 : index
    %get3A_661 = vector.load %arg2[%get3A_659, %get3A_660] : memref<8x8192xf32, #tpu.memory_space<vmem>>, vector<1x128xf32>
    %get3A_662 = vector.shape_cast %get3A_661 : vector<1x128xf32> to vector<128xf32>
    %broadcast_in_dim3A_663 = vector.shape_cast %get3A_662 : vector<128xf32> to vector<1x128xf32>
    %mul3A_664 = vector.broadcast %broadcast_in_dim3A_663 : vector<1x128xf32> to vector<256x128xf32>
    %mul3A_665 = arith.mulf %concatenate3A_21, %mul3A_664 : vector<256x128xf32>
    %add3A_666 = arith.addf %add3A_658, %mul3A_665 : vector<256x128xf32>
    %get3A_667 = arith.constant 6 : index
    %get3A_668 = arith.constant 1152 : index
    %get3A_669 = vector.load %arg2[%get3A_667, %get3A_668] : memref<8x8192xf32, #tpu.memory_space<vmem>>, vector<1x128xf32>
    %get3A_670 = vector.shape_cast %get3A_669 : vector<1x128xf32> to vector<128xf32>
    %broadcast_in_dim3A_671 = vector.shape_cast %get3A_670 : vector<128xf32> to vector<1x128xf32>
    %mul3A_672 = vector.broadcast %broadcast_in_dim3A_671 : vector<1x128xf32> to vector<256x128xf32>
    %mul3A_673 = arith.mulf %concatenate3A_25, %mul3A_672 : vector<256x128xf32>
    %add3A_674 = arith.addf %add3A_666, %mul3A_673 : vector<256x128xf32>
    %get3A_675 = arith.constant 7 : index
    %get3A_676 = arith.constant 1152 : index
    %get3A_677 = vector.load %arg2[%get3A_675, %get3A_676] : memref<8x8192xf32, #tpu.memory_space<vmem>>, vector<1x128xf32>
    %get3A_678 = vector.shape_cast %get3A_677 : vector<1x128xf32> to vector<128xf32>
    %broadcast_in_dim3A_679 = vector.shape_cast %get3A_678 : vector<128xf32> to vector<1x128xf32>
    %mul3A_680 = vector.broadcast %broadcast_in_dim3A_679 : vector<1x128xf32> to vector<256x128xf32>
    %mul3A_681 = arith.mulf %concatenate3A_29, %mul3A_680 : vector<256x128xf32>
    %add3A_682 = arith.addf %add3A_674, %mul3A_681 : vector<256x128xf32>
    %swap3A_683 = arith.constant 0 : index
    %swap3A_684 = arith.constant 1152 : index
    %swap3A_685 = vector.load %arg3[%swap3A_683, %swap3A_684] : memref<256x8192xf32, #tpu.memory_space<vmem>>, vector<256x128xf32>
    tpu.vector_store %arg3[%swap3A_683, %swap3A_684], %add3A_682 {strides = array<i32>} : memref<256x8192xf32, #tpu.memory_space<vmem>>, vector<256x128xf32>,
    %get3A_686 = arith.constant 0 : index
    %get3A_687 = arith.constant 1280 : index
    %get3A_688 = vector.load %arg2[%get3A_686, %get3A_687] : memref<8x8192xf32, #tpu.memory_space<vmem>>, vector<1x128xf32>
    %get3A_689 = vector.shape_cast %get3A_688 : vector<1x128xf32> to vector<128xf32>
    %broadcast_in_dim3A_690 = vector.shape_cast %get3A_689 : vector<128xf32> to vector<1x128xf32>
    %mul3A_691 = vector.broadcast %broadcast_in_dim3A_690 : vector<1x128xf32> to vector<256x128xf32>
    %mul3A_692 = arith.mulf %concatenate3A, %mul3A_691 : vector<256x128xf32>
    %get3A_693 = arith.constant 1 : index
    %get3A_694 = arith.constant 1280 : index
    %get3A_695 = vector.load %arg2[%get3A_693, %get3A_694] : memref<8x8192xf32, #tpu.memory_space<vmem>>, vector<1x128xf32>
    %get3A_696 = vector.shape_cast %get3A_695 : vector<1x128xf32> to vector<128xf32>
    %broadcast_in_dim3A_697 = vector.shape_cast %get3A_696 : vector<128xf32> to vector<1x128xf32>
    %mul3A_698 = vector.broadcast %broadcast_in_dim3A_697 : vector<1x128xf32> to vector<256x128xf32>
    %mul3A_699 = arith.mulf %concatenate3A_5, %mul3A_698 : vector<256x128xf32>
    %add3A_700 = arith.addf %mul3A_692, %mul3A_699 : vector<256x128xf32>
    %get3A_701 = arith.constant 2 : index
    %get3A_702 = arith.constant 1280 : index
    %get3A_703 = vector.load %arg2[%get3A_701, %get3A_702] : memref<8x8192xf32, #tpu.memory_space<vmem>>, vector<1x128xf32>
    %get3A_704 = vector.shape_cast %get3A_703 : vector<1x128xf32> to vector<128xf32>
    %broadcast_in_dim3A_705 = vector.shape_cast %get3A_704 : vector<128xf32> to vector<1x128xf32>
    %mul3A_706 = vector.broadcast %broadcast_in_dim3A_705 : vector<1x128xf32> to vector<256x128xf32>
    %mul3A_707 = arith.mulf %concatenate3A_9, %mul3A_706 : vector<256x128xf32>
    %add3A_708 = arith.addf %add3A_700, %mul3A_707 : vector<256x128xf32>
    %get3A_709 = arith.constant 3 : index
    %get3A_710 = arith.constant 1280 : index
    %get3A_711 = vector.load %arg2[%get3A_709, %get3A_710] : memref<8x8192xf32, #tpu.memory_space<vmem>>, vector<1x128xf32>
    %get3A_712 = vector.shape_cast %get3A_711 : vector<1x128xf32> to vector<128xf32>
    %broadcast_in_dim3A_713 = vector.shape_cast %get3A_712 : vector<128xf32> to vector<1x128xf32>
    %mul3A_714 = vector.broadcast %broadcast_in_dim3A_713 : vector<1x128xf32> to vector<256x128xf32>
    %mul3A_715 = arith.mulf %concatenate3A_13, %mul3A_714 : vector<256x128xf32>
    %add3A_716 = arith.addf %add3A_708, %mul3A_715 : vector<256x128xf32>
    %get3A_717 = arith.constant 4 : index
    %get3A_718 = arith.constant 1280 : index
    %get3A_719 = vector.load %arg2[%get3A_717, %get3A_718] : memref<8x8192xf32, #tpu.memory_space<vmem>>, vector<1x128xf32>
    %get3A_720 = vector.shape_cast %get3A_719 : vector<1x128xf32> to vector<128xf32>
    %broadcast_in_dim3A_721 = vector.shape_cast %get3A_720 : vector<128xf32> to vector<1x128xf32>
    %mul3A_722 = vector.broadcast %broadcast_in_dim3A_721 : vector<1x128xf32> to vector<256x128xf32>
    %mul3A_723 = arith.mulf %concatenate3A_17, %mul3A_722 : vector<256x128xf32>
    %add3A_724 = arith.addf %add3A_716, %mul3A_723 : vector<256x128xf32>
    %get3A_725 = arith.constant 5 : index
    %get3A_726 = arith.constant 1280 : index
    %get3A_727 = vector.load %arg2[%get3A_725, %get3A_726] : memref<8x8192xf32, #tpu.memory_space<vmem>>, vector<1x128xf32>
    %get3A_728 = vector.shape_cast %get3A_727 : vector<1x128xf32> to vector<128xf32>
    %broadcast_in_dim3A_729 = vector.shape_cast %get3A_728 : vector<128xf32> to vector<1x128xf32>
    %mul3A_730 = vector.broadcast %broadcast_in_dim3A_729 : vector<1x128xf32> to vector<256x128xf32>
    %mul3A_731 = arith.mulf %concatenate3A_21, %mul3A_730 : vector<256x128xf32>
    %add3A_732 = arith.addf %add3A_724, %mul3A_731 : vector<256x128xf32>
    %get3A_733 = arith.constant 6 : index
    %get3A_734 = arith.constant 1280 : index
    %get3A_735 = vector.load %arg2[%get3A_733, %get3A_734] : memref<8x8192xf32, #tpu.memory_space<vmem>>, vector<1x128xf32>
    %get3A_736 = vector.shape_cast %get3A_735 : vector<1x128xf32> to vector<128xf32>
    %broadcast_in_dim3A_737 = vector.shape_cast %get3A_736 : vector<128xf32> to vector<1x128xf32>
    %mul3A_738 = vector.broadcast %broadcast_in_dim3A_737 : vector<1x128xf32> to vector<256x128xf32>
    %mul3A_739 = arith.mulf %concatenate3A_25, %mul3A_738 : vector<256x128xf32>
    %add3A_740 = arith.addf %add3A_732, %mul3A_739 : vector<256x128xf32>
    %get3A_741 = arith.constant 7 : index
    %get3A_742 = arith.constant 1280 : index
    %get3A_743 = vector.load %arg2[%get3A_741, %get3A_742] : memref<8x8192xf32, #tpu.memory_space<vmem>>, vector<1x128xf32>
    %get3A_744 = vector.shape_cast %get3A_743 : vector<1x128xf32> to vector<128xf32>
    %broadcast_in_dim3A_745 = vector.shape_cast %get3A_744 : vector<128xf32> to vector<1x128xf32>
    %mul3A_746 = vector.broadcast %broadcast_in_dim3A_745 : vector<1x128xf32> to vector<256x128xf32>
    %mul3A_747 = arith.mulf %concatenate3A_29, %mul3A_746 : vector<256x128xf32>
    %add3A_748 = arith.addf %add3A_740, %mul3A_747 : vector<256x128xf32>
    %swap3A_749 = arith.constant 0 : index
    %swap3A_750 = arith.constant 1280 : index
    %swap3A_751 = vector.load %arg3[%swap3A_749, %swap3A_750] : memref<256x8192xf32, #tpu.memory_space<vmem>>, vector<256x128xf32>
    tpu.vector_store %arg3[%swap3A_749, %swap3A_750], %add3A_748 {strides = array<i32>} : memref<256x8192xf32, #tpu.memory_space<vmem>>, vector<256x128xf32>,
    %get3A_752 = arith.constant 0 : index
    %get3A_753 = arith.constant 1408 : index
    %get3A_754 = vector.load %arg2[%get3A_752, %get3A_753] : memref<8x8192xf32, #tpu.memory_space<vmem>>, vector<1x128xf32>
    %get3A_755 = vector.shape_cast %get3A_754 : vector<1x128xf32> to vector<128xf32>
    %broadcast_in_dim3A_756 = vector.shape_cast %get3A_755 : vector<128xf32> to vector<1x128xf32>
    %mul3A_757 = vector.broadcast %broadcast_in_dim3A_756 : vector<1x128xf32> to vector<256x128xf32>
    %mul3A_758 = arith.mulf %concatenate3A, %mul3A_757 : vector<256x128xf32>
    %get3A_759 = arith.constant 1 : index
    %get3A_760 = arith.constant 1408 : index
    %get3A_761 = vector.load %arg2[%get3A_759, %get3A_760] : memref<8x8192xf32, #tpu.memory_space<vmem>>, vector<1x128xf32>
    %get3A_762 = vector.shape_cast %get3A_761 : vector<1x128xf32> to vector<128xf32>
    %broadcast_in_dim3A_763 = vector.shape_cast %get3A_762 : vector<128xf32> to vector<1x128xf32>
    %mul3A_764 = vector.broadcast %broadcast_in_dim3A_763 : vector<1x128xf32> to vector<256x128xf32>
    %mul3A_765 = arith.mulf %concatenate3A_5, %mul3A_764 : vector<256x128xf32>
    %add3A_766 = arith.addf %mul3A_758, %mul3A_765 : vector<256x128xf32>
    %get3A_767 = arith.constant 2 : index
    %get3A_768 = arith.constant 1408 : index
    %get3A_769 = vector.load %arg2[%get3A_767, %get3A_768] : memref<8x8192xf32, #tpu.memory_space<vmem>>, vector<1x128xf32>
    %get3A_770 = vector.shape_cast %get3A_769 : vector<1x128xf32> to vector<128xf32>
    %broadcast_in_dim3A_771 = vector.shape_cast %get3A_770 : vector<128xf32> to vector<1x128xf32>
    %mul3A_772 = vector.broadcast %broadcast_in_dim3A_771 : vector<1x128xf32> to vector<256x128xf32>
    %mul3A_773 = arith.mulf %concatenate3A_9, %mul3A_772 : vector<256x128xf32>
    %add3A_774 = arith.addf %add3A_766, %mul3A_773 : vector<256x128xf32>
    %get3A_775 = arith.constant 3 : index
    %get3A_776 = arith.constant 1408 : index
    %get3A_777 = vector.load %arg2[%get3A_775, %get3A_776] : memref<8x8192xf32, #tpu.memory_space<vmem>>, vector<1x128xf32>
    %get3A_778 = vector.shape_cast %get3A_777 : vector<1x128xf32> to vector<128xf32>
    %broadcast_in_dim3A_779 = vector.shape_cast %get3A_778 : vector<128xf32> to vector<1x128xf32>
    %mul3A_780 = vector.broadcast %broadcast_in_dim3A_779 : vector<1x128xf32> to vector<256x128xf32>
    %mul3A_781 = arith.mulf %concatenate3A_13, %mul3A_780 : vector<256x128xf32>
    %add3A_782 = arith.addf %add3A_774, %mul3A_781 : vector<256x128xf32>
    %get3A_783 = arith.constant 4 : index
    %get3A_784 = arith.constant 1408 : index
    %get3A_785 = vector.load %arg2[%get3A_783, %get3A_784] : memref<8x8192xf32, #tpu.memory_space<vmem>>, vector<1x128xf32>
    %get3A_786 = vector.shape_cast %get3A_785 : vector<1x128xf32> to vector<128xf32>
    %broadcast_in_dim3A_787 = vector.shape_cast %get3A_786 : vector<128xf32> to vector<1x128xf32>
    %mul3A_788 = vector.broadcast %broadcast_in_dim3A_787 : vector<1x128xf32> to vector<256x128xf32>
    %mul3A_789 = arith.mulf %concatenate3A_17, %mul3A_788 : vector<256x128xf32>
    %add3A_790 = arith.addf %add3A_782, %mul3A_789 : vector<256x128xf32>
    %get3A_791 = arith.constant 5 : index
    %get3A_792 = arith.constant 1408 : index
    %get3A_793 = vector.load %arg2[%get3A_791, %get3A_792] : memref<8x8192xf32, #tpu.memory_space<vmem>>, vector<1x128xf32>
    %get3A_794 = vector.shape_cast %get3A_793 : vector<1x128xf32> to vector<128xf32>
    %broadcast_in_dim3A_795 = vector.shape_cast %get3A_794 : vector<128xf32> to vector<1x128xf32>
    %mul3A_796 = vector.broadcast %broadcast_in_dim3A_795 : vector<1x128xf32> to vector<256x128xf32>
    %mul3A_797 = arith.mulf %concatenate3A_21, %mul3A_796 : vector<256x128xf32>
    %add3A_798 = arith.addf %add3A_790, %mul3A_797 : vector<256x128xf32>
    %get3A_799 = arith.constant 6 : index
    %get3A_800 = arith.constant 1408 : index
    %get3A_801 = vector.load %arg2[%get3A_799, %get3A_800] : memref<8x8192xf32, #tpu.memory_space<vmem>>, vector<1x128xf32>
    %get3A_802 = vector.shape_cast %get3A_801 : vector<1x128xf32> to vector<128xf32>
    %broadcast_in_dim3A_803 = vector.shape_cast %get3A_802 : vector<128xf32> to vector<1x128xf32>
    %mul3A_804 = vector.broadcast %broadcast_in_dim3A_803 : vector<1x128xf32> to vector<256x128xf32>
    %mul3A_805 = arith.mulf %concatenate3A_25, %mul3A_804 : vector<256x128xf32>
    %add3A_806 = arith.addf %add3A_798, %mul3A_805 : vector<256x128xf32>
    %get3A_807 = arith.constant 7 : index
    %get3A_808 = arith.constant 1408 : index
    %get3A_809 = vector.load %arg2[%get3A_807, %get3A_808] : memref<8x8192xf32, #tpu.memory_space<vmem>>, vector<1x128xf32>
    %get3A_810 = vector.shape_cast %get3A_809 : vector<1x128xf32> to vector<128xf32>
    %broadcast_in_dim3A_811 = vector.shape_cast %get3A_810 : vector<128xf32> to vector<1x128xf32>
    %mul3A_812 = vector.broadcast %broadcast_in_dim3A_811 : vector<1x128xf32> to vector<256x128xf32>
    %mul3A_813 = arith.mulf %concatenate3A_29, %mul3A_812 : vector<256x128xf32>
    %add3A_814 = arith.addf %add3A_806, %mul3A_813 : vector<256x128xf32>
    %swap3A_815 = arith.constant 0 : index
    %swap3A_816 = arith.constant 1408 : index
    %swap3A_817 = vector.load %arg3[%swap3A_815, %swap3A_816] : memref<256x8192xf32, #tpu.memory_space<vmem>>, vector<256x128xf32>
    tpu.vector_store %arg3[%swap3A_815, %swap3A_816], %add3A_814 {strides = array<i32>} : memref<256x8192xf32, #tpu.memory_space<vmem>>, vector<256x128xf32>,
    %get3A_818 = arith.constant 0 : index
    %get3A_819 = arith.constant 1536 : index
    %get3A_820 = vector.load %arg2[%get3A_818, %get3A_819] : memref<8x8192xf32, #tpu.memory_space<vmem>>, vector<1x128xf32>
    %get3A_821 = vector.shape_cast %get3A_820 : vector<1x128xf32> to vector<128xf32>
    %broadcast_in_dim3A_822 = vector.shape_cast %get3A_821 : vector<128xf32> to vector<1x128xf32>
    %mul3A_823 = vector.broadcast %broadcast_in_dim3A_822 : vector<1x128xf32> to vector<256x128xf32>
    %mul3A_824 = arith.mulf %concatenate3A, %mul3A_823 : vector<256x128xf32>
    %get3A_825 = arith.constant 1 : index
    %get3A_826 = arith.constant 1536 : index
    %get3A_827 = vector.load %arg2[%get3A_825, %get3A_826] : memref<8x8192xf32, #tpu.memory_space<vmem>>, vector<1x128xf32>
    %get3A_828 = vector.shape_cast %get3A_827 : vector<1x128xf32> to vector<128xf32>
    %broadcast_in_dim3A_829 = vector.shape_cast %get3A_828 : vector<128xf32> to vector<1x128xf32>
    %mul3A_830 = vector.broadcast %broadcast_in_dim3A_829 : vector<1x128xf32> to vector<256x128xf32>
    %mul3A_831 = arith.mulf %concatenate3A_5, %mul3A_830 : vector<256x128xf32>
    %add3A_832 = arith.addf %mul3A_824, %mul3A_831 : vector<256x128xf32>
    %get3A_833 = arith.constant 2 : index
    %get3A_834 = arith.constant 1536 : index
    %get3A_835 = vector.load %arg2[%get3A_833, %get3A_834] : memref<8x8192xf32, #tpu.memory_space<vmem>>, vector<1x128xf32>
    %get3A_836 = vector.shape_cast %get3A_835 : vector<1x128xf32> to vector<128xf32>
    %broadcast_in_dim3A_837 = vector.shape_cast %get3A_836 : vector<128xf32> to vector<1x128xf32>
    %mul3A_838 = vector.broadcast %broadcast_in_dim3A_837 : vector<1x128xf32> to vector<256x128xf32>
    %mul3A_839 = arith.mulf %concatenate3A_9, %mul3A_838 : vector<256x128xf32>
    %add3A_840 = arith.addf %add3A_832, %mul3A_839 : vector<256x128xf32>
    %get3A_841 = arith.constant 3 : index
    %get3A_842 = arith.constant 1536 : index
    %get3A_843 = vector.load %arg2[%get3A_841, %get3A_842] : memref<8x8192xf32, #tpu.memory_space<vmem>>, vector<1x128xf32>
    %get3A_844 = vector.shape_cast %get3A_843 : vector<1x128xf32> to vector<128xf32>
    %broadcast_in_dim3A_845 = vector.shape_cast %get3A_844 : vector<128xf32> to vector<1x128xf32>
    %mul3A_846 = vector.broadcast %broadcast_in_dim3A_845 : vector<1x128xf32> to vector<256x128xf32>
    %mul3A_847 = arith.mulf %concatenate3A_13, %mul3A_846 : vector<256x128xf32>
    %add3A_848 = arith.addf %add3A_840, %mul3A_847 : vector<256x128xf32>
    %get3A_849 = arith.constant 4 : index
    %get3A_850 = arith.constant 1536 : index
    %get3A_851 = vector.load %arg2[%get3A_849, %get3A_850] : memref<8x8192xf32, #tpu.memory_space<vmem>>, vector<1x128xf32>
    %get3A_852 = vector.shape_cast %get3A_851 : vector<1x128xf32> to vector<128xf32>
    %broadcast_in_dim3A_853 = vector.shape_cast %get3A_852 : vector<128xf32> to vector<1x128xf32>
    %mul3A_854 = vector.broadcast %broadcast_in_dim3A_853 : vector<1x128xf32> to vector<256x128xf32>
    %mul3A_855 = arith.mulf %concatenate3A_17, %mul3A_854 : vector<256x128xf32>
    %add3A_856 = arith.addf %add3A_848, %mul3A_855 : vector<256x128xf32>
    %get3A_857 = arith.constant 5 : index
    %get3A_858 = arith.constant 1536 : index
    %get3A_859 = vector.load %arg2[%get3A_857, %get3A_858] : memref<8x8192xf32, #tpu.memory_space<vmem>>, vector<1x128xf32>
    %get3A_860 = vector.shape_cast %get3A_859 : vector<1x128xf32> to vector<128xf32>
    %broadcast_in_dim3A_861 = vector.shape_cast %get3A_860 : vector<128xf32> to vector<1x128xf32>
    %mul3A_862 = vector.broadcast %broadcast_in_dim3A_861 : vector<1x128xf32> to vector<256x128xf32>
    %mul3A_863 = arith.mulf %concatenate3A_21, %mul3A_862 : vector<256x128xf32>
    %add3A_864 = arith.addf %add3A_856, %mul3A_863 : vector<256x128xf32>
    %get3A_865 = arith.constant 6 : index
    %get3A_866 = arith.constant 1536 : index
    %get3A_867 = vector.load %arg2[%get3A_865, %get3A_866] : memref<8x8192xf32, #tpu.memory_space<vmem>>, vector<1x128xf32>
    %get3A_868 = vector.shape_cast %get3A_867 : vector<1x128xf32> to vector<128xf32>
    %broadcast_in_dim3A_869 = vector.shape_cast %get3A_868 : vector<128xf32> to vector<1x128xf32>
    %mul3A_870 = vector.broadcast %broadcast_in_dim3A_869 : vector<1x128xf32> to vector<256x128xf32>
    %mul3A_871 = arith.mulf %concatenate3A_25, %mul3A_870 : vector<256x128xf32>
    %add3A_872 = arith.addf %add3A_864, %mul3A_871 : vector<256x128xf32>
    %get3A_873 = arith.constant 7 : index
    %get3A_874 = arith.constant 1536 : index
    %get3A_875 = vector.load %arg2[%get3A_873, %get3A_874] : memref<8x8192xf32, #tpu.memory_space<vmem>>, vector<1x128xf32>
    %get3A_876 = vector.shape_cast %get3A_875 : vector<1x128xf32> to vector<128xf32>
    %broadcast_in_dim3A_877 = vector.shape_cast %get3A_876 : vector<128xf32> to vector<1x128xf32>
    %mul3A_878 = vector.broadcast %broadcast_in_dim3A_877 : vector<1x128xf32> to vector<256x128xf32>
    %mul3A_879 = arith.mulf %concatenate3A_29, %mul3A_878 : vector<256x128xf32>
    %add3A_880 = arith.addf %add3A_872, %mul3A_879 : vector<256x128xf32>
    %swap3A_881 = arith.constant 0 : index
    %swap3A_882 = arith.constant 1536 : index
    %swap3A_883 = vector.load %arg3[%swap3A_881, %swap3A_882] : memref<256x8192xf32, #tpu.memory_space<vmem>>, vector<256x128xf32>
    tpu.vector_store %arg3[%swap3A_881, %swap3A_882], %add3A_880 {strides = array<i32>} : memref<256x8192xf32, #tpu.memory_space<vmem>>, vector<256x128xf32>,
    %get3A_884 = arith.constant 0 : index
    %get3A_885 = arith.constant 1664 : index
    %get3A_886 = vector.load %arg2[%get3A_884, %get3A_885] : memref<8x8192xf32, #tpu.memory_space<vmem>>, vector<1x128xf32>
    %get3A_887 = vector.shape_cast %get3A_886 : vector<1x128xf32> to vector<128xf32>
    %broadcast_in_dim3A_888 = vector.shape_cast %get3A_887 : vector<128xf32> to vector<1x128xf32>
    %mul3A_889 = vector.broadcast %broadcast_in_dim3A_888 : vector<1x128xf32> to vector<256x128xf32>
    %mul3A_890 = arith.mulf %concatenate3A, %mul3A_889 : vector<256x128xf32>
    %get3A_891 = arith.constant 1 : index
    %get3A_892 = arith.constant 1664 : index
    %get3A_893 = vector.load %arg2[%get3A_891, %get3A_892] : memref<8x8192xf32, #tpu.memory_space<vmem>>, vector<1x128xf32>
    %get3A_894 = vector.shape_cast %get3A_893 : vector<1x128xf32> to vector<128xf32>
    %broadcast_in_dim3A_895 = vector.shape_cast %get3A_894 : vector<128xf32> to vector<1x128xf32>
    %mul3A_896 = vector.broadcast %broadcast_in_dim3A_895 : vector<1x128xf32> to vector<256x128xf32>
    %mul3A_897 = arith.mulf %concatenate3A_5, %mul3A_896 : vector<256x128xf32>
    %add3A_898 = arith.addf %mul3A_890, %mul3A_897 : vector<256x128xf32>
    %get3A_899 = arith.constant 2 : index
    %get3A_900 = arith.constant 1664 : index
    %get3A_901 = vector.load %arg2[%get3A_899, %get3A_900] : memref<8x8192xf32, #tpu.memory_space<vmem>>, vector<1x128xf32>
    %get3A_902 = vector.shape_cast %get3A_901 : vector<1x128xf32> to vector<128xf32>
    %broadcast_in_dim3A_903 = vector.shape_cast %get3A_902 : vector<128xf32> to vector<1x128xf32>
    %mul3A_904 = vector.broadcast %broadcast_in_dim3A_903 : vector<1x128xf32> to vector<256x128xf32>
    %mul3A_905 = arith.mulf %concatenate3A_9, %mul3A_904 : vector<256x128xf32>
    %add3A_906 = arith.addf %add3A_898, %mul3A_905 : vector<256x128xf32>
    %get3A_907 = arith.constant 3 : index
    %get3A_908 = arith.constant 1664 : index
    %get3A_909 = vector.load %arg2[%get3A_907, %get3A_908] : memref<8x8192xf32, #tpu.memory_space<vmem>>, vector<1x128xf32>
    %get3A_910 = vector.shape_cast %get3A_909 : vector<1x128xf32> to vector<128xf32>
    %broadcast_in_dim3A_911 = vector.shape_cast %get3A_910 : vector<128xf32> to vector<1x128xf32>
    %mul3A_912 = vector.broadcast %broadcast_in_dim3A_911 : vector<1x128xf32> to vector<256x128xf32>
    %mul3A_913 = arith.mulf %concatenate3A_13, %mul3A_912 : vector<256x128xf32>
    %add3A_914 = arith.addf %add3A_906, %mul3A_913 : vector<256x128xf32>
    %get3A_915 = arith.constant 4 : index
    %get3A_916 = arith.constant 1664 : index
    %get3A_917 = vector.load %arg2[%get3A_915, %get3A_916] : memref<8x8192xf32, #tpu.memory_space<vmem>>, vector<1x128xf32>
    %get3A_918 = vector.shape_cast %get3A_917 : vector<1x128xf32> to vector<128xf32>
    %broadcast_in_dim3A_919 = vector.shape_cast %get3A_918 : vector<128xf32> to vector<1x128xf32>
    %mul3A_920 = vector.broadcast %broadcast_in_dim3A_919 : vector<1x128xf32> to vector<256x128xf32>
    %mul3A_921 = arith.mulf %concatenate3A_17, %mul3A_920 : vector<256x128xf32>
    %add3A_922 = arith.addf %add3A_914, %mul3A_921 : vector<256x128xf32>
    %get3A_923 = arith.constant 5 : index
    %get3A_924 = arith.constant 1664 : index
    %get3A_925 = vector.load %arg2[%get3A_923, %get3A_924] : memref<8x8192xf32, #tpu.memory_space<vmem>>, vector<1x128xf32>
    %get3A_926 = vector.shape_cast %get3A_925 : vector<1x128xf32> to vector<128xf32>
    %broadcast_in_dim3A_927 = vector.shape_cast %get3A_926 : vector<128xf32> to vector<1x128xf32>
    %mul3A_928 = vector.broadcast %broadcast_in_dim3A_927 : vector<1x128xf32> to vector<256x128xf32>
    %mul3A_929 = arith.mulf %concatenate3A_21, %mul3A_928 : vector<256x128xf32>
    %add3A_930 = arith.addf %add3A_922, %mul3A_929 : vector<256x128xf32>
    %get3A_931 = arith.constant 6 : index
    %get3A_932 = arith.constant 1664 : index
    %get3A_933 = vector.load %arg2[%get3A_931, %get3A_932] : memref<8x8192xf32, #tpu.memory_space<vmem>>, vector<1x128xf32>
    %get3A_934 = vector.shape_cast %get3A_933 : vector<1x128xf32> to vector<128xf32>
    %broadcast_in_dim3A_935 = vector.shape_cast %get3A_934 : vector<128xf32> to vector<1x128xf32>
    %mul3A_936 = vector.broadcast %broadcast_in_dim3A_935 : vector<1x128xf32> to vector<256x128xf32>
    %mul3A_937 = arith.mulf %concatenate3A_25, %mul3A_936 : vector<256x128xf32>
    %add3A_938 = arith.addf %add3A_930, %mul3A_937 : vector<256x128xf32>
    %get3A_939 = arith.constant 7 : index
    %get3A_940 = arith.constant 1664 : index
    %get3A_941 = vector.load %arg2[%get3A_939, %get3A_940] : memref<8x8192xf32, #tpu.memory_space<vmem>>, vector<1x128xf32>
    %get3A_942 = vector.shape_cast %get3A_941 : vector<1x128xf32> to vector<128xf32>
    %broadcast_in_dim3A_943 = vector.shape_cast %get3A_942 : vector<128xf32> to vector<1x128xf32>
    %mul3A_944 = vector.broadcast %broadcast_in_dim3A_943 : vector<1x128xf32> to vector<256x128xf32>
    %mul3A_945 = arith.mulf %concatenate3A_29, %mul3A_944 : vector<256x128xf32>
    %add3A_946 = arith.addf %add3A_938, %mul3A_945 : vector<256x128xf32>
    %swap3A_947 = arith.constant 0 : index
    %swap3A_948 = arith.constant 1664 : index
    %swap3A_949 = vector.load %arg3[%swap3A_947, %swap3A_948] : memref<256x8192xf32, #tpu.memory_space<vmem>>, vector<256x128xf32>
    tpu.vector_store %arg3[%swap3A_947, %swap3A_948], %add3A_946 {strides = array<i32>} : memref<256x8192xf32, #tpu.memory_space<vmem>>, vector<256x128xf32>,
    %get3A_950 = arith.constant 0 : index
    %get3A_951 = arith.constant 1792 : index
    %get3A_952 = vector.load %arg2[%get3A_950, %get3A_951] : memref<8x8192xf32, #tpu.memory_space<vmem>>, vector<1x128xf32>
    %get3A_953 = vector.shape_cast %get3A_952 : vector<1x128xf32> to vector<128xf32>
    %broadcast_in_dim3A_954 = vector.shape_cast %get3A_953 : vector<128xf32> to vector<1x128xf32>
    %mul3A_955 = vector.broadcast %broadcast_in_dim3A_954 : vector<1x128xf32> to vector<256x128xf32>
    %mul3A_956 = arith.mulf %concatenate3A, %mul3A_955 : vector<256x128xf32>
    %get3A_957 = arith.constant 1 : index
    %get3A_958 = arith.constant 1792 : index
    %get3A_959 = vector.load %arg2[%get3A_957, %get3A_958] : memref<8x8192xf32, #tpu.memory_space<vmem>>, vector<1x128xf32>
    %get3A_960 = vector.shape_cast %get3A_959 : vector<1x128xf32> to vector<128xf32>
    %broadcast_in_dim3A_961 = vector.shape_cast %get3A_960 : vector<128xf32> to vector<1x128xf32>
    %mul3A_962 = vector.broadcast %broadcast_in_dim3A_961 : vector<1x128xf32> to vector<256x128xf32>
    %mul3A_963 = arith.mulf %concatenate3A_5, %mul3A_962 : vector<256x128xf32>
    %add3A_964 = arith.addf %mul3A_956, %mul3A_963 : vector<256x128xf32>
    %get3A_965 = arith.constant 2 : index
    %get3A_966 = arith.constant 1792 : index
    %get3A_967 = vector.load %arg2[%get3A_965, %get3A_966] : memref<8x8192xf32, #tpu.memory_space<vmem>>, vector<1x128xf32>
    %get3A_968 = vector.shape_cast %get3A_967 : vector<1x128xf32> to vector<128xf32>
    %broadcast_in_dim3A_969 = vector.shape_cast %get3A_968 : vector<128xf32> to vector<1x128xf32>
    %mul3A_970 = vector.broadcast %broadcast_in_dim3A_969 : vector<1x128xf32> to vector<256x128xf32>
    %mul3A_971 = arith.mulf %concatenate3A_9, %mul3A_970 : vector<256x128xf32>
    %add3A_972 = arith.addf %add3A_964, %mul3A_971 : vector<256x128xf32>
    %get3A_973 = arith.constant 3 : index
    %get3A_974 = arith.constant 1792 : index
    %get3A_975 = vector.load %arg2[%get3A_973, %get3A_974] : memref<8x8192xf32, #tpu.memory_space<vmem>>, vector<1x128xf32>
    %get3A_976 = vector.shape_cast %get3A_975 : vector<1x128xf32> to vector<128xf32>
    %broadcast_in_dim3A_977 = vector.shape_cast %get3A_976 : vector<128xf32> to vector<1x128xf32>
    %mul3A_978 = vector.broadcast %broadcast_in_dim3A_977 : vector<1x128xf32> to vector<256x128xf32>
    %mul3A_979 = arith.mulf %concatenate3A_13, %mul3A_978 : vector<256x128xf32>
    %add3A_980 = arith.addf %add3A_972, %mul3A_979 : vector<256x128xf32>
    %get3A_981 = arith.constant 4 : index
    %get3A_982 = arith.constant 1792 : index
    %get3A_983 = vector.load %arg2[%get3A_981, %get3A_982] : memref<8x8192xf32, #tpu.memory_space<vmem>>, vector<1x128xf32>
    %get3A_984 = vector.shape_cast %get3A_983 : vector<1x128xf32> to vector<128xf32>
    %broadcast_in_dim3A_985 = vector.shape_cast %get3A_984 : vector<128xf32> to vector<1x128xf32>
    %mul3A_986 = vector.broadcast %broadcast_in_dim3A_985 : vector<1x128xf32> to vector<256x128xf32>
    %mul3A_987 = arith.mulf %concatenate3A_17, %mul3A_986 : vector<256x128xf32>
    %add3A_988 = arith.addf %add3A_980, %mul3A_987 : vector<256x128xf32>
    %get3A_989 = arith.constant 5 : index
    %get3A_990 = arith.constant 1792 : index
    %get3A_991 = vector.load %arg2[%get3A_989, %get3A_990] : memref<8x8192xf32, #tpu.memory_space<vmem>>, vector<1x128xf32>
    %get3A_992 = vector.shape_cast %get3A_991 : vector<1x128xf32> to vector<128xf32>
    %broadcast_in_dim3A_993 = vector.shape_cast %get3A_992 : vector<128xf32> to vector<1x128xf32>
    %mul3A_994 = vector.broadcast %broadcast_in_dim3A_993 : vector<1x128xf32> to vector<256x128xf32>
    %mul3A_995 = arith.mulf %concatenate3A_21, %mul3A_994 : vector<256x128xf32>
    %add3A_996 = arith.addf %add3A_988, %mul3A_995 : vector<256x128xf32>
    %get3A_997 = arith.constant 6 : index
    %get3A_998 = arith.constant 1792 : index
    %get3A_999 = vector.load %arg2[%get3A_997, %get3A_998] : memref<8x8192xf32, #tpu.memory_space<vmem>>, vector<1x128xf32>
    %get3A_1000 = vector.shape_cast %get3A_999 : vector<1x128xf32> to vector<128xf32>
    %broadcast_in_dim3A_1001 = vector.shape_cast %get3A_1000 : vector<128xf32> to vector<1x128xf32>
    %mul3A_1002 = vector.broadcast %broadcast_in_dim3A_1001 : vector<1x128xf32> to vector<256x128xf32>
    %mul3A_1003 = arith.mulf %concatenate3A_25, %mul3A_1002 : vector<256x128xf32>
    %add3A_1004 = arith.addf %add3A_996, %mul3A_1003 : vector<256x128xf32>
    %get3A_1005 = arith.constant 7 : index
    %get3A_1006 = arith.constant 1792 : index
    %get3A_1007 = vector.load %arg2[%get3A_1005, %get3A_1006] : memref<8x8192xf32, #tpu.memory_space<vmem>>, vector<1x128xf32>
    %get3A_1008 = vector.shape_cast %get3A_1007 : vector<1x128xf32> to vector<128xf32>
    %broadcast_in_dim3A_1009 = vector.shape_cast %get3A_1008 : vector<128xf32> to vector<1x128xf32>
    %mul3A_1010 = vector.broadcast %broadcast_in_dim3A_1009 : vector<1x128xf32> to vector<256x128xf32>
    %mul3A_1011 = arith.mulf %concatenate3A_29, %mul3A_1010 : vector<256x128xf32>
    %add3A_1012 = arith.addf %add3A_1004, %mul3A_1011 : vector<256x128xf32>
    %swap3A_1013 = arith.constant 0 : index
    %swap3A_1014 = arith.constant 1792 : index
    %swap3A_1015 = vector.load %arg3[%swap3A_1013, %swap3A_1014] : memref<256x8192xf32, #tpu.memory_space<vmem>>, vector<256x128xf32>
    tpu.vector_store %arg3[%swap3A_1013, %swap3A_1014], %add3A_1012 {strides = array<i32>} : memref<256x8192xf32, #tpu.memory_space<vmem>>, vector<256x128xf32>,
    %get3A_1016 = arith.constant 0 : index
    %get3A_1017 = arith.constant 1920 : index
    %get3A_1018 = vector.load %arg2[%get3A_1016, %get3A_1017] : memref<8x8192xf32, #tpu.memory_space<vmem>>, vector<1x128xf32>
    %get3A_1019 = vector.shape_cast %get3A_1018 : vector<1x128xf32> to vector<128xf32>
    %broadcast_in_dim3A_1020 = vector.shape_cast %get3A_1019 : vector<128xf32> to vector<1x128xf32>
    %mul3A_1021 = vector.broadcast %broadcast_in_dim3A_1020 : vector<1x128xf32> to vector<256x128xf32>
    %mul3A_1022 = arith.mulf %concatenate3A, %mul3A_1021 : vector<256x128xf32>
    %get3A_1023 = arith.constant 1 : index
    %get3A_1024 = arith.constant 1920 : index
    %get3A_1025 = vector.load %arg2[%get3A_1023, %get3A_1024] : memref<8x8192xf32, #tpu.memory_space<vmem>>, vector<1x128xf32>
    %get3A_1026 = vector.shape_cast %get3A_1025 : vector<1x128xf32> to vector<128xf32>
    %broadcast_in_dim3A_1027 = vector.shape_cast %get3A_1026 : vector<128xf32> to vector<1x128xf32>
    %mul3A_1028 = vector.broadcast %broadcast_in_dim3A_1027 : vector<1x128xf32> to vector<256x128xf32>
    %mul3A_1029 = arith.mulf %concatenate3A_5, %mul3A_1028 : vector<256x128xf32>
    %add3A_1030 = arith.addf %mul3A_1022, %mul3A_1029 : vector<256x128xf32>
    %get3A_1031 = arith.constant 2 : index
    %get3A_1032 = arith.constant 1920 : index
    %get3A_1033 = vector.load %arg2[%get3A_1031, %get3A_1032] : memref<8x8192xf32, #tpu.memory_space<vmem>>, vector<1x128xf32>
    %get3A_1034 = vector.shape_cast %get3A_1033 : vector<1x128xf32> to vector<128xf32>
    %broadcast_in_dim3A_1035 = vector.shape_cast %get3A_1034 : vector<128xf32> to vector<1x128xf32>
    %mul3A_1036 = vector.broadcast %broadcast_in_dim3A_1035 : vector<1x128xf32> to vector<256x128xf32>
    %mul3A_1037 = arith.mulf %concatenate3A_9, %mul3A_1036 : vector<256x128xf32>
    %add3A_1038 = arith.addf %add3A_1030, %mul3A_1037 : vector<256x128xf32>
    %get3A_1039 = arith.constant 3 : index
    %get3A_1040 = arith.constant 1920 : index
    %get3A_1041 = vector.load %arg2[%get3A_1039, %get3A_1040] : memref<8x8192xf32, #tpu.memory_space<vmem>>, vector<1x128xf32>
    %get3A_1042 = vector.shape_cast %get3A_1041 : vector<1x128xf32> to vector<128xf32>
    %broadcast_in_dim3A_1043 = vector.shape_cast %get3A_1042 : vector<128xf32> to vector<1x128xf32>
    %mul3A_1044 = vector.broadcast %broadcast_in_dim3A_1043 : vector<1x128xf32> to vector<256x128xf32>
    %mul3A_1045 = arith.mulf %concatenate3A_13, %mul3A_1044 : vector<256x128xf32>
    %add3A_1046 = arith.addf %add3A_1038, %mul3A_1045 : vector<256x128xf32>
    %get3A_1047 = arith.constant 4 : index
    %get3A_1048 = arith.constant 1920 : index
    %get3A_1049 = vector.load %arg2[%get3A_1047, %get3A_1048] : memref<8x8192xf32, #tpu.memory_space<vmem>>, vector<1x128xf32>
    %get3A_1050 = vector.shape_cast %get3A_1049 : vector<1x128xf32> to vector<128xf32>
    %broadcast_in_dim3A_1051 = vector.shape_cast %get3A_1050 : vector<128xf32> to vector<1x128xf32>
    %mul3A_1052 = vector.broadcast %broadcast_in_dim3A_1051 : vector<1x128xf32> to vector<256x128xf32>
    %mul3A_1053 = arith.mulf %concatenate3A_17, %mul3A_1052 : vector<256x128xf32>
    %add3A_1054 = arith.addf %add3A_1046, %mul3A_1053 : vector<256x128xf32>
    %get3A_1055 = arith.constant 5 : index
    %get3A_1056 = arith.constant 1920 : index
    %get3A_1057 = vector.load %arg2[%get3A_1055, %get3A_1056] : memref<8x8192xf32, #tpu.memory_space<vmem>>, vector<1x128xf32>
    %get3A_1058 = vector.shape_cast %get3A_1057 : vector<1x128xf32> to vector<128xf32>
    %broadcast_in_dim3A_1059 = vector.shape_cast %get3A_1058 : vector<128xf32> to vector<1x128xf32>
    %mul3A_1060 = vector.broadcast %broadcast_in_dim3A_1059 : vector<1x128xf32> to vector<256x128xf32>
    %mul3A_1061 = arith.mulf %concatenate3A_21, %mul3A_1060 : vector<256x128xf32>
    %add3A_1062 = arith.addf %add3A_1054, %mul3A_1061 : vector<256x128xf32>
    %get3A_1063 = arith.constant 6 : index
    %get3A_1064 = arith.constant 1920 : index
    %get3A_1065 = vector.load %arg2[%get3A_1063, %get3A_1064] : memref<8x8192xf32, #tpu.memory_space<vmem>>, vector<1x128xf32>
    %get3A_1066 = vector.shape_cast %get3A_1065 : vector<1x128xf32> to vector<128xf32>
    %broadcast_in_dim3A_1067 = vector.shape_cast %get3A_1066 : vector<128xf32> to vector<1x128xf32>
    %mul3A_1068 = vector.broadcast %broadcast_in_dim3A_1067 : vector<1x128xf32> to vector<256x128xf32>
    %mul3A_1069 = arith.mulf %concatenate3A_25, %mul3A_1068 : vector<256x128xf32>
    %add3A_1070 = arith.addf %add3A_1062, %mul3A_1069 : vector<256x128xf32>
    %get3A_1071 = arith.constant 7 : index
    %get3A_1072 = arith.constant 1920 : index
    %get3A_1073 = vector.load %arg2[%get3A_1071, %get3A_1072] : memref<8x8192xf32, #tpu.memory_space<vmem>>, vector<1x128xf32>
    %get3A_1074 = vector.shape_cast %get3A_1073 : vector<1x128xf32> to vector<128xf32>
    %broadcast_in_dim3A_1075 = vector.shape_cast %get3A_1074 : vector<128xf32> to vector<1x128xf32>
    %mul3A_1076 = vector.broadcast %broadcast_in_dim3A_1075 : vector<1x128xf32> to vector<256x128xf32>
    %mul3A_1077 = arith.mulf %concatenate3A_29, %mul3A_1076 : vector<256x128xf32>
    %add3A_1078 = arith.addf %add3A_1070, %mul3A_1077 : vector<256x128xf32>
    %swap3A_1079 = arith.constant 0 : index
    %swap3A_1080 = arith.constant 1920 : index
    %swap3A_1081 = vector.load %arg3[%swap3A_1079, %swap3A_1080] : memref<256x8192xf32, #tpu.memory_space<vmem>>, vector<256x128xf32>
    tpu.vector_store %arg3[%swap3A_1079, %swap3A_1080], %add3A_1078 {strides = array<i32>} : memref<256x8192xf32, #tpu.memory_space<vmem>>, vector<256x128xf32>,
    %get3A_1082 = arith.constant 0 : index
    %get3A_1083 = arith.constant 2048 : index
    %get3A_1084 = vector.load %arg2[%get3A_1082, %get3A_1083] : memref<8x8192xf32, #tpu.memory_space<vmem>>, vector<1x128xf32>
    %get3A_1085 = vector.shape_cast %get3A_1084 : vector<1x128xf32> to vector<128xf32>
    %broadcast_in_dim3A_1086 = vector.shape_cast %get3A_1085 : vector<128xf32> to vector<1x128xf32>
    %mul3A_1087 = vector.broadcast %broadcast_in_dim3A_1086 : vector<1x128xf32> to vector<256x128xf32>
    %mul3A_1088 = arith.mulf %concatenate3A, %mul3A_1087 : vector<256x128xf32>
    %get3A_1089 = arith.constant 1 : index
    %get3A_1090 = arith.constant 2048 : index
    %get3A_1091 = vector.load %arg2[%get3A_1089, %get3A_1090] : memref<8x8192xf32, #tpu.memory_space<vmem>>, vector<1x128xf32>
    %get3A_1092 = vector.shape_cast %get3A_1091 : vector<1x128xf32> to vector<128xf32>
    %broadcast_in_dim3A_1093 = vector.shape_cast %get3A_1092 : vector<128xf32> to vector<1x128xf32>
    %mul3A_1094 = vector.broadcast %broadcast_in_dim3A_1093 : vector<1x128xf32> to vector<256x128xf32>
    %mul3A_1095 = arith.mulf %concatenate3A_5, %mul3A_1094 : vector<256x128xf32>
    %add3A_1096 = arith.addf %mul3A_1088, %mul3A_1095 : vector<256x128xf32>
    %get3A_1097 = arith.constant 2 : index
    %get3A_1098 = arith.constant 2048 : index
    %get3A_1099 = vector.load %arg2[%get3A_1097, %get3A_1098] : memref<8x8192xf32, #tpu.memory_space<vmem>>, vector<1x128xf32>
    %get3A_1100 = vector.shape_cast %get3A_1099 : vector<1x128xf32> to vector<128xf32>
    %broadcast_in_dim3A_1101 = vector.shape_cast %get3A_1100 : vector<128xf32> to vector<1x128xf32>
    %mul3A_1102 = vector.broadcast %broadcast_in_dim3A_1101 : vector<1x128xf32> to vector<256x128xf32>
    %mul3A_1103 = arith.mulf %concatenate3A_9, %mul3A_1102 : vector<256x128xf32>
    %add3A_1104 = arith.addf %add3A_1096, %mul3A_1103 : vector<256x128xf32>
    %get3A_1105 = arith.constant 3 : index
    %get3A_1106 = arith.constant 2048 : index
    %get3A_1107 = vector.load %arg2[%get3A_1105, %get3A_1106] : memref<8x8192xf32, #tpu.memory_space<vmem>>, vector<1x128xf32>
    %get3A_1108 = vector.shape_cast %get3A_1107 : vector<1x128xf32> to vector<128xf32>
    %broadcast_in_dim3A_1109 = vector.shape_cast %get3A_1108 : vector<128xf32> to vector<1x128xf32>
    %mul3A_1110 = vector.broadcast %broadcast_in_dim3A_1109 : vector<1x128xf32> to vector<256x128xf32>
    %mul3A_1111 = arith.mulf %concatenate3A_13, %mul3A_1110 : vector<256x128xf32>
    %add3A_1112 = arith.addf %add3A_1104, %mul3A_1111 : vector<256x128xf32>
    %get3A_1113 = arith.constant 4 : index
    %get3A_1114 = arith.constant 2048 : index
    %get3A_1115 = vector.load %arg2[%get3A_1113, %get3A_1114] : memref<8x8192xf32, #tpu.memory_space<vmem>>, vector<1x128xf32>
    %get3A_1116 = vector.shape_cast %get3A_1115 : vector<1x128xf32> to vector<128xf32>
    %broadcast_in_dim3A_1117 = vector.shape_cast %get3A_1116 : vector<128xf32> to vector<1x128xf32>
    %mul3A_1118 = vector.broadcast %broadcast_in_dim3A_1117 : vector<1x128xf32> to vector<256x128xf32>
    %mul3A_1119 = arith.mulf %concatenate3A_17, %mul3A_1118 : vector<256x128xf32>
    %add3A_1120 = arith.addf %add3A_1112, %mul3A_1119 : vector<256x128xf32>
    %get3A_1121 = arith.constant 5 : index
    %get3A_1122 = arith.constant 2048 : index
    %get3A_1123 = vector.load %arg2[%get3A_1121, %get3A_1122] : memref<8x8192xf32, #tpu.memory_space<vmem>>, vector<1x128xf32>
    %get3A_1124 = vector.shape_cast %get3A_1123 : vector<1x128xf32> to vector<128xf32>
    %broadcast_in_dim3A_1125 = vector.shape_cast %get3A_1124 : vector<128xf32> to vector<1x128xf32>
    %mul3A_1126 = vector.broadcast %broadcast_in_dim3A_1125 : vector<1x128xf32> to vector<256x128xf32>
    %mul3A_1127 = arith.mulf %concatenate3A_21, %mul3A_1126 : vector<256x128xf32>
    %add3A_1128 = arith.addf %add3A_1120, %mul3A_1127 : vector<256x128xf32>
    %get3A_1129 = arith.constant 6 : index
    %get3A_1130 = arith.constant 2048 : index
    %get3A_1131 = vector.load %arg2[%get3A_1129, %get3A_1130] : memref<8x8192xf32, #tpu.memory_space<vmem>>, vector<1x128xf32>
    %get3A_1132 = vector.shape_cast %get3A_1131 : vector<1x128xf32> to vector<128xf32>
    %broadcast_in_dim3A_1133 = vector.shape_cast %get3A_1132 : vector<128xf32> to vector<1x128xf32>
    %mul3A_1134 = vector.broadcast %broadcast_in_dim3A_1133 : vector<1x128xf32> to vector<256x128xf32>
    %mul3A_1135 = arith.mulf %concatenate3A_25, %mul3A_1134 : vector<256x128xf32>
    %add3A_1136 = arith.addf %add3A_1128, %mul3A_1135 : vector<256x128xf32>
    %get3A_1137 = arith.constant 7 : index
    %get3A_1138 = arith.constant 2048 : index
    %get3A_1139 = vector.load %arg2[%get3A_1137, %get3A_1138] : memref<8x8192xf32, #tpu.memory_space<vmem>>, vector<1x128xf32>
    %get3A_1140 = vector.shape_cast %get3A_1139 : vector<1x128xf32> to vector<128xf32>
    %broadcast_in_dim3A_1141 = vector.shape_cast %get3A_1140 : vector<128xf32> to vector<1x128xf32>
    %mul3A_1142 = vector.broadcast %broadcast_in_dim3A_1141 : vector<1x128xf32> to vector<256x128xf32>
    %mul3A_1143 = arith.mulf %concatenate3A_29, %mul3A_1142 : vector<256x128xf32>
    %add3A_1144 = arith.addf %add3A_1136, %mul3A_1143 : vector<256x128xf32>
    %swap3A_1145 = arith.constant 0 : index
    %swap3A_1146 = arith.constant 2048 : index
    %swap3A_1147 = vector.load %arg3[%swap3A_1145, %swap3A_1146] : memref<256x8192xf32, #tpu.memory_space<vmem>>, vector<256x128xf32>
    tpu.vector_store %arg3[%swap3A_1145, %swap3A_1146], %add3A_1144 {strides = array<i32>} : memref<256x8192xf32, #tpu.memory_space<vmem>>, vector<256x128xf32>,
    %get3A_1148 = arith.constant 0 : index
    %get3A_1149 = arith.constant 2176 : index
    %get3A_1150 = vector.load %arg2[%get3A_1148, %get3A_1149] : memref<8x8192xf32, #tpu.memory_space<vmem>>, vector<1x128xf32>
    %get3A_1151 = vector.shape_cast %get3A_1150 : vector<1x128xf32> to vector<128xf32>
    %broadcast_in_dim3A_1152 = vector.shape_cast %get3A_1151 : vector<128xf32> to vector<1x128xf32>
    %mul3A_1153 = vector.broadcast %broadcast_in_dim3A_1152 : vector<1x128xf32> to vector<256x128xf32>
    %mul3A_1154 = arith.mulf %concatenate3A, %mul3A_1153 : vector<256x128xf32>
    %get3A_1155 = arith.constant 1 : index
    %get3A_1156 = arith.constant 2176 : index
    %get3A_1157 = vector.load %arg2[%get3A_1155, %get3A_1156] : memref<8x8192xf32, #tpu.memory_space<vmem>>, vector<1x128xf32>
    %get3A_1158 = vector.shape_cast %get3A_1157 : vector<1x128xf32> to vector<128xf32>
    %broadcast_in_dim3A_1159 = vector.shape_cast %get3A_1158 : vector<128xf32> to vector<1x128xf32>
    %mul3A_1160 = vector.broadcast %broadcast_in_dim3A_1159 : vector<1x128xf32> to vector<256x128xf32>
    %mul3A_1161 = arith.mulf %concatenate3A_5, %mul3A_1160 : vector<256x128xf32>
    %add3A_1162 = arith.addf %mul3A_1154, %mul3A_1161 : vector<256x128xf32>
    %get3A_1163 = arith.constant 2 : index
    %get3A_1164 = arith.constant 2176 : index
    %get3A_1165 = vector.load %arg2[%get3A_1163, %get3A_1164] : memref<8x8192xf32, #tpu.memory_space<vmem>>, vector<1x128xf32>
    %get3A_1166 = vector.shape_cast %get3A_1165 : vector<1x128xf32> to vector<128xf32>
    %broadcast_in_dim3A_1167 = vector.shape_cast %get3A_1166 : vector<128xf32> to vector<1x128xf32>
    %mul3A_1168 = vector.broadcast %broadcast_in_dim3A_1167 : vector<1x128xf32> to vector<256x128xf32>
    %mul3A_1169 = arith.mulf %concatenate3A_9, %mul3A_1168 : vector<256x128xf32>
    %add3A_1170 = arith.addf %add3A_1162, %mul3A_1169 : vector<256x128xf32>
    %get3A_1171 = arith.constant 3 : index
    %get3A_1172 = arith.constant 2176 : index
    %get3A_1173 = vector.load %arg2[%get3A_1171, %get3A_1172] : memref<8x8192xf32, #tpu.memory_space<vmem>>, vector<1x128xf32>
    %get3A_1174 = vector.shape_cast %get3A_1173 : vector<1x128xf32> to vector<128xf32>
    %broadcast_in_dim3A_1175 = vector.shape_cast %get3A_1174 : vector<128xf32> to vector<1x128xf32>
    %mul3A_1176 = vector.broadcast %broadcast_in_dim3A_1175 : vector<1x128xf32> to vector<256x128xf32>
    %mul3A_1177 = arith.mulf %concatenate3A_13, %mul3A_1176 : vector<256x128xf32>
    %add3A_1178 = arith.addf %add3A_1170, %mul3A_1177 : vector<256x128xf32>
    %get3A_1179 = arith.constant 4 : index
    %get3A_1180 = arith.constant 2176 : index
    %get3A_1181 = vector.load %arg2[%get3A_1179, %get3A_1180] : memref<8x8192xf32, #tpu.memory_space<vmem>>, vector<1x128xf32>
    %get3A_1182 = vector.shape_cast %get3A_1181 : vector<1x128xf32> to vector<128xf32>
    %broadcast_in_dim3A_1183 = vector.shape_cast %get3A_1182 : vector<128xf32> to vector<1x128xf32>
    %mul3A_1184 = vector.broadcast %broadcast_in_dim3A_1183 : vector<1x128xf32> to vector<256x128xf32>
    %mul3A_1185 = arith.mulf %concatenate3A_17, %mul3A_1184 : vector<256x128xf32>
    %add3A_1186 = arith.addf %add3A_1178, %mul3A_1185 : vector<256x128xf32>
    %get3A_1187 = arith.constant 5 : index
    %get3A_1188 = arith.constant 2176 : index
    %get3A_1189 = vector.load %arg2[%get3A_1187, %get3A_1188] : memref<8x8192xf32, #tpu.memory_space<vmem>>, vector<1x128xf32>
    %get3A_1190 = vector.shape_cast %get3A_1189 : vector<1x128xf32> to vector<128xf32>
    %broadcast_in_dim3A_1191 = vector.shape_cast %get3A_1190 : vector<128xf32> to vector<1x128xf32>
    %mul3A_1192 = vector.broadcast %broadcast_in_dim3A_1191 : vector<1x128xf32> to vector<256x128xf32>
    %mul3A_1193 = arith.mulf %concatenate3A_21, %mul3A_1192 : vector<256x128xf32>
    %add3A_1194 = arith.addf %add3A_1186, %mul3A_1193 : vector<256x128xf32>
    %get3A_1195 = arith.constant 6 : index
    %get3A_1196 = arith.constant 2176 : index
    %get3A_1197 = vector.load %arg2[%get3A_1195, %get3A_1196] : memref<8x8192xf32, #tpu.memory_space<vmem>>, vector<1x128xf32>
    %get3A_1198 = vector.shape_cast %get3A_1197 : vector<1x128xf32> to vector<128xf32>
    %broadcast_in_dim3A_1199 = vector.shape_cast %get3A_1198 : vector<128xf32> to vector<1x128xf32>
    %mul3A_1200 = vector.broadcast %broadcast_in_dim3A_1199 : vector<1x128xf32> to vector<256x128xf32>
    %mul3A_1201 = arith.mulf %concatenate3A_25, %mul3A_1200 : vector<256x128xf32>
    %add3A_1202 = arith.addf %add3A_1194, %mul3A_1201 : vector<256x128xf32>
    %get3A_1203 = arith.constant 7 : index
    %get3A_1204 = arith.constant 2176 : index
    %get3A_1205 = vector.load %arg2[%get3A_1203, %get3A_1204] : memref<8x8192xf32, #tpu.memory_space<vmem>>, vector<1x128xf32>
    %get3A_1206 = vector.shape_cast %get3A_1205 : vector<1x128xf32> to vector<128xf32>
    %broadcast_in_dim3A_1207 = vector.shape_cast %get3A_1206 : vector<128xf32> to vector<1x128xf32>
    %mul3A_1208 = vector.broadcast %broadcast_in_dim3A_1207 : vector<1x128xf32> to vector<256x128xf32>
    %mul3A_1209 = arith.mulf %concatenate3A_29, %mul3A_1208 : vector<256x128xf32>
    %add3A_1210 = arith.addf %add3A_1202, %mul3A_1209 : vector<256x128xf32>
    %swap3A_1211 = arith.constant 0 : index
    %swap3A_1212 = arith.constant 2176 : index
    %swap3A_1213 = vector.load %arg3[%swap3A_1211, %swap3A_1212] : memref<256x8192xf32, #tpu.memory_space<vmem>>, vector<256x128xf32>
    tpu.vector_store %arg3[%swap3A_1211, %swap3A_1212], %add3A_1210 {strides = array<i32>} : memref<256x8192xf32, #tpu.memory_space<vmem>>, vector<256x128xf32>,
    %get3A_1214 = arith.constant 0 : index
    %get3A_1215 = arith.constant 2304 : index
    %get3A_1216 = vector.load %arg2[%get3A_1214, %get3A_1215] : memref<8x8192xf32, #tpu.memory_space<vmem>>, vector<1x128xf32>
    %get3A_1217 = vector.shape_cast %get3A_1216 : vector<1x128xf32> to vector<128xf32>
    %broadcast_in_dim3A_1218 = vector.shape_cast %get3A_1217 : vector<128xf32> to vector<1x128xf32>
    %mul3A_1219 = vector.broadcast %broadcast_in_dim3A_1218 : vector<1x128xf32> to vector<256x128xf32>
    %mul3A_1220 = arith.mulf %concatenate3A, %mul3A_1219 : vector<256x128xf32>
    %get3A_1221 = arith.constant 1 : index
    %get3A_1222 = arith.constant 2304 : index
    %get3A_1223 = vector.load %arg2[%get3A_1221, %get3A_1222] : memref<8x8192xf32, #tpu.memory_space<vmem>>, vector<1x128xf32>
    %get3A_1224 = vector.shape_cast %get3A_1223 : vector<1x128xf32> to vector<128xf32>
    %broadcast_in_dim3A_1225 = vector.shape_cast %get3A_1224 : vector<128xf32> to vector<1x128xf32>
    %mul3A_1226 = vector.broadcast %broadcast_in_dim3A_1225 : vector<1x128xf32> to vector<256x128xf32>
    %mul3A_1227 = arith.mulf %concatenate3A_5, %mul3A_1226 : vector<256x128xf32>
    %add3A_1228 = arith.addf %mul3A_1220, %mul3A_1227 : vector<256x128xf32>
    %get3A_1229 = arith.constant 2 : index
    %get3A_1230 = arith.constant 2304 : index
    %get3A_1231 = vector.load %arg2[%get3A_1229, %get3A_1230] : memref<8x8192xf32, #tpu.memory_space<vmem>>, vector<1x128xf32>
    %get3A_1232 = vector.shape_cast %get3A_1231 : vector<1x128xf32> to vector<128xf32>
    %broadcast_in_dim3A_1233 = vector.shape_cast %get3A_1232 : vector<128xf32> to vector<1x128xf32>
    %mul3A_1234 = vector.broadcast %broadcast_in_dim3A_1233 : vector<1x128xf32> to vector<256x128xf32>
    %mul3A_1235 = arith.mulf %concatenate3A_9, %mul3A_1234 : vector<256x128xf32>
    %add3A_1236 = arith.addf %add3A_1228, %mul3A_1235 : vector<256x128xf32>
    %get3A_1237 = arith.constant 3 : index
    %get3A_1238 = arith.constant 2304 : index
    %get3A_1239 = vector.load %arg2[%get3A_1237, %get3A_1238] : memref<8x8192xf32, #tpu.memory_space<vmem>>, vector<1x128xf32>
    %get3A_1240 = vector.shape_cast %get3A_1239 : vector<1x128xf32> to vector<128xf32>
    %broadcast_in_dim3A_1241 = vector.shape_cast %get3A_1240 : vector<128xf32> to vector<1x128xf32>
    %mul3A_1242 = vector.broadcast %broadcast_in_dim3A_1241 : vector<1x128xf32> to vector<256x128xf32>
    %mul3A_1243 = arith.mulf %concatenate3A_13, %mul3A_1242 : vector<256x128xf32>
    %add3A_1244 = arith.addf %add3A_1236, %mul3A_1243 : vector<256x128xf32>
    %get3A_1245 = arith.constant 4 : index
    %get3A_1246 = arith.constant 2304 : index
    %get3A_1247 = vector.load %arg2[%get3A_1245, %get3A_1246] : memref<8x8192xf32, #tpu.memory_space<vmem>>, vector<1x128xf32>
    %get3A_1248 = vector.shape_cast %get3A_1247 : vector<1x128xf32> to vector<128xf32>
    %broadcast_in_dim3A_1249 = vector.shape_cast %get3A_1248 : vector<128xf32> to vector<1x128xf32>
    %mul3A_1250 = vector.broadcast %broadcast_in_dim3A_1249 : vector<1x128xf32> to vector<256x128xf32>
    %mul3A_1251 = arith.mulf %concatenate3A_17, %mul3A_1250 : vector<256x128xf32>
    %add3A_1252 = arith.addf %add3A_1244, %mul3A_1251 : vector<256x128xf32>
    %get3A_1253 = arith.constant 5 : index
    %get3A_1254 = arith.constant 2304 : index
    %get3A_1255 = vector.load %arg2[%get3A_1253, %get3A_1254] : memref<8x8192xf32, #tpu.memory_space<vmem>>, vector<1x128xf32>
    %get3A_1256 = vector.shape_cast %get3A_1255 : vector<1x128xf32> to vector<128xf32>
    %broadcast_in_dim3A_1257 = vector.shape_cast %get3A_1256 : vector<128xf32> to vector<1x128xf32>
    %mul3A_1258 = vector.broadcast %broadcast_in_dim3A_1257 : vector<1x128xf32> to vector<256x128xf32>
    %mul3A_1259 = arith.mulf %concatenate3A_21, %mul3A_1258 : vector<256x128xf32>
    %add3A_1260 = arith.addf %add3A_1252, %mul3A_1259 : vector<256x128xf32>
    %get3A_1261 = arith.constant 6 : index
    %get3A_1262 = arith.constant 2304 : index
    %get3A_1263 = vector.load %arg2[%get3A_1261, %get3A_1262] : memref<8x8192xf32, #tpu.memory_space<vmem>>, vector<1x128xf32>
    %get3A_1264 = vector.shape_cast %get3A_1263 : vector<1x128xf32> to vector<128xf32>
    %broadcast_in_dim3A_1265 = vector.shape_cast %get3A_1264 : vector<128xf32> to vector<1x128xf32>
    %mul3A_1266 = vector.broadcast %broadcast_in_dim3A_1265 : vector<1x128xf32> to vector<256x128xf32>
    %mul3A_1267 = arith.mulf %concatenate3A_25, %mul3A_1266 : vector<256x128xf32>
    %add3A_1268 = arith.addf %add3A_1260, %mul3A_1267 : vector<256x128xf32>
    %get3A_1269 = arith.constant 7 : index
    %get3A_1270 = arith.constant 2304 : index
    %get3A_1271 = vector.load %arg2[%get3A_1269, %get3A_1270] : memref<8x8192xf32, #tpu.memory_space<vmem>>, vector<1x128xf32>
    %get3A_1272 = vector.shape_cast %get3A_1271 : vector<1x128xf32> to vector<128xf32>
    %broadcast_in_dim3A_1273 = vector.shape_cast %get3A_1272 : vector<128xf32> to vector<1x128xf32>
    %mul3A_1274 = vector.broadcast %broadcast_in_dim3A_1273 : vector<1x128xf32> to vector<256x128xf32>
    %mul3A_1275 = arith.mulf %concatenate3A_29, %mul3A_1274 : vector<256x128xf32>
    %add3A_1276 = arith.addf %add3A_1268, %mul3A_1275 : vector<256x128xf32>
    %swap3A_1277 = arith.constant 0 : index
    %swap3A_1278 = arith.constant 2304 : index
    %swap3A_1279 = vector.load %arg3[%swap3A_1277, %swap3A_1278] : memref<256x8192xf32, #tpu.memory_space<vmem>>, vector<256x128xf32>
    tpu.vector_store %arg3[%swap3A_1277, %swap3A_1278], %add3A_1276 {strides = array<i32>} : memref<256x8192xf32, #tpu.memory_space<vmem>>, vector<256x128xf32>,
    %get3A_1280 = arith.constant 0 : index
    %get3A_1281 = arith.constant 2432 : index
    %get3A_1282 = vector.load %arg2[%get3A_1280, %get3A_1281] : memref<8x8192xf32, #tpu.memory_space<vmem>>, vector<1x128xf32>
    %get3A_1283 = vector.shape_cast %get3A_1282 : vector<1x128xf32> to vector<128xf32>
    %broadcast_in_dim3A_1284 = vector.shape_cast %get3A_1283 : vector<128xf32> to vector<1x128xf32>
    %mul3A_1285 = vector.broadcast %broadcast_in_dim3A_1284 : vector<1x128xf32> to vector<256x128xf32>
    %mul3A_1286 = arith.mulf %concatenate3A, %mul3A_1285 : vector<256x128xf32>
    %get3A_1287 = arith.constant 1 : index
    %get3A_1288 = arith.constant 2432 : index
    %get3A_1289 = vector.load %arg2[%get3A_1287, %get3A_1288] : memref<8x8192xf32, #tpu.memory_space<vmem>>, vector<1x128xf32>
    %get3A_1290 = vector.shape_cast %get3A_1289 : vector<1x128xf32> to vector<128xf32>
    %broadcast_in_dim3A_1291 = vector.shape_cast %get3A_1290 : vector<128xf32> to vector<1x128xf32>
    %mul3A_1292 = vector.broadcast %broadcast_in_dim3A_1291 : vector<1x128xf32> to vector<256x128xf32>
    %mul3A_1293 = arith.mulf %concatenate3A_5, %mul3A_1292 : vector<256x128xf32>
    %add3A_1294 = arith.addf %mul3A_1286, %mul3A_1293 : vector<256x128xf32>
    %get3A_1295 = arith.constant 2 : index
    %get3A_1296 = arith.constant 2432 : index
    %get3A_1297 = vector.load %arg2[%get3A_1295, %get3A_1296] : memref<8x8192xf32, #tpu.memory_space<vmem>>, vector<1x128xf32>
    %get3A_1298 = vector.shape_cast %get3A_1297 : vector<1x128xf32> to vector<128xf32>
    %broadcast_in_dim3A_1299 = vector.shape_cast %get3A_1298 : vector<128xf32> to vector<1x128xf32>
    %mul3A_1300 = vector.broadcast %broadcast_in_dim3A_1299 : vector<1x128xf32> to vector<256x128xf32>
    %mul3A_1301 = arith.mulf %concatenate3A_9, %mul3A_1300 : vector<256x128xf32>
    %add3A_1302 = arith.addf %add3A_1294, %mul3A_1301 : vector<256x128xf32>
    %get3A_1303 = arith.constant 3 : index
    %get3A_1304 = arith.constant 2432 : index
    %get3A_1305 = vector.load %arg2[%get3A_1303, %get3A_1304] : memref<8x8192xf32, #tpu.memory_space<vmem>>, vector<1x128xf32>
    %get3A_1306 = vector.shape_cast %get3A_1305 : vector<1x128xf32> to vector<128xf32>
    %broadcast_in_dim3A_1307 = vector.shape_cast %get3A_1306 : vector<128xf32> to vector<1x128xf32>
    %mul3A_1308 = vector.broadcast %broadcast_in_dim3A_1307 : vector<1x128xf32> to vector<256x128xf32>
    %mul3A_1309 = arith.mulf %concatenate3A_13, %mul3A_1308 : vector<256x128xf32>
    %add3A_1310 = arith.addf %add3A_1302, %mul3A_1309 : vector<256x128xf32>
    %get3A_1311 = arith.constant 4 : index
    %get3A_1312 = arith.constant 2432 : index
    %get3A_1313 = vector.load %arg2[%get3A_1311, %get3A_1312] : memref<8x8192xf32, #tpu.memory_space<vmem>>, vector<1x128xf32>
    %get3A_1314 = vector.shape_cast %get3A_1313 : vector<1x128xf32> to vector<128xf32>
    %broadcast_in_dim3A_1315 = vector.shape_cast %get3A_1314 : vector<128xf32> to vector<1x128xf32>
    %mul3A_1316 = vector.broadcast %broadcast_in_dim3A_1315 : vector<1x128xf32> to vector<256x128xf32>
    %mul3A_1317 = arith.mulf %concatenate3A_17, %mul3A_1316 : vector<256x128xf32>
    %add3A_1318 = arith.addf %add3A_1310, %mul3A_1317 : vector<256x128xf32>
    %get3A_1319 = arith.constant 5 : index
    %get3A_1320 = arith.constant 2432 : index
    %get3A_1321 = vector.load %arg2[%get3A_1319, %get3A_1320] : memref<8x8192xf32, #tpu.memory_space<vmem>>, vector<1x128xf32>
    %get3A_1322 = vector.shape_cast %get3A_1321 : vector<1x128xf32> to vector<128xf32>
    %broadcast_in_dim3A_1323 = vector.shape_cast %get3A_1322 : vector<128xf32> to vector<1x128xf32>
    %mul3A_1324 = vector.broadcast %broadcast_in_dim3A_1323 : vector<1x128xf32> to vector<256x128xf32>
    %mul3A_1325 = arith.mulf %concatenate3A_21, %mul3A_1324 : vector<256x128xf32>
    %add3A_1326 = arith.addf %add3A_1318, %mul3A_1325 : vector<256x128xf32>
    %get3A_1327 = arith.constant 6 : index
    %get3A_1328 = arith.constant 2432 : index
    %get3A_1329 = vector.load %arg2[%get3A_1327, %get3A_1328] : memref<8x8192xf32, #tpu.memory_space<vmem>>, vector<1x128xf32>
    %get3A_1330 = vector.shape_cast %get3A_1329 : vector<1x128xf32> to vector<128xf32>
    %broadcast_in_dim3A_1331 = vector.shape_cast %get3A_1330 : vector<128xf32> to vector<1x128xf32>
    %mul3A_1332 = vector.broadcast %broadcast_in_dim3A_1331 : vector<1x128xf32> to vector<256x128xf32>
    %mul3A_1333 = arith.mulf %concatenate3A_25, %mul3A_1332 : vector<256x128xf32>
    %add3A_1334 = arith.addf %add3A_1326, %mul3A_1333 : vector<256x128xf32>
    %get3A_1335 = arith.constant 7 : index
    %get3A_1336 = arith.constant 2432 : index
    %get3A_1337 = vector.load %arg2[%get3A_1335, %get3A_1336] : memref<8x8192xf32, #tpu.memory_space<vmem>>, vector<1x128xf32>
    %get3A_1338 = vector.shape_cast %get3A_1337 : vector<1x128xf32> to vector<128xf32>
    %broadcast_in_dim3A_1339 = vector.shape_cast %get3A_1338 : vector<128xf32> to vector<1x128xf32>
    %mul3A_1340 = vector.broadcast %broadcast_in_dim3A_1339 : vector<1x128xf32> to vector<256x128xf32>
    %mul3A_1341 = arith.mulf %concatenate3A_29, %mul3A_1340 : vector<256x128xf32>
    %add3A_1342 = arith.addf %add3A_1334, %mul3A_1341 : vector<256x128xf32>
    %swap3A_1343 = arith.constant 0 : index
    %swap3A_1344 = arith.constant 2432 : index
    %swap3A_1345 = vector.load %arg3[%swap3A_1343, %swap3A_1344] : memref<256x8192xf32, #tpu.memory_space<vmem>>, vector<256x128xf32>
    tpu.vector_store %arg3[%swap3A_1343, %swap3A_1344], %add3A_1342 {strides = array<i32>} : memref<256x8192xf32, #tpu.memory_space<vmem>>, vector<256x128xf32>,
    %get3A_1346 = arith.constant 0 : index
    %get3A_1347 = arith.constant 2560 : index
    %get3A_1348 = vector.load %arg2[%get3A_1346, %get3A_1347] : memref<8x8192xf32, #tpu.memory_space<vmem>>, vector<1x128xf32>
    %get3A_1349 = vector.shape_cast %get3A_1348 : vector<1x128xf32> to vector<128xf32>
    %broadcast_in_dim3A_1350 = vector.shape_cast %get3A_1349 : vector<128xf32> to vector<1x128xf32>
    %mul3A_1351 = vector.broadcast %broadcast_in_dim3A_1350 : vector<1x128xf32> to vector<256x128xf32>
    %mul3A_1352 = arith.mulf %concatenate3A, %mul3A_1351 : vector<256x128xf32>
    %get3A_1353 = arith.constant 1 : index
    %get3A_1354 = arith.constant 2560 : index
    %get3A_1355 = vector.load %arg2[%get3A_1353, %get3A_1354] : memref<8x8192xf32, #tpu.memory_space<vmem>>, vector<1x128xf32>
    %get3A_1356 = vector.shape_cast %get3A_1355 : vector<1x128xf32> to vector<128xf32>
    %broadcast_in_dim3A_1357 = vector.shape_cast %get3A_1356 : vector<128xf32> to vector<1x128xf32>
    %mul3A_1358 = vector.broadcast %broadcast_in_dim3A_1357 : vector<1x128xf32> to vector<256x128xf32>
    %mul3A_1359 = arith.mulf %concatenate3A_5, %mul3A_1358 : vector<256x128xf32>
    %add3A_1360 = arith.addf %mul3A_1352, %mul3A_1359 : vector<256x128xf32>
    %get3A_1361 = arith.constant 2 : index
    %get3A_1362 = arith.constant 2560 : index
    %get3A_1363 = vector.load %arg2[%get3A_1361, %get3A_1362] : memref<8x8192xf32, #tpu.memory_space<vmem>>, vector<1x128xf32>
    %get3A_1364 = vector.shape_cast %get3A_1363 : vector<1x128xf32> to vector<128xf32>
    %broadcast_in_dim3A_1365 = vector.shape_cast %get3A_1364 : vector<128xf32> to vector<1x128xf32>
    %mul3A_1366 = vector.broadcast %broadcast_in_dim3A_1365 : vector<1x128xf32> to vector<256x128xf32>
    %mul3A_1367 = arith.mulf %concatenate3A_9, %mul3A_1366 : vector<256x128xf32>
    %add3A_1368 = arith.addf %add3A_1360, %mul3A_1367 : vector<256x128xf32>
    %get3A_1369 = arith.constant 3 : index
    %get3A_1370 = arith.constant 2560 : index
    %get3A_1371 = vector.load %arg2[%get3A_1369, %get3A_1370] : memref<8x8192xf32, #tpu.memory_space<vmem>>, vector<1x128xf32>
    %get3A_1372 = vector.shape_cast %get3A_1371 : vector<1x128xf32> to vector<128xf32>
    %broadcast_in_dim3A_1373 = vector.shape_cast %get3A_1372 : vector<128xf32> to vector<1x128xf32>
    %mul3A_1374 = vector.broadcast %broadcast_in_dim3A_1373 : vector<1x128xf32> to vector<256x128xf32>
    %mul3A_1375 = arith.mulf %concatenate3A_13, %mul3A_1374 : vector<256x128xf32>
    %add3A_1376 = arith.addf %add3A_1368, %mul3A_1375 : vector<256x128xf32>
    %get3A_1377 = arith.constant 4 : index
    %get3A_1378 = arith.constant 2560 : index
    %get3A_1379 = vector.load %arg2[%get3A_1377, %get3A_1378] : memref<8x8192xf32, #tpu.memory_space<vmem>>, vector<1x128xf32>
    %get3A_1380 = vector.shape_cast %get3A_1379 : vector<1x128xf32> to vector<128xf32>
    %broadcast_in_dim3A_1381 = vector.shape_cast %get3A_1380 : vector<128xf32> to vector<1x128xf32>
    %mul3A_1382 = vector.broadcast %broadcast_in_dim3A_1381 : vector<1x128xf32> to vector<256x128xf32>
    %mul3A_1383 = arith.mulf %concatenate3A_17, %mul3A_1382 : vector<256x128xf32>
    %add3A_1384 = arith.addf %add3A_1376, %mul3A_1383 : vector<256x128xf32>
    %get3A_1385 = arith.constant 5 : index
    %get3A_1386 = arith.constant 2560 : index
    %get3A_1387 = vector.load %arg2[%get3A_1385, %get3A_1386] : memref<8x8192xf32, #tpu.memory_space<vmem>>, vector<1x128xf32>
    %get3A_1388 = vector.shape_cast %get3A_1387 : vector<1x128xf32> to vector<128xf32>
    %broadcast_in_dim3A_1389 = vector.shape_cast %get3A_1388 : vector<128xf32> to vector<1x128xf32>
    %mul3A_1390 = vector.broadcast %broadcast_in_dim3A_1389 : vector<1x128xf32> to vector<256x128xf32>
    %mul3A_1391 = arith.mulf %concatenate3A_21, %mul3A_1390 : vector<256x128xf32>
    %add3A_1392 = arith.addf %add3A_1384, %mul3A_1391 : vector<256x128xf32>
    %get3A_1393 = arith.constant 6 : index
    %get3A_1394 = arith.constant 2560 : index
    %get3A_1395 = vector.load %arg2[%get3A_1393, %get3A_1394] : memref<8x8192xf32, #tpu.memory_space<vmem>>, vector<1x128xf32>
    %get3A_1396 = vector.shape_cast %get3A_1395 : vector<1x128xf32> to vector<128xf32>
    %broadcast_in_dim3A_1397 = vector.shape_cast %get3A_1396 : vector<128xf32> to vector<1x128xf32>
    %mul3A_1398 = vector.broadcast %broadcast_in_dim3A_1397 : vector<1x128xf32> to vector<256x128xf32>
    %mul3A_1399 = arith.mulf %concatenate3A_25, %mul3A_1398 : vector<256x128xf32>
    %add3A_1400 = arith.addf %add3A_1392, %mul3A_1399 : vector<256x128xf32>
    %get3A_1401 = arith.constant 7 : index
    %get3A_1402 = arith.constant 2560 : index
    %get3A_1403 = vector.load %arg2[%get3A_1401, %get3A_1402] : memref<8x8192xf32, #tpu.memory_space<vmem>>, vector<1x128xf32>
    %get3A_1404 = vector.shape_cast %get3A_1403 : vector<1x128xf32> to vector<128xf32>
    %broadcast_in_dim3A_1405 = vector.shape_cast %get3A_1404 : vector<128xf32> to vector<1x128xf32>
    %mul3A_1406 = vector.broadcast %broadcast_in_dim3A_1405 : vector<1x128xf32> to vector<256x128xf32>
    %mul3A_1407 = arith.mulf %concatenate3A_29, %mul3A_1406 : vector<256x128xf32>
    %add3A_1408 = arith.addf %add3A_1400, %mul3A_1407 : vector<256x128xf32>
    %swap3A_1409 = arith.constant 0 : index
    %swap3A_1410 = arith.constant 2560 : index
    %swap3A_1411 = vector.load %arg3[%swap3A_1409, %swap3A_1410] : memref<256x8192xf32, #tpu.memory_space<vmem>>, vector<256x128xf32>
    tpu.vector_store %arg3[%swap3A_1409, %swap3A_1410], %add3A_1408 {strides = array<i32>} : memref<256x8192xf32, #tpu.memory_space<vmem>>, vector<256x128xf32>,
    %get3A_1412 = arith.constant 0 : index
    %get3A_1413 = arith.constant 2688 : index
    %get3A_1414 = vector.load %arg2[%get3A_1412, %get3A_1413] : memref<8x8192xf32, #tpu.memory_space<vmem>>, vector<1x128xf32>
    %get3A_1415 = vector.shape_cast %get3A_1414 : vector<1x128xf32> to vector<128xf32>
    %broadcast_in_dim3A_1416 = vector.shape_cast %get3A_1415 : vector<128xf32> to vector<1x128xf32>
    %mul3A_1417 = vector.broadcast %broadcast_in_dim3A_1416 : vector<1x128xf32> to vector<256x128xf32>
    %mul3A_1418 = arith.mulf %concatenate3A, %mul3A_1417 : vector<256x128xf32>
    %get3A_1419 = arith.constant 1 : index
    %get3A_1420 = arith.constant 2688 : index
    %get3A_1421 = vector.load %arg2[%get3A_1419, %get3A_1420] : memref<8x8192xf32, #tpu.memory_space<vmem>>, vector<1x128xf32>
    %get3A_1422 = vector.shape_cast %get3A_1421 : vector<1x128xf32> to vector<128xf32>
    %broadcast_in_dim3A_1423 = vector.shape_cast %get3A_1422 : vector<128xf32> to vector<1x128xf32>
    %mul3A_1424 = vector.broadcast %broadcast_in_dim3A_1423 : vector<1x128xf32> to vector<256x128xf32>
    %mul3A_1425 = arith.mulf %concatenate3A_5, %mul3A_1424 : vector<256x128xf32>
    %add3A_1426 = arith.addf %mul3A_1418, %mul3A_1425 : vector<256x128xf32>
    %get3A_1427 = arith.constant 2 : index
    %get3A_1428 = arith.constant 2688 : index
    %get3A_1429 = vector.load %arg2[%get3A_1427, %get3A_1428] : memref<8x8192xf32, #tpu.memory_space<vmem>>, vector<1x128xf32>
    %get3A_1430 = vector.shape_cast %get3A_1429 : vector<1x128xf32> to vector<128xf32>
    %broadcast_in_dim3A_1431 = vector.shape_cast %get3A_1430 : vector<128xf32> to vector<1x128xf32>
    %mul3A_1432 = vector.broadcast %broadcast_in_dim3A_1431 : vector<1x128xf32> to vector<256x128xf32>
    %mul3A_1433 = arith.mulf %concatenate3A_9, %mul3A_1432 : vector<256x128xf32>
    %add3A_1434 = arith.addf %add3A_1426, %mul3A_1433 : vector<256x128xf32>
    %get3A_1435 = arith.constant 3 : index
    %get3A_1436 = arith.constant 2688 : index
    %get3A_1437 = vector.load %arg2[%get3A_1435, %get3A_1436] : memref<8x8192xf32, #tpu.memory_space<vmem>>, vector<1x128xf32>
    %get3A_1438 = vector.shape_cast %get3A_1437 : vector<1x128xf32> to vector<128xf32>
    %broadcast_in_dim3A_1439 = vector.shape_cast %get3A_1438 : vector<128xf32> to vector<1x128xf32>
    %mul3A_1440 = vector.broadcast %broadcast_in_dim3A_1439 : vector<1x128xf32> to vector<256x128xf32>
    %mul3A_1441 = arith.mulf %concatenate3A_13, %mul3A_1440 : vector<256x128xf32>
    %add3A_1442 = arith.addf %add3A_1434, %mul3A_1441 : vector<256x128xf32>
    %get3A_1443 = arith.constant 4 : index
    %get3A_1444 = arith.constant 2688 : index
    %get3A_1445 = vector.load %arg2[%get3A_1443, %get3A_1444] : memref<8x8192xf32, #tpu.memory_space<vmem>>, vector<1x128xf32>
    %get3A_1446 = vector.shape_cast %get3A_1445 : vector<1x128xf32> to vector<128xf32>
    %broadcast_in_dim3A_1447 = vector.shape_cast %get3A_1446 : vector<128xf32> to vector<1x128xf32>
    %mul3A_1448 = vector.broadcast %broadcast_in_dim3A_1447 : vector<1x128xf32> to vector<256x128xf32>
    %mul3A_1449 = arith.mulf %concatenate3A_17, %mul3A_1448 : vector<256x128xf32>
    %add3A_1450 = arith.addf %add3A_1442, %mul3A_1449 : vector<256x128xf32>
    %get3A_1451 = arith.constant 5 : index
    %get3A_1452 = arith.constant 2688 : index
    %get3A_1453 = vector.load %arg2[%get3A_1451, %get3A_1452] : memref<8x8192xf32, #tpu.memory_space<vmem>>, vector<1x128xf32>
    %get3A_1454 = vector.shape_cast %get3A_1453 : vector<1x128xf32> to vector<128xf32>
    %broadcast_in_dim3A_1455 = vector.shape_cast %get3A_1454 : vector<128xf32> to vector<1x128xf32>
    %mul3A_1456 = vector.broadcast %broadcast_in_dim3A_1455 : vector<1x128xf32> to vector<256x128xf32>
    %mul3A_1457 = arith.mulf %concatenate3A_21, %mul3A_1456 : vector<256x128xf32>
    %add3A_1458 = arith.addf %add3A_1450, %mul3A_1457 : vector<256x128xf32>
    %get3A_1459 = arith.constant 6 : index
    %get3A_1460 = arith.constant 2688 : index
    %get3A_1461 = vector.load %arg2[%get3A_1459, %get3A_1460] : memref<8x8192xf32, #tpu.memory_space<vmem>>, vector<1x128xf32>
    %get3A_1462 = vector.shape_cast %get3A_1461 : vector<1x128xf32> to vector<128xf32>
    %broadcast_in_dim3A_1463 = vector.shape_cast %get3A_1462 : vector<128xf32> to vector<1x128xf32>
    %mul3A_1464 = vector.broadcast %broadcast_in_dim3A_1463 : vector<1x128xf32> to vector<256x128xf32>
    %mul3A_1465 = arith.mulf %concatenate3A_25, %mul3A_1464 : vector<256x128xf32>
    %add3A_1466 = arith.addf %add3A_1458, %mul3A_1465 : vector<256x128xf32>
    %get3A_1467 = arith.constant 7 : index
    %get3A_1468 = arith.constant 2688 : index
    %get3A_1469 = vector.load %arg2[%get3A_1467, %get3A_1468] : memref<8x8192xf32, #tpu.memory_space<vmem>>, vector<1x128xf32>
    %get3A_1470 = vector.shape_cast %get3A_1469 : vector<1x128xf32> to vector<128xf32>
    %broadcast_in_dim3A_1471 = vector.shape_cast %get3A_1470 : vector<128xf32> to vector<1x128xf32>
    %mul3A_1472 = vector.broadcast %broadcast_in_dim3A_1471 : vector<1x128xf32> to vector<256x128xf32>
    %mul3A_1473 = arith.mulf %concatenate3A_29, %mul3A_1472 : vector<256x128xf32>
    %add3A_1474 = arith.addf %add3A_1466, %mul3A_1473 : vector<256x128xf32>
    %swap3A_1475 = arith.constant 0 : index
    %swap3A_1476 = arith.constant 2688 : index
    %swap3A_1477 = vector.load %arg3[%swap3A_1475, %swap3A_1476] : memref<256x8192xf32, #tpu.memory_space<vmem>>, vector<256x128xf32>
    tpu.vector_store %arg3[%swap3A_1475, %swap3A_1476], %add3A_1474 {strides = array<i32>} : memref<256x8192xf32, #tpu.memory_space<vmem>>, vector<256x128xf32>,
    %get3A_1478 = arith.constant 0 : index
    %get3A_1479 = arith.constant 2816 : index
    %get3A_1480 = vector.load %arg2[%get3A_1478, %get3A_1479] : memref<8x8192xf32, #tpu.memory_space<vmem>>, vector<1x128xf32>
    %get3A_1481 = vector.shape_cast %get3A_1480 : vector<1x128xf32> to vector<128xf32>
    %broadcast_in_dim3A_1482 = vector.shape_cast %get3A_1481 : vector<128xf32> to vector<1x128xf32>
    %mul3A_1483 = vector.broadcast %broadcast_in_dim3A_1482 : vector<1x128xf32> to vector<256x128xf32>
    %mul3A_1484 = arith.mulf %concatenate3A, %mul3A_1483 : vector<256x128xf32>
    %get3A_1485 = arith.constant 1 : index
    %get3A_1486 = arith.constant 2816 : index
    %get3A_1487 = vector.load %arg2[%get3A_1485, %get3A_1486] : memref<8x8192xf32, #tpu.memory_space<vmem>>, vector<1x128xf32>
    %get3A_1488 = vector.shape_cast %get3A_1487 : vector<1x128xf32> to vector<128xf32>
    %broadcast_in_dim3A_1489 = vector.shape_cast %get3A_1488 : vector<128xf32> to vector<1x128xf32>
    %mul3A_1490 = vector.broadcast %broadcast_in_dim3A_1489 : vector<1x128xf32> to vector<256x128xf32>
    %mul3A_1491 = arith.mulf %concatenate3A_5, %mul3A_1490 : vector<256x128xf32>
    %add3A_1492 = arith.addf %mul3A_1484, %mul3A_1491 : vector<256x128xf32>
    %get3A_1493 = arith.constant 2 : index
    %get3A_1494 = arith.constant 2816 : index
    %get3A_1495 = vector.load %arg2[%get3A_1493, %get3A_1494] : memref<8x8192xf32, #tpu.memory_space<vmem>>, vector<1x128xf32>
    %get3A_1496 = vector.shape_cast %get3A_1495 : vector<1x128xf32> to vector<128xf32>
    %broadcast_in_dim3A_1497 = vector.shape_cast %get3A_1496 : vector<128xf32> to vector<1x128xf32>
    %mul3A_1498 = vector.broadcast %broadcast_in_dim3A_1497 : vector<1x128xf32> to vector<256x128xf32>
    %mul3A_1499 = arith.mulf %concatenate3A_9, %mul3A_1498 : vector<256x128xf32>
    %add3A_1500 = arith.addf %add3A_1492, %mul3A_1499 : vector<256x128xf32>
    %get3A_1501 = arith.constant 3 : index
    %get3A_1502 = arith.constant 2816 : index
    %get3A_1503 = vector.load %arg2[%get3A_1501, %get3A_1502] : memref<8x8192xf32, #tpu.memory_space<vmem>>, vector<1x128xf32>
    %get3A_1504 = vector.shape_cast %get3A_1503 : vector<1x128xf32> to vector<128xf32>
    %broadcast_in_dim3A_1505 = vector.shape_cast %get3A_1504 : vector<128xf32> to vector<1x128xf32>
    %mul3A_1506 = vector.broadcast %broadcast_in_dim3A_1505 : vector<1x128xf32> to vector<256x128xf32>
    %mul3A_1507 = arith.mulf %concatenate3A_13, %mul3A_1506 : vector<256x128xf32>
    %add3A_1508 = arith.addf %add3A_1500, %mul3A_1507 : vector<256x128xf32>
    %get3A_1509 = arith.constant 4 : index
    %get3A_1510 = arith.constant 2816 : index
    %get3A_1511 = vector.load %arg2[%get3A_1509, %get3A_1510] : memref<8x8192xf32, #tpu.memory_space<vmem>>, vector<1x128xf32>
    %get3A_1512 = vector.shape_cast %get3A_1511 : vector<1x128xf32> to vector<128xf32>
    %broadcast_in_dim3A_1513 = vector.shape_cast %get3A_1512 : vector<128xf32> to vector<1x128xf32>
    %mul3A_1514 = vector.broadcast %broadcast_in_dim3A_1513 : vector<1x128xf32> to vector<256x128xf32>
    %mul3A_1515 = arith.mulf %concatenate3A_17, %mul3A_1514 : vector<256x128xf32>
    %add3A_1516 = arith.addf %add3A_1508, %mul3A_1515 : vector<256x128xf32>
    %get3A_1517 = arith.constant 5 : index
    %get3A_1518 = arith.constant 2816 : index
    %get3A_1519 = vector.load %arg2[%get3A_1517, %get3A_1518] : memref<8x8192xf32, #tpu.memory_space<vmem>>, vector<1x128xf32>
    %get3A_1520 = vector.shape_cast %get3A_1519 : vector<1x128xf32> to vector<128xf32>
    %broadcast_in_dim3A_1521 = vector.shape_cast %get3A_1520 : vector<128xf32> to vector<1x128xf32>
    %mul3A_1522 = vector.broadcast %broadcast_in_dim3A_1521 : vector<1x128xf32> to vector<256x128xf32>
    %mul3A_1523 = arith.mulf %concatenate3A_21, %mul3A_1522 : vector<256x128xf32>
    %add3A_1524 = arith.addf %add3A_1516, %mul3A_1523 : vector<256x128xf32>
    %get3A_1525 = arith.constant 6 : index
    %get3A_1526 = arith.constant 2816 : index
    %get3A_1527 = vector.load %arg2[%get3A_1525, %get3A_1526] : memref<8x8192xf32, #tpu.memory_space<vmem>>, vector<1x128xf32>
    %get3A_1528 = vector.shape_cast %get3A_1527 : vector<1x128xf32> to vector<128xf32>
    %broadcast_in_dim3A_1529 = vector.shape_cast %get3A_1528 : vector<128xf32> to vector<1x128xf32>
    %mul3A_1530 = vector.broadcast %broadcast_in_dim3A_1529 : vector<1x128xf32> to vector<256x128xf32>
    %mul3A_1531 = arith.mulf %concatenate3A_25, %mul3A_1530 : vector<256x128xf32>
    %add3A_1532 = arith.addf %add3A_1524, %mul3A_1531 : vector<256x128xf32>
    %get3A_1533 = arith.constant 7 : index
    %get3A_1534 = arith.constant 2816 : index
    %get3A_1535 = vector.load %arg2[%get3A_1533, %get3A_1534] : memref<8x8192xf32, #tpu.memory_space<vmem>>, vector<1x128xf32>
    %get3A_1536 = vector.shape_cast %get3A_1535 : vector<1x128xf32> to vector<128xf32>
    %broadcast_in_dim3A_1537 = vector.shape_cast %get3A_1536 : vector<128xf32> to vector<1x128xf32>
    %mul3A_1538 = vector.broadcast %broadcast_in_dim3A_1537 : vector<1x128xf32> to vector<256x128xf32>
    %mul3A_1539 = arith.mulf %concatenate3A_29, %mul3A_1538 : vector<256x128xf32>
    %add3A_1540 = arith.addf %add3A_1532, %mul3A_1539 : vector<256x128xf32>
    %swap3A_1541 = arith.constant 0 : index
    %swap3A_1542 = arith.constant 2816 : index
    %swap3A_1543 = vector.load %arg3[%swap3A_1541, %swap3A_1542] : memref<256x8192xf32, #tpu.memory_space<vmem>>, vector<256x128xf32>
    tpu.vector_store %arg3[%swap3A_1541, %swap3A_1542], %add3A_1540 {strides = array<i32>} : memref<256x8192xf32, #tpu.memory_space<vmem>>, vector<256x128xf32>,
    %get3A_1544 = arith.constant 0 : index
    %get3A_1545 = arith.constant 2944 : index
    %get3A_1546 = vector.load %arg2[%get3A_1544, %get3A_1545] : memref<8x8192xf32, #tpu.memory_space<vmem>>, vector<1x128xf32>
    %get3A_1547 = vector.shape_cast %get3A_1546 : vector<1x128xf32> to vector<128xf32>
    %broadcast_in_dim3A_1548 = vector.shape_cast %get3A_1547 : vector<128xf32> to vector<1x128xf32>
    %mul3A_1549 = vector.broadcast %broadcast_in_dim3A_1548 : vector<1x128xf32> to vector<256x128xf32>
    %mul3A_1550 = arith.mulf %concatenate3A, %mul3A_1549 : vector<256x128xf32>
    %get3A_1551 = arith.constant 1 : index
    %get3A_1552 = arith.constant 2944 : index
    %get3A_1553 = vector.load %arg2[%get3A_1551, %get3A_1552] : memref<8x8192xf32, #tpu.memory_space<vmem>>, vector<1x128xf32>
    %get3A_1554 = vector.shape_cast %get3A_1553 : vector<1x128xf32> to vector<128xf32>
    %broadcast_in_dim3A_1555 = vector.shape_cast %get3A_1554 : vector<128xf32> to vector<1x128xf32>
    %mul3A_1556 = vector.broadcast %broadcast_in_dim3A_1555 : vector<1x128xf32> to vector<256x128xf32>
    %mul3A_1557 = arith.mulf %concatenate3A_5, %mul3A_1556 : vector<256x128xf32>
    %add3A_1558 = arith.addf %mul3A_1550, %mul3A_1557 : vector<256x128xf32>
    %get3A_1559 = arith.constant 2 : index
    %get3A_1560 = arith.constant 2944 : index
    %get3A_1561 = vector.load %arg2[%get3A_1559, %get3A_1560] : memref<8x8192xf32, #tpu.memory_space<vmem>>, vector<1x128xf32>
    %get3A_1562 = vector.shape_cast %get3A_1561 : vector<1x128xf32> to vector<128xf32>
    %broadcast_in_dim3A_1563 = vector.shape_cast %get3A_1562 : vector<128xf32> to vector<1x128xf32>
    %mul3A_1564 = vector.broadcast %broadcast_in_dim3A_1563 : vector<1x128xf32> to vector<256x128xf32>
    %mul3A_1565 = arith.mulf %concatenate3A_9, %mul3A_1564 : vector<256x128xf32>
    %add3A_1566 = arith.addf %add3A_1558, %mul3A_1565 : vector<256x128xf32>
    %get3A_1567 = arith.constant 3 : index
    %get3A_1568 = arith.constant 2944 : index
    %get3A_1569 = vector.load %arg2[%get3A_1567, %get3A_1568] : memref<8x8192xf32, #tpu.memory_space<vmem>>, vector<1x128xf32>
    %get3A_1570 = vector.shape_cast %get3A_1569 : vector<1x128xf32> to vector<128xf32>
    %broadcast_in_dim3A_1571 = vector.shape_cast %get3A_1570 : vector<128xf32> to vector<1x128xf32>
    %mul3A_1572 = vector.broadcast %broadcast_in_dim3A_1571 : vector<1x128xf32> to vector<256x128xf32>
    %mul3A_1573 = arith.mulf %concatenate3A_13, %mul3A_1572 : vector<256x128xf32>
    %add3A_1574 = arith.addf %add3A_1566, %mul3A_1573 : vector<256x128xf32>
    %get3A_1575 = arith.constant 4 : index
    %get3A_1576 = arith.constant 2944 : index
    %get3A_1577 = vector.load %arg2[%get3A_1575, %get3A_1576] : memref<8x8192xf32, #tpu.memory_space<vmem>>, vector<1x128xf32>
    %get3A_1578 = vector.shape_cast %get3A_1577 : vector<1x128xf32> to vector<128xf32>
    %broadcast_in_dim3A_1579 = vector.shape_cast %get3A_1578 : vector<128xf32> to vector<1x128xf32>
    %mul3A_1580 = vector.broadcast %broadcast_in_dim3A_1579 : vector<1x128xf32> to vector<256x128xf32>
    %mul3A_1581 = arith.mulf %concatenate3A_17, %mul3A_1580 : vector<256x128xf32>
    %add3A_1582 = arith.addf %add3A_1574, %mul3A_1581 : vector<256x128xf32>
    %get3A_1583 = arith.constant 5 : index
    %get3A_1584 = arith.constant 2944 : index
    %get3A_1585 = vector.load %arg2[%get3A_1583, %get3A_1584] : memref<8x8192xf32, #tpu.memory_space<vmem>>, vector<1x128xf32>
    %get3A_1586 = vector.shape_cast %get3A_1585 : vector<1x128xf32> to vector<128xf32>
    %broadcast_in_dim3A_1587 = vector.shape_cast %get3A_1586 : vector<128xf32> to vector<1x128xf32>
    %mul3A_1588 = vector.broadcast %broadcast_in_dim3A_1587 : vector<1x128xf32> to vector<256x128xf32>
    %mul3A_1589 = arith.mulf %concatenate3A_21, %mul3A_1588 : vector<256x128xf32>
    %add3A_1590 = arith.addf %add3A_1582, %mul3A_1589 : vector<256x128xf32>
    %get3A_1591 = arith.constant 6 : index
    %get3A_1592 = arith.constant 2944 : index
    %get3A_1593 = vector.load %arg2[%get3A_1591, %get3A_1592] : memref<8x8192xf32, #tpu.memory_space<vmem>>, vector<1x128xf32>
    %get3A_1594 = vector.shape_cast %get3A_1593 : vector<1x128xf32> to vector<128xf32>
    %broadcast_in_dim3A_1595 = vector.shape_cast %get3A_1594 : vector<128xf32> to vector<1x128xf32>
    %mul3A_1596 = vector.broadcast %broadcast_in_dim3A_1595 : vector<1x128xf32> to vector<256x128xf32>
    %mul3A_1597 = arith.mulf %concatenate3A_25, %mul3A_1596 : vector<256x128xf32>
    %add3A_1598 = arith.addf %add3A_1590, %mul3A_1597 : vector<256x128xf32>
    %get3A_1599 = arith.constant 7 : index
    %get3A_1600 = arith.constant 2944 : index
    %get3A_1601 = vector.load %arg2[%get3A_1599, %get3A_1600] : memref<8x8192xf32, #tpu.memory_space<vmem>>, vector<1x128xf32>
    %get3A_1602 = vector.shape_cast %get3A_1601 : vector<1x128xf32> to vector<128xf32>
    %broadcast_in_dim3A_1603 = vector.shape_cast %get3A_1602 : vector<128xf32> to vector<1x128xf32>
    %mul3A_1604 = vector.broadcast %broadcast_in_dim3A_1603 : vector<1x128xf32> to vector<256x128xf32>
    %mul3A_1605 = arith.mulf %concatenate3A_29, %mul3A_1604 : vector<256x128xf32>
    %add3A_1606 = arith.addf %add3A_1598, %mul3A_1605 : vector<256x128xf32>
    %swap3A_1607 = arith.constant 0 : index
    %swap3A_1608 = arith.constant 2944 : index
    %swap3A_1609 = vector.load %arg3[%swap3A_1607, %swap3A_1608] : memref<256x8192xf32, #tpu.memory_space<vmem>>, vector<256x128xf32>
    tpu.vector_store %arg3[%swap3A_1607, %swap3A_1608], %add3A_1606 {strides = array<i32>} : memref<256x8192xf32, #tpu.memory_space<vmem>>, vector<256x128xf32>,
    %get3A_1610 = arith.constant 0 : index
    %get3A_1611 = arith.constant 3072 : index
    %get3A_1612 = vector.load %arg2[%get3A_1610, %get3A_1611] : memref<8x8192xf32, #tpu.memory_space<vmem>>, vector<1x128xf32>
    %get3A_1613 = vector.shape_cast %get3A_1612 : vector<1x128xf32> to vector<128xf32>
    %broadcast_in_dim3A_1614 = vector.shape_cast %get3A_1613 : vector<128xf32> to vector<1x128xf32>
    %mul3A_1615 = vector.broadcast %broadcast_in_dim3A_1614 : vector<1x128xf32> to vector<256x128xf32>
    %mul3A_1616 = arith.mulf %concatenate3A, %mul3A_1615 : vector<256x128xf32>
    %get3A_1617 = arith.constant 1 : index
    %get3A_1618 = arith.constant 3072 : index
    %get3A_1619 = vector.load %arg2[%get3A_1617, %get3A_1618] : memref<8x8192xf32, #tpu.memory_space<vmem>>, vector<1x128xf32>
    %get3A_1620 = vector.shape_cast %get3A_1619 : vector<1x128xf32> to vector<128xf32>
    %broadcast_in_dim3A_1621 = vector.shape_cast %get3A_1620 : vector<128xf32> to vector<1x128xf32>
    %mul3A_1622 = vector.broadcast %broadcast_in_dim3A_1621 : vector<1x128xf32> to vector<256x128xf32>
    %mul3A_1623 = arith.mulf %concatenate3A_5, %mul3A_1622 : vector<256x128xf32>
    %add3A_1624 = arith.addf %mul3A_1616, %mul3A_1623 : vector<256x128xf32>
    %get3A_1625 = arith.constant 2 : index
    %get3A_1626 = arith.constant 3072 : index
    %get3A_1627 = vector.load %arg2[%get3A_1625, %get3A_1626] : memref<8x8192xf32, #tpu.memory_space<vmem>>, vector<1x128xf32>
    %get3A_1628 = vector.shape_cast %get3A_1627 : vector<1x128xf32> to vector<128xf32>
    %broadcast_in_dim3A_1629 = vector.shape_cast %get3A_1628 : vector<128xf32> to vector<1x128xf32>
    %mul3A_1630 = vector.broadcast %broadcast_in_dim3A_1629 : vector<1x128xf32> to vector<256x128xf32>
    %mul3A_1631 = arith.mulf %concatenate3A_9, %mul3A_1630 : vector<256x128xf32>
    %add3A_1632 = arith.addf %add3A_1624, %mul3A_1631 : vector<256x128xf32>
    %get3A_1633 = arith.constant 3 : index
    %get3A_1634 = arith.constant 3072 : index
    %get3A_1635 = vector.load %arg2[%get3A_1633, %get3A_1634] : memref<8x8192xf32, #tpu.memory_space<vmem>>, vector<1x128xf32>
    %get3A_1636 = vector.shape_cast %get3A_1635 : vector<1x128xf32> to vector<128xf32>
    %broadcast_in_dim3A_1637 = vector.shape_cast %get3A_1636 : vector<128xf32> to vector<1x128xf32>
    %mul3A_1638 = vector.broadcast %broadcast_in_dim3A_1637 : vector<1x128xf32> to vector<256x128xf32>
    %mul3A_1639 = arith.mulf %concatenate3A_13, %mul3A_1638 : vector<256x128xf32>
    %add3A_1640 = arith.addf %add3A_1632, %mul3A_1639 : vector<256x128xf32>
    %get3A_1641 = arith.constant 4 : index
    %get3A_1642 = arith.constant 3072 : index
    %get3A_1643 = vector.load %arg2[%get3A_1641, %get3A_1642] : memref<8x8192xf32, #tpu.memory_space<vmem>>, vector<1x128xf32>
    %get3A_1644 = vector.shape_cast %get3A_1643 : vector<1x128xf32> to vector<128xf32>
    %broadcast_in_dim3A_1645 = vector.shape_cast %get3A_1644 : vector<128xf32> to vector<1x128xf32>
    %mul3A_1646 = vector.broadcast %broadcast_in_dim3A_1645 : vector<1x128xf32> to vector<256x128xf32>
    %mul3A_1647 = arith.mulf %concatenate3A_17, %mul3A_1646 : vector<256x128xf32>
    %add3A_1648 = arith.addf %add3A_1640, %mul3A_1647 : vector<256x128xf32>
    %get3A_1649 = arith.constant 5 : index
    %get3A_1650 = arith.constant 3072 : index
    %get3A_1651 = vector.load %arg2[%get3A_1649, %get3A_1650] : memref<8x8192xf32, #tpu.memory_space<vmem>>, vector<1x128xf32>
    %get3A_1652 = vector.shape_cast %get3A_1651 : vector<1x128xf32> to vector<128xf32>
    %broadcast_in_dim3A_1653 = vector.shape_cast %get3A_1652 : vector<128xf32> to vector<1x128xf32>
    %mul3A_1654 = vector.broadcast %broadcast_in_dim3A_1653 : vector<1x128xf32> to vector<256x128xf32>
    %mul3A_1655 = arith.mulf %concatenate3A_21, %mul3A_1654 : vector<256x128xf32>
    %add3A_1656 = arith.addf %add3A_1648, %mul3A_1655 : vector<256x128xf32>
    %get3A_1657 = arith.constant 6 : index
    %get3A_1658 = arith.constant 3072 : index
    %get3A_1659 = vector.load %arg2[%get3A_1657, %get3A_1658] : memref<8x8192xf32, #tpu.memory_space<vmem>>, vector<1x128xf32>
    %get3A_1660 = vector.shape_cast %get3A_1659 : vector<1x128xf32> to vector<128xf32>
    %broadcast_in_dim3A_1661 = vector.shape_cast %get3A_1660 : vector<128xf32> to vector<1x128xf32>
    %mul3A_1662 = vector.broadcast %broadcast_in_dim3A_1661 : vector<1x128xf32> to vector<256x128xf32>
    %mul3A_1663 = arith.mulf %concatenate3A_25, %mul3A_1662 : vector<256x128xf32>
    %add3A_1664 = arith.addf %add3A_1656, %mul3A_1663 : vector<256x128xf32>
    %get3A_1665 = arith.constant 7 : index
    %get3A_1666 = arith.constant 3072 : index
    %get3A_1667 = vector.load %arg2[%get3A_1665, %get3A_1666] : memref<8x8192xf32, #tpu.memory_space<vmem>>, vector<1x128xf32>
    %get3A_1668 = vector.shape_cast %get3A_1667 : vector<1x128xf32> to vector<128xf32>
    %broadcast_in_dim3A_1669 = vector.shape_cast %get3A_1668 : vector<128xf32> to vector<1x128xf32>
    %mul3A_1670 = vector.broadcast %broadcast_in_dim3A_1669 : vector<1x128xf32> to vector<256x128xf32>
    %mul3A_1671 = arith.mulf %concatenate3A_29, %mul3A_1670 : vector<256x128xf32>
    %add3A_1672 = arith.addf %add3A_1664, %mul3A_1671 : vector<256x128xf32>
    %swap3A_1673 = arith.constant 0 : index
    %swap3A_1674 = arith.constant 3072 : index
    %swap3A_1675 = vector.load %arg3[%swap3A_1673, %swap3A_1674] : memref<256x8192xf32, #tpu.memory_space<vmem>>, vector<256x128xf32>
    tpu.vector_store %arg3[%swap3A_1673, %swap3A_1674], %add3A_1672 {strides = array<i32>} : memref<256x8192xf32, #tpu.memory_space<vmem>>, vector<256x128xf32>,
    %get3A_1676 = arith.constant 0 : index
    %get3A_1677 = arith.constant 3200 : index
    %get3A_1678 = vector.load %arg2[%get3A_1676, %get3A_1677] : memref<8x8192xf32, #tpu.memory_space<vmem>>, vector<1x128xf32>
    %get3A_1679 = vector.shape_cast %get3A_1678 : vector<1x128xf32> to vector<128xf32>
    %broadcast_in_dim3A_1680 = vector.shape_cast %get3A_1679 : vector<128xf32> to vector<1x128xf32>
    %mul3A_1681 = vector.broadcast %broadcast_in_dim3A_1680 : vector<1x128xf32> to vector<256x128xf32>
    %mul3A_1682 = arith.mulf %concatenate3A, %mul3A_1681 : vector<256x128xf32>
    %get3A_1683 = arith.constant 1 : index
    %get3A_1684 = arith.constant 3200 : index
    %get3A_1685 = vector.load %arg2[%get3A_1683, %get3A_1684] : memref<8x8192xf32, #tpu.memory_space<vmem>>, vector<1x128xf32>
    %get3A_1686 = vector.shape_cast %get3A_1685 : vector<1x128xf32> to vector<128xf32>
    %broadcast_in_dim3A_1687 = vector.shape_cast %get3A_1686 : vector<128xf32> to vector<1x128xf32>
    %mul3A_1688 = vector.broadcast %broadcast_in_dim3A_1687 : vector<1x128xf32> to vector<256x128xf32>
    %mul3A_1689 = arith.mulf %concatenate3A_5, %mul3A_1688 : vector<256x128xf32>
    %add3A_1690 = arith.addf %mul3A_1682, %mul3A_1689 : vector<256x128xf32>
    %get3A_1691 = arith.constant 2 : index
    %get3A_1692 = arith.constant 3200 : index
    %get3A_1693 = vector.load %arg2[%get3A_1691, %get3A_1692] : memref<8x8192xf32, #tpu.memory_space<vmem>>, vector<1x128xf32>
    %get3A_1694 = vector.shape_cast %get3A_1693 : vector<1x128xf32> to vector<128xf32>
    %broadcast_in_dim3A_1695 = vector.shape_cast %get3A_1694 : vector<128xf32> to vector<1x128xf32>
    %mul3A_1696 = vector.broadcast %broadcast_in_dim3A_1695 : vector<1x128xf32> to vector<256x128xf32>
    %mul3A_1697 = arith.mulf %concatenate3A_9, %mul3A_1696 : vector<256x128xf32>
    %add3A_1698 = arith.addf %add3A_1690, %mul3A_1697 : vector<256x128xf32>
    %get3A_1699 = arith.constant 3 : index
    %get3A_1700 = arith.constant 3200 : index
    %get3A_1701 = vector.load %arg2[%get3A_1699, %get3A_1700] : memref<8x8192xf32, #tpu.memory_space<vmem>>, vector<1x128xf32>
    %get3A_1702 = vector.shape_cast %get3A_1701 : vector<1x128xf32> to vector<128xf32>
    %broadcast_in_dim3A_1703 = vector.shape_cast %get3A_1702 : vector<128xf32> to vector<1x128xf32>
    %mul3A_1704 = vector.broadcast %broadcast_in_dim3A_1703 : vector<1x128xf32> to vector<256x128xf32>
    %mul3A_1705 = arith.mulf %concatenate3A_13, %mul3A_1704 : vector<256x128xf32>
    %add3A_1706 = arith.addf %add3A_1698, %mul3A_1705 : vector<256x128xf32>
    %get3A_1707 = arith.constant 4 : index
    %get3A_1708 = arith.constant 3200 : index
    %get3A_1709 = vector.load %arg2[%get3A_1707, %get3A_1708] : memref<8x8192xf32, #tpu.memory_space<vmem>>, vector<1x128xf32>
    %get3A_1710 = vector.shape_cast %get3A_1709 : vector<1x128xf32> to vector<128xf32>
    %broadcast_in_dim3A_1711 = vector.shape_cast %get3A_1710 : vector<128xf32> to vector<1x128xf32>
    %mul3A_1712 = vector.broadcast %broadcast_in_dim3A_1711 : vector<1x128xf32> to vector<256x128xf32>
    %mul3A_1713 = arith.mulf %concatenate3A_17, %mul3A_1712 : vector<256x128xf32>
    %add3A_1714 = arith.addf %add3A_1706, %mul3A_1713 : vector<256x128xf32>
    %get3A_1715 = arith.constant 5 : index
    %get3A_1716 = arith.constant 3200 : index
    %get3A_1717 = vector.load %arg2[%get3A_1715, %get3A_1716] : memref<8x8192xf32, #tpu.memory_space<vmem>>, vector<1x128xf32>
    %get3A_1718 = vector.shape_cast %get3A_1717 : vector<1x128xf32> to vector<128xf32>
    %broadcast_in_dim3A_1719 = vector.shape_cast %get3A_1718 : vector<128xf32> to vector<1x128xf32>
    %mul3A_1720 = vector.broadcast %broadcast_in_dim3A_1719 : vector<1x128xf32> to vector<256x128xf32>
    %mul3A_1721 = arith.mulf %concatenate3A_21, %mul3A_1720 : vector<256x128xf32>
    %add3A_1722 = arith.addf %add3A_1714, %mul3A_1721 : vector<256x128xf32>
    %get3A_1723 = arith.constant 6 : index
    %get3A_1724 = arith.constant 3200 : index
    %get3A_1725 = vector.load %arg2[%get3A_1723, %get3A_1724] : memref<8x8192xf32, #tpu.memory_space<vmem>>, vector<1x128xf32>
    %get3A_1726 = vector.shape_cast %get3A_1725 : vector<1x128xf32> to vector<128xf32>
    %broadcast_in_dim3A_1727 = vector.shape_cast %get3A_1726 : vector<128xf32> to vector<1x128xf32>
    %mul3A_1728 = vector.broadcast %broadcast_in_dim3A_1727 : vector<1x128xf32> to vector<256x128xf32>
    %mul3A_1729 = arith.mulf %concatenate3A_25, %mul3A_1728 : vector<256x128xf32>
    %add3A_1730 = arith.addf %add3A_1722, %mul3A_1729 : vector<256x128xf32>
    %get3A_1731 = arith.constant 7 : index
    %get3A_1732 = arith.constant 3200 : index
    %get3A_1733 = vector.load %arg2[%get3A_1731, %get3A_1732] : memref<8x8192xf32, #tpu.memory_space<vmem>>, vector<1x128xf32>
    %get3A_1734 = vector.shape_cast %get3A_1733 : vector<1x128xf32> to vector<128xf32>
    %broadcast_in_dim3A_1735 = vector.shape_cast %get3A_1734 : vector<128xf32> to vector<1x128xf32>
    %mul3A_1736 = vector.broadcast %broadcast_in_dim3A_1735 : vector<1x128xf32> to vector<256x128xf32>
    %mul3A_1737 = arith.mulf %concatenate3A_29, %mul3A_1736 : vector<256x128xf32>
    %add3A_1738 = arith.addf %add3A_1730, %mul3A_1737 : vector<256x128xf32>
    %swap3A_1739 = arith.constant 0 : index
    %swap3A_1740 = arith.constant 3200 : index
    %swap3A_1741 = vector.load %arg3[%swap3A_1739, %swap3A_1740] : memref<256x8192xf32, #tpu.memory_space<vmem>>, vector<256x128xf32>
    tpu.vector_store %arg3[%swap3A_1739, %swap3A_1740], %add3A_1738 {strides = array<i32>} : memref<256x8192xf32, #tpu.memory_space<vmem>>, vector<256x128xf32>,
    %get3A_1742 = arith.constant 0 : index
    %get3A_1743 = arith.constant 3328 : index
    %get3A_1744 = vector.load %arg2[%get3A_1742, %get3A_1743] : memref<8x8192xf32, #tpu.memory_space<vmem>>, vector<1x128xf32>
    %get3A_1745 = vector.shape_cast %get3A_1744 : vector<1x128xf32> to vector<128xf32>
    %broadcast_in_dim3A_1746 = vector.shape_cast %get3A_1745 : vector<128xf32> to vector<1x128xf32>
    %mul3A_1747 = vector.broadcast %broadcast_in_dim3A_1746 : vector<1x128xf32> to vector<256x128xf32>
    %mul3A_1748 = arith.mulf %concatenate3A, %mul3A_1747 : vector<256x128xf32>
    %get3A_1749 = arith.constant 1 : index
    %get3A_1750 = arith.constant 3328 : index
    %get3A_1751 = vector.load %arg2[%get3A_1749, %get3A_1750] : memref<8x8192xf32, #tpu.memory_space<vmem>>, vector<1x128xf32>
    %get3A_1752 = vector.shape_cast %get3A_1751 : vector<1x128xf32> to vector<128xf32>
    %broadcast_in_dim3A_1753 = vector.shape_cast %get3A_1752 : vector<128xf32> to vector<1x128xf32>
    %mul3A_1754 = vector.broadcast %broadcast_in_dim3A_1753 : vector<1x128xf32> to vector<256x128xf32>
    %mul3A_1755 = arith.mulf %concatenate3A_5, %mul3A_1754 : vector<256x128xf32>
    %add3A_1756 = arith.addf %mul3A_1748, %mul3A_1755 : vector<256x128xf32>
    %get3A_1757 = arith.constant 2 : index
    %get3A_1758 = arith.constant 3328 : index
    %get3A_1759 = vector.load %arg2[%get3A_1757, %get3A_1758] : memref<8x8192xf32, #tpu.memory_space<vmem>>, vector<1x128xf32>
    %get3A_1760 = vector.shape_cast %get3A_1759 : vector<1x128xf32> to vector<128xf32>
    %broadcast_in_dim3A_1761 = vector.shape_cast %get3A_1760 : vector<128xf32> to vector<1x128xf32>
    %mul3A_1762 = vector.broadcast %broadcast_in_dim3A_1761 : vector<1x128xf32> to vector<256x128xf32>
    %mul3A_1763 = arith.mulf %concatenate3A_9, %mul3A_1762 : vector<256x128xf32>
    %add3A_1764 = arith.addf %add3A_1756, %mul3A_1763 : vector<256x128xf32>
    %get3A_1765 = arith.constant 3 : index
    %get3A_1766 = arith.constant 3328 : index
    %get3A_1767 = vector.load %arg2[%get3A_1765, %get3A_1766] : memref<8x8192xf32, #tpu.memory_space<vmem>>, vector<1x128xf32>
    %get3A_1768 = vector.shape_cast %get3A_1767 : vector<1x128xf32> to vector<128xf32>
    %broadcast_in_dim3A_1769 = vector.shape_cast %get3A_1768 : vector<128xf32> to vector<1x128xf32>
    %mul3A_1770 = vector.broadcast %broadcast_in_dim3A_1769 : vector<1x128xf32> to vector<256x128xf32>
    %mul3A_1771 = arith.mulf %concatenate3A_13, %mul3A_1770 : vector<256x128xf32>
    %add3A_1772 = arith.addf %add3A_1764, %mul3A_1771 : vector<256x128xf32>
    %get3A_1773 = arith.constant 4 : index
    %get3A_1774 = arith.constant 3328 : index
    %get3A_1775 = vector.load %arg2[%get3A_1773, %get3A_1774] : memref<8x8192xf32, #tpu.memory_space<vmem>>, vector<1x128xf32>
    %get3A_1776 = vector.shape_cast %get3A_1775 : vector<1x128xf32> to vector<128xf32>
    %broadcast_in_dim3A_1777 = vector.shape_cast %get3A_1776 : vector<128xf32> to vector<1x128xf32>
    %mul3A_1778 = vector.broadcast %broadcast_in_dim3A_1777 : vector<1x128xf32> to vector<256x128xf32>
    %mul3A_1779 = arith.mulf %concatenate3A_17, %mul3A_1778 : vector<256x128xf32>
    %add3A_1780 = arith.addf %add3A_1772, %mul3A_1779 : vector<256x128xf32>
    %get3A_1781 = arith.constant 5 : index
    %get3A_1782 = arith.constant 3328 : index
    %get3A_1783 = vector.load %arg2[%get3A_1781, %get3A_1782] : memref<8x8192xf32, #tpu.memory_space<vmem>>, vector<1x128xf32>
    %get3A_1784 = vector.shape_cast %get3A_1783 : vector<1x128xf32> to vector<128xf32>
    %broadcast_in_dim3A_1785 = vector.shape_cast %get3A_1784 : vector<128xf32> to vector<1x128xf32>
    %mul3A_1786 = vector.broadcast %broadcast_in_dim3A_1785 : vector<1x128xf32> to vector<256x128xf32>
    %mul3A_1787 = arith.mulf %concatenate3A_21, %mul3A_1786 : vector<256x128xf32>
    %add3A_1788 = arith.addf %add3A_1780, %mul3A_1787 : vector<256x128xf32>
    %get3A_1789 = arith.constant 6 : index
    %get3A_1790 = arith.constant 3328 : index
    %get3A_1791 = vector.load %arg2[%get3A_1789, %get3A_1790] : memref<8x8192xf32, #tpu.memory_space<vmem>>, vector<1x128xf32>
    %get3A_1792 = vector.shape_cast %get3A_1791 : vector<1x128xf32> to vector<128xf32>
    %broadcast_in_dim3A_1793 = vector.shape_cast %get3A_1792 : vector<128xf32> to vector<1x128xf32>
    %mul3A_1794 = vector.broadcast %broadcast_in_dim3A_1793 : vector<1x128xf32> to vector<256x128xf32>
    %mul3A_1795 = arith.mulf %concatenate3A_25, %mul3A_1794 : vector<256x128xf32>
    %add3A_1796 = arith.addf %add3A_1788, %mul3A_1795 : vector<256x128xf32>
    %get3A_1797 = arith.constant 7 : index
    %get3A_1798 = arith.constant 3328 : index
    %get3A_1799 = vector.load %arg2[%get3A_1797, %get3A_1798] : memref<8x8192xf32, #tpu.memory_space<vmem>>, vector<1x128xf32>
    %get3A_1800 = vector.shape_cast %get3A_1799 : vector<1x128xf32> to vector<128xf32>
    %broadcast_in_dim3A_1801 = vector.shape_cast %get3A_1800 : vector<128xf32> to vector<1x128xf32>
    %mul3A_1802 = vector.broadcast %broadcast_in_dim3A_1801 : vector<1x128xf32> to vector<256x128xf32>
    %mul3A_1803 = arith.mulf %concatenate3A_29, %mul3A_1802 : vector<256x128xf32>
    %add3A_1804 = arith.addf %add3A_1796, %mul3A_1803 : vector<256x128xf32>
    %swap3A_1805 = arith.constant 0 : index
    %swap3A_1806 = arith.constant 3328 : index
    %swap3A_1807 = vector.load %arg3[%swap3A_1805, %swap3A_1806] : memref<256x8192xf32, #tpu.memory_space<vmem>>, vector<256x128xf32>
    tpu.vector_store %arg3[%swap3A_1805, %swap3A_1806], %add3A_1804 {strides = array<i32>} : memref<256x8192xf32, #tpu.memory_space<vmem>>, vector<256x128xf32>,
    %get3A_1808 = arith.constant 0 : index
    %get3A_1809 = arith.constant 3456 : index
    %get3A_1810 = vector.load %arg2[%get3A_1808, %get3A_1809] : memref<8x8192xf32, #tpu.memory_space<vmem>>, vector<1x128xf32>
    %get3A_1811 = vector.shape_cast %get3A_1810 : vector<1x128xf32> to vector<128xf32>
    %broadcast_in_dim3A_1812 = vector.shape_cast %get3A_1811 : vector<128xf32> to vector<1x128xf32>
    %mul3A_1813 = vector.broadcast %broadcast_in_dim3A_1812 : vector<1x128xf32> to vector<256x128xf32>
    %mul3A_1814 = arith.mulf %concatenate3A, %mul3A_1813 : vector<256x128xf32>
    %get3A_1815 = arith.constant 1 : index
    %get3A_1816 = arith.constant 3456 : index
    %get3A_1817 = vector.load %arg2[%get3A_1815, %get3A_1816] : memref<8x8192xf32, #tpu.memory_space<vmem>>, vector<1x128xf32>
    %get3A_1818 = vector.shape_cast %get3A_1817 : vector<1x128xf32> to vector<128xf32>
    %broadcast_in_dim3A_1819 = vector.shape_cast %get3A_1818 : vector<128xf32> to vector<1x128xf32>
    %mul3A_1820 = vector.broadcast %broadcast_in_dim3A_1819 : vector<1x128xf32> to vector<256x128xf32>
    %mul3A_1821 = arith.mulf %concatenate3A_5, %mul3A_1820 : vector<256x128xf32>
    %add3A_1822 = arith.addf %mul3A_1814, %mul3A_1821 : vector<256x128xf32>
    %get3A_1823 = arith.constant 2 : index
    %get3A_1824 = arith.constant 3456 : index
    %get3A_1825 = vector.load %arg2[%get3A_1823, %get3A_1824] : memref<8x8192xf32, #tpu.memory_space<vmem>>, vector<1x128xf32>
    %get3A_1826 = vector.shape_cast %get3A_1825 : vector<1x128xf32> to vector<128xf32>
    %broadcast_in_dim3A_1827 = vector.shape_cast %get3A_1826 : vector<128xf32> to vector<1x128xf32>
    %mul3A_1828 = vector.broadcast %broadcast_in_dim3A_1827 : vector<1x128xf32> to vector<256x128xf32>
    %mul3A_1829 = arith.mulf %concatenate3A_9, %mul3A_1828 : vector<256x128xf32>
    %add3A_1830 = arith.addf %add3A_1822, %mul3A_1829 : vector<256x128xf32>
    %get3A_1831 = arith.constant 3 : index
    %get3A_1832 = arith.constant 3456 : index
    %get3A_1833 = vector.load %arg2[%get3A_1831, %get3A_1832] : memref<8x8192xf32, #tpu.memory_space<vmem>>, vector<1x128xf32>
    %get3A_1834 = vector.shape_cast %get3A_1833 : vector<1x128xf32> to vector<128xf32>
    %broadcast_in_dim3A_1835 = vector.shape_cast %get3A_1834 : vector<128xf32> to vector<1x128xf32>
    %mul3A_1836 = vector.broadcast %broadcast_in_dim3A_1835 : vector<1x128xf32> to vector<256x128xf32>
    %mul3A_1837 = arith.mulf %concatenate3A_13, %mul3A_1836 : vector<256x128xf32>
    %add3A_1838 = arith.addf %add3A_1830, %mul3A_1837 : vector<256x128xf32>
    %get3A_1839 = arith.constant 4 : index
    %get3A_1840 = arith.constant 3456 : index
    %get3A_1841 = vector.load %arg2[%get3A_1839, %get3A_1840] : memref<8x8192xf32, #tpu.memory_space<vmem>>, vector<1x128xf32>
    %get3A_1842 = vector.shape_cast %get3A_1841 : vector<1x128xf32> to vector<128xf32>
    %broadcast_in_dim3A_1843 = vector.shape_cast %get3A_1842 : vector<128xf32> to vector<1x128xf32>
    %mul3A_1844 = vector.broadcast %broadcast_in_dim3A_1843 : vector<1x128xf32> to vector<256x128xf32>
    %mul3A_1845 = arith.mulf %concatenate3A_17, %mul3A_1844 : vector<256x128xf32>
    %add3A_1846 = arith.addf %add3A_1838, %mul3A_1845 : vector<256x128xf32>
    %get3A_1847 = arith.constant 5 : index
    %get3A_1848 = arith.constant 3456 : index
    %get3A_1849 = vector.load %arg2[%get3A_1847, %get3A_1848] : memref<8x8192xf32, #tpu.memory_space<vmem>>, vector<1x128xf32>
    %get3A_1850 = vector.shape_cast %get3A_1849 : vector<1x128xf32> to vector<128xf32>
    %broadcast_in_dim3A_1851 = vector.shape_cast %get3A_1850 : vector<128xf32> to vector<1x128xf32>
    %mul3A_1852 = vector.broadcast %broadcast_in_dim3A_1851 : vector<1x128xf32> to vector<256x128xf32>
    %mul3A_1853 = arith.mulf %concatenate3A_21, %mul3A_1852 : vector<256x128xf32>
    %add3A_1854 = arith.addf %add3A_1846, %mul3A_1853 : vector<256x128xf32>
    %get3A_1855 = arith.constant 6 : index
    %get3A_1856 = arith.constant 3456 : index
    %get3A_1857 = vector.load %arg2[%get3A_1855, %get3A_1856] : memref<8x8192xf32, #tpu.memory_space<vmem>>, vector<1x128xf32>
    %get3A_1858 = vector.shape_cast %get3A_1857 : vector<1x128xf32> to vector<128xf32>
    %broadcast_in_dim3A_1859 = vector.shape_cast %get3A_1858 : vector<128xf32> to vector<1x128xf32>
    %mul3A_1860 = vector.broadcast %broadcast_in_dim3A_1859 : vector<1x128xf32> to vector<256x128xf32>
    %mul3A_1861 = arith.mulf %concatenate3A_25, %mul3A_1860 : vector<256x128xf32>
    %add3A_1862 = arith.addf %add3A_1854, %mul3A_1861 : vector<256x128xf32>
    %get3A_1863 = arith.constant 7 : index
    %get3A_1864 = arith.constant 3456 : index
    %get3A_1865 = vector.load %arg2[%get3A_1863, %get3A_1864] : memref<8x8192xf32, #tpu.memory_space<vmem>>, vector<1x128xf32>
    %get3A_1866 = vector.shape_cast %get3A_1865 : vector<1x128xf32> to vector<128xf32>
    %broadcast_in_dim3A_1867 = vector.shape_cast %get3A_1866 : vector<128xf32> to vector<1x128xf32>
    %mul3A_1868 = vector.broadcast %broadcast_in_dim3A_1867 : vector<1x128xf32> to vector<256x128xf32>
    %mul3A_1869 = arith.mulf %concatenate3A_29, %mul3A_1868 : vector<256x128xf32>
    %add3A_1870 = arith.addf %add3A_1862, %mul3A_1869 : vector<256x128xf32>
    %swap3A_1871 = arith.constant 0 : index
    %swap3A_1872 = arith.constant 3456 : index
    %swap3A_1873 = vector.load %arg3[%swap3A_1871, %swap3A_1872] : memref<256x8192xf32, #tpu.memory_space<vmem>>, vector<256x128xf32>
    tpu.vector_store %arg3[%swap3A_1871, %swap3A_1872], %add3A_1870 {strides = array<i32>} : memref<256x8192xf32, #tpu.memory_space<vmem>>, vector<256x128xf32>,
    %get3A_1874 = arith.constant 0 : index
    %get3A_1875 = arith.constant 3584 : index
    %get3A_1876 = vector.load %arg2[%get3A_1874, %get3A_1875] : memref<8x8192xf32, #tpu.memory_space<vmem>>, vector<1x128xf32>
    %get3A_1877 = vector.shape_cast %get3A_1876 : vector<1x128xf32> to vector<128xf32>
    %broadcast_in_dim3A_1878 = vector.shape_cast %get3A_1877 : vector<128xf32> to vector<1x128xf32>
    %mul3A_1879 = vector.broadcast %broadcast_in_dim3A_1878 : vector<1x128xf32> to vector<256x128xf32>
    %mul3A_1880 = arith.mulf %concatenate3A, %mul3A_1879 : vector<256x128xf32>
    %get3A_1881 = arith.constant 1 : index
    %get3A_1882 = arith.constant 3584 : index
    %get3A_1883 = vector.load %arg2[%get3A_1881, %get3A_1882] : memref<8x8192xf32, #tpu.memory_space<vmem>>, vector<1x128xf32>
    %get3A_1884 = vector.shape_cast %get3A_1883 : vector<1x128xf32> to vector<128xf32>
    %broadcast_in_dim3A_1885 = vector.shape_cast %get3A_1884 : vector<128xf32> to vector<1x128xf32>
    %mul3A_1886 = vector.broadcast %broadcast_in_dim3A_1885 : vector<1x128xf32> to vector<256x128xf32>
    %mul3A_1887 = arith.mulf %concatenate3A_5, %mul3A_1886 : vector<256x128xf32>
    %add3A_1888 = arith.addf %mul3A_1880, %mul3A_1887 : vector<256x128xf32>
    %get3A_1889 = arith.constant 2 : index
    %get3A_1890 = arith.constant 3584 : index
    %get3A_1891 = vector.load %arg2[%get3A_1889, %get3A_1890] : memref<8x8192xf32, #tpu.memory_space<vmem>>, vector<1x128xf32>
    %get3A_1892 = vector.shape_cast %get3A_1891 : vector<1x128xf32> to vector<128xf32>
    %broadcast_in_dim3A_1893 = vector.shape_cast %get3A_1892 : vector<128xf32> to vector<1x128xf32>
    %mul3A_1894 = vector.broadcast %broadcast_in_dim3A_1893 : vector<1x128xf32> to vector<256x128xf32>
    %mul3A_1895 = arith.mulf %concatenate3A_9, %mul3A_1894 : vector<256x128xf32>
    %add3A_1896 = arith.addf %add3A_1888, %mul3A_1895 : vector<256x128xf32>
    %get3A_1897 = arith.constant 3 : index
    %get3A_1898 = arith.constant 3584 : index
    %get3A_1899 = vector.load %arg2[%get3A_1897, %get3A_1898] : memref<8x8192xf32, #tpu.memory_space<vmem>>, vector<1x128xf32>
    %get3A_1900 = vector.shape_cast %get3A_1899 : vector<1x128xf32> to vector<128xf32>
    %broadcast_in_dim3A_1901 = vector.shape_cast %get3A_1900 : vector<128xf32> to vector<1x128xf32>
    %mul3A_1902 = vector.broadcast %broadcast_in_dim3A_1901 : vector<1x128xf32> to vector<256x128xf32>
    %mul3A_1903 = arith.mulf %concatenate3A_13, %mul3A_1902 : vector<256x128xf32>
    %add3A_1904 = arith.addf %add3A_1896, %mul3A_1903 : vector<256x128xf32>
    %get3A_1905 = arith.constant 4 : index
    %get3A_1906 = arith.constant 3584 : index
    %get3A_1907 = vector.load %arg2[%get3A_1905, %get3A_1906] : memref<8x8192xf32, #tpu.memory_space<vmem>>, vector<1x128xf32>
    %get3A_1908 = vector.shape_cast %get3A_1907 : vector<1x128xf32> to vector<128xf32>
    %broadcast_in_dim3A_1909 = vector.shape_cast %get3A_1908 : vector<128xf32> to vector<1x128xf32>
    %mul3A_1910 = vector.broadcast %broadcast_in_dim3A_1909 : vector<1x128xf32> to vector<256x128xf32>
    %mul3A_1911 = arith.mulf %concatenate3A_17, %mul3A_1910 : vector<256x128xf32>
    %add3A_1912 = arith.addf %add3A_1904, %mul3A_1911 : vector<256x128xf32>
    %get3A_1913 = arith.constant 5 : index
    %get3A_1914 = arith.constant 3584 : index
    %get3A_1915 = vector.load %arg2[%get3A_1913, %get3A_1914] : memref<8x8192xf32, #tpu.memory_space<vmem>>, vector<1x128xf32>
    %get3A_1916 = vector.shape_cast %get3A_1915 : vector<1x128xf32> to vector<128xf32>
    %broadcast_in_dim3A_1917 = vector.shape_cast %get3A_1916 : vector<128xf32> to vector<1x128xf32>
    %mul3A_1918 = vector.broadcast %broadcast_in_dim3A_1917 : vector<1x128xf32> to vector<256x128xf32>
    %mul3A_1919 = arith.mulf %concatenate3A_21, %mul3A_1918 : vector<256x128xf32>
    %add3A_1920 = arith.addf %add3A_1912, %mul3A_1919 : vector<256x128xf32>
    %get3A_1921 = arith.constant 6 : index
    %get3A_1922 = arith.constant 3584 : index
    %get3A_1923 = vector.load %arg2[%get3A_1921, %get3A_1922] : memref<8x8192xf32, #tpu.memory_space<vmem>>, vector<1x128xf32>
    %get3A_1924 = vector.shape_cast %get3A_1923 : vector<1x128xf32> to vector<128xf32>
    %broadcast_in_dim3A_1925 = vector.shape_cast %get3A_1924 : vector<128xf32> to vector<1x128xf32>
    %mul3A_1926 = vector.broadcast %broadcast_in_dim3A_1925 : vector<1x128xf32> to vector<256x128xf32>
    %mul3A_1927 = arith.mulf %concatenate3A_25, %mul3A_1926 : vector<256x128xf32>
    %add3A_1928 = arith.addf %add3A_1920, %mul3A_1927 : vector<256x128xf32>
    %get3A_1929 = arith.constant 7 : index
    %get3A_1930 = arith.constant 3584 : index
    %get3A_1931 = vector.load %arg2[%get3A_1929, %get3A_1930] : memref<8x8192xf32, #tpu.memory_space<vmem>>, vector<1x128xf32>
    %get3A_1932 = vector.shape_cast %get3A_1931 : vector<1x128xf32> to vector<128xf32>
    %broadcast_in_dim3A_1933 = vector.shape_cast %get3A_1932 : vector<128xf32> to vector<1x128xf32>
    %mul3A_1934 = vector.broadcast %broadcast_in_dim3A_1933 : vector<1x128xf32> to vector<256x128xf32>
    %mul3A_1935 = arith.mulf %concatenate3A_29, %mul3A_1934 : vector<256x128xf32>
    %add3A_1936 = arith.addf %add3A_1928, %mul3A_1935 : vector<256x128xf32>
    %swap3A_1937 = arith.constant 0 : index
    %swap3A_1938 = arith.constant 3584 : index
    %swap3A_1939 = vector.load %arg3[%swap3A_1937, %swap3A_1938] : memref<256x8192xf32, #tpu.memory_space<vmem>>, vector<256x128xf32>
    tpu.vector_store %arg3[%swap3A_1937, %swap3A_1938], %add3A_1936 {strides = array<i32>} : memref<256x8192xf32, #tpu.memory_space<vmem>>, vector<256x128xf32>,
    %get3A_1940 = arith.constant 0 : index
    %get3A_1941 = arith.constant 3712 : index
    %get3A_1942 = vector.load %arg2[%get3A_1940, %get3A_1941] : memref<8x8192xf32, #tpu.memory_space<vmem>>, vector<1x128xf32>
    %get3A_1943 = vector.shape_cast %get3A_1942 : vector<1x128xf32> to vector<128xf32>
    %broadcast_in_dim3A_1944 = vector.shape_cast %get3A_1943 : vector<128xf32> to vector<1x128xf32>
    %mul3A_1945 = vector.broadcast %broadcast_in_dim3A_1944 : vector<1x128xf32> to vector<256x128xf32>
    %mul3A_1946 = arith.mulf %concatenate3A, %mul3A_1945 : vector<256x128xf32>
    %get3A_1947 = arith.constant 1 : index
    %get3A_1948 = arith.constant 3712 : index
    %get3A_1949 = vector.load %arg2[%get3A_1947, %get3A_1948] : memref<8x8192xf32, #tpu.memory_space<vmem>>, vector<1x128xf32>
    %get3A_1950 = vector.shape_cast %get3A_1949 : vector<1x128xf32> to vector<128xf32>
    %broadcast_in_dim3A_1951 = vector.shape_cast %get3A_1950 : vector<128xf32> to vector<1x128xf32>
    %mul3A_1952 = vector.broadcast %broadcast_in_dim3A_1951 : vector<1x128xf32> to vector<256x128xf32>
    %mul3A_1953 = arith.mulf %concatenate3A_5, %mul3A_1952 : vector<256x128xf32>
    %add3A_1954 = arith.addf %mul3A_1946, %mul3A_1953 : vector<256x128xf32>
    %get3A_1955 = arith.constant 2 : index
    %get3A_1956 = arith.constant 3712 : index
    %get3A_1957 = vector.load %arg2[%get3A_1955, %get3A_1956] : memref<8x8192xf32, #tpu.memory_space<vmem>>, vector<1x128xf32>
    %get3A_1958 = vector.shape_cast %get3A_1957 : vector<1x128xf32> to vector<128xf32>
    %broadcast_in_dim3A_1959 = vector.shape_cast %get3A_1958 : vector<128xf32> to vector<1x128xf32>
    %mul3A_1960 = vector.broadcast %broadcast_in_dim3A_1959 : vector<1x128xf32> to vector<256x128xf32>
    %mul3A_1961 = arith.mulf %concatenate3A_9, %mul3A_1960 : vector<256x128xf32>
    %add3A_1962 = arith.addf %add3A_1954, %mul3A_1961 : vector<256x128xf32>
    %get3A_1963 = arith.constant 3 : index
    %get3A_1964 = arith.constant 3712 : index
    %get3A_1965 = vector.load %arg2[%get3A_1963, %get3A_1964] : memref<8x8192xf32, #tpu.memory_space<vmem>>, vector<1x128xf32>
    %get3A_1966 = vector.shape_cast %get3A_1965 : vector<1x128xf32> to vector<128xf32>
    %broadcast_in_dim3A_1967 = vector.shape_cast %get3A_1966 : vector<128xf32> to vector<1x128xf32>
    %mul3A_1968 = vector.broadcast %broadcast_in_dim3A_1967 : vector<1x128xf32> to vector<256x128xf32>
    %mul3A_1969 = arith.mulf %concatenate3A_13, %mul3A_1968 : vector<256x128xf32>
    %add3A_1970 = arith.addf %add3A_1962, %mul3A_1969 : vector<256x128xf32>
    %get3A_1971 = arith.constant 4 : index
    %get3A_1972 = arith.constant 3712 : index
    %get3A_1973 = vector.load %arg2[%get3A_1971, %get3A_1972] : memref<8x8192xf32, #tpu.memory_space<vmem>>, vector<1x128xf32>
    %get3A_1974 = vector.shape_cast %get3A_1973 : vector<1x128xf32> to vector<128xf32>
    %broadcast_in_dim3A_1975 = vector.shape_cast %get3A_1974 : vector<128xf32> to vector<1x128xf32>
    %mul3A_1976 = vector.broadcast %broadcast_in_dim3A_1975 : vector<1x128xf32> to vector<256x128xf32>
    %mul3A_1977 = arith.mulf %concatenate3A_17, %mul3A_1976 : vector<256x128xf32>
    %add3A_1978 = arith.addf %add3A_1970, %mul3A_1977 : vector<256x128xf32>
    %get3A_1979 = arith.constant 5 : index
    %get3A_1980 = arith.constant 3712 : index
    %get3A_1981 = vector.load %arg2[%get3A_1979, %get3A_1980] : memref<8x8192xf32, #tpu.memory_space<vmem>>, vector<1x128xf32>
    %get3A_1982 = vector.shape_cast %get3A_1981 : vector<1x128xf32> to vector<128xf32>
    %broadcast_in_dim3A_1983 = vector.shape_cast %get3A_1982 : vector<128xf32> to vector<1x128xf32>
    %mul3A_1984 = vector.broadcast %broadcast_in_dim3A_1983 : vector<1x128xf32> to vector<256x128xf32>
    %mul3A_1985 = arith.mulf %concatenate3A_21, %mul3A_1984 : vector<256x128xf32>
    %add3A_1986 = arith.addf %add3A_1978, %mul3A_1985 : vector<256x128xf32>
    %get3A_1987 = arith.constant 6 : index
    %get3A_1988 = arith.constant 3712 : index
    %get3A_1989 = vector.load %arg2[%get3A_1987, %get3A_1988] : memref<8x8192xf32, #tpu.memory_space<vmem>>, vector<1x128xf32>
    %get3A_1990 = vector.shape_cast %get3A_1989 : vector<1x128xf32> to vector<128xf32>
    %broadcast_in_dim3A_1991 = vector.shape_cast %get3A_1990 : vector<128xf32> to vector<1x128xf32>
    %mul3A_1992 = vector.broadcast %broadcast_in_dim3A_1991 : vector<1x128xf32> to vector<256x128xf32>
    %mul3A_1993 = arith.mulf %concatenate3A_25, %mul3A_1992 : vector<256x128xf32>
    %add3A_1994 = arith.addf %add3A_1986, %mul3A_1993 : vector<256x128xf32>
    %get3A_1995 = arith.constant 7 : index
    %get3A_1996 = arith.constant 3712 : index
    %get3A_1997 = vector.load %arg2[%get3A_1995, %get3A_1996] : memref<8x8192xf32, #tpu.memory_space<vmem>>, vector<1x128xf32>
    %get3A_1998 = vector.shape_cast %get3A_1997 : vector<1x128xf32> to vector<128xf32>
    %broadcast_in_dim3A_1999 = vector.shape_cast %get3A_1998 : vector<128xf32> to vector<1x128xf32>
    %mul3A_2000 = vector.broadcast %broadcast_in_dim3A_1999 : vector<1x128xf32> to vector<256x128xf32>
    %mul3A_2001 = arith.mulf %concatenate3A_29, %mul3A_2000 : vector<256x128xf32>
    %add3A_2002 = arith.addf %add3A_1994, %mul3A_2001 : vector<256x128xf32>
    %swap3A_2003 = arith.constant 0 : index
    %swap3A_2004 = arith.constant 3712 : index
    %swap3A_2005 = vector.load %arg3[%swap3A_2003, %swap3A_2004] : memref<256x8192xf32, #tpu.memory_space<vmem>>, vector<256x128xf32>
    tpu.vector_store %arg3[%swap3A_2003, %swap3A_2004], %add3A_2002 {strides = array<i32>} : memref<256x8192xf32, #tpu.memory_space<vmem>>, vector<256x128xf32>,
    %get3A_2006 = arith.constant 0 : index
    %get3A_2007 = arith.constant 3840 : index
    %get3A_2008 = vector.load %arg2[%get3A_2006, %get3A_2007] : memref<8x8192xf32, #tpu.memory_space<vmem>>, vector<1x128xf32>
    %get3A_2009 = vector.shape_cast %get3A_2008 : vector<1x128xf32> to vector<128xf32>
    %broadcast_in_dim3A_2010 = vector.shape_cast %get3A_2009 : vector<128xf32> to vector<1x128xf32>
    %mul3A_2011 = vector.broadcast %broadcast_in_dim3A_2010 : vector<1x128xf32> to vector<256x128xf32>
    %mul3A_2012 = arith.mulf %concatenate3A, %mul3A_2011 : vector<256x128xf32>
    %get3A_2013 = arith.constant 1 : index
    %get3A_2014 = arith.constant 3840 : index
    %get3A_2015 = vector.load %arg2[%get3A_2013, %get3A_2014] : memref<8x8192xf32, #tpu.memory_space<vmem>>, vector<1x128xf32>
    %get3A_2016 = vector.shape_cast %get3A_2015 : vector<1x128xf32> to vector<128xf32>
    %broadcast_in_dim3A_2017 = vector.shape_cast %get3A_2016 : vector<128xf32> to vector<1x128xf32>
    %mul3A_2018 = vector.broadcast %broadcast_in_dim3A_2017 : vector<1x128xf32> to vector<256x128xf32>
    %mul3A_2019 = arith.mulf %concatenate3A_5, %mul3A_2018 : vector<256x128xf32>
    %add3A_2020 = arith.addf %mul3A_2012, %mul3A_2019 : vector<256x128xf32>
    %get3A_2021 = arith.constant 2 : index
    %get3A_2022 = arith.constant 3840 : index
    %get3A_2023 = vector.load %arg2[%get3A_2021, %get3A_2022] : memref<8x8192xf32, #tpu.memory_space<vmem>>, vector<1x128xf32>
    %get3A_2024 = vector.shape_cast %get3A_2023 : vector<1x128xf32> to vector<128xf32>
    %broadcast_in_dim3A_2025 = vector.shape_cast %get3A_2024 : vector<128xf32> to vector<1x128xf32>
    %mul3A_2026 = vector.broadcast %broadcast_in_dim3A_2025 : vector<1x128xf32> to vector<256x128xf32>
    %mul3A_2027 = arith.mulf %concatenate3A_9, %mul3A_2026 : vector<256x128xf32>
    %add3A_2028 = arith.addf %add3A_2020, %mul3A_2027 : vector<256x128xf32>
    %get3A_2029 = arith.constant 3 : index
    %get3A_2030 = arith.constant 3840 : index
    %get3A_2031 = vector.load %arg2[%get3A_2029, %get3A_2030] : memref<8x8192xf32, #tpu.memory_space<vmem>>, vector<1x128xf32>
    %get3A_2032 = vector.shape_cast %get3A_2031 : vector<1x128xf32> to vector<128xf32>
    %broadcast_in_dim3A_2033 = vector.shape_cast %get3A_2032 : vector<128xf32> to vector<1x128xf32>
    %mul3A_2034 = vector.broadcast %broadcast_in_dim3A_2033 : vector<1x128xf32> to vector<256x128xf32>
    %mul3A_2035 = arith.mulf %concatenate3A_13, %mul3A_2034 : vector<256x128xf32>
    %add3A_2036 = arith.addf %add3A_2028, %mul3A_2035 : vector<256x128xf32>
    %get3A_2037 = arith.constant 4 : index
    %get3A_2038 = arith.constant 3840 : index
    %get3A_2039 = vector.load %arg2[%get3A_2037, %get3A_2038] : memref<8x8192xf32, #tpu.memory_space<vmem>>, vector<1x128xf32>
    %get3A_2040 = vector.shape_cast %get3A_2039 : vector<1x128xf32> to vector<128xf32>
    %broadcast_in_dim3A_2041 = vector.shape_cast %get3A_2040 : vector<128xf32> to vector<1x128xf32>
    %mul3A_2042 = vector.broadcast %broadcast_in_dim3A_2041 : vector<1x128xf32> to vector<256x128xf32>
    %mul3A_2043 = arith.mulf %concatenate3A_17, %mul3A_2042 : vector<256x128xf32>
    %add3A_2044 = arith.addf %add3A_2036, %mul3A_2043 : vector<256x128xf32>
    %get3A_2045 = arith.constant 5 : index
    %get3A_2046 = arith.constant 3840 : index
    %get3A_2047 = vector.load %arg2[%get3A_2045, %get3A_2046] : memref<8x8192xf32, #tpu.memory_space<vmem>>, vector<1x128xf32>
    %get3A_2048 = vector.shape_cast %get3A_2047 : vector<1x128xf32> to vector<128xf32>
    %broadcast_in_dim3A_2049 = vector.shape_cast %get3A_2048 : vector<128xf32> to vector<1x128xf32>
    %mul3A_2050 = vector.broadcast %broadcast_in_dim3A_2049 : vector<1x128xf32> to vector<256x128xf32>
    %mul3A_2051 = arith.mulf %concatenate3A_21, %mul3A_2050 : vector<256x128xf32>
    %add3A_2052 = arith.addf %add3A_2044, %mul3A_2051 : vector<256x128xf32>
    %get3A_2053 = arith.constant 6 : index
    %get3A_2054 = arith.constant 3840 : index
    %get3A_2055 = vector.load %arg2[%get3A_2053, %get3A_2054] : memref<8x8192xf32, #tpu.memory_space<vmem>>, vector<1x128xf32>
    %get3A_2056 = vector.shape_cast %get3A_2055 : vector<1x128xf32> to vector<128xf32>
    %broadcast_in_dim3A_2057 = vector.shape_cast %get3A_2056 : vector<128xf32> to vector<1x128xf32>
    %mul3A_2058 = vector.broadcast %broadcast_in_dim3A_2057 : vector<1x128xf32> to vector<256x128xf32>
    %mul3A_2059 = arith.mulf %concatenate3A_25, %mul3A_2058 : vector<256x128xf32>
    %add3A_2060 = arith.addf %add3A_2052, %mul3A_2059 : vector<256x128xf32>
    %get3A_2061 = arith.constant 7 : index
    %get3A_2062 = arith.constant 3840 : index
    %get3A_2063 = vector.load %arg2[%get3A_2061, %get3A_2062] : memref<8x8192xf32, #tpu.memory_space<vmem>>, vector<1x128xf32>
    %get3A_2064 = vector.shape_cast %get3A_2063 : vector<1x128xf32> to vector<128xf32>
    %broadcast_in_dim3A_2065 = vector.shape_cast %get3A_2064 : vector<128xf32> to vector<1x128xf32>
    %mul3A_2066 = vector.broadcast %broadcast_in_dim3A_2065 : vector<1x128xf32> to vector<256x128xf32>
    %mul3A_2067 = arith.mulf %concatenate3A_29, %mul3A_2066 : vector<256x128xf32>
    %add3A_2068 = arith.addf %add3A_2060, %mul3A_2067 : vector<256x128xf32>
    %swap3A_2069 = arith.constant 0 : index
    %swap3A_2070 = arith.constant 3840 : index
    %swap3A_2071 = vector.load %arg3[%swap3A_2069, %swap3A_2070] : memref<256x8192xf32, #tpu.memory_space<vmem>>, vector<256x128xf32>
    tpu.vector_store %arg3[%swap3A_2069, %swap3A_2070], %add3A_2068 {strides = array<i32>} : memref<256x8192xf32, #tpu.memory_space<vmem>>, vector<256x128xf32>,
    %get3A_2072 = arith.constant 0 : index
    %get3A_2073 = arith.constant 3968 : index
    %get3A_2074 = vector.load %arg2[%get3A_2072, %get3A_2073] : memref<8x8192xf32, #tpu.memory_space<vmem>>, vector<1x128xf32>
    %get3A_2075 = vector.shape_cast %get3A_2074 : vector<1x128xf32> to vector<128xf32>
    %broadcast_in_dim3A_2076 = vector.shape_cast %get3A_2075 : vector<128xf32> to vector<1x128xf32>
    %mul3A_2077 = vector.broadcast %broadcast_in_dim3A_2076 : vector<1x128xf32> to vector<256x128xf32>
    %mul3A_2078 = arith.mulf %concatenate3A, %mul3A_2077 : vector<256x128xf32>
    %get3A_2079 = arith.constant 1 : index
    %get3A_2080 = arith.constant 3968 : index
    %get3A_2081 = vector.load %arg2[%get3A_2079, %get3A_2080] : memref<8x8192xf32, #tpu.memory_space<vmem>>, vector<1x128xf32>
    %get3A_2082 = vector.shape_cast %get3A_2081 : vector<1x128xf32> to vector<128xf32>
    %broadcast_in_dim3A_2083 = vector.shape_cast %get3A_2082 : vector<128xf32> to vector<1x128xf32>
    %mul3A_2084 = vector.broadcast %broadcast_in_dim3A_2083 : vector<1x128xf32> to vector<256x128xf32>
    %mul3A_2085 = arith.mulf %concatenate3A_5, %mul3A_2084 : vector<256x128xf32>
    %add3A_2086 = arith.addf %mul3A_2078, %mul3A_2085 : vector<256x128xf32>
    %get3A_2087 = arith.constant 2 : index
    %get3A_2088 = arith.constant 3968 : index
    %get3A_2089 = vector.load %arg2[%get3A_2087, %get3A_2088] : memref<8x8192xf32, #tpu.memory_space<vmem>>, vector<1x128xf32>
    %get3A_2090 = vector.shape_cast %get3A_2089 : vector<1x128xf32> to vector<128xf32>
    %broadcast_in_dim3A_2091 = vector.shape_cast %get3A_2090 : vector<128xf32> to vector<1x128xf32>
    %mul3A_2092 = vector.broadcast %broadcast_in_dim3A_2091 : vector<1x128xf32> to vector<256x128xf32>
    %mul3A_2093 = arith.mulf %concatenate3A_9, %mul3A_2092 : vector<256x128xf32>
    %add3A_2094 = arith.addf %add3A_2086, %mul3A_2093 : vector<256x128xf32>
    %get3A_2095 = arith.constant 3 : index
    %get3A_2096 = arith.constant 3968 : index
    %get3A_2097 = vector.load %arg2[%get3A_2095, %get3A_2096] : memref<8x8192xf32, #tpu.memory_space<vmem>>, vector<1x128xf32>
    %get3A_2098 = vector.shape_cast %get3A_2097 : vector<1x128xf32> to vector<128xf32>
    %broadcast_in_dim3A_2099 = vector.shape_cast %get3A_2098 : vector<128xf32> to vector<1x128xf32>
    %mul3A_2100 = vector.broadcast %broadcast_in_dim3A_2099 : vector<1x128xf32> to vector<256x128xf32>
    %mul3A_2101 = arith.mulf %concatenate3A_13, %mul3A_2100 : vector<256x128xf32>
    %add3A_2102 = arith.addf %add3A_2094, %mul3A_2101 : vector<256x128xf32>
    %get3A_2103 = arith.constant 4 : index
    %get3A_2104 = arith.constant 3968 : index
    %get3A_2105 = vector.load %arg2[%get3A_2103, %get3A_2104] : memref<8x8192xf32, #tpu.memory_space<vmem>>, vector<1x128xf32>
    %get3A_2106 = vector.shape_cast %get3A_2105 : vector<1x128xf32> to vector<128xf32>
    %broadcast_in_dim3A_2107 = vector.shape_cast %get3A_2106 : vector<128xf32> to vector<1x128xf32>
    %mul3A_2108 = vector.broadcast %broadcast_in_dim3A_2107 : vector<1x128xf32> to vector<256x128xf32>
    %mul3A_2109 = arith.mulf %concatenate3A_17, %mul3A_2108 : vector<256x128xf32>
    %add3A_2110 = arith.addf %add3A_2102, %mul3A_2109 : vector<256x128xf32>
    %get3A_2111 = arith.constant 5 : index
    %get3A_2112 = arith.constant 3968 : index
    %get3A_2113 = vector.load %arg2[%get3A_2111, %get3A_2112] : memref<8x8192xf32, #tpu.memory_space<vmem>>, vector<1x128xf32>
    %get3A_2114 = vector.shape_cast %get3A_2113 : vector<1x128xf32> to vector<128xf32>
    %broadcast_in_dim3A_2115 = vector.shape_cast %get3A_2114 : vector<128xf32> to vector<1x128xf32>
    %mul3A_2116 = vector.broadcast %broadcast_in_dim3A_2115 : vector<1x128xf32> to vector<256x128xf32>
    %mul3A_2117 = arith.mulf %concatenate3A_21, %mul3A_2116 : vector<256x128xf32>
    %add3A_2118 = arith.addf %add3A_2110, %mul3A_2117 : vector<256x128xf32>
    %get3A_2119 = arith.constant 6 : index
    %get3A_2120 = arith.constant 3968 : index
    %get3A_2121 = vector.load %arg2[%get3A_2119, %get3A_2120] : memref<8x8192xf32, #tpu.memory_space<vmem>>, vector<1x128xf32>
    %get3A_2122 = vector.shape_cast %get3A_2121 : vector<1x128xf32> to vector<128xf32>
    %broadcast_in_dim3A_2123 = vector.shape_cast %get3A_2122 : vector<128xf32> to vector<1x128xf32>
    %mul3A_2124 = vector.broadcast %broadcast_in_dim3A_2123 : vector<1x128xf32> to vector<256x128xf32>
    %mul3A_2125 = arith.mulf %concatenate3A_25, %mul3A_2124 : vector<256x128xf32>
    %add3A_2126 = arith.addf %add3A_2118, %mul3A_2125 : vector<256x128xf32>
    %get3A_2127 = arith.constant 7 : index
    %get3A_2128 = arith.constant 3968 : index
    %get3A_2129 = vector.load %arg2[%get3A_2127, %get3A_2128] : memref<8x8192xf32, #tpu.memory_space<vmem>>, vector<1x128xf32>
    %get3A_2130 = vector.shape_cast %get3A_2129 : vector<1x128xf32> to vector<128xf32>
    %broadcast_in_dim3A_2131 = vector.shape_cast %get3A_2130 : vector<128xf32> to vector<1x128xf32>
    %mul3A_2132 = vector.broadcast %broadcast_in_dim3A_2131 : vector<1x128xf32> to vector<256x128xf32>
    %mul3A_2133 = arith.mulf %concatenate3A_29, %mul3A_2132 : vector<256x128xf32>
    %add3A_2134 = arith.addf %add3A_2126, %mul3A_2133 : vector<256x128xf32>
    %swap3A_2135 = arith.constant 0 : index
    %swap3A_2136 = arith.constant 3968 : index
    %swap3A_2137 = vector.load %arg3[%swap3A_2135, %swap3A_2136] : memref<256x8192xf32, #tpu.memory_space<vmem>>, vector<256x128xf32>
    tpu.vector_store %arg3[%swap3A_2135, %swap3A_2136], %add3A_2134 {strides = array<i32>} : memref<256x8192xf32, #tpu.memory_space<vmem>>, vector<256x128xf32>,
    %get3A_2138 = arith.constant 0 : index
    %get3A_2139 = arith.constant 4096 : index
    %get3A_2140 = vector.load %arg2[%get3A_2138, %get3A_2139] : memref<8x8192xf32, #tpu.memory_space<vmem>>, vector<1x128xf32>
    %get3A_2141 = vector.shape_cast %get3A_2140 : vector<1x128xf32> to vector<128xf32>
    %broadcast_in_dim3A_2142 = vector.shape_cast %get3A_2141 : vector<128xf32> to vector<1x128xf32>
    %mul3A_2143 = vector.broadcast %broadcast_in_dim3A_2142 : vector<1x128xf32> to vector<256x128xf32>
    %mul3A_2144 = arith.mulf %concatenate3A, %mul3A_2143 : vector<256x128xf32>
    %get3A_2145 = arith.constant 1 : index
    %get3A_2146 = arith.constant 4096 : index
    %get3A_2147 = vector.load %arg2[%get3A_2145, %get3A_2146] : memref<8x8192xf32, #tpu.memory_space<vmem>>, vector<1x128xf32>
    %get3A_2148 = vector.shape_cast %get3A_2147 : vector<1x128xf32> to vector<128xf32>
    %broadcast_in_dim3A_2149 = vector.shape_cast %get3A_2148 : vector<128xf32> to vector<1x128xf32>
    %mul3A_2150 = vector.broadcast %broadcast_in_dim3A_2149 : vector<1x128xf32> to vector<256x128xf32>
    %mul3A_2151 = arith.mulf %concatenate3A_5, %mul3A_2150 : vector<256x128xf32>
    %add3A_2152 = arith.addf %mul3A_2144, %mul3A_2151 : vector<256x128xf32>
    %get3A_2153 = arith.constant 2 : index
    %get3A_2154 = arith.constant 4096 : index
    %get3A_2155 = vector.load %arg2[%get3A_2153, %get3A_2154] : memref<8x8192xf32, #tpu.memory_space<vmem>>, vector<1x128xf32>
    %get3A_2156 = vector.shape_cast %get3A_2155 : vector<1x128xf32> to vector<128xf32>
    %broadcast_in_dim3A_2157 = vector.shape_cast %get3A_2156 : vector<128xf32> to vector<1x128xf32>
    %mul3A_2158 = vector.broadcast %broadcast_in_dim3A_2157 : vector<1x128xf32> to vector<256x128xf32>
    %mul3A_2159 = arith.mulf %concatenate3A_9, %mul3A_2158 : vector<256x128xf32>
    %add3A_2160 = arith.addf %add3A_2152, %mul3A_2159 : vector<256x128xf32>
    %get3A_2161 = arith.constant 3 : index
    %get3A_2162 = arith.constant 4096 : index
    %get3A_2163 = vector.load %arg2[%get3A_2161, %get3A_2162] : memref<8x8192xf32, #tpu.memory_space<vmem>>, vector<1x128xf32>
    %get3A_2164 = vector.shape_cast %get3A_2163 : vector<1x128xf32> to vector<128xf32>
    %broadcast_in_dim3A_2165 = vector.shape_cast %get3A_2164 : vector<128xf32> to vector<1x128xf32>
    %mul3A_2166 = vector.broadcast %broadcast_in_dim3A_2165 : vector<1x128xf32> to vector<256x128xf32>
    %mul3A_2167 = arith.mulf %concatenate3A_13, %mul3A_2166 : vector<256x128xf32>
    %add3A_2168 = arith.addf %add3A_2160, %mul3A_2167 : vector<256x128xf32>
    %get3A_2169 = arith.constant 4 : index
    %get3A_2170 = arith.constant 4096 : index
    %get3A_2171 = vector.load %arg2[%get3A_2169, %get3A_2170] : memref<8x8192xf32, #tpu.memory_space<vmem>>, vector<1x128xf32>
    %get3A_2172 = vector.shape_cast %get3A_2171 : vector<1x128xf32> to vector<128xf32>
    %broadcast_in_dim3A_2173 = vector.shape_cast %get3A_2172 : vector<128xf32> to vector<1x128xf32>
    %mul3A_2174 = vector.broadcast %broadcast_in_dim3A_2173 : vector<1x128xf32> to vector<256x128xf32>
    %mul3A_2175 = arith.mulf %concatenate3A_17, %mul3A_2174 : vector<256x128xf32>
    %add3A_2176 = arith.addf %add3A_2168, %mul3A_2175 : vector<256x128xf32>
    %get3A_2177 = arith.constant 5 : index
    %get3A_2178 = arith.constant 4096 : index
    %get3A_2179 = vector.load %arg2[%get3A_2177, %get3A_2178] : memref<8x8192xf32, #tpu.memory_space<vmem>>, vector<1x128xf32>
    %get3A_2180 = vector.shape_cast %get3A_2179 : vector<1x128xf32> to vector<128xf32>
    %broadcast_in_dim3A_2181 = vector.shape_cast %get3A_2180 : vector<128xf32> to vector<1x128xf32>
    %mul3A_2182 = vector.broadcast %broadcast_in_dim3A_2181 : vector<1x128xf32> to vector<256x128xf32>
    %mul3A_2183 = arith.mulf %concatenate3A_21, %mul3A_2182 : vector<256x128xf32>
    %add3A_2184 = arith.addf %add3A_2176, %mul3A_2183 : vector<256x128xf32>
    %get3A_2185 = arith.constant 6 : index
    %get3A_2186 = arith.constant 4096 : index
    %get3A_2187 = vector.load %arg2[%get3A_2185, %get3A_2186] : memref<8x8192xf32, #tpu.memory_space<vmem>>, vector<1x128xf32>
    %get3A_2188 = vector.shape_cast %get3A_2187 : vector<1x128xf32> to vector<128xf32>
    %broadcast_in_dim3A_2189 = vector.shape_cast %get3A_2188 : vector<128xf32> to vector<1x128xf32>
    %mul3A_2190 = vector.broadcast %broadcast_in_dim3A_2189 : vector<1x128xf32> to vector<256x128xf32>
    %mul3A_2191 = arith.mulf %concatenate3A_25, %mul3A_2190 : vector<256x128xf32>
    %add3A_2192 = arith.addf %add3A_2184, %mul3A_2191 : vector<256x128xf32>
    %get3A_2193 = arith.constant 7 : index
    %get3A_2194 = arith.constant 4096 : index
    %get3A_2195 = vector.load %arg2[%get3A_2193, %get3A_2194] : memref<8x8192xf32, #tpu.memory_space<vmem>>, vector<1x128xf32>
    %get3A_2196 = vector.shape_cast %get3A_2195 : vector<1x128xf32> to vector<128xf32>
    %broadcast_in_dim3A_2197 = vector.shape_cast %get3A_2196 : vector<128xf32> to vector<1x128xf32>
    %mul3A_2198 = vector.broadcast %broadcast_in_dim3A_2197 : vector<1x128xf32> to vector<256x128xf32>
    %mul3A_2199 = arith.mulf %concatenate3A_29, %mul3A_2198 : vector<256x128xf32>
    %add3A_2200 = arith.addf %add3A_2192, %mul3A_2199 : vector<256x128xf32>
    %swap3A_2201 = arith.constant 0 : index
    %swap3A_2202 = arith.constant 4096 : index
    %swap3A_2203 = vector.load %arg3[%swap3A_2201, %swap3A_2202] : memref<256x8192xf32, #tpu.memory_space<vmem>>, vector<256x128xf32>
    tpu.vector_store %arg3[%swap3A_2201, %swap3A_2202], %add3A_2200 {strides = array<i32>} : memref<256x8192xf32, #tpu.memory_space<vmem>>, vector<256x128xf32>,
    %get3A_2204 = arith.constant 0 : index
    %get3A_2205 = arith.constant 4224 : index
    %get3A_2206 = vector.load %arg2[%get3A_2204, %get3A_2205] : memref<8x8192xf32, #tpu.memory_space<vmem>>, vector<1x128xf32>
    %get3A_2207 = vector.shape_cast %get3A_2206 : vector<1x128xf32> to vector<128xf32>
    %broadcast_in_dim3A_2208 = vector.shape_cast %get3A_2207 : vector<128xf32> to vector<1x128xf32>
    %mul3A_2209 = vector.broadcast %broadcast_in_dim3A_2208 : vector<1x128xf32> to vector<256x128xf32>
    %mul3A_2210 = arith.mulf %concatenate3A, %mul3A_2209 : vector<256x128xf32>
    %get3A_2211 = arith.constant 1 : index
    %get3A_2212 = arith.constant 4224 : index
    %get3A_2213 = vector.load %arg2[%get3A_2211, %get3A_2212] : memref<8x8192xf32, #tpu.memory_space<vmem>>, vector<1x128xf32>
    %get3A_2214 = vector.shape_cast %get3A_2213 : vector<1x128xf32> to vector<128xf32>
    %broadcast_in_dim3A_2215 = vector.shape_cast %get3A_2214 : vector<128xf32> to vector<1x128xf32>
    %mul3A_2216 = vector.broadcast %broadcast_in_dim3A_2215 : vector<1x128xf32> to vector<256x128xf32>
    %mul3A_2217 = arith.mulf %concatenate3A_5, %mul3A_2216 : vector<256x128xf32>
    %add3A_2218 = arith.addf %mul3A_2210, %mul3A_2217 : vector<256x128xf32>
    %get3A_2219 = arith.constant 2 : index
    %get3A_2220 = arith.constant 4224 : index
    %get3A_2221 = vector.load %arg2[%get3A_2219, %get3A_2220] : memref<8x8192xf32, #tpu.memory_space<vmem>>, vector<1x128xf32>
    %get3A_2222 = vector.shape_cast %get3A_2221 : vector<1x128xf32> to vector<128xf32>
    %broadcast_in_dim3A_2223 = vector.shape_cast %get3A_2222 : vector<128xf32> to vector<1x128xf32>
    %mul3A_2224 = vector.broadcast %broadcast_in_dim3A_2223 : vector<1x128xf32> to vector<256x128xf32>
    %mul3A_2225 = arith.mulf %concatenate3A_9, %mul3A_2224 : vector<256x128xf32>
    %add3A_2226 = arith.addf %add3A_2218, %mul3A_2225 : vector<256x128xf32>
    %get3A_2227 = arith.constant 3 : index
    %get3A_2228 = arith.constant 4224 : index
    %get3A_2229 = vector.load %arg2[%get3A_2227, %get3A_2228] : memref<8x8192xf32, #tpu.memory_space<vmem>>, vector<1x128xf32>
    %get3A_2230 = vector.shape_cast %get3A_2229 : vector<1x128xf32> to vector<128xf32>
    %broadcast_in_dim3A_2231 = vector.shape_cast %get3A_2230 : vector<128xf32> to vector<1x128xf32>
    %mul3A_2232 = vector.broadcast %broadcast_in_dim3A_2231 : vector<1x128xf32> to vector<256x128xf32>
    %mul3A_2233 = arith.mulf %concatenate3A_13, %mul3A_2232 : vector<256x128xf32>
    %add3A_2234 = arith.addf %add3A_2226, %mul3A_2233 : vector<256x128xf32>
    %get3A_2235 = arith.constant 4 : index
    %get3A_2236 = arith.constant 4224 : index
    %get3A_2237 = vector.load %arg2[%get3A_2235, %get3A_2236] : memref<8x8192xf32, #tpu.memory_space<vmem>>, vector<1x128xf32>
    %get3A_2238 = vector.shape_cast %get3A_2237 : vector<1x128xf32> to vector<128xf32>
    %broadcast_in_dim3A_2239 = vector.shape_cast %get3A_2238 : vector<128xf32> to vector<1x128xf32>
    %mul3A_2240 = vector.broadcast %broadcast_in_dim3A_2239 : vector<1x128xf32> to vector<256x128xf32>
    %mul3A_2241 = arith.mulf %concatenate3A_17, %mul3A_2240 : vector<256x128xf32>
    %add3A_2242 = arith.addf %add3A_2234, %mul3A_2241 : vector<256x128xf32>
    %get3A_2243 = arith.constant 5 : index
    %get3A_2244 = arith.constant 4224 : index
    %get3A_2245 = vector.load %arg2[%get3A_2243, %get3A_2244] : memref<8x8192xf32, #tpu.memory_space<vmem>>, vector<1x128xf32>
    %get3A_2246 = vector.shape_cast %get3A_2245 : vector<1x128xf32> to vector<128xf32>
    %broadcast_in_dim3A_2247 = vector.shape_cast %get3A_2246 : vector<128xf32> to vector<1x128xf32>
    %mul3A_2248 = vector.broadcast %broadcast_in_dim3A_2247 : vector<1x128xf32> to vector<256x128xf32>
    %mul3A_2249 = arith.mulf %concatenate3A_21, %mul3A_2248 : vector<256x128xf32>
    %add3A_2250 = arith.addf %add3A_2242, %mul3A_2249 : vector<256x128xf32>
    %get3A_2251 = arith.constant 6 : index
    %get3A_2252 = arith.constant 4224 : index
    %get3A_2253 = vector.load %arg2[%get3A_2251, %get3A_2252] : memref<8x8192xf32, #tpu.memory_space<vmem>>, vector<1x128xf32>
    %get3A_2254 = vector.shape_cast %get3A_2253 : vector<1x128xf32> to vector<128xf32>
    %broadcast_in_dim3A_2255 = vector.shape_cast %get3A_2254 : vector<128xf32> to vector<1x128xf32>
    %mul3A_2256 = vector.broadcast %broadcast_in_dim3A_2255 : vector<1x128xf32> to vector<256x128xf32>
    %mul3A_2257 = arith.mulf %concatenate3A_25, %mul3A_2256 : vector<256x128xf32>
    %add3A_2258 = arith.addf %add3A_2250, %mul3A_2257 : vector<256x128xf32>
    %get3A_2259 = arith.constant 7 : index
    %get3A_2260 = arith.constant 4224 : index
    %get3A_2261 = vector.load %arg2[%get3A_2259, %get3A_2260] : memref<8x8192xf32, #tpu.memory_space<vmem>>, vector<1x128xf32>
    %get3A_2262 = vector.shape_cast %get3A_2261 : vector<1x128xf32> to vector<128xf32>
    %broadcast_in_dim3A_2263 = vector.shape_cast %get3A_2262 : vector<128xf32> to vector<1x128xf32>
    %mul3A_2264 = vector.broadcast %broadcast_in_dim3A_2263 : vector<1x128xf32> to vector<256x128xf32>
    %mul3A_2265 = arith.mulf %concatenate3A_29, %mul3A_2264 : vector<256x128xf32>
    %add3A_2266 = arith.addf %add3A_2258, %mul3A_2265 : vector<256x128xf32>
    %swap3A_2267 = arith.constant 0 : index
    %swap3A_2268 = arith.constant 4224 : index
    %swap3A_2269 = vector.load %arg3[%swap3A_2267, %swap3A_2268] : memref<256x8192xf32, #tpu.memory_space<vmem>>, vector<256x128xf32>
    tpu.vector_store %arg3[%swap3A_2267, %swap3A_2268], %add3A_2266 {strides = array<i32>} : memref<256x8192xf32, #tpu.memory_space<vmem>>, vector<256x128xf32>,
    %get3A_2270 = arith.constant 0 : index
    %get3A_2271 = arith.constant 4352 : index
    %get3A_2272 = vector.load %arg2[%get3A_2270, %get3A_2271] : memref<8x8192xf32, #tpu.memory_space<vmem>>, vector<1x128xf32>
    %get3A_2273 = vector.shape_cast %get3A_2272 : vector<1x128xf32> to vector<128xf32>
    %broadcast_in_dim3A_2274 = vector.shape_cast %get3A_2273 : vector<128xf32> to vector<1x128xf32>
    %mul3A_2275 = vector.broadcast %broadcast_in_dim3A_2274 : vector<1x128xf32> to vector<256x128xf32>
    %mul3A_2276 = arith.mulf %concatenate3A, %mul3A_2275 : vector<256x128xf32>
    %get3A_2277 = arith.constant 1 : index
    %get3A_2278 = arith.constant 4352 : index
    %get3A_2279 = vector.load %arg2[%get3A_2277, %get3A_2278] : memref<8x8192xf32, #tpu.memory_space<vmem>>, vector<1x128xf32>
    %get3A_2280 = vector.shape_cast %get3A_2279 : vector<1x128xf32> to vector<128xf32>
    %broadcast_in_dim3A_2281 = vector.shape_cast %get3A_2280 : vector<128xf32> to vector<1x128xf32>
    %mul3A_2282 = vector.broadcast %broadcast_in_dim3A_2281 : vector<1x128xf32> to vector<256x128xf32>
    %mul3A_2283 = arith.mulf %concatenate3A_5, %mul3A_2282 : vector<256x128xf32>
    %add3A_2284 = arith.addf %mul3A_2276, %mul3A_2283 : vector<256x128xf32>
    %get3A_2285 = arith.constant 2 : index
    %get3A_2286 = arith.constant 4352 : index
    %get3A_2287 = vector.load %arg2[%get3A_2285, %get3A_2286] : memref<8x8192xf32, #tpu.memory_space<vmem>>, vector<1x128xf32>
    %get3A_2288 = vector.shape_cast %get3A_2287 : vector<1x128xf32> to vector<128xf32>
    %broadcast_in_dim3A_2289 = vector.shape_cast %get3A_2288 : vector<128xf32> to vector<1x128xf32>
    %mul3A_2290 = vector.broadcast %broadcast_in_dim3A_2289 : vector<1x128xf32> to vector<256x128xf32>
    %mul3A_2291 = arith.mulf %concatenate3A_9, %mul3A_2290 : vector<256x128xf32>
    %add3A_2292 = arith.addf %add3A_2284, %mul3A_2291 : vector<256x128xf32>
    %get3A_2293 = arith.constant 3 : index
    %get3A_2294 = arith.constant 4352 : index
    %get3A_2295 = vector.load %arg2[%get3A_2293, %get3A_2294] : memref<8x8192xf32, #tpu.memory_space<vmem>>, vector<1x128xf32>
    %get3A_2296 = vector.shape_cast %get3A_2295 : vector<1x128xf32> to vector<128xf32>
    %broadcast_in_dim3A_2297 = vector.shape_cast %get3A_2296 : vector<128xf32> to vector<1x128xf32>
    %mul3A_2298 = vector.broadcast %broadcast_in_dim3A_2297 : vector<1x128xf32> to vector<256x128xf32>
    %mul3A_2299 = arith.mulf %concatenate3A_13, %mul3A_2298 : vector<256x128xf32>
    %add3A_2300 = arith.addf %add3A_2292, %mul3A_2299 : vector<256x128xf32>
    %get3A_2301 = arith.constant 4 : index
    %get3A_2302 = arith.constant 4352 : index
    %get3A_2303 = vector.load %arg2[%get3A_2301, %get3A_2302] : memref<8x8192xf32, #tpu.memory_space<vmem>>, vector<1x128xf32>
    %get3A_2304 = vector.shape_cast %get3A_2303 : vector<1x128xf32> to vector<128xf32>
    %broadcast_in_dim3A_2305 = vector.shape_cast %get3A_2304 : vector<128xf32> to vector<1x128xf32>
    %mul3A_2306 = vector.broadcast %broadcast_in_dim3A_2305 : vector<1x128xf32> to vector<256x128xf32>
    %mul3A_2307 = arith.mulf %concatenate3A_17, %mul3A_2306 : vector<256x128xf32>
    %add3A_2308 = arith.addf %add3A_2300, %mul3A_2307 : vector<256x128xf32>
    %get3A_2309 = arith.constant 5 : index
    %get3A_2310 = arith.constant 4352 : index
    %get3A_2311 = vector.load %arg2[%get3A_2309, %get3A_2310] : memref<8x8192xf32, #tpu.memory_space<vmem>>, vector<1x128xf32>
    %get3A_2312 = vector.shape_cast %get3A_2311 : vector<1x128xf32> to vector<128xf32>
    %broadcast_in_dim3A_2313 = vector.shape_cast %get3A_2312 : vector<128xf32> to vector<1x128xf32>
    %mul3A_2314 = vector.broadcast %broadcast_in_dim3A_2313 : vector<1x128xf32> to vector<256x128xf32>
    %mul3A_2315 = arith.mulf %concatenate3A_21, %mul3A_2314 : vector<256x128xf32>
    %add3A_2316 = arith.addf %add3A_2308, %mul3A_2315 : vector<256x128xf32>
    %get3A_2317 = arith.constant 6 : index
    %get3A_2318 = arith.constant 4352 : index
    %get3A_2319 = vector.load %arg2[%get3A_2317, %get3A_2318] : memref<8x8192xf32, #tpu.memory_space<vmem>>, vector<1x128xf32>
    %get3A_2320 = vector.shape_cast %get3A_2319 : vector<1x128xf32> to vector<128xf32>
    %broadcast_in_dim3A_2321 = vector.shape_cast %get3A_2320 : vector<128xf32> to vector<1x128xf32>
    %mul3A_2322 = vector.broadcast %broadcast_in_dim3A_2321 : vector<1x128xf32> to vector<256x128xf32>
    %mul3A_2323 = arith.mulf %concatenate3A_25, %mul3A_2322 : vector<256x128xf32>
    %add3A_2324 = arith.addf %add3A_2316, %mul3A_2323 : vector<256x128xf32>
    %get3A_2325 = arith.constant 7 : index
    %get3A_2326 = arith.constant 4352 : index
    %get3A_2327 = vector.load %arg2[%get3A_2325, %get3A_2326] : memref<8x8192xf32, #tpu.memory_space<vmem>>, vector<1x128xf32>
    %get3A_2328 = vector.shape_cast %get3A_2327 : vector<1x128xf32> to vector<128xf32>
    %broadcast_in_dim3A_2329 = vector.shape_cast %get3A_2328 : vector<128xf32> to vector<1x128xf32>
    %mul3A_2330 = vector.broadcast %broadcast_in_dim3A_2329 : vector<1x128xf32> to vector<256x128xf32>
    %mul3A_2331 = arith.mulf %concatenate3A_29, %mul3A_2330 : vector<256x128xf32>
    %add3A_2332 = arith.addf %add3A_2324, %mul3A_2331 : vector<256x128xf32>
    %swap3A_2333 = arith.constant 0 : index
    %swap3A_2334 = arith.constant 4352 : index
    %swap3A_2335 = vector.load %arg3[%swap3A_2333, %swap3A_2334] : memref<256x8192xf32, #tpu.memory_space<vmem>>, vector<256x128xf32>
    tpu.vector_store %arg3[%swap3A_2333, %swap3A_2334], %add3A_2332 {strides = array<i32>} : memref<256x8192xf32, #tpu.memory_space<vmem>>, vector<256x128xf32>,
    %get3A_2336 = arith.constant 0 : index
    %get3A_2337 = arith.constant 4480 : index
    %get3A_2338 = vector.load %arg2[%get3A_2336, %get3A_2337] : memref<8x8192xf32, #tpu.memory_space<vmem>>, vector<1x128xf32>
    %get3A_2339 = vector.shape_cast %get3A_2338 : vector<1x128xf32> to vector<128xf32>
    %broadcast_in_dim3A_2340 = vector.shape_cast %get3A_2339 : vector<128xf32> to vector<1x128xf32>
    %mul3A_2341 = vector.broadcast %broadcast_in_dim3A_2340 : vector<1x128xf32> to vector<256x128xf32>
    %mul3A_2342 = arith.mulf %concatenate3A, %mul3A_2341 : vector<256x128xf32>
    %get3A_2343 = arith.constant 1 : index
    %get3A_2344 = arith.constant 4480 : index
    %get3A_2345 = vector.load %arg2[%get3A_2343, %get3A_2344] : memref<8x8192xf32, #tpu.memory_space<vmem>>, vector<1x128xf32>
    %get3A_2346 = vector.shape_cast %get3A_2345 : vector<1x128xf32> to vector<128xf32>
    %broadcast_in_dim3A_2347 = vector.shape_cast %get3A_2346 : vector<128xf32> to vector<1x128xf32>
    %mul3A_2348 = vector.broadcast %broadcast_in_dim3A_2347 : vector<1x128xf32> to vector<256x128xf32>
    %mul3A_2349 = arith.mulf %concatenate3A_5, %mul3A_2348 : vector<256x128xf32>
    %add3A_2350 = arith.addf %mul3A_2342, %mul3A_2349 : vector<256x128xf32>
    %get3A_2351 = arith.constant 2 : index
    %get3A_2352 = arith.constant 4480 : index
    %get3A_2353 = vector.load %arg2[%get3A_2351, %get3A_2352] : memref<8x8192xf32, #tpu.memory_space<vmem>>, vector<1x128xf32>
    %get3A_2354 = vector.shape_cast %get3A_2353 : vector<1x128xf32> to vector<128xf32>
    %broadcast_in_dim3A_2355 = vector.shape_cast %get3A_2354 : vector<128xf32> to vector<1x128xf32>
    %mul3A_2356 = vector.broadcast %broadcast_in_dim3A_2355 : vector<1x128xf32> to vector<256x128xf32>
    %mul3A_2357 = arith.mulf %concatenate3A_9, %mul3A_2356 : vector<256x128xf32>
    %add3A_2358 = arith.addf %add3A_2350, %mul3A_2357 : vector<256x128xf32>
    %get3A_2359 = arith.constant 3 : index
    %get3A_2360 = arith.constant 4480 : index
    %get3A_2361 = vector.load %arg2[%get3A_2359, %get3A_2360] : memref<8x8192xf32, #tpu.memory_space<vmem>>, vector<1x128xf32>
    %get3A_2362 = vector.shape_cast %get3A_2361 : vector<1x128xf32> to vector<128xf32>
    %broadcast_in_dim3A_2363 = vector.shape_cast %get3A_2362 : vector<128xf32> to vector<1x128xf32>
    %mul3A_2364 = vector.broadcast %broadcast_in_dim3A_2363 : vector<1x128xf32> to vector<256x128xf32>
    %mul3A_2365 = arith.mulf %concatenate3A_13, %mul3A_2364 : vector<256x128xf32>
    %add3A_2366 = arith.addf %add3A_2358, %mul3A_2365 : vector<256x128xf32>
    %get3A_2367 = arith.constant 4 : index
    %get3A_2368 = arith.constant 4480 : index
    %get3A_2369 = vector.load %arg2[%get3A_2367, %get3A_2368] : memref<8x8192xf32, #tpu.memory_space<vmem>>, vector<1x128xf32>
    %get3A_2370 = vector.shape_cast %get3A_2369 : vector<1x128xf32> to vector<128xf32>
    %broadcast_in_dim3A_2371 = vector.shape_cast %get3A_2370 : vector<128xf32> to vector<1x128xf32>
    %mul3A_2372 = vector.broadcast %broadcast_in_dim3A_2371 : vector<1x128xf32> to vector<256x128xf32>
    %mul3A_2373 = arith.mulf %concatenate3A_17, %mul3A_2372 : vector<256x128xf32>
    %add3A_2374 = arith.addf %add3A_2366, %mul3A_2373 : vector<256x128xf32>
    %get3A_2375 = arith.constant 5 : index
    %get3A_2376 = arith.constant 4480 : index
    %get3A_2377 = vector.load %arg2[%get3A_2375, %get3A_2376] : memref<8x8192xf32, #tpu.memory_space<vmem>>, vector<1x128xf32>
    %get3A_2378 = vector.shape_cast %get3A_2377 : vector<1x128xf32> to vector<128xf32>
    %broadcast_in_dim3A_2379 = vector.shape_cast %get3A_2378 : vector<128xf32> to vector<1x128xf32>
    %mul3A_2380 = vector.broadcast %broadcast_in_dim3A_2379 : vector<1x128xf32> to vector<256x128xf32>
    %mul3A_2381 = arith.mulf %concatenate3A_21, %mul3A_2380 : vector<256x128xf32>
    %add3A_2382 = arith.addf %add3A_2374, %mul3A_2381 : vector<256x128xf32>
    %get3A_2383 = arith.constant 6 : index
    %get3A_2384 = arith.constant 4480 : index
    %get3A_2385 = vector.load %arg2[%get3A_2383, %get3A_2384] : memref<8x8192xf32, #tpu.memory_space<vmem>>, vector<1x128xf32>
    %get3A_2386 = vector.shape_cast %get3A_2385 : vector<1x128xf32> to vector<128xf32>
    %broadcast_in_dim3A_2387 = vector.shape_cast %get3A_2386 : vector<128xf32> to vector<1x128xf32>
    %mul3A_2388 = vector.broadcast %broadcast_in_dim3A_2387 : vector<1x128xf32> to vector<256x128xf32>
    %mul3A_2389 = arith.mulf %concatenate3A_25, %mul3A_2388 : vector<256x128xf32>
    %add3A_2390 = arith.addf %add3A_2382, %mul3A_2389 : vector<256x128xf32>
    %get3A_2391 = arith.constant 7 : index
    %get3A_2392 = arith.constant 4480 : index
    %get3A_2393 = vector.load %arg2[%get3A_2391, %get3A_2392] : memref<8x8192xf32, #tpu.memory_space<vmem>>, vector<1x128xf32>
    %get3A_2394 = vector.shape_cast %get3A_2393 : vector<1x128xf32> to vector<128xf32>
    %broadcast_in_dim3A_2395 = vector.shape_cast %get3A_2394 : vector<128xf32> to vector<1x128xf32>
    %mul3A_2396 = vector.broadcast %broadcast_in_dim3A_2395 : vector<1x128xf32> to vector<256x128xf32>
    %mul3A_2397 = arith.mulf %concatenate3A_29, %mul3A_2396 : vector<256x128xf32>
    %add3A_2398 = arith.addf %add3A_2390, %mul3A_2397 : vector<256x128xf32>
    %swap3A_2399 = arith.constant 0 : index
    %swap3A_2400 = arith.constant 4480 : index
    %swap3A_2401 = vector.load %arg3[%swap3A_2399, %swap3A_2400] : memref<256x8192xf32, #tpu.memory_space<vmem>>, vector<256x128xf32>
    tpu.vector_store %arg3[%swap3A_2399, %swap3A_2400], %add3A_2398 {strides = array<i32>} : memref<256x8192xf32, #tpu.memory_space<vmem>>, vector<256x128xf32>,
    %get3A_2402 = arith.constant 0 : index
    %get3A_2403 = arith.constant 4608 : index
    %get3A_2404 = vector.load %arg2[%get3A_2402, %get3A_2403] : memref<8x8192xf32, #tpu.memory_space<vmem>>, vector<1x128xf32>
    %get3A_2405 = vector.shape_cast %get3A_2404 : vector<1x128xf32> to vector<128xf32>
    %broadcast_in_dim3A_2406 = vector.shape_cast %get3A_2405 : vector<128xf32> to vector<1x128xf32>
    %mul3A_2407 = vector.broadcast %broadcast_in_dim3A_2406 : vector<1x128xf32> to vector<256x128xf32>
    %mul3A_2408 = arith.mulf %concatenate3A, %mul3A_2407 : vector<256x128xf32>
    %get3A_2409 = arith.constant 1 : index
    %get3A_2410 = arith.constant 4608 : index
    %get3A_2411 = vector.load %arg2[%get3A_2409, %get3A_2410] : memref<8x8192xf32, #tpu.memory_space<vmem>>, vector<1x128xf32>
    %get3A_2412 = vector.shape_cast %get3A_2411 : vector<1x128xf32> to vector<128xf32>
    %broadcast_in_dim3A_2413 = vector.shape_cast %get3A_2412 : vector<128xf32> to vector<1x128xf32>
    %mul3A_2414 = vector.broadcast %broadcast_in_dim3A_2413 : vector<1x128xf32> to vector<256x128xf32>
    %mul3A_2415 = arith.mulf %concatenate3A_5, %mul3A_2414 : vector<256x128xf32>
    %add3A_2416 = arith.addf %mul3A_2408, %mul3A_2415 : vector<256x128xf32>
    %get3A_2417 = arith.constant 2 : index
    %get3A_2418 = arith.constant 4608 : index
    %get3A_2419 = vector.load %arg2[%get3A_2417, %get3A_2418] : memref<8x8192xf32, #tpu.memory_space<vmem>>, vector<1x128xf32>
    %get3A_2420 = vector.shape_cast %get3A_2419 : vector<1x128xf32> to vector<128xf32>
    %broadcast_in_dim3A_2421 = vector.shape_cast %get3A_2420 : vector<128xf32> to vector<1x128xf32>
    %mul3A_2422 = vector.broadcast %broadcast_in_dim3A_2421 : vector<1x128xf32> to vector<256x128xf32>
    %mul3A_2423 = arith.mulf %concatenate3A_9, %mul3A_2422 : vector<256x128xf32>
    %add3A_2424 = arith.addf %add3A_2416, %mul3A_2423 : vector<256x128xf32>
    %get3A_2425 = arith.constant 3 : index
    %get3A_2426 = arith.constant 4608 : index
    %get3A_2427 = vector.load %arg2[%get3A_2425, %get3A_2426] : memref<8x8192xf32, #tpu.memory_space<vmem>>, vector<1x128xf32>
    %get3A_2428 = vector.shape_cast %get3A_2427 : vector<1x128xf32> to vector<128xf32>
    %broadcast_in_dim3A_2429 = vector.shape_cast %get3A_2428 : vector<128xf32> to vector<1x128xf32>
    %mul3A_2430 = vector.broadcast %broadcast_in_dim3A_2429 : vector<1x128xf32> to vector<256x128xf32>
    %mul3A_2431 = arith.mulf %concatenate3A_13, %mul3A_2430 : vector<256x128xf32>
    %add3A_2432 = arith.addf %add3A_2424, %mul3A_2431 : vector<256x128xf32>
    %get3A_2433 = arith.constant 4 : index
    %get3A_2434 = arith.constant 4608 : index
    %get3A_2435 = vector.load %arg2[%get3A_2433, %get3A_2434] : memref<8x8192xf32, #tpu.memory_space<vmem>>, vector<1x128xf32>
    %get3A_2436 = vector.shape_cast %get3A_2435 : vector<1x128xf32> to vector<128xf32>
    %broadcast_in_dim3A_2437 = vector.shape_cast %get3A_2436 : vector<128xf32> to vector<1x128xf32>
    %mul3A_2438 = vector.broadcast %broadcast_in_dim3A_2437 : vector<1x128xf32> to vector<256x128xf32>
    %mul3A_2439 = arith.mulf %concatenate3A_17, %mul3A_2438 : vector<256x128xf32>
    %add3A_2440 = arith.addf %add3A_2432, %mul3A_2439 : vector<256x128xf32>
    %get3A_2441 = arith.constant 5 : index
    %get3A_2442 = arith.constant 4608 : index
    %get3A_2443 = vector.load %arg2[%get3A_2441, %get3A_2442] : memref<8x8192xf32, #tpu.memory_space<vmem>>, vector<1x128xf32>
    %get3A_2444 = vector.shape_cast %get3A_2443 : vector<1x128xf32> to vector<128xf32>
    %broadcast_in_dim3A_2445 = vector.shape_cast %get3A_2444 : vector<128xf32> to vector<1x128xf32>
    %mul3A_2446 = vector.broadcast %broadcast_in_dim3A_2445 : vector<1x128xf32> to vector<256x128xf32>
    %mul3A_2447 = arith.mulf %concatenate3A_21, %mul3A_2446 : vector<256x128xf32>
    %add3A_2448 = arith.addf %add3A_2440, %mul3A_2447 : vector<256x128xf32>
    %get3A_2449 = arith.constant 6 : index
    %get3A_2450 = arith.constant 4608 : index
    %get3A_2451 = vector.load %arg2[%get3A_2449, %get3A_2450] : memref<8x8192xf32, #tpu.memory_space<vmem>>, vector<1x128xf32>
    %get3A_2452 = vector.shape_cast %get3A_2451 : vector<1x128xf32> to vector<128xf32>
    %broadcast_in_dim3A_2453 = vector.shape_cast %get3A_2452 : vector<128xf32> to vector<1x128xf32>
    %mul3A_2454 = vector.broadcast %broadcast_in_dim3A_2453 : vector<1x128xf32> to vector<256x128xf32>
    %mul3A_2455 = arith.mulf %concatenate3A_25, %mul3A_2454 : vector<256x128xf32>
    %add3A_2456 = arith.addf %add3A_2448, %mul3A_2455 : vector<256x128xf32>
    %get3A_2457 = arith.constant 7 : index
    %get3A_2458 = arith.constant 4608 : index
    %get3A_2459 = vector.load %arg2[%get3A_2457, %get3A_2458] : memref<8x8192xf32, #tpu.memory_space<vmem>>, vector<1x128xf32>
    %get3A_2460 = vector.shape_cast %get3A_2459 : vector<1x128xf32> to vector<128xf32>
    %broadcast_in_dim3A_2461 = vector.shape_cast %get3A_2460 : vector<128xf32> to vector<1x128xf32>
    %mul3A_2462 = vector.broadcast %broadcast_in_dim3A_2461 : vector<1x128xf32> to vector<256x128xf32>
    %mul3A_2463 = arith.mulf %concatenate3A_29, %mul3A_2462 : vector<256x128xf32>
    %add3A_2464 = arith.addf %add3A_2456, %mul3A_2463 : vector<256x128xf32>
    %swap3A_2465 = arith.constant 0 : index
    %swap3A_2466 = arith.constant 4608 : index
    %swap3A_2467 = vector.load %arg3[%swap3A_2465, %swap3A_2466] : memref<256x8192xf32, #tpu.memory_space<vmem>>, vector<256x128xf32>
    tpu.vector_store %arg3[%swap3A_2465, %swap3A_2466], %add3A_2464 {strides = array<i32>} : memref<256x8192xf32, #tpu.memory_space<vmem>>, vector<256x128xf32>,
    %get3A_2468 = arith.constant 0 : index
    %get3A_2469 = arith.constant 4736 : index
    %get3A_2470 = vector.load %arg2[%get3A_2468, %get3A_2469] : memref<8x8192xf32, #tpu.memory_space<vmem>>, vector<1x128xf32>
    %get3A_2471 = vector.shape_cast %get3A_2470 : vector<1x128xf32> to vector<128xf32>
    %broadcast_in_dim3A_2472 = vector.shape_cast %get3A_2471 : vector<128xf32> to vector<1x128xf32>
    %mul3A_2473 = vector.broadcast %broadcast_in_dim3A_2472 : vector<1x128xf32> to vector<256x128xf32>
    %mul3A_2474 = arith.mulf %concatenate3A, %mul3A_2473 : vector<256x128xf32>
    %get3A_2475 = arith.constant 1 : index
    %get3A_2476 = arith.constant 4736 : index
    %get3A_2477 = vector.load %arg2[%get3A_2475, %get3A_2476] : memref<8x8192xf32, #tpu.memory_space<vmem>>, vector<1x128xf32>
    %get3A_2478 = vector.shape_cast %get3A_2477 : vector<1x128xf32> to vector<128xf32>
    %broadcast_in_dim3A_2479 = vector.shape_cast %get3A_2478 : vector<128xf32> to vector<1x128xf32>
    %mul3A_2480 = vector.broadcast %broadcast_in_dim3A_2479 : vector<1x128xf32> to vector<256x128xf32>
    %mul3A_2481 = arith.mulf %concatenate3A_5, %mul3A_2480 : vector<256x128xf32>
    %add3A_2482 = arith.addf %mul3A_2474, %mul3A_2481 : vector<256x128xf32>
    %get3A_2483 = arith.constant 2 : index
    %get3A_2484 = arith.constant 4736 : index
    %get3A_2485 = vector.load %arg2[%get3A_2483, %get3A_2484] : memref<8x8192xf32, #tpu.memory_space<vmem>>, vector<1x128xf32>
    %get3A_2486 = vector.shape_cast %get3A_2485 : vector<1x128xf32> to vector<128xf32>
    %broadcast_in_dim3A_2487 = vector.shape_cast %get3A_2486 : vector<128xf32> to vector<1x128xf32>
    %mul3A_2488 = vector.broadcast %broadcast_in_dim3A_2487 : vector<1x128xf32> to vector<256x128xf32>
    %mul3A_2489 = arith.mulf %concatenate3A_9, %mul3A_2488 : vector<256x128xf32>
    %add3A_2490 = arith.addf %add3A_2482, %mul3A_2489 : vector<256x128xf32>
    %get3A_2491 = arith.constant 3 : index
    %get3A_2492 = arith.constant 4736 : index
    %get3A_2493 = vector.load %arg2[%get3A_2491, %get3A_2492] : memref<8x8192xf32, #tpu.memory_space<vmem>>, vector<1x128xf32>
    %get3A_2494 = vector.shape_cast %get3A_2493 : vector<1x128xf32> to vector<128xf32>
    %broadcast_in_dim3A_2495 = vector.shape_cast %get3A_2494 : vector<128xf32> to vector<1x128xf32>
    %mul3A_2496 = vector.broadcast %broadcast_in_dim3A_2495 : vector<1x128xf32> to vector<256x128xf32>
    %mul3A_2497 = arith.mulf %concatenate3A_13, %mul3A_2496 : vector<256x128xf32>
    %add3A_2498 = arith.addf %add3A_2490, %mul3A_2497 : vector<256x128xf32>
    %get3A_2499 = arith.constant 4 : index
    %get3A_2500 = arith.constant 4736 : index
    %get3A_2501 = vector.load %arg2[%get3A_2499, %get3A_2500] : memref<8x8192xf32, #tpu.memory_space<vmem>>, vector<1x128xf32>
    %get3A_2502 = vector.shape_cast %get3A_2501 : vector<1x128xf32> to vector<128xf32>
    %broadcast_in_dim3A_2503 = vector.shape_cast %get3A_2502 : vector<128xf32> to vector<1x128xf32>
    %mul3A_2504 = vector.broadcast %broadcast_in_dim3A_2503 : vector<1x128xf32> to vector<256x128xf32>
    %mul3A_2505 = arith.mulf %concatenate3A_17, %mul3A_2504 : vector<256x128xf32>
    %add3A_2506 = arith.addf %add3A_2498, %mul3A_2505 : vector<256x128xf32>
    %get3A_2507 = arith.constant 5 : index
    %get3A_2508 = arith.constant 4736 : index
    %get3A_2509 = vector.load %arg2[%get3A_2507, %get3A_2508] : memref<8x8192xf32, #tpu.memory_space<vmem>>, vector<1x128xf32>
    %get3A_2510 = vector.shape_cast %get3A_2509 : vector<1x128xf32> to vector<128xf32>
    %broadcast_in_dim3A_2511 = vector.shape_cast %get3A_2510 : vector<128xf32> to vector<1x128xf32>
    %mul3A_2512 = vector.broadcast %broadcast_in_dim3A_2511 : vector<1x128xf32> to vector<256x128xf32>
    %mul3A_2513 = arith.mulf %concatenate3A_21, %mul3A_2512 : vector<256x128xf32>
    %add3A_2514 = arith.addf %add3A_2506, %mul3A_2513 : vector<256x128xf32>
    %get3A_2515 = arith.constant 6 : index
    %get3A_2516 = arith.constant 4736 : index
    %get3A_2517 = vector.load %arg2[%get3A_2515, %get3A_2516] : memref<8x8192xf32, #tpu.memory_space<vmem>>, vector<1x128xf32>
    %get3A_2518 = vector.shape_cast %get3A_2517 : vector<1x128xf32> to vector<128xf32>
    %broadcast_in_dim3A_2519 = vector.shape_cast %get3A_2518 : vector<128xf32> to vector<1x128xf32>
    %mul3A_2520 = vector.broadcast %broadcast_in_dim3A_2519 : vector<1x128xf32> to vector<256x128xf32>
    %mul3A_2521 = arith.mulf %concatenate3A_25, %mul3A_2520 : vector<256x128xf32>
    %add3A_2522 = arith.addf %add3A_2514, %mul3A_2521 : vector<256x128xf32>
    %get3A_2523 = arith.constant 7 : index
    %get3A_2524 = arith.constant 4736 : index
    %get3A_2525 = vector.load %arg2[%get3A_2523, %get3A_2524] : memref<8x8192xf32, #tpu.memory_space<vmem>>, vector<1x128xf32>
    %get3A_2526 = vector.shape_cast %get3A_2525 : vector<1x128xf32> to vector<128xf32>
    %broadcast_in_dim3A_2527 = vector.shape_cast %get3A_2526 : vector<128xf32> to vector<1x128xf32>
    %mul3A_2528 = vector.broadcast %broadcast_in_dim3A_2527 : vector<1x128xf32> to vector<256x128xf32>
    %mul3A_2529 = arith.mulf %concatenate3A_29, %mul3A_2528 : vector<256x128xf32>
    %add3A_2530 = arith.addf %add3A_2522, %mul3A_2529 : vector<256x128xf32>
    %swap3A_2531 = arith.constant 0 : index
    %swap3A_2532 = arith.constant 4736 : index
    %swap3A_2533 = vector.load %arg3[%swap3A_2531, %swap3A_2532] : memref<256x8192xf32, #tpu.memory_space<vmem>>, vector<256x128xf32>
    tpu.vector_store %arg3[%swap3A_2531, %swap3A_2532], %add3A_2530 {strides = array<i32>} : memref<256x8192xf32, #tpu.memory_space<vmem>>, vector<256x128xf32>,
    %get3A_2534 = arith.constant 0 : index
    %get3A_2535 = arith.constant 4864 : index
    %get3A_2536 = vector.load %arg2[%get3A_2534, %get3A_2535] : memref<8x8192xf32, #tpu.memory_space<vmem>>, vector<1x128xf32>
    %get3A_2537 = vector.shape_cast %get3A_2536 : vector<1x128xf32> to vector<128xf32>
    %broadcast_in_dim3A_2538 = vector.shape_cast %get3A_2537 : vector<128xf32> to vector<1x128xf32>
    %mul3A_2539 = vector.broadcast %broadcast_in_dim3A_2538 : vector<1x128xf32> to vector<256x128xf32>
    %mul3A_2540 = arith.mulf %concatenate3A, %mul3A_2539 : vector<256x128xf32>
    %get3A_2541 = arith.constant 1 : index
    %get3A_2542 = arith.constant 4864 : index
    %get3A_2543 = vector.load %arg2[%get3A_2541, %get3A_2542] : memref<8x8192xf32, #tpu.memory_space<vmem>>, vector<1x128xf32>
    %get3A_2544 = vector.shape_cast %get3A_2543 : vector<1x128xf32> to vector<128xf32>
    %broadcast_in_dim3A_2545 = vector.shape_cast %get3A_2544 : vector<128xf32> to vector<1x128xf32>
    %mul3A_2546 = vector.broadcast %broadcast_in_dim3A_2545 : vector<1x128xf32> to vector<256x128xf32>
    %mul3A_2547 = arith.mulf %concatenate3A_5, %mul3A_2546 : vector<256x128xf32>
    %add3A_2548 = arith.addf %mul3A_2540, %mul3A_2547 : vector<256x128xf32>
    %get3A_2549 = arith.constant 2 : index
    %get3A_2550 = arith.constant 4864 : index
    %get3A_2551 = vector.load %arg2[%get3A_2549, %get3A_2550] : memref<8x8192xf32, #tpu.memory_space<vmem>>, vector<1x128xf32>
    %get3A_2552 = vector.shape_cast %get3A_2551 : vector<1x128xf32> to vector<128xf32>
    %broadcast_in_dim3A_2553 = vector.shape_cast %get3A_2552 : vector<128xf32> to vector<1x128xf32>
    %mul3A_2554 = vector.broadcast %broadcast_in_dim3A_2553 : vector<1x128xf32> to vector<256x128xf32>
    %mul3A_2555 = arith.mulf %concatenate3A_9, %mul3A_2554 : vector<256x128xf32>
    %add3A_2556 = arith.addf %add3A_2548, %mul3A_2555 : vector<256x128xf32>
    %get3A_2557 = arith.constant 3 : index
    %get3A_2558 = arith.constant 4864 : index
    %get3A_2559 = vector.load %arg2[%get3A_2557, %get3A_2558] : memref<8x8192xf32, #tpu.memory_space<vmem>>, vector<1x128xf32>
    %get3A_2560 = vector.shape_cast %get3A_2559 : vector<1x128xf32> to vector<128xf32>
    %broadcast_in_dim3A_2561 = vector.shape_cast %get3A_2560 : vector<128xf32> to vector<1x128xf32>
    %mul3A_2562 = vector.broadcast %broadcast_in_dim3A_2561 : vector<1x128xf32> to vector<256x128xf32>
    %mul3A_2563 = arith.mulf %concatenate3A_13, %mul3A_2562 : vector<256x128xf32>
    %add3A_2564 = arith.addf %add3A_2556, %mul3A_2563 : vector<256x128xf32>
    %get3A_2565 = arith.constant 4 : index
    %get3A_2566 = arith.constant 4864 : index
    %get3A_2567 = vector.load %arg2[%get3A_2565, %get3A_2566] : memref<8x8192xf32, #tpu.memory_space<vmem>>, vector<1x128xf32>
    %get3A_2568 = vector.shape_cast %get3A_2567 : vector<1x128xf32> to vector<128xf32>
    %broadcast_in_dim3A_2569 = vector.shape_cast %get3A_2568 : vector<128xf32> to vector<1x128xf32>
    %mul3A_2570 = vector.broadcast %broadcast_in_dim3A_2569 : vector<1x128xf32> to vector<256x128xf32>
    %mul3A_2571 = arith.mulf %concatenate3A_17, %mul3A_2570 : vector<256x128xf32>
    %add3A_2572 = arith.addf %add3A_2564, %mul3A_2571 : vector<256x128xf32>
    %get3A_2573 = arith.constant 5 : index
    %get3A_2574 = arith.constant 4864 : index
    %get3A_2575 = vector.load %arg2[%get3A_2573, %get3A_2574] : memref<8x8192xf32, #tpu.memory_space<vmem>>, vector<1x128xf32>
    %get3A_2576 = vector.shape_cast %get3A_2575 : vector<1x128xf32> to vector<128xf32>
    %broadcast_in_dim3A_2577 = vector.shape_cast %get3A_2576 : vector<128xf32> to vector<1x128xf32>
    %mul3A_2578 = vector.broadcast %broadcast_in_dim3A_2577 : vector<1x128xf32> to vector<256x128xf32>
    %mul3A_2579 = arith.mulf %concatenate3A_21, %mul3A_2578 : vector<256x128xf32>
    %add3A_2580 = arith.addf %add3A_2572, %mul3A_2579 : vector<256x128xf32>
    %get3A_2581 = arith.constant 6 : index
    %get3A_2582 = arith.constant 4864 : index
    %get3A_2583 = vector.load %arg2[%get3A_2581, %get3A_2582] : memref<8x8192xf32, #tpu.memory_space<vmem>>, vector<1x128xf32>
    %get3A_2584 = vector.shape_cast %get3A_2583 : vector<1x128xf32> to vector<128xf32>
    %broadcast_in_dim3A_2585 = vector.shape_cast %get3A_2584 : vector<128xf32> to vector<1x128xf32>
    %mul3A_2586 = vector.broadcast %broadcast_in_dim3A_2585 : vector<1x128xf32> to vector<256x128xf32>
    %mul3A_2587 = arith.mulf %concatenate3A_25, %mul3A_2586 : vector<256x128xf32>
    %add3A_2588 = arith.addf %add3A_2580, %mul3A_2587 : vector<256x128xf32>
    %get3A_2589 = arith.constant 7 : index
    %get3A_2590 = arith.constant 4864 : index
    %get3A_2591 = vector.load %arg2[%get3A_2589, %get3A_2590] : memref<8x8192xf32, #tpu.memory_space<vmem>>, vector<1x128xf32>
    %get3A_2592 = vector.shape_cast %get3A_2591 : vector<1x128xf32> to vector<128xf32>
    %broadcast_in_dim3A_2593 = vector.shape_cast %get3A_2592 : vector<128xf32> to vector<1x128xf32>
    %mul3A_2594 = vector.broadcast %broadcast_in_dim3A_2593 : vector<1x128xf32> to vector<256x128xf32>
    %mul3A_2595 = arith.mulf %concatenate3A_29, %mul3A_2594 : vector<256x128xf32>
    %add3A_2596 = arith.addf %add3A_2588, %mul3A_2595 : vector<256x128xf32>
    %swap3A_2597 = arith.constant 0 : index
    %swap3A_2598 = arith.constant 4864 : index
    %swap3A_2599 = vector.load %arg3[%swap3A_2597, %swap3A_2598] : memref<256x8192xf32, #tpu.memory_space<vmem>>, vector<256x128xf32>
    tpu.vector_store %arg3[%swap3A_2597, %swap3A_2598], %add3A_2596 {strides = array<i32>} : memref<256x8192xf32, #tpu.memory_space<vmem>>, vector<256x128xf32>,
    %get3A_2600 = arith.constant 0 : index
    %get3A_2601 = arith.constant 4992 : index
    %get3A_2602 = vector.load %arg2[%get3A_2600, %get3A_2601] : memref<8x8192xf32, #tpu.memory_space<vmem>>, vector<1x128xf32>
    %get3A_2603 = vector.shape_cast %get3A_2602 : vector<1x128xf32> to vector<128xf32>
    %broadcast_in_dim3A_2604 = vector.shape_cast %get3A_2603 : vector<128xf32> to vector<1x128xf32>
    %mul3A_2605 = vector.broadcast %broadcast_in_dim3A_2604 : vector<1x128xf32> to vector<256x128xf32>
    %mul3A_2606 = arith.mulf %concatenate3A, %mul3A_2605 : vector<256x128xf32>
    %get3A_2607 = arith.constant 1 : index
    %get3A_2608 = arith.constant 4992 : index
    %get3A_2609 = vector.load %arg2[%get3A_2607, %get3A_2608] : memref<8x8192xf32, #tpu.memory_space<vmem>>, vector<1x128xf32>
    %get3A_2610 = vector.shape_cast %get3A_2609 : vector<1x128xf32> to vector<128xf32>
    %broadcast_in_dim3A_2611 = vector.shape_cast %get3A_2610 : vector<128xf32> to vector<1x128xf32>
    %mul3A_2612 = vector.broadcast %broadcast_in_dim3A_2611 : vector<1x128xf32> to vector<256x128xf32>
    %mul3A_2613 = arith.mulf %concatenate3A_5, %mul3A_2612 : vector<256x128xf32>
    %add3A_2614 = arith.addf %mul3A_2606, %mul3A_2613 : vector<256x128xf32>
    %get3A_2615 = arith.constant 2 : index
    %get3A_2616 = arith.constant 4992 : index
    %get3A_2617 = vector.load %arg2[%get3A_2615, %get3A_2616] : memref<8x8192xf32, #tpu.memory_space<vmem>>, vector<1x128xf32>
    %get3A_2618 = vector.shape_cast %get3A_2617 : vector<1x128xf32> to vector<128xf32>
    %broadcast_in_dim3A_2619 = vector.shape_cast %get3A_2618 : vector<128xf32> to vector<1x128xf32>
    %mul3A_2620 = vector.broadcast %broadcast_in_dim3A_2619 : vector<1x128xf32> to vector<256x128xf32>
    %mul3A_2621 = arith.mulf %concatenate3A_9, %mul3A_2620 : vector<256x128xf32>
    %add3A_2622 = arith.addf %add3A_2614, %mul3A_2621 : vector<256x128xf32>
    %get3A_2623 = arith.constant 3 : index
    %get3A_2624 = arith.constant 4992 : index
    %get3A_2625 = vector.load %arg2[%get3A_2623, %get3A_2624] : memref<8x8192xf32, #tpu.memory_space<vmem>>, vector<1x128xf32>
    %get3A_2626 = vector.shape_cast %get3A_2625 : vector<1x128xf32> to vector<128xf32>
    %broadcast_in_dim3A_2627 = vector.shape_cast %get3A_2626 : vector<128xf32> to vector<1x128xf32>
    %mul3A_2628 = vector.broadcast %broadcast_in_dim3A_2627 : vector<1x128xf32> to vector<256x128xf32>
    %mul3A_2629 = arith.mulf %concatenate3A_13, %mul3A_2628 : vector<256x128xf32>
    %add3A_2630 = arith.addf %add3A_2622, %mul3A_2629 : vector<256x128xf32>
    %get3A_2631 = arith.constant 4 : index
    %get3A_2632 = arith.constant 4992 : index
    %get3A_2633 = vector.load %arg2[%get3A_2631, %get3A_2632] : memref<8x8192xf32, #tpu.memory_space<vmem>>, vector<1x128xf32>
    %get3A_2634 = vector.shape_cast %get3A_2633 : vector<1x128xf32> to vector<128xf32>
    %broadcast_in_dim3A_2635 = vector.shape_cast %get3A_2634 : vector<128xf32> to vector<1x128xf32>
    %mul3A_2636 = vector.broadcast %broadcast_in_dim3A_2635 : vector<1x128xf32> to vector<256x128xf32>
    %mul3A_2637 = arith.mulf %concatenate3A_17, %mul3A_2636 : vector<256x128xf32>
    %add3A_2638 = arith.addf %add3A_2630, %mul3A_2637 : vector<256x128xf32>
    %get3A_2639 = arith.constant 5 : index
    %get3A_2640 = arith.constant 4992 : index
    %get3A_2641 = vector.load %arg2[%get3A_2639, %get3A_2640] : memref<8x8192xf32, #tpu.memory_space<vmem>>, vector<1x128xf32>
    %get3A_2642 = vector.shape_cast %get3A_2641 : vector<1x128xf32> to vector<128xf32>
    %broadcast_in_dim3A_2643 = vector.shape_cast %get3A_2642 : vector<128xf32> to vector<1x128xf32>
    %mul3A_2644 = vector.broadcast %broadcast_in_dim3A_2643 : vector<1x128xf32> to vector<256x128xf32>
    %mul3A_2645 = arith.mulf %concatenate3A_21, %mul3A_2644 : vector<256x128xf32>
    %add3A_2646 = arith.addf %add3A_2638, %mul3A_2645 : vector<256x128xf32>
    %get3A_2647 = arith.constant 6 : index
    %get3A_2648 = arith.constant 4992 : index
    %get3A_2649 = vector.load %arg2[%get3A_2647, %get3A_2648] : memref<8x8192xf32, #tpu.memory_space<vmem>>, vector<1x128xf32>
    %get3A_2650 = vector.shape_cast %get3A_2649 : vector<1x128xf32> to vector<128xf32>
    %broadcast_in_dim3A_2651 = vector.shape_cast %get3A_2650 : vector<128xf32> to vector<1x128xf32>
    %mul3A_2652 = vector.broadcast %broadcast_in_dim3A_2651 : vector<1x128xf32> to vector<256x128xf32>
    %mul3A_2653 = arith.mulf %concatenate3A_25, %mul3A_2652 : vector<256x128xf32>
    %add3A_2654 = arith.addf %add3A_2646, %mul3A_2653 : vector<256x128xf32>
    %get3A_2655 = arith.constant 7 : index
    %get3A_2656 = arith.constant 4992 : index
    %get3A_2657 = vector.load %arg2[%get3A_2655, %get3A_2656] : memref<8x8192xf32, #tpu.memory_space<vmem>>, vector<1x128xf32>
    %get3A_2658 = vector.shape_cast %get3A_2657 : vector<1x128xf32> to vector<128xf32>
    %broadcast_in_dim3A_2659 = vector.shape_cast %get3A_2658 : vector<128xf32> to vector<1x128xf32>
    %mul3A_2660 = vector.broadcast %broadcast_in_dim3A_2659 : vector<1x128xf32> to vector<256x128xf32>
    %mul3A_2661 = arith.mulf %concatenate3A_29, %mul3A_2660 : vector<256x128xf32>
    %add3A_2662 = arith.addf %add3A_2654, %mul3A_2661 : vector<256x128xf32>
    %swap3A_2663 = arith.constant 0 : index
    %swap3A_2664 = arith.constant 4992 : index
    %swap3A_2665 = vector.load %arg3[%swap3A_2663, %swap3A_2664] : memref<256x8192xf32, #tpu.memory_space<vmem>>, vector<256x128xf32>
    tpu.vector_store %arg3[%swap3A_2663, %swap3A_2664], %add3A_2662 {strides = array<i32>} : memref<256x8192xf32, #tpu.memory_space<vmem>>, vector<256x128xf32>,
    %get3A_2666 = arith.constant 0 : index
    %get3A_2667 = arith.constant 5120 : index
    %get3A_2668 = vector.load %arg2[%get3A_2666, %get3A_2667] : memref<8x8192xf32, #tpu.memory_space<vmem>>, vector<1x128xf32>
    %get3A_2669 = vector.shape_cast %get3A_2668 : vector<1x128xf32> to vector<128xf32>
    %broadcast_in_dim3A_2670 = vector.shape_cast %get3A_2669 : vector<128xf32> to vector<1x128xf32>
    %mul3A_2671 = vector.broadcast %broadcast_in_dim3A_2670 : vector<1x128xf32> to vector<256x128xf32>
    %mul3A_2672 = arith.mulf %concatenate3A, %mul3A_2671 : vector<256x128xf32>
    %get3A_2673 = arith.constant 1 : index
    %get3A_2674 = arith.constant 5120 : index
    %get3A_2675 = vector.load %arg2[%get3A_2673, %get3A_2674] : memref<8x8192xf32, #tpu.memory_space<vmem>>, vector<1x128xf32>
    %get3A_2676 = vector.shape_cast %get3A_2675 : vector<1x128xf32> to vector<128xf32>
    %broadcast_in_dim3A_2677 = vector.shape_cast %get3A_2676 : vector<128xf32> to vector<1x128xf32>
    %mul3A_2678 = vector.broadcast %broadcast_in_dim3A_2677 : vector<1x128xf32> to vector<256x128xf32>
    %mul3A_2679 = arith.mulf %concatenate3A_5, %mul3A_2678 : vector<256x128xf32>
    %add3A_2680 = arith.addf %mul3A_2672, %mul3A_2679 : vector<256x128xf32>
    %get3A_2681 = arith.constant 2 : index
    %get3A_2682 = arith.constant 5120 : index
    %get3A_2683 = vector.load %arg2[%get3A_2681, %get3A_2682] : memref<8x8192xf32, #tpu.memory_space<vmem>>, vector<1x128xf32>
    %get3A_2684 = vector.shape_cast %get3A_2683 : vector<1x128xf32> to vector<128xf32>
    %broadcast_in_dim3A_2685 = vector.shape_cast %get3A_2684 : vector<128xf32> to vector<1x128xf32>
    %mul3A_2686 = vector.broadcast %broadcast_in_dim3A_2685 : vector<1x128xf32> to vector<256x128xf32>
    %mul3A_2687 = arith.mulf %concatenate3A_9, %mul3A_2686 : vector<256x128xf32>
    %add3A_2688 = arith.addf %add3A_2680, %mul3A_2687 : vector<256x128xf32>
    %get3A_2689 = arith.constant 3 : index
    %get3A_2690 = arith.constant 5120 : index
    %get3A_2691 = vector.load %arg2[%get3A_2689, %get3A_2690] : memref<8x8192xf32, #tpu.memory_space<vmem>>, vector<1x128xf32>
    %get3A_2692 = vector.shape_cast %get3A_2691 : vector<1x128xf32> to vector<128xf32>
    %broadcast_in_dim3A_2693 = vector.shape_cast %get3A_2692 : vector<128xf32> to vector<1x128xf32>
    %mul3A_2694 = vector.broadcast %broadcast_in_dim3A_2693 : vector<1x128xf32> to vector<256x128xf32>
    %mul3A_2695 = arith.mulf %concatenate3A_13, %mul3A_2694 : vector<256x128xf32>
    %add3A_2696 = arith.addf %add3A_2688, %mul3A_2695 : vector<256x128xf32>
    %get3A_2697 = arith.constant 4 : index
    %get3A_2698 = arith.constant 5120 : index
    %get3A_2699 = vector.load %arg2[%get3A_2697, %get3A_2698] : memref<8x8192xf32, #tpu.memory_space<vmem>>, vector<1x128xf32>
    %get3A_2700 = vector.shape_cast %get3A_2699 : vector<1x128xf32> to vector<128xf32>
    %broadcast_in_dim3A_2701 = vector.shape_cast %get3A_2700 : vector<128xf32> to vector<1x128xf32>
    %mul3A_2702 = vector.broadcast %broadcast_in_dim3A_2701 : vector<1x128xf32> to vector<256x128xf32>
    %mul3A_2703 = arith.mulf %concatenate3A_17, %mul3A_2702 : vector<256x128xf32>
    %add3A_2704 = arith.addf %add3A_2696, %mul3A_2703 : vector<256x128xf32>
    %get3A_2705 = arith.constant 5 : index
    %get3A_2706 = arith.constant 5120 : index
    %get3A_2707 = vector.load %arg2[%get3A_2705, %get3A_2706] : memref<8x8192xf32, #tpu.memory_space<vmem>>, vector<1x128xf32>
    %get3A_2708 = vector.shape_cast %get3A_2707 : vector<1x128xf32> to vector<128xf32>
    %broadcast_in_dim3A_2709 = vector.shape_cast %get3A_2708 : vector<128xf32> to vector<1x128xf32>
    %mul3A_2710 = vector.broadcast %broadcast_in_dim3A_2709 : vector<1x128xf32> to vector<256x128xf32>
    %mul3A_2711 = arith.mulf %concatenate3A_21, %mul3A_2710 : vector<256x128xf32>
    %add3A_2712 = arith.addf %add3A_2704, %mul3A_2711 : vector<256x128xf32>
    %get3A_2713 = arith.constant 6 : index
    %get3A_2714 = arith.constant 5120 : index
    %get3A_2715 = vector.load %arg2[%get3A_2713, %get3A_2714] : memref<8x8192xf32, #tpu.memory_space<vmem>>, vector<1x128xf32>
    %get3A_2716 = vector.shape_cast %get3A_2715 : vector<1x128xf32> to vector<128xf32>
    %broadcast_in_dim3A_2717 = vector.shape_cast %get3A_2716 : vector<128xf32> to vector<1x128xf32>
    %mul3A_2718 = vector.broadcast %broadcast_in_dim3A_2717 : vector<1x128xf32> to vector<256x128xf32>
    %mul3A_2719 = arith.mulf %concatenate3A_25, %mul3A_2718 : vector<256x128xf32>
    %add3A_2720 = arith.addf %add3A_2712, %mul3A_2719 : vector<256x128xf32>
    %get3A_2721 = arith.constant 7 : index
    %get3A_2722 = arith.constant 5120 : index
    %get3A_2723 = vector.load %arg2[%get3A_2721, %get3A_2722] : memref<8x8192xf32, #tpu.memory_space<vmem>>, vector<1x128xf32>
    %get3A_2724 = vector.shape_cast %get3A_2723 : vector<1x128xf32> to vector<128xf32>
    %broadcast_in_dim3A_2725 = vector.shape_cast %get3A_2724 : vector<128xf32> to vector<1x128xf32>
    %mul3A_2726 = vector.broadcast %broadcast_in_dim3A_2725 : vector<1x128xf32> to vector<256x128xf32>
    %mul3A_2727 = arith.mulf %concatenate3A_29, %mul3A_2726 : vector<256x128xf32>
    %add3A_2728 = arith.addf %add3A_2720, %mul3A_2727 : vector<256x128xf32>
    %swap3A_2729 = arith.constant 0 : index
    %swap3A_2730 = arith.constant 5120 : index
    %swap3A_2731 = vector.load %arg3[%swap3A_2729, %swap3A_2730] : memref<256x8192xf32, #tpu.memory_space<vmem>>, vector<256x128xf32>
    tpu.vector_store %arg3[%swap3A_2729, %swap3A_2730], %add3A_2728 {strides = array<i32>} : memref<256x8192xf32, #tpu.memory_space<vmem>>, vector<256x128xf32>,
    %get3A_2732 = arith.constant 0 : index
    %get3A_2733 = arith.constant 5248 : index
    %get3A_2734 = vector.load %arg2[%get3A_2732, %get3A_2733] : memref<8x8192xf32, #tpu.memory_space<vmem>>, vector<1x128xf32>
    %get3A_2735 = vector.shape_cast %get3A_2734 : vector<1x128xf32> to vector<128xf32>
    %broadcast_in_dim3A_2736 = vector.shape_cast %get3A_2735 : vector<128xf32> to vector<1x128xf32>
    %mul3A_2737 = vector.broadcast %broadcast_in_dim3A_2736 : vector<1x128xf32> to vector<256x128xf32>
    %mul3A_2738 = arith.mulf %concatenate3A, %mul3A_2737 : vector<256x128xf32>
    %get3A_2739 = arith.constant 1 : index
    %get3A_2740 = arith.constant 5248 : index
    %get3A_2741 = vector.load %arg2[%get3A_2739, %get3A_2740] : memref<8x8192xf32, #tpu.memory_space<vmem>>, vector<1x128xf32>
    %get3A_2742 = vector.shape_cast %get3A_2741 : vector<1x128xf32> to vector<128xf32>
    %broadcast_in_dim3A_2743 = vector.shape_cast %get3A_2742 : vector<128xf32> to vector<1x128xf32>
    %mul3A_2744 = vector.broadcast %broadcast_in_dim3A_2743 : vector<1x128xf32> to vector<256x128xf32>
    %mul3A_2745 = arith.mulf %concatenate3A_5, %mul3A_2744 : vector<256x128xf32>
    %add3A_2746 = arith.addf %mul3A_2738, %mul3A_2745 : vector<256x128xf32>
    %get3A_2747 = arith.constant 2 : index
    %get3A_2748 = arith.constant 5248 : index
    %get3A_2749 = vector.load %arg2[%get3A_2747, %get3A_2748] : memref<8x8192xf32, #tpu.memory_space<vmem>>, vector<1x128xf32>
    %get3A_2750 = vector.shape_cast %get3A_2749 : vector<1x128xf32> to vector<128xf32>
    %broadcast_in_dim3A_2751 = vector.shape_cast %get3A_2750 : vector<128xf32> to vector<1x128xf32>
    %mul3A_2752 = vector.broadcast %broadcast_in_dim3A_2751 : vector<1x128xf32> to vector<256x128xf32>
    %mul3A_2753 = arith.mulf %concatenate3A_9, %mul3A_2752 : vector<256x128xf32>
    %add3A_2754 = arith.addf %add3A_2746, %mul3A_2753 : vector<256x128xf32>
    %get3A_2755 = arith.constant 3 : index
    %get3A_2756 = arith.constant 5248 : index
    %get3A_2757 = vector.load %arg2[%get3A_2755, %get3A_2756] : memref<8x8192xf32, #tpu.memory_space<vmem>>, vector<1x128xf32>
    %get3A_2758 = vector.shape_cast %get3A_2757 : vector<1x128xf32> to vector<128xf32>
    %broadcast_in_dim3A_2759 = vector.shape_cast %get3A_2758 : vector<128xf32> to vector<1x128xf32>
    %mul3A_2760 = vector.broadcast %broadcast_in_dim3A_2759 : vector<1x128xf32> to vector<256x128xf32>
    %mul3A_2761 = arith.mulf %concatenate3A_13, %mul3A_2760 : vector<256x128xf32>
    %add3A_2762 = arith.addf %add3A_2754, %mul3A_2761 : vector<256x128xf32>
    %get3A_2763 = arith.constant 4 : index
    %get3A_2764 = arith.constant 5248 : index
    %get3A_2765 = vector.load %arg2[%get3A_2763, %get3A_2764] : memref<8x8192xf32, #tpu.memory_space<vmem>>, vector<1x128xf32>
    %get3A_2766 = vector.shape_cast %get3A_2765 : vector<1x128xf32> to vector<128xf32>
    %broadcast_in_dim3A_2767 = vector.shape_cast %get3A_2766 : vector<128xf32> to vector<1x128xf32>
    %mul3A_2768 = vector.broadcast %broadcast_in_dim3A_2767 : vector<1x128xf32> to vector<256x128xf32>
    %mul3A_2769 = arith.mulf %concatenate3A_17, %mul3A_2768 : vector<256x128xf32>
    %add3A_2770 = arith.addf %add3A_2762, %mul3A_2769 : vector<256x128xf32>
    %get3A_2771 = arith.constant 5 : index
    %get3A_2772 = arith.constant 5248 : index
    %get3A_2773 = vector.load %arg2[%get3A_2771, %get3A_2772] : memref<8x8192xf32, #tpu.memory_space<vmem>>, vector<1x128xf32>
    %get3A_2774 = vector.shape_cast %get3A_2773 : vector<1x128xf32> to vector<128xf32>
    %broadcast_in_dim3A_2775 = vector.shape_cast %get3A_2774 : vector<128xf32> to vector<1x128xf32>
    %mul3A_2776 = vector.broadcast %broadcast_in_dim3A_2775 : vector<1x128xf32> to vector<256x128xf32>
    %mul3A_2777 = arith.mulf %concatenate3A_21, %mul3A_2776 : vector<256x128xf32>
    %add3A_2778 = arith.addf %add3A_2770, %mul3A_2777 : vector<256x128xf32>
    %get3A_2779 = arith.constant 6 : index
    %get3A_2780 = arith.constant 5248 : index
    %get3A_2781 = vector.load %arg2[%get3A_2779, %get3A_2780] : memref<8x8192xf32, #tpu.memory_space<vmem>>, vector<1x128xf32>
    %get3A_2782 = vector.shape_cast %get3A_2781 : vector<1x128xf32> to vector<128xf32>
    %broadcast_in_dim3A_2783 = vector.shape_cast %get3A_2782 : vector<128xf32> to vector<1x128xf32>
    %mul3A_2784 = vector.broadcast %broadcast_in_dim3A_2783 : vector<1x128xf32> to vector<256x128xf32>
    %mul3A_2785 = arith.mulf %concatenate3A_25, %mul3A_2784 : vector<256x128xf32>
    %add3A_2786 = arith.addf %add3A_2778, %mul3A_2785 : vector<256x128xf32>
    %get3A_2787 = arith.constant 7 : index
    %get3A_2788 = arith.constant 5248 : index
    %get3A_2789 = vector.load %arg2[%get3A_2787, %get3A_2788] : memref<8x8192xf32, #tpu.memory_space<vmem>>, vector<1x128xf32>
    %get3A_2790 = vector.shape_cast %get3A_2789 : vector<1x128xf32> to vector<128xf32>
    %broadcast_in_dim3A_2791 = vector.shape_cast %get3A_2790 : vector<128xf32> to vector<1x128xf32>
    %mul3A_2792 = vector.broadcast %broadcast_in_dim3A_2791 : vector<1x128xf32> to vector<256x128xf32>
    %mul3A_2793 = arith.mulf %concatenate3A_29, %mul3A_2792 : vector<256x128xf32>
    %add3A_2794 = arith.addf %add3A_2786, %mul3A_2793 : vector<256x128xf32>
    %swap3A_2795 = arith.constant 0 : index
    %swap3A_2796 = arith.constant 5248 : index
    %swap3A_2797 = vector.load %arg3[%swap3A_2795, %swap3A_2796] : memref<256x8192xf32, #tpu.memory_space<vmem>>, vector<256x128xf32>
    tpu.vector_store %arg3[%swap3A_2795, %swap3A_2796], %add3A_2794 {strides = array<i32>} : memref<256x8192xf32, #tpu.memory_space<vmem>>, vector<256x128xf32>,
    %get3A_2798 = arith.constant 0 : index
    %get3A_2799 = arith.constant 5376 : index
    %get3A_2800 = vector.load %arg2[%get3A_2798, %get3A_2799] : memref<8x8192xf32, #tpu.memory_space<vmem>>, vector<1x128xf32>
    %get3A_2801 = vector.shape_cast %get3A_2800 : vector<1x128xf32> to vector<128xf32>
    %broadcast_in_dim3A_2802 = vector.shape_cast %get3A_2801 : vector<128xf32> to vector<1x128xf32>
    %mul3A_2803 = vector.broadcast %broadcast_in_dim3A_2802 : vector<1x128xf32> to vector<256x128xf32>
    %mul3A_2804 = arith.mulf %concatenate3A, %mul3A_2803 : vector<256x128xf32>
    %get3A_2805 = arith.constant 1 : index
    %get3A_2806 = arith.constant 5376 : index
    %get3A_2807 = vector.load %arg2[%get3A_2805, %get3A_2806] : memref<8x8192xf32, #tpu.memory_space<vmem>>, vector<1x128xf32>
    %get3A_2808 = vector.shape_cast %get3A_2807 : vector<1x128xf32> to vector<128xf32>
    %broadcast_in_dim3A_2809 = vector.shape_cast %get3A_2808 : vector<128xf32> to vector<1x128xf32>
    %mul3A_2810 = vector.broadcast %broadcast_in_dim3A_2809 : vector<1x128xf32> to vector<256x128xf32>
    %mul3A_2811 = arith.mulf %concatenate3A_5, %mul3A_2810 : vector<256x128xf32>
    %add3A_2812 = arith.addf %mul3A_2804, %mul3A_2811 : vector<256x128xf32>
    %get3A_2813 = arith.constant 2 : index
    %get3A_2814 = arith.constant 5376 : index
    %get3A_2815 = vector.load %arg2[%get3A_2813, %get3A_2814] : memref<8x8192xf32, #tpu.memory_space<vmem>>, vector<1x128xf32>
    %get3A_2816 = vector.shape_cast %get3A_2815 : vector<1x128xf32> to vector<128xf32>
    %broadcast_in_dim3A_2817 = vector.shape_cast %get3A_2816 : vector<128xf32> to vector<1x128xf32>
    %mul3A_2818 = vector.broadcast %broadcast_in_dim3A_2817 : vector<1x128xf32> to vector<256x128xf32>
    %mul3A_2819 = arith.mulf %concatenate3A_9, %mul3A_2818 : vector<256x128xf32>
    %add3A_2820 = arith.addf %add3A_2812, %mul3A_2819 : vector<256x128xf32>
    %get3A_2821 = arith.constant 3 : index
    %get3A_2822 = arith.constant 5376 : index
    %get3A_2823 = vector.load %arg2[%get3A_2821, %get3A_2822] : memref<8x8192xf32, #tpu.memory_space<vmem>>, vector<1x128xf32>
    %get3A_2824 = vector.shape_cast %get3A_2823 : vector<1x128xf32> to vector<128xf32>
    %broadcast_in_dim3A_2825 = vector.shape_cast %get3A_2824 : vector<128xf32> to vector<1x128xf32>
    %mul3A_2826 = vector.broadcast %broadcast_in_dim3A_2825 : vector<1x128xf32> to vector<256x128xf32>
    %mul3A_2827 = arith.mulf %concatenate3A_13, %mul3A_2826 : vector<256x128xf32>
    %add3A_2828 = arith.addf %add3A_2820, %mul3A_2827 : vector<256x128xf32>
    %get3A_2829 = arith.constant 4 : index
    %get3A_2830 = arith.constant 5376 : index
    %get3A_2831 = vector.load %arg2[%get3A_2829, %get3A_2830] : memref<8x8192xf32, #tpu.memory_space<vmem>>, vector<1x128xf32>
    %get3A_2832 = vector.shape_cast %get3A_2831 : vector<1x128xf32> to vector<128xf32>
    %broadcast_in_dim3A_2833 = vector.shape_cast %get3A_2832 : vector<128xf32> to vector<1x128xf32>
    %mul3A_2834 = vector.broadcast %broadcast_in_dim3A_2833 : vector<1x128xf32> to vector<256x128xf32>
    %mul3A_2835 = arith.mulf %concatenate3A_17, %mul3A_2834 : vector<256x128xf32>
    %add3A_2836 = arith.addf %add3A_2828, %mul3A_2835 : vector<256x128xf32>
    %get3A_2837 = arith.constant 5 : index
    %get3A_2838 = arith.constant 5376 : index
    %get3A_2839 = vector.load %arg2[%get3A_2837, %get3A_2838] : memref<8x8192xf32, #tpu.memory_space<vmem>>, vector<1x128xf32>
    %get3A_2840 = vector.shape_cast %get3A_2839 : vector<1x128xf32> to vector<128xf32>
    %broadcast_in_dim3A_2841 = vector.shape_cast %get3A_2840 : vector<128xf32> to vector<1x128xf32>
    %mul3A_2842 = vector.broadcast %broadcast_in_dim3A_2841 : vector<1x128xf32> to vector<256x128xf32>
    %mul3A_2843 = arith.mulf %concatenate3A_21, %mul3A_2842 : vector<256x128xf32>
    %add3A_2844 = arith.addf %add3A_2836, %mul3A_2843 : vector<256x128xf32>
    %get3A_2845 = arith.constant 6 : index
    %get3A_2846 = arith.constant 5376 : index
    %get3A_2847 = vector.load %arg2[%get3A_2845, %get3A_2846] : memref<8x8192xf32, #tpu.memory_space<vmem>>, vector<1x128xf32>
    %get3A_2848 = vector.shape_cast %get3A_2847 : vector<1x128xf32> to vector<128xf32>
    %broadcast_in_dim3A_2849 = vector.shape_cast %get3A_2848 : vector<128xf32> to vector<1x128xf32>
    %mul3A_2850 = vector.broadcast %broadcast_in_dim3A_2849 : vector<1x128xf32> to vector<256x128xf32>
    %mul3A_2851 = arith.mulf %concatenate3A_25, %mul3A_2850 : vector<256x128xf32>
    %add3A_2852 = arith.addf %add3A_2844, %mul3A_2851 : vector<256x128xf32>
    %get3A_2853 = arith.constant 7 : index
    %get3A_2854 = arith.constant 5376 : index
    %get3A_2855 = vector.load %arg2[%get3A_2853, %get3A_2854] : memref<8x8192xf32, #tpu.memory_space<vmem>>, vector<1x128xf32>
    %get3A_2856 = vector.shape_cast %get3A_2855 : vector<1x128xf32> to vector<128xf32>
    %broadcast_in_dim3A_2857 = vector.shape_cast %get3A_2856 : vector<128xf32> to vector<1x128xf32>
    %mul3A_2858 = vector.broadcast %broadcast_in_dim3A_2857 : vector<1x128xf32> to vector<256x128xf32>
    %mul3A_2859 = arith.mulf %concatenate3A_29, %mul3A_2858 : vector<256x128xf32>
    %add3A_2860 = arith.addf %add3A_2852, %mul3A_2859 : vector<256x128xf32>
    %swap3A_2861 = arith.constant 0 : index
    %swap3A_2862 = arith.constant 5376 : index
    %swap3A_2863 = vector.load %arg3[%swap3A_2861, %swap3A_2862] : memref<256x8192xf32, #tpu.memory_space<vmem>>, vector<256x128xf32>
    tpu.vector_store %arg3[%swap3A_2861, %swap3A_2862], %add3A_2860 {strides = array<i32>} : memref<256x8192xf32, #tpu.memory_space<vmem>>, vector<256x128xf32>,
    %get3A_2864 = arith.constant 0 : index
    %get3A_2865 = arith.constant 5504 : index
    %get3A_2866 = vector.load %arg2[%get3A_2864, %get3A_2865] : memref<8x8192xf32, #tpu.memory_space<vmem>>, vector<1x128xf32>
    %get3A_2867 = vector.shape_cast %get3A_2866 : vector<1x128xf32> to vector<128xf32>
    %broadcast_in_dim3A_2868 = vector.shape_cast %get3A_2867 : vector<128xf32> to vector<1x128xf32>
    %mul3A_2869 = vector.broadcast %broadcast_in_dim3A_2868 : vector<1x128xf32> to vector<256x128xf32>
    %mul3A_2870 = arith.mulf %concatenate3A, %mul3A_2869 : vector<256x128xf32>
    %get3A_2871 = arith.constant 1 : index
    %get3A_2872 = arith.constant 5504 : index
    %get3A_2873 = vector.load %arg2[%get3A_2871, %get3A_2872] : memref<8x8192xf32, #tpu.memory_space<vmem>>, vector<1x128xf32>
    %get3A_2874 = vector.shape_cast %get3A_2873 : vector<1x128xf32> to vector<128xf32>
    %broadcast_in_dim3A_2875 = vector.shape_cast %get3A_2874 : vector<128xf32> to vector<1x128xf32>
    %mul3A_2876 = vector.broadcast %broadcast_in_dim3A_2875 : vector<1x128xf32> to vector<256x128xf32>
    %mul3A_2877 = arith.mulf %concatenate3A_5, %mul3A_2876 : vector<256x128xf32>
    %add3A_2878 = arith.addf %mul3A_2870, %mul3A_2877 : vector<256x128xf32>
    %get3A_2879 = arith.constant 2 : index
    %get3A_2880 = arith.constant 5504 : index
    %get3A_2881 = vector.load %arg2[%get3A_2879, %get3A_2880] : memref<8x8192xf32, #tpu.memory_space<vmem>>, vector<1x128xf32>
    %get3A_2882 = vector.shape_cast %get3A_2881 : vector<1x128xf32> to vector<128xf32>
    %broadcast_in_dim3A_2883 = vector.shape_cast %get3A_2882 : vector<128xf32> to vector<1x128xf32>
    %mul3A_2884 = vector.broadcast %broadcast_in_dim3A_2883 : vector<1x128xf32> to vector<256x128xf32>
    %mul3A_2885 = arith.mulf %concatenate3A_9, %mul3A_2884 : vector<256x128xf32>
    %add3A_2886 = arith.addf %add3A_2878, %mul3A_2885 : vector<256x128xf32>
    %get3A_2887 = arith.constant 3 : index
    %get3A_2888 = arith.constant 5504 : index
    %get3A_2889 = vector.load %arg2[%get3A_2887, %get3A_2888] : memref<8x8192xf32, #tpu.memory_space<vmem>>, vector<1x128xf32>
    %get3A_2890 = vector.shape_cast %get3A_2889 : vector<1x128xf32> to vector<128xf32>
    %broadcast_in_dim3A_2891 = vector.shape_cast %get3A_2890 : vector<128xf32> to vector<1x128xf32>
    %mul3A_2892 = vector.broadcast %broadcast_in_dim3A_2891 : vector<1x128xf32> to vector<256x128xf32>
    %mul3A_2893 = arith.mulf %concatenate3A_13, %mul3A_2892 : vector<256x128xf32>
    %add3A_2894 = arith.addf %add3A_2886, %mul3A_2893 : vector<256x128xf32>
    %get3A_2895 = arith.constant 4 : index
    %get3A_2896 = arith.constant 5504 : index
    %get3A_2897 = vector.load %arg2[%get3A_2895, %get3A_2896] : memref<8x8192xf32, #tpu.memory_space<vmem>>, vector<1x128xf32>
    %get3A_2898 = vector.shape_cast %get3A_2897 : vector<1x128xf32> to vector<128xf32>
    %broadcast_in_dim3A_2899 = vector.shape_cast %get3A_2898 : vector<128xf32> to vector<1x128xf32>
    %mul3A_2900 = vector.broadcast %broadcast_in_dim3A_2899 : vector<1x128xf32> to vector<256x128xf32>
    %mul3A_2901 = arith.mulf %concatenate3A_17, %mul3A_2900 : vector<256x128xf32>
    %add3A_2902 = arith.addf %add3A_2894, %mul3A_2901 : vector<256x128xf32>
    %get3A_2903 = arith.constant 5 : index
    %get3A_2904 = arith.constant 5504 : index
    %get3A_2905 = vector.load %arg2[%get3A_2903, %get3A_2904] : memref<8x8192xf32, #tpu.memory_space<vmem>>, vector<1x128xf32>
    %get3A_2906 = vector.shape_cast %get3A_2905 : vector<1x128xf32> to vector<128xf32>
    %broadcast_in_dim3A_2907 = vector.shape_cast %get3A_2906 : vector<128xf32> to vector<1x128xf32>
    %mul3A_2908 = vector.broadcast %broadcast_in_dim3A_2907 : vector<1x128xf32> to vector<256x128xf32>
    %mul3A_2909 = arith.mulf %concatenate3A_21, %mul3A_2908 : vector<256x128xf32>
    %add3A_2910 = arith.addf %add3A_2902, %mul3A_2909 : vector<256x128xf32>
    %get3A_2911 = arith.constant 6 : index
    %get3A_2912 = arith.constant 5504 : index
    %get3A_2913 = vector.load %arg2[%get3A_2911, %get3A_2912] : memref<8x8192xf32, #tpu.memory_space<vmem>>, vector<1x128xf32>
    %get3A_2914 = vector.shape_cast %get3A_2913 : vector<1x128xf32> to vector<128xf32>
    %broadcast_in_dim3A_2915 = vector.shape_cast %get3A_2914 : vector<128xf32> to vector<1x128xf32>
    %mul3A_2916 = vector.broadcast %broadcast_in_dim3A_2915 : vector<1x128xf32> to vector<256x128xf32>
    %mul3A_2917 = arith.mulf %concatenate3A_25, %mul3A_2916 : vector<256x128xf32>
    %add3A_2918 = arith.addf %add3A_2910, %mul3A_2917 : vector<256x128xf32>
    %get3A_2919 = arith.constant 7 : index
    %get3A_2920 = arith.constant 5504 : index
    %get3A_2921 = vector.load %arg2[%get3A_2919, %get3A_2920] : memref<8x8192xf32, #tpu.memory_space<vmem>>, vector<1x128xf32>
    %get3A_2922 = vector.shape_cast %get3A_2921 : vector<1x128xf32> to vector<128xf32>
    %broadcast_in_dim3A_2923 = vector.shape_cast %get3A_2922 : vector<128xf32> to vector<1x128xf32>
    %mul3A_2924 = vector.broadcast %broadcast_in_dim3A_2923 : vector<1x128xf32> to vector<256x128xf32>
    %mul3A_2925 = arith.mulf %concatenate3A_29, %mul3A_2924 : vector<256x128xf32>
    %add3A_2926 = arith.addf %add3A_2918, %mul3A_2925 : vector<256x128xf32>
    %swap3A_2927 = arith.constant 0 : index
    %swap3A_2928 = arith.constant 5504 : index
    %swap3A_2929 = vector.load %arg3[%swap3A_2927, %swap3A_2928] : memref<256x8192xf32, #tpu.memory_space<vmem>>, vector<256x128xf32>
    tpu.vector_store %arg3[%swap3A_2927, %swap3A_2928], %add3A_2926 {strides = array<i32>} : memref<256x8192xf32, #tpu.memory_space<vmem>>, vector<256x128xf32>,
    %get3A_2930 = arith.constant 0 : index
    %get3A_2931 = arith.constant 5632 : index
    %get3A_2932 = vector.load %arg2[%get3A_2930, %get3A_2931] : memref<8x8192xf32, #tpu.memory_space<vmem>>, vector<1x128xf32>
    %get3A_2933 = vector.shape_cast %get3A_2932 : vector<1x128xf32> to vector<128xf32>
    %broadcast_in_dim3A_2934 = vector.shape_cast %get3A_2933 : vector<128xf32> to vector<1x128xf32>
    %mul3A_2935 = vector.broadcast %broadcast_in_dim3A_2934 : vector<1x128xf32> to vector<256x128xf32>
    %mul3A_2936 = arith.mulf %concatenate3A, %mul3A_2935 : vector<256x128xf32>
    %get3A_2937 = arith.constant 1 : index
    %get3A_2938 = arith.constant 5632 : index
    %get3A_2939 = vector.load %arg2[%get3A_2937, %get3A_2938] : memref<8x8192xf32, #tpu.memory_space<vmem>>, vector<1x128xf32>
    %get3A_2940 = vector.shape_cast %get3A_2939 : vector<1x128xf32> to vector<128xf32>
    %broadcast_in_dim3A_2941 = vector.shape_cast %get3A_2940 : vector<128xf32> to vector<1x128xf32>
    %mul3A_2942 = vector.broadcast %broadcast_in_dim3A_2941 : vector<1x128xf32> to vector<256x128xf32>
    %mul3A_2943 = arith.mulf %concatenate3A_5, %mul3A_2942 : vector<256x128xf32>
    %add3A_2944 = arith.addf %mul3A_2936, %mul3A_2943 : vector<256x128xf32>
    %get3A_2945 = arith.constant 2 : index
    %get3A_2946 = arith.constant 5632 : index
    %get3A_2947 = vector.load %arg2[%get3A_2945, %get3A_2946] : memref<8x8192xf32, #tpu.memory_space<vmem>>, vector<1x128xf32>
    %get3A_2948 = vector.shape_cast %get3A_2947 : vector<1x128xf32> to vector<128xf32>
    %broadcast_in_dim3A_2949 = vector.shape_cast %get3A_2948 : vector<128xf32> to vector<1x128xf32>
    %mul3A_2950 = vector.broadcast %broadcast_in_dim3A_2949 : vector<1x128xf32> to vector<256x128xf32>
    %mul3A_2951 = arith.mulf %concatenate3A_9, %mul3A_2950 : vector<256x128xf32>
    %add3A_2952 = arith.addf %add3A_2944, %mul3A_2951 : vector<256x128xf32>
    %get3A_2953 = arith.constant 3 : index
    %get3A_2954 = arith.constant 5632 : index
    %get3A_2955 = vector.load %arg2[%get3A_2953, %get3A_2954] : memref<8x8192xf32, #tpu.memory_space<vmem>>, vector<1x128xf32>
    %get3A_2956 = vector.shape_cast %get3A_2955 : vector<1x128xf32> to vector<128xf32>
    %broadcast_in_dim3A_2957 = vector.shape_cast %get3A_2956 : vector<128xf32> to vector<1x128xf32>
    %mul3A_2958 = vector.broadcast %broadcast_in_dim3A_2957 : vector<1x128xf32> to vector<256x128xf32>
    %mul3A_2959 = arith.mulf %concatenate3A_13, %mul3A_2958 : vector<256x128xf32>
    %add3A_2960 = arith.addf %add3A_2952, %mul3A_2959 : vector<256x128xf32>
    %get3A_2961 = arith.constant 4 : index
    %get3A_2962 = arith.constant 5632 : index
    %get3A_2963 = vector.load %arg2[%get3A_2961, %get3A_2962] : memref<8x8192xf32, #tpu.memory_space<vmem>>, vector<1x128xf32>
    %get3A_2964 = vector.shape_cast %get3A_2963 : vector<1x128xf32> to vector<128xf32>
    %broadcast_in_dim3A_2965 = vector.shape_cast %get3A_2964 : vector<128xf32> to vector<1x128xf32>
    %mul3A_2966 = vector.broadcast %broadcast_in_dim3A_2965 : vector<1x128xf32> to vector<256x128xf32>
    %mul3A_2967 = arith.mulf %concatenate3A_17, %mul3A_2966 : vector<256x128xf32>
    %add3A_2968 = arith.addf %add3A_2960, %mul3A_2967 : vector<256x128xf32>
    %get3A_2969 = arith.constant 5 : index
    %get3A_2970 = arith.constant 5632 : index
    %get3A_2971 = vector.load %arg2[%get3A_2969, %get3A_2970] : memref<8x8192xf32, #tpu.memory_space<vmem>>, vector<1x128xf32>
    %get3A_2972 = vector.shape_cast %get3A_2971 : vector<1x128xf32> to vector<128xf32>
    %broadcast_in_dim3A_2973 = vector.shape_cast %get3A_2972 : vector<128xf32> to vector<1x128xf32>
    %mul3A_2974 = vector.broadcast %broadcast_in_dim3A_2973 : vector<1x128xf32> to vector<256x128xf32>
    %mul3A_2975 = arith.mulf %concatenate3A_21, %mul3A_2974 : vector<256x128xf32>
    %add3A_2976 = arith.addf %add3A_2968, %mul3A_2975 : vector<256x128xf32>
    %get3A_2977 = arith.constant 6 : index
    %get3A_2978 = arith.constant 5632 : index
    %get3A_2979 = vector.load %arg2[%get3A_2977, %get3A_2978] : memref<8x8192xf32, #tpu.memory_space<vmem>>, vector<1x128xf32>
    %get3A_2980 = vector.shape_cast %get3A_2979 : vector<1x128xf32> to vector<128xf32>
    %broadcast_in_dim3A_2981 = vector.shape_cast %get3A_2980 : vector<128xf32> to vector<1x128xf32>
    %mul3A_2982 = vector.broadcast %broadcast_in_dim3A_2981 : vector<1x128xf32> to vector<256x128xf32>
    %mul3A_2983 = arith.mulf %concatenate3A_25, %mul3A_2982 : vector<256x128xf32>
    %add3A_2984 = arith.addf %add3A_2976, %mul3A_2983 : vector<256x128xf32>
    %get3A_2985 = arith.constant 7 : index
    %get3A_2986 = arith.constant 5632 : index
    %get3A_2987 = vector.load %arg2[%get3A_2985, %get3A_2986] : memref<8x8192xf32, #tpu.memory_space<vmem>>, vector<1x128xf32>
    %get3A_2988 = vector.shape_cast %get3A_2987 : vector<1x128xf32> to vector<128xf32>
    %broadcast_in_dim3A_2989 = vector.shape_cast %get3A_2988 : vector<128xf32> to vector<1x128xf32>
    %mul3A_2990 = vector.broadcast %broadcast_in_dim3A_2989 : vector<1x128xf32> to vector<256x128xf32>
    %mul3A_2991 = arith.mulf %concatenate3A_29, %mul3A_2990 : vector<256x128xf32>
    %add3A_2992 = arith.addf %add3A_2984, %mul3A_2991 : vector<256x128xf32>
    %swap3A_2993 = arith.constant 0 : index
    %swap3A_2994 = arith.constant 5632 : index
    %swap3A_2995 = vector.load %arg3[%swap3A_2993, %swap3A_2994] : memref<256x8192xf32, #tpu.memory_space<vmem>>, vector<256x128xf32>
    tpu.vector_store %arg3[%swap3A_2993, %swap3A_2994], %add3A_2992 {strides = array<i32>} : memref<256x8192xf32, #tpu.memory_space<vmem>>, vector<256x128xf32>,
    %get3A_2996 = arith.constant 0 : index
    %get3A_2997 = arith.constant 5760 : index
    %get3A_2998 = vector.load %arg2[%get3A_2996, %get3A_2997] : memref<8x8192xf32, #tpu.memory_space<vmem>>, vector<1x128xf32>
    %get3A_2999 = vector.shape_cast %get3A_2998 : vector<1x128xf32> to vector<128xf32>
    %broadcast_in_dim3A_3000 = vector.shape_cast %get3A_2999 : vector<128xf32> to vector<1x128xf32>
    %mul3A_3001 = vector.broadcast %broadcast_in_dim3A_3000 : vector<1x128xf32> to vector<256x128xf32>
    %mul3A_3002 = arith.mulf %concatenate3A, %mul3A_3001 : vector<256x128xf32>
    %get3A_3003 = arith.constant 1 : index
    %get3A_3004 = arith.constant 5760 : index
    %get3A_3005 = vector.load %arg2[%get3A_3003, %get3A_3004] : memref<8x8192xf32, #tpu.memory_space<vmem>>, vector<1x128xf32>
    %get3A_3006 = vector.shape_cast %get3A_3005 : vector<1x128xf32> to vector<128xf32>
    %broadcast_in_dim3A_3007 = vector.shape_cast %get3A_3006 : vector<128xf32> to vector<1x128xf32>
    %mul3A_3008 = vector.broadcast %broadcast_in_dim3A_3007 : vector<1x128xf32> to vector<256x128xf32>
    %mul3A_3009 = arith.mulf %concatenate3A_5, %mul3A_3008 : vector<256x128xf32>
    %add3A_3010 = arith.addf %mul3A_3002, %mul3A_3009 : vector<256x128xf32>
    %get3A_3011 = arith.constant 2 : index
    %get3A_3012 = arith.constant 5760 : index
    %get3A_3013 = vector.load %arg2[%get3A_3011, %get3A_3012] : memref<8x8192xf32, #tpu.memory_space<vmem>>, vector<1x128xf32>
    %get3A_3014 = vector.shape_cast %get3A_3013 : vector<1x128xf32> to vector<128xf32>
    %broadcast_in_dim3A_3015 = vector.shape_cast %get3A_3014 : vector<128xf32> to vector<1x128xf32>
    %mul3A_3016 = vector.broadcast %broadcast_in_dim3A_3015 : vector<1x128xf32> to vector<256x128xf32>
    %mul3A_3017 = arith.mulf %concatenate3A_9, %mul3A_3016 : vector<256x128xf32>
    %add3A_3018 = arith.addf %add3A_3010, %mul3A_3017 : vector<256x128xf32>
    %get3A_3019 = arith.constant 3 : index
    %get3A_3020 = arith.constant 5760 : index
    %get3A_3021 = vector.load %arg2[%get3A_3019, %get3A_3020] : memref<8x8192xf32, #tpu.memory_space<vmem>>, vector<1x128xf32>
    %get3A_3022 = vector.shape_cast %get3A_3021 : vector<1x128xf32> to vector<128xf32>
    %broadcast_in_dim3A_3023 = vector.shape_cast %get3A_3022 : vector<128xf32> to vector<1x128xf32>
    %mul3A_3024 = vector.broadcast %broadcast_in_dim3A_3023 : vector<1x128xf32> to vector<256x128xf32>
    %mul3A_3025 = arith.mulf %concatenate3A_13, %mul3A_3024 : vector<256x128xf32>
    %add3A_3026 = arith.addf %add3A_3018, %mul3A_3025 : vector<256x128xf32>
    %get3A_3027 = arith.constant 4 : index
    %get3A_3028 = arith.constant 5760 : index
    %get3A_3029 = vector.load %arg2[%get3A_3027, %get3A_3028] : memref<8x8192xf32, #tpu.memory_space<vmem>>, vector<1x128xf32>
    %get3A_3030 = vector.shape_cast %get3A_3029 : vector<1x128xf32> to vector<128xf32>
    %broadcast_in_dim3A_3031 = vector.shape_cast %get3A_3030 : vector<128xf32> to vector<1x128xf32>
    %mul3A_3032 = vector.broadcast %broadcast_in_dim3A_3031 : vector<1x128xf32> to vector<256x128xf32>
    %mul3A_3033 = arith.mulf %concatenate3A_17, %mul3A_3032 : vector<256x128xf32>
    %add3A_3034 = arith.addf %add3A_3026, %mul3A_3033 : vector<256x128xf32>
    %get3A_3035 = arith.constant 5 : index
    %get3A_3036 = arith.constant 5760 : index
    %get3A_3037 = vector.load %arg2[%get3A_3035, %get3A_3036] : memref<8x8192xf32, #tpu.memory_space<vmem>>, vector<1x128xf32>
    %get3A_3038 = vector.shape_cast %get3A_3037 : vector<1x128xf32> to vector<128xf32>
    %broadcast_in_dim3A_3039 = vector.shape_cast %get3A_3038 : vector<128xf32> to vector<1x128xf32>
    %mul3A_3040 = vector.broadcast %broadcast_in_dim3A_3039 : vector<1x128xf32> to vector<256x128xf32>
    %mul3A_3041 = arith.mulf %concatenate3A_21, %mul3A_3040 : vector<256x128xf32>
    %add3A_3042 = arith.addf %add3A_3034, %mul3A_3041 : vector<256x128xf32>
    %get3A_3043 = arith.constant 6 : index
    %get3A_3044 = arith.constant 5760 : index
    %get3A_3045 = vector.load %arg2[%get3A_3043, %get3A_3044] : memref<8x8192xf32, #tpu.memory_space<vmem>>, vector<1x128xf32>
    %get3A_3046 = vector.shape_cast %get3A_3045 : vector<1x128xf32> to vector<128xf32>
    %broadcast_in_dim3A_3047 = vector.shape_cast %get3A_3046 : vector<128xf32> to vector<1x128xf32>
    %mul3A_3048 = vector.broadcast %broadcast_in_dim3A_3047 : vector<1x128xf32> to vector<256x128xf32>
    %mul3A_3049 = arith.mulf %concatenate3A_25, %mul3A_3048 : vector<256x128xf32>
    %add3A_3050 = arith.addf %add3A_3042, %mul3A_3049 : vector<256x128xf32>
    %get3A_3051 = arith.constant 7 : index
    %get3A_3052 = arith.constant 5760 : index
    %get3A_3053 = vector.load %arg2[%get3A_3051, %get3A_3052] : memref<8x8192xf32, #tpu.memory_space<vmem>>, vector<1x128xf32>
    %get3A_3054 = vector.shape_cast %get3A_3053 : vector<1x128xf32> to vector<128xf32>
    %broadcast_in_dim3A_3055 = vector.shape_cast %get3A_3054 : vector<128xf32> to vector<1x128xf32>
    %mul3A_3056 = vector.broadcast %broadcast_in_dim3A_3055 : vector<1x128xf32> to vector<256x128xf32>
    %mul3A_3057 = arith.mulf %concatenate3A_29, %mul3A_3056 : vector<256x128xf32>
    %add3A_3058 = arith.addf %add3A_3050, %mul3A_3057 : vector<256x128xf32>
    %swap3A_3059 = arith.constant 0 : index
    %swap3A_3060 = arith.constant 5760 : index
    %swap3A_3061 = vector.load %arg3[%swap3A_3059, %swap3A_3060] : memref<256x8192xf32, #tpu.memory_space<vmem>>, vector<256x128xf32>
    tpu.vector_store %arg3[%swap3A_3059, %swap3A_3060], %add3A_3058 {strides = array<i32>} : memref<256x8192xf32, #tpu.memory_space<vmem>>, vector<256x128xf32>,
    %get3A_3062 = arith.constant 0 : index
    %get3A_3063 = arith.constant 5888 : index
    %get3A_3064 = vector.load %arg2[%get3A_3062, %get3A_3063] : memref<8x8192xf32, #tpu.memory_space<vmem>>, vector<1x128xf32>
    %get3A_3065 = vector.shape_cast %get3A_3064 : vector<1x128xf32> to vector<128xf32>
    %broadcast_in_dim3A_3066 = vector.shape_cast %get3A_3065 : vector<128xf32> to vector<1x128xf32>
    %mul3A_3067 = vector.broadcast %broadcast_in_dim3A_3066 : vector<1x128xf32> to vector<256x128xf32>
    %mul3A_3068 = arith.mulf %concatenate3A, %mul3A_3067 : vector<256x128xf32>
    %get3A_3069 = arith.constant 1 : index
    %get3A_3070 = arith.constant 5888 : index
    %get3A_3071 = vector.load %arg2[%get3A_3069, %get3A_3070] : memref<8x8192xf32, #tpu.memory_space<vmem>>, vector<1x128xf32>
    %get3A_3072 = vector.shape_cast %get3A_3071 : vector<1x128xf32> to vector<128xf32>
    %broadcast_in_dim3A_3073 = vector.shape_cast %get3A_3072 : vector<128xf32> to vector<1x128xf32>
    %mul3A_3074 = vector.broadcast %broadcast_in_dim3A_3073 : vector<1x128xf32> to vector<256x128xf32>
    %mul3A_3075 = arith.mulf %concatenate3A_5, %mul3A_3074 : vector<256x128xf32>
    %add3A_3076 = arith.addf %mul3A_3068, %mul3A_3075 : vector<256x128xf32>
    %get3A_3077 = arith.constant 2 : index
    %get3A_3078 = arith.constant 5888 : index
    %get3A_3079 = vector.load %arg2[%get3A_3077, %get3A_3078] : memref<8x8192xf32, #tpu.memory_space<vmem>>, vector<1x128xf32>
    %get3A_3080 = vector.shape_cast %get3A_3079 : vector<1x128xf32> to vector<128xf32>
    %broadcast_in_dim3A_3081 = vector.shape_cast %get3A_3080 : vector<128xf32> to vector<1x128xf32>
    %mul3A_3082 = vector.broadcast %broadcast_in_dim3A_3081 : vector<1x128xf32> to vector<256x128xf32>
    %mul3A_3083 = arith.mulf %concatenate3A_9, %mul3A_3082 : vector<256x128xf32>
    %add3A_3084 = arith.addf %add3A_3076, %mul3A_3083 : vector<256x128xf32>
    %get3A_3085 = arith.constant 3 : index
    %get3A_3086 = arith.constant 5888 : index
    %get3A_3087 = vector.load %arg2[%get3A_3085, %get3A_3086] : memref<8x8192xf32, #tpu.memory_space<vmem>>, vector<1x128xf32>
    %get3A_3088 = vector.shape_cast %get3A_3087 : vector<1x128xf32> to vector<128xf32>
    %broadcast_in_dim3A_3089 = vector.shape_cast %get3A_3088 : vector<128xf32> to vector<1x128xf32>
    %mul3A_3090 = vector.broadcast %broadcast_in_dim3A_3089 : vector<1x128xf32> to vector<256x128xf32>
    %mul3A_3091 = arith.mulf %concatenate3A_13, %mul3A_3090 : vector<256x128xf32>
    %add3A_3092 = arith.addf %add3A_3084, %mul3A_3091 : vector<256x128xf32>
    %get3A_3093 = arith.constant 4 : index
    %get3A_3094 = arith.constant 5888 : index
    %get3A_3095 = vector.load %arg2[%get3A_3093, %get3A_3094] : memref<8x8192xf32, #tpu.memory_space<vmem>>, vector<1x128xf32>
    %get3A_3096 = vector.shape_cast %get3A_3095 : vector<1x128xf32> to vector<128xf32>
    %broadcast_in_dim3A_3097 = vector.shape_cast %get3A_3096 : vector<128xf32> to vector<1x128xf32>
    %mul3A_3098 = vector.broadcast %broadcast_in_dim3A_3097 : vector<1x128xf32> to vector<256x128xf32>
    %mul3A_3099 = arith.mulf %concatenate3A_17, %mul3A_3098 : vector<256x128xf32>
    %add3A_3100 = arith.addf %add3A_3092, %mul3A_3099 : vector<256x128xf32>
    %get3A_3101 = arith.constant 5 : index
    %get3A_3102 = arith.constant 5888 : index
    %get3A_3103 = vector.load %arg2[%get3A_3101, %get3A_3102] : memref<8x8192xf32, #tpu.memory_space<vmem>>, vector<1x128xf32>
    %get3A_3104 = vector.shape_cast %get3A_3103 : vector<1x128xf32> to vector<128xf32>
    %broadcast_in_dim3A_3105 = vector.shape_cast %get3A_3104 : vector<128xf32> to vector<1x128xf32>
    %mul3A_3106 = vector.broadcast %broadcast_in_dim3A_3105 : vector<1x128xf32> to vector<256x128xf32>
    %mul3A_3107 = arith.mulf %concatenate3A_21, %mul3A_3106 : vector<256x128xf32>
    %add3A_3108 = arith.addf %add3A_3100, %mul3A_3107 : vector<256x128xf32>
    %get3A_3109 = arith.constant 6 : index
    %get3A_3110 = arith.constant 5888 : index
    %get3A_3111 = vector.load %arg2[%get3A_3109, %get3A_3110] : memref<8x8192xf32, #tpu.memory_space<vmem>>, vector<1x128xf32>
    %get3A_3112 = vector.shape_cast %get3A_3111 : vector<1x128xf32> to vector<128xf32>
    %broadcast_in_dim3A_3113 = vector.shape_cast %get3A_3112 : vector<128xf32> to vector<1x128xf32>
    %mul3A_3114 = vector.broadcast %broadcast_in_dim3A_3113 : vector<1x128xf32> to vector<256x128xf32>
    %mul3A_3115 = arith.mulf %concatenate3A_25, %mul3A_3114 : vector<256x128xf32>
    %add3A_3116 = arith.addf %add3A_3108, %mul3A_3115 : vector<256x128xf32>
    %get3A_3117 = arith.constant 7 : index
    %get3A_3118 = arith.constant 5888 : index
    %get3A_3119 = vector.load %arg2[%get3A_3117, %get3A_3118] : memref<8x8192xf32, #tpu.memory_space<vmem>>, vector<1x128xf32>
    %get3A_3120 = vector.shape_cast %get3A_3119 : vector<1x128xf32> to vector<128xf32>
    %broadcast_in_dim3A_3121 = vector.shape_cast %get3A_3120 : vector<128xf32> to vector<1x128xf32>
    %mul3A_3122 = vector.broadcast %broadcast_in_dim3A_3121 : vector<1x128xf32> to vector<256x128xf32>
    %mul3A_3123 = arith.mulf %concatenate3A_29, %mul3A_3122 : vector<256x128xf32>
    %add3A_3124 = arith.addf %add3A_3116, %mul3A_3123 : vector<256x128xf32>
    %swap3A_3125 = arith.constant 0 : index
    %swap3A_3126 = arith.constant 5888 : index
    %swap3A_3127 = vector.load %arg3[%swap3A_3125, %swap3A_3126] : memref<256x8192xf32, #tpu.memory_space<vmem>>, vector<256x128xf32>
    tpu.vector_store %arg3[%swap3A_3125, %swap3A_3126], %add3A_3124 {strides = array<i32>} : memref<256x8192xf32, #tpu.memory_space<vmem>>, vector<256x128xf32>,
    %get3A_3128 = arith.constant 0 : index
    %get3A_3129 = arith.constant 6016 : index
    %get3A_3130 = vector.load %arg2[%get3A_3128, %get3A_3129] : memref<8x8192xf32, #tpu.memory_space<vmem>>, vector<1x128xf32>
    %get3A_3131 = vector.shape_cast %get3A_3130 : vector<1x128xf32> to vector<128xf32>
    %broadcast_in_dim3A_3132 = vector.shape_cast %get3A_3131 : vector<128xf32> to vector<1x128xf32>
    %mul3A_3133 = vector.broadcast %broadcast_in_dim3A_3132 : vector<1x128xf32> to vector<256x128xf32>
    %mul3A_3134 = arith.mulf %concatenate3A, %mul3A_3133 : vector<256x128xf32>
    %get3A_3135 = arith.constant 1 : index
    %get3A_3136 = arith.constant 6016 : index
    %get3A_3137 = vector.load %arg2[%get3A_3135, %get3A_3136] : memref<8x8192xf32, #tpu.memory_space<vmem>>, vector<1x128xf32>
    %get3A_3138 = vector.shape_cast %get3A_3137 : vector<1x128xf32> to vector<128xf32>
    %broadcast_in_dim3A_3139 = vector.shape_cast %get3A_3138 : vector<128xf32> to vector<1x128xf32>
    %mul3A_3140 = vector.broadcast %broadcast_in_dim3A_3139 : vector<1x128xf32> to vector<256x128xf32>
    %mul3A_3141 = arith.mulf %concatenate3A_5, %mul3A_3140 : vector<256x128xf32>
    %add3A_3142 = arith.addf %mul3A_3134, %mul3A_3141 : vector<256x128xf32>
    %get3A_3143 = arith.constant 2 : index
    %get3A_3144 = arith.constant 6016 : index
    %get3A_3145 = vector.load %arg2[%get3A_3143, %get3A_3144] : memref<8x8192xf32, #tpu.memory_space<vmem>>, vector<1x128xf32>
    %get3A_3146 = vector.shape_cast %get3A_3145 : vector<1x128xf32> to vector<128xf32>
    %broadcast_in_dim3A_3147 = vector.shape_cast %get3A_3146 : vector<128xf32> to vector<1x128xf32>
    %mul3A_3148 = vector.broadcast %broadcast_in_dim3A_3147 : vector<1x128xf32> to vector<256x128xf32>
    %mul3A_3149 = arith.mulf %concatenate3A_9, %mul3A_3148 : vector<256x128xf32>
    %add3A_3150 = arith.addf %add3A_3142, %mul3A_3149 : vector<256x128xf32>
    %get3A_3151 = arith.constant 3 : index
    %get3A_3152 = arith.constant 6016 : index
    %get3A_3153 = vector.load %arg2[%get3A_3151, %get3A_3152] : memref<8x8192xf32, #tpu.memory_space<vmem>>, vector<1x128xf32>
    %get3A_3154 = vector.shape_cast %get3A_3153 : vector<1x128xf32> to vector<128xf32>
    %broadcast_in_dim3A_3155 = vector.shape_cast %get3A_3154 : vector<128xf32> to vector<1x128xf32>
    %mul3A_3156 = vector.broadcast %broadcast_in_dim3A_3155 : vector<1x128xf32> to vector<256x128xf32>
    %mul3A_3157 = arith.mulf %concatenate3A_13, %mul3A_3156 : vector<256x128xf32>
    %add3A_3158 = arith.addf %add3A_3150, %mul3A_3157 : vector<256x128xf32>
    %get3A_3159 = arith.constant 4 : index
    %get3A_3160 = arith.constant 6016 : index
    %get3A_3161 = vector.load %arg2[%get3A_3159, %get3A_3160] : memref<8x8192xf32, #tpu.memory_space<vmem>>, vector<1x128xf32>
    %get3A_3162 = vector.shape_cast %get3A_3161 : vector<1x128xf32> to vector<128xf32>
    %broadcast_in_dim3A_3163 = vector.shape_cast %get3A_3162 : vector<128xf32> to vector<1x128xf32>
    %mul3A_3164 = vector.broadcast %broadcast_in_dim3A_3163 : vector<1x128xf32> to vector<256x128xf32>
    %mul3A_3165 = arith.mulf %concatenate3A_17, %mul3A_3164 : vector<256x128xf32>
    %add3A_3166 = arith.addf %add3A_3158, %mul3A_3165 : vector<256x128xf32>
    %get3A_3167 = arith.constant 5 : index
    %get3A_3168 = arith.constant 6016 : index
    %get3A_3169 = vector.load %arg2[%get3A_3167, %get3A_3168] : memref<8x8192xf32, #tpu.memory_space<vmem>>, vector<1x128xf32>
    %get3A_3170 = vector.shape_cast %get3A_3169 : vector<1x128xf32> to vector<128xf32>
    %broadcast_in_dim3A_3171 = vector.shape_cast %get3A_3170 : vector<128xf32> to vector<1x128xf32>
    %mul3A_3172 = vector.broadcast %broadcast_in_dim3A_3171 : vector<1x128xf32> to vector<256x128xf32>
    %mul3A_3173 = arith.mulf %concatenate3A_21, %mul3A_3172 : vector<256x128xf32>
    %add3A_3174 = arith.addf %add3A_3166, %mul3A_3173 : vector<256x128xf32>
    %get3A_3175 = arith.constant 6 : index
    %get3A_3176 = arith.constant 6016 : index
    %get3A_3177 = vector.load %arg2[%get3A_3175, %get3A_3176] : memref<8x8192xf32, #tpu.memory_space<vmem>>, vector<1x128xf32>
    %get3A_3178 = vector.shape_cast %get3A_3177 : vector<1x128xf32> to vector<128xf32>
    %broadcast_in_dim3A_3179 = vector.shape_cast %get3A_3178 : vector<128xf32> to vector<1x128xf32>
    %mul3A_3180 = vector.broadcast %broadcast_in_dim3A_3179 : vector<1x128xf32> to vector<256x128xf32>
    %mul3A_3181 = arith.mulf %concatenate3A_25, %mul3A_3180 : vector<256x128xf32>
    %add3A_3182 = arith.addf %add3A_3174, %mul3A_3181 : vector<256x128xf32>
    %get3A_3183 = arith.constant 7 : index
    %get3A_3184 = arith.constant 6016 : index
    %get3A_3185 = vector.load %arg2[%get3A_3183, %get3A_3184] : memref<8x8192xf32, #tpu.memory_space<vmem>>, vector<1x128xf32>
    %get3A_3186 = vector.shape_cast %get3A_3185 : vector<1x128xf32> to vector<128xf32>
    %broadcast_in_dim3A_3187 = vector.shape_cast %get3A_3186 : vector<128xf32> to vector<1x128xf32>
    %mul3A_3188 = vector.broadcast %broadcast_in_dim3A_3187 : vector<1x128xf32> to vector<256x128xf32>
    %mul3A_3189 = arith.mulf %concatenate3A_29, %mul3A_3188 : vector<256x128xf32>
    %add3A_3190 = arith.addf %add3A_3182, %mul3A_3189 : vector<256x128xf32>
    %swap3A_3191 = arith.constant 0 : index
    %swap3A_3192 = arith.constant 6016 : index
    %swap3A_3193 = vector.load %arg3[%swap3A_3191, %swap3A_3192] : memref<256x8192xf32, #tpu.memory_space<vmem>>, vector<256x128xf32>
    tpu.vector_store %arg3[%swap3A_3191, %swap3A_3192], %add3A_3190 {strides = array<i32>} : memref<256x8192xf32, #tpu.memory_space<vmem>>, vector<256x128xf32>,
    %get3A_3194 = arith.constant 0 : index
    %get3A_3195 = arith.constant 6144 : index
    %get3A_3196 = vector.load %arg2[%get3A_3194, %get3A_3195] : memref<8x8192xf32, #tpu.memory_space<vmem>>, vector<1x128xf32>
    %get3A_3197 = vector.shape_cast %get3A_3196 : vector<1x128xf32> to vector<128xf32>
    %broadcast_in_dim3A_3198 = vector.shape_cast %get3A_3197 : vector<128xf32> to vector<1x128xf32>
    %mul3A_3199 = vector.broadcast %broadcast_in_dim3A_3198 : vector<1x128xf32> to vector<256x128xf32>
    %mul3A_3200 = arith.mulf %concatenate3A, %mul3A_3199 : vector<256x128xf32>
    %get3A_3201 = arith.constant 1 : index
    %get3A_3202 = arith.constant 6144 : index
    %get3A_3203 = vector.load %arg2[%get3A_3201, %get3A_3202] : memref<8x8192xf32, #tpu.memory_space<vmem>>, vector<1x128xf32>
    %get3A_3204 = vector.shape_cast %get3A_3203 : vector<1x128xf32> to vector<128xf32>
    %broadcast_in_dim3A_3205 = vector.shape_cast %get3A_3204 : vector<128xf32> to vector<1x128xf32>
    %mul3A_3206 = vector.broadcast %broadcast_in_dim3A_3205 : vector<1x128xf32> to vector<256x128xf32>
    %mul3A_3207 = arith.mulf %concatenate3A_5, %mul3A_3206 : vector<256x128xf32>
    %add3A_3208 = arith.addf %mul3A_3200, %mul3A_3207 : vector<256x128xf32>
    %get3A_3209 = arith.constant 2 : index
    %get3A_3210 = arith.constant 6144 : index
    %get3A_3211 = vector.load %arg2[%get3A_3209, %get3A_3210] : memref<8x8192xf32, #tpu.memory_space<vmem>>, vector<1x128xf32>
    %get3A_3212 = vector.shape_cast %get3A_3211 : vector<1x128xf32> to vector<128xf32>
    %broadcast_in_dim3A_3213 = vector.shape_cast %get3A_3212 : vector<128xf32> to vector<1x128xf32>
    %mul3A_3214 = vector.broadcast %broadcast_in_dim3A_3213 : vector<1x128xf32> to vector<256x128xf32>
    %mul3A_3215 = arith.mulf %concatenate3A_9, %mul3A_3214 : vector<256x128xf32>
    %add3A_3216 = arith.addf %add3A_3208, %mul3A_3215 : vector<256x128xf32>
    %get3A_3217 = arith.constant 3 : index
    %get3A_3218 = arith.constant 6144 : index
    %get3A_3219 = vector.load %arg2[%get3A_3217, %get3A_3218] : memref<8x8192xf32, #tpu.memory_space<vmem>>, vector<1x128xf32>
    %get3A_3220 = vector.shape_cast %get3A_3219 : vector<1x128xf32> to vector<128xf32>
    %broadcast_in_dim3A_3221 = vector.shape_cast %get3A_3220 : vector<128xf32> to vector<1x128xf32>
    %mul3A_3222 = vector.broadcast %broadcast_in_dim3A_3221 : vector<1x128xf32> to vector<256x128xf32>
    %mul3A_3223 = arith.mulf %concatenate3A_13, %mul3A_3222 : vector<256x128xf32>
    %add3A_3224 = arith.addf %add3A_3216, %mul3A_3223 : vector<256x128xf32>
    %get3A_3225 = arith.constant 4 : index
    %get3A_3226 = arith.constant 6144 : index
    %get3A_3227 = vector.load %arg2[%get3A_3225, %get3A_3226] : memref<8x8192xf32, #tpu.memory_space<vmem>>, vector<1x128xf32>
    %get3A_3228 = vector.shape_cast %get3A_3227 : vector<1x128xf32> to vector<128xf32>
    %broadcast_in_dim3A_3229 = vector.shape_cast %get3A_3228 : vector<128xf32> to vector<1x128xf32>
    %mul3A_3230 = vector.broadcast %broadcast_in_dim3A_3229 : vector<1x128xf32> to vector<256x128xf32>
    %mul3A_3231 = arith.mulf %concatenate3A_17, %mul3A_3230 : vector<256x128xf32>
    %add3A_3232 = arith.addf %add3A_3224, %mul3A_3231 : vector<256x128xf32>
    %get3A_3233 = arith.constant 5 : index
    %get3A_3234 = arith.constant 6144 : index
    %get3A_3235 = vector.load %arg2[%get3A_3233, %get3A_3234] : memref<8x8192xf32, #tpu.memory_space<vmem>>, vector<1x128xf32>
    %get3A_3236 = vector.shape_cast %get3A_3235 : vector<1x128xf32> to vector<128xf32>
    %broadcast_in_dim3A_3237 = vector.shape_cast %get3A_3236 : vector<128xf32> to vector<1x128xf32>
    %mul3A_3238 = vector.broadcast %broadcast_in_dim3A_3237 : vector<1x128xf32> to vector<256x128xf32>
    %mul3A_3239 = arith.mulf %concatenate3A_21, %mul3A_3238 : vector<256x128xf32>
    %add3A_3240 = arith.addf %add3A_3232, %mul3A_3239 : vector<256x128xf32>
    %get3A_3241 = arith.constant 6 : index
    %get3A_3242 = arith.constant 6144 : index
    %get3A_3243 = vector.load %arg2[%get3A_3241, %get3A_3242] : memref<8x8192xf32, #tpu.memory_space<vmem>>, vector<1x128xf32>
    %get3A_3244 = vector.shape_cast %get3A_3243 : vector<1x128xf32> to vector<128xf32>
    %broadcast_in_dim3A_3245 = vector.shape_cast %get3A_3244 : vector<128xf32> to vector<1x128xf32>
    %mul3A_3246 = vector.broadcast %broadcast_in_dim3A_3245 : vector<1x128xf32> to vector<256x128xf32>
    %mul3A_3247 = arith.mulf %concatenate3A_25, %mul3A_3246 : vector<256x128xf32>
    %add3A_3248 = arith.addf %add3A_3240, %mul3A_3247 : vector<256x128xf32>
    %get3A_3249 = arith.constant 7 : index
    %get3A_3250 = arith.constant 6144 : index
    %get3A_3251 = vector.load %arg2[%get3A_3249, %get3A_3250] : memref<8x8192xf32, #tpu.memory_space<vmem>>, vector<1x128xf32>
    %get3A_3252 = vector.shape_cast %get3A_3251 : vector<1x128xf32> to vector<128xf32>
    %broadcast_in_dim3A_3253 = vector.shape_cast %get3A_3252 : vector<128xf32> to vector<1x128xf32>
    %mul3A_3254 = vector.broadcast %broadcast_in_dim3A_3253 : vector<1x128xf32> to vector<256x128xf32>
    %mul3A_3255 = arith.mulf %concatenate3A_29, %mul3A_3254 : vector<256x128xf32>
    %add3A_3256 = arith.addf %add3A_3248, %mul3A_3255 : vector<256x128xf32>
    %swap3A_3257 = arith.constant 0 : index
    %swap3A_3258 = arith.constant 6144 : index
    %swap3A_3259 = vector.load %arg3[%swap3A_3257, %swap3A_3258] : memref<256x8192xf32, #tpu.memory_space<vmem>>, vector<256x128xf32>
    tpu.vector_store %arg3[%swap3A_3257, %swap3A_3258], %add3A_3256 {strides = array<i32>} : memref<256x8192xf32, #tpu.memory_space<vmem>>, vector<256x128xf32>,
    %get3A_3260 = arith.constant 0 : index
    %get3A_3261 = arith.constant 6272 : index
    %get3A_3262 = vector.load %arg2[%get3A_3260, %get3A_3261] : memref<8x8192xf32, #tpu.memory_space<vmem>>, vector<1x128xf32>
    %get3A_3263 = vector.shape_cast %get3A_3262 : vector<1x128xf32> to vector<128xf32>
    %broadcast_in_dim3A_3264 = vector.shape_cast %get3A_3263 : vector<128xf32> to vector<1x128xf32>
    %mul3A_3265 = vector.broadcast %broadcast_in_dim3A_3264 : vector<1x128xf32> to vector<256x128xf32>
    %mul3A_3266 = arith.mulf %concatenate3A, %mul3A_3265 : vector<256x128xf32>
    %get3A_3267 = arith.constant 1 : index
    %get3A_3268 = arith.constant 6272 : index
    %get3A_3269 = vector.load %arg2[%get3A_3267, %get3A_3268] : memref<8x8192xf32, #tpu.memory_space<vmem>>, vector<1x128xf32>
    %get3A_3270 = vector.shape_cast %get3A_3269 : vector<1x128xf32> to vector<128xf32>
    %broadcast_in_dim3A_3271 = vector.shape_cast %get3A_3270 : vector<128xf32> to vector<1x128xf32>
    %mul3A_3272 = vector.broadcast %broadcast_in_dim3A_3271 : vector<1x128xf32> to vector<256x128xf32>
    %mul3A_3273 = arith.mulf %concatenate3A_5, %mul3A_3272 : vector<256x128xf32>
    %add3A_3274 = arith.addf %mul3A_3266, %mul3A_3273 : vector<256x128xf32>
    %get3A_3275 = arith.constant 2 : index
    %get3A_3276 = arith.constant 6272 : index
    %get3A_3277 = vector.load %arg2[%get3A_3275, %get3A_3276] : memref<8x8192xf32, #tpu.memory_space<vmem>>, vector<1x128xf32>
    %get3A_3278 = vector.shape_cast %get3A_3277 : vector<1x128xf32> to vector<128xf32>
    %broadcast_in_dim3A_3279 = vector.shape_cast %get3A_3278 : vector<128xf32> to vector<1x128xf32>
    %mul3A_3280 = vector.broadcast %broadcast_in_dim3A_3279 : vector<1x128xf32> to vector<256x128xf32>
    %mul3A_3281 = arith.mulf %concatenate3A_9, %mul3A_3280 : vector<256x128xf32>
    %add3A_3282 = arith.addf %add3A_3274, %mul3A_3281 : vector<256x128xf32>
    %get3A_3283 = arith.constant 3 : index
    %get3A_3284 = arith.constant 6272 : index
    %get3A_3285 = vector.load %arg2[%get3A_3283, %get3A_3284] : memref<8x8192xf32, #tpu.memory_space<vmem>>, vector<1x128xf32>
    %get3A_3286 = vector.shape_cast %get3A_3285 : vector<1x128xf32> to vector<128xf32>
    %broadcast_in_dim3A_3287 = vector.shape_cast %get3A_3286 : vector<128xf32> to vector<1x128xf32>
    %mul3A_3288 = vector.broadcast %broadcast_in_dim3A_3287 : vector<1x128xf32> to vector<256x128xf32>
    %mul3A_3289 = arith.mulf %concatenate3A_13, %mul3A_3288 : vector<256x128xf32>
    %add3A_3290 = arith.addf %add3A_3282, %mul3A_3289 : vector<256x128xf32>
    %get3A_3291 = arith.constant 4 : index
    %get3A_3292 = arith.constant 6272 : index
    %get3A_3293 = vector.load %arg2[%get3A_3291, %get3A_3292] : memref<8x8192xf32, #tpu.memory_space<vmem>>, vector<1x128xf32>
    %get3A_3294 = vector.shape_cast %get3A_3293 : vector<1x128xf32> to vector<128xf32>
    %broadcast_in_dim3A_3295 = vector.shape_cast %get3A_3294 : vector<128xf32> to vector<1x128xf32>
    %mul3A_3296 = vector.broadcast %broadcast_in_dim3A_3295 : vector<1x128xf32> to vector<256x128xf32>
    %mul3A_3297 = arith.mulf %concatenate3A_17, %mul3A_3296 : vector<256x128xf32>
    %add3A_3298 = arith.addf %add3A_3290, %mul3A_3297 : vector<256x128xf32>
    %get3A_3299 = arith.constant 5 : index
    %get3A_3300 = arith.constant 6272 : index
    %get3A_3301 = vector.load %arg2[%get3A_3299, %get3A_3300] : memref<8x8192xf32, #tpu.memory_space<vmem>>, vector<1x128xf32>
    %get3A_3302 = vector.shape_cast %get3A_3301 : vector<1x128xf32> to vector<128xf32>
    %broadcast_in_dim3A_3303 = vector.shape_cast %get3A_3302 : vector<128xf32> to vector<1x128xf32>
    %mul3A_3304 = vector.broadcast %broadcast_in_dim3A_3303 : vector<1x128xf32> to vector<256x128xf32>
    %mul3A_3305 = arith.mulf %concatenate3A_21, %mul3A_3304 : vector<256x128xf32>
    %add3A_3306 = arith.addf %add3A_3298, %mul3A_3305 : vector<256x128xf32>
    %get3A_3307 = arith.constant 6 : index
    %get3A_3308 = arith.constant 6272 : index
    %get3A_3309 = vector.load %arg2[%get3A_3307, %get3A_3308] : memref<8x8192xf32, #tpu.memory_space<vmem>>, vector<1x128xf32>
    %get3A_3310 = vector.shape_cast %get3A_3309 : vector<1x128xf32> to vector<128xf32>
    %broadcast_in_dim3A_3311 = vector.shape_cast %get3A_3310 : vector<128xf32> to vector<1x128xf32>
    %mul3A_3312 = vector.broadcast %broadcast_in_dim3A_3311 : vector<1x128xf32> to vector<256x128xf32>
    %mul3A_3313 = arith.mulf %concatenate3A_25, %mul3A_3312 : vector<256x128xf32>
    %add3A_3314 = arith.addf %add3A_3306, %mul3A_3313 : vector<256x128xf32>
    %get3A_3315 = arith.constant 7 : index
    %get3A_3316 = arith.constant 6272 : index
    %get3A_3317 = vector.load %arg2[%get3A_3315, %get3A_3316] : memref<8x8192xf32, #tpu.memory_space<vmem>>, vector<1x128xf32>
    %get3A_3318 = vector.shape_cast %get3A_3317 : vector<1x128xf32> to vector<128xf32>
    %broadcast_in_dim3A_3319 = vector.shape_cast %get3A_3318 : vector<128xf32> to vector<1x128xf32>
    %mul3A_3320 = vector.broadcast %broadcast_in_dim3A_3319 : vector<1x128xf32> to vector<256x128xf32>
    %mul3A_3321 = arith.mulf %concatenate3A_29, %mul3A_3320 : vector<256x128xf32>
    %add3A_3322 = arith.addf %add3A_3314, %mul3A_3321 : vector<256x128xf32>
    %swap3A_3323 = arith.constant 0 : index
    %swap3A_3324 = arith.constant 6272 : index
    %swap3A_3325 = vector.load %arg3[%swap3A_3323, %swap3A_3324] : memref<256x8192xf32, #tpu.memory_space<vmem>>, vector<256x128xf32>
    tpu.vector_store %arg3[%swap3A_3323, %swap3A_3324], %add3A_3322 {strides = array<i32>} : memref<256x8192xf32, #tpu.memory_space<vmem>>, vector<256x128xf32>,
    %get3A_3326 = arith.constant 0 : index
    %get3A_3327 = arith.constant 6400 : index
    %get3A_3328 = vector.load %arg2[%get3A_3326, %get3A_3327] : memref<8x8192xf32, #tpu.memory_space<vmem>>, vector<1x128xf32>
    %get3A_3329 = vector.shape_cast %get3A_3328 : vector<1x128xf32> to vector<128xf32>
    %broadcast_in_dim3A_3330 = vector.shape_cast %get3A_3329 : vector<128xf32> to vector<1x128xf32>
    %mul3A_3331 = vector.broadcast %broadcast_in_dim3A_3330 : vector<1x128xf32> to vector<256x128xf32>
    %mul3A_3332 = arith.mulf %concatenate3A, %mul3A_3331 : vector<256x128xf32>
    %get3A_3333 = arith.constant 1 : index
    %get3A_3334 = arith.constant 6400 : index
    %get3A_3335 = vector.load %arg2[%get3A_3333, %get3A_3334] : memref<8x8192xf32, #tpu.memory_space<vmem>>, vector<1x128xf32>
    %get3A_3336 = vector.shape_cast %get3A_3335 : vector<1x128xf32> to vector<128xf32>
    %broadcast_in_dim3A_3337 = vector.shape_cast %get3A_3336 : vector<128xf32> to vector<1x128xf32>
    %mul3A_3338 = vector.broadcast %broadcast_in_dim3A_3337 : vector<1x128xf32> to vector<256x128xf32>
    %mul3A_3339 = arith.mulf %concatenate3A_5, %mul3A_3338 : vector<256x128xf32>
    %add3A_3340 = arith.addf %mul3A_3332, %mul3A_3339 : vector<256x128xf32>
    %get3A_3341 = arith.constant 2 : index
    %get3A_3342 = arith.constant 6400 : index
    %get3A_3343 = vector.load %arg2[%get3A_3341, %get3A_3342] : memref<8x8192xf32, #tpu.memory_space<vmem>>, vector<1x128xf32>
    %get3A_3344 = vector.shape_cast %get3A_3343 : vector<1x128xf32> to vector<128xf32>
    %broadcast_in_dim3A_3345 = vector.shape_cast %get3A_3344 : vector<128xf32> to vector<1x128xf32>
    %mul3A_3346 = vector.broadcast %broadcast_in_dim3A_3345 : vector<1x128xf32> to vector<256x128xf32>
    %mul3A_3347 = arith.mulf %concatenate3A_9, %mul3A_3346 : vector<256x128xf32>
    %add3A_3348 = arith.addf %add3A_3340, %mul3A_3347 : vector<256x128xf32>
    %get3A_3349 = arith.constant 3 : index
    %get3A_3350 = arith.constant 6400 : index
    %get3A_3351 = vector.load %arg2[%get3A_3349, %get3A_3350] : memref<8x8192xf32, #tpu.memory_space<vmem>>, vector<1x128xf32>
    %get3A_3352 = vector.shape_cast %get3A_3351 : vector<1x128xf32> to vector<128xf32>
    %broadcast_in_dim3A_3353 = vector.shape_cast %get3A_3352 : vector<128xf32> to vector<1x128xf32>
    %mul3A_3354 = vector.broadcast %broadcast_in_dim3A_3353 : vector<1x128xf32> to vector<256x128xf32>
    %mul3A_3355 = arith.mulf %concatenate3A_13, %mul3A_3354 : vector<256x128xf32>
    %add3A_3356 = arith.addf %add3A_3348, %mul3A_3355 : vector<256x128xf32>
    %get3A_3357 = arith.constant 4 : index
    %get3A_3358 = arith.constant 6400 : index
    %get3A_3359 = vector.load %arg2[%get3A_3357, %get3A_3358] : memref<8x8192xf32, #tpu.memory_space<vmem>>, vector<1x128xf32>
    %get3A_3360 = vector.shape_cast %get3A_3359 : vector<1x128xf32> to vector<128xf32>
    %broadcast_in_dim3A_3361 = vector.shape_cast %get3A_3360 : vector<128xf32> to vector<1x128xf32>
    %mul3A_3362 = vector.broadcast %broadcast_in_dim3A_3361 : vector<1x128xf32> to vector<256x128xf32>
    %mul3A_3363 = arith.mulf %concatenate3A_17, %mul3A_3362 : vector<256x128xf32>
    %add3A_3364 = arith.addf %add3A_3356, %mul3A_3363 : vector<256x128xf32>
    %get3A_3365 = arith.constant 5 : index
    %get3A_3366 = arith.constant 6400 : index
    %get3A_3367 = vector.load %arg2[%get3A_3365, %get3A_3366] : memref<8x8192xf32, #tpu.memory_space<vmem>>, vector<1x128xf32>
    %get3A_3368 = vector.shape_cast %get3A_3367 : vector<1x128xf32> to vector<128xf32>
    %broadcast_in_dim3A_3369 = vector.shape_cast %get3A_3368 : vector<128xf32> to vector<1x128xf32>
    %mul3A_3370 = vector.broadcast %broadcast_in_dim3A_3369 : vector<1x128xf32> to vector<256x128xf32>
    %mul3A_3371 = arith.mulf %concatenate3A_21, %mul3A_3370 : vector<256x128xf32>
    %add3A_3372 = arith.addf %add3A_3364, %mul3A_3371 : vector<256x128xf32>
    %get3A_3373 = arith.constant 6 : index
    %get3A_3374 = arith.constant 6400 : index
    %get3A_3375 = vector.load %arg2[%get3A_3373, %get3A_3374] : memref<8x8192xf32, #tpu.memory_space<vmem>>, vector<1x128xf32>
    %get3A_3376 = vector.shape_cast %get3A_3375 : vector<1x128xf32> to vector<128xf32>
    %broadcast_in_dim3A_3377 = vector.shape_cast %get3A_3376 : vector<128xf32> to vector<1x128xf32>
    %mul3A_3378 = vector.broadcast %broadcast_in_dim3A_3377 : vector<1x128xf32> to vector<256x128xf32>
    %mul3A_3379 = arith.mulf %concatenate3A_25, %mul3A_3378 : vector<256x128xf32>
    %add3A_3380 = arith.addf %add3A_3372, %mul3A_3379 : vector<256x128xf32>
    %get3A_3381 = arith.constant 7 : index
    %get3A_3382 = arith.constant 6400 : index
    %get3A_3383 = vector.load %arg2[%get3A_3381, %get3A_3382] : memref<8x8192xf32, #tpu.memory_space<vmem>>, vector<1x128xf32>
    %get3A_3384 = vector.shape_cast %get3A_3383 : vector<1x128xf32> to vector<128xf32>
    %broadcast_in_dim3A_3385 = vector.shape_cast %get3A_3384 : vector<128xf32> to vector<1x128xf32>
    %mul3A_3386 = vector.broadcast %broadcast_in_dim3A_3385 : vector<1x128xf32> to vector<256x128xf32>
    %mul3A_3387 = arith.mulf %concatenate3A_29, %mul3A_3386 : vector<256x128xf32>
    %add3A_3388 = arith.addf %add3A_3380, %mul3A_3387 : vector<256x128xf32>
    %swap3A_3389 = arith.constant 0 : index
    %swap3A_3390 = arith.constant 6400 : index
    %swap3A_3391 = vector.load %arg3[%swap3A_3389, %swap3A_3390] : memref<256x8192xf32, #tpu.memory_space<vmem>>, vector<256x128xf32>
    tpu.vector_store %arg3[%swap3A_3389, %swap3A_3390], %add3A_3388 {strides = array<i32>} : memref<256x8192xf32, #tpu.memory_space<vmem>>, vector<256x128xf32>,
    %get3A_3392 = arith.constant 0 : index
    %get3A_3393 = arith.constant 6528 : index
    %get3A_3394 = vector.load %arg2[%get3A_3392, %get3A_3393] : memref<8x8192xf32, #tpu.memory_space<vmem>>, vector<1x128xf32>
    %get3A_3395 = vector.shape_cast %get3A_3394 : vector<1x128xf32> to vector<128xf32>
    %broadcast_in_dim3A_3396 = vector.shape_cast %get3A_3395 : vector<128xf32> to vector<1x128xf32>
    %mul3A_3397 = vector.broadcast %broadcast_in_dim3A_3396 : vector<1x128xf32> to vector<256x128xf32>
    %mul3A_3398 = arith.mulf %concatenate3A, %mul3A_3397 : vector<256x128xf32>
    %get3A_3399 = arith.constant 1 : index
    %get3A_3400 = arith.constant 6528 : index
    %get3A_3401 = vector.load %arg2[%get3A_3399, %get3A_3400] : memref<8x8192xf32, #tpu.memory_space<vmem>>, vector<1x128xf32>
    %get3A_3402 = vector.shape_cast %get3A_3401 : vector<1x128xf32> to vector<128xf32>
    %broadcast_in_dim3A_3403 = vector.shape_cast %get3A_3402 : vector<128xf32> to vector<1x128xf32>
    %mul3A_3404 = vector.broadcast %broadcast_in_dim3A_3403 : vector<1x128xf32> to vector<256x128xf32>
    %mul3A_3405 = arith.mulf %concatenate3A_5, %mul3A_3404 : vector<256x128xf32>
    %add3A_3406 = arith.addf %mul3A_3398, %mul3A_3405 : vector<256x128xf32>
    %get3A_3407 = arith.constant 2 : index
    %get3A_3408 = arith.constant 6528 : index
    %get3A_3409 = vector.load %arg2[%get3A_3407, %get3A_3408] : memref<8x8192xf32, #tpu.memory_space<vmem>>, vector<1x128xf32>
    %get3A_3410 = vector.shape_cast %get3A_3409 : vector<1x128xf32> to vector<128xf32>
    %broadcast_in_dim3A_3411 = vector.shape_cast %get3A_3410 : vector<128xf32> to vector<1x128xf32>
    %mul3A_3412 = vector.broadcast %broadcast_in_dim3A_3411 : vector<1x128xf32> to vector<256x128xf32>
    %mul3A_3413 = arith.mulf %concatenate3A_9, %mul3A_3412 : vector<256x128xf32>
    %add3A_3414 = arith.addf %add3A_3406, %mul3A_3413 : vector<256x128xf32>
    %get3A_3415 = arith.constant 3 : index
    %get3A_3416 = arith.constant 6528 : index
    %get3A_3417 = vector.load %arg2[%get3A_3415, %get3A_3416] : memref<8x8192xf32, #tpu.memory_space<vmem>>, vector<1x128xf32>
    %get3A_3418 = vector.shape_cast %get3A_3417 : vector<1x128xf32> to vector<128xf32>
    %broadcast_in_dim3A_3419 = vector.shape_cast %get3A_3418 : vector<128xf32> to vector<1x128xf32>
    %mul3A_3420 = vector.broadcast %broadcast_in_dim3A_3419 : vector<1x128xf32> to vector<256x128xf32>
    %mul3A_3421 = arith.mulf %concatenate3A_13, %mul3A_3420 : vector<256x128xf32>
    %add3A_3422 = arith.addf %add3A_3414, %mul3A_3421 : vector<256x128xf32>
    %get3A_3423 = arith.constant 4 : index
    %get3A_3424 = arith.constant 6528 : index
    %get3A_3425 = vector.load %arg2[%get3A_3423, %get3A_3424] : memref<8x8192xf32, #tpu.memory_space<vmem>>, vector<1x128xf32>
    %get3A_3426 = vector.shape_cast %get3A_3425 : vector<1x128xf32> to vector<128xf32>
    %broadcast_in_dim3A_3427 = vector.shape_cast %get3A_3426 : vector<128xf32> to vector<1x128xf32>
    %mul3A_3428 = vector.broadcast %broadcast_in_dim3A_3427 : vector<1x128xf32> to vector<256x128xf32>
    %mul3A_3429 = arith.mulf %concatenate3A_17, %mul3A_3428 : vector<256x128xf32>
    %add3A_3430 = arith.addf %add3A_3422, %mul3A_3429 : vector<256x128xf32>
    %get3A_3431 = arith.constant 5 : index
    %get3A_3432 = arith.constant 6528 : index
    %get3A_3433 = vector.load %arg2[%get3A_3431, %get3A_3432] : memref<8x8192xf32, #tpu.memory_space<vmem>>, vector<1x128xf32>
    %get3A_3434 = vector.shape_cast %get3A_3433 : vector<1x128xf32> to vector<128xf32>
    %broadcast_in_dim3A_3435 = vector.shape_cast %get3A_3434 : vector<128xf32> to vector<1x128xf32>
    %mul3A_3436 = vector.broadcast %broadcast_in_dim3A_3435 : vector<1x128xf32> to vector<256x128xf32>
    %mul3A_3437 = arith.mulf %concatenate3A_21, %mul3A_3436 : vector<256x128xf32>
    %add3A_3438 = arith.addf %add3A_3430, %mul3A_3437 : vector<256x128xf32>
    %get3A_3439 = arith.constant 6 : index
    %get3A_3440 = arith.constant 6528 : index
    %get3A_3441 = vector.load %arg2[%get3A_3439, %get3A_3440] : memref<8x8192xf32, #tpu.memory_space<vmem>>, vector<1x128xf32>
    %get3A_3442 = vector.shape_cast %get3A_3441 : vector<1x128xf32> to vector<128xf32>
    %broadcast_in_dim3A_3443 = vector.shape_cast %get3A_3442 : vector<128xf32> to vector<1x128xf32>
    %mul3A_3444 = vector.broadcast %broadcast_in_dim3A_3443 : vector<1x128xf32> to vector<256x128xf32>
    %mul3A_3445 = arith.mulf %concatenate3A_25, %mul3A_3444 : vector<256x128xf32>
    %add3A_3446 = arith.addf %add3A_3438, %mul3A_3445 : vector<256x128xf32>
    %get3A_3447 = arith.constant 7 : index
    %get3A_3448 = arith.constant 6528 : index
    %get3A_3449 = vector.load %arg2[%get3A_3447, %get3A_3448] : memref<8x8192xf32, #tpu.memory_space<vmem>>, vector<1x128xf32>
    %get3A_3450 = vector.shape_cast %get3A_3449 : vector<1x128xf32> to vector<128xf32>
    %broadcast_in_dim3A_3451 = vector.shape_cast %get3A_3450 : vector<128xf32> to vector<1x128xf32>
    %mul3A_3452 = vector.broadcast %broadcast_in_dim3A_3451 : vector<1x128xf32> to vector<256x128xf32>
    %mul3A_3453 = arith.mulf %concatenate3A_29, %mul3A_3452 : vector<256x128xf32>
    %add3A_3454 = arith.addf %add3A_3446, %mul3A_3453 : vector<256x128xf32>
    %swap3A_3455 = arith.constant 0 : index
    %swap3A_3456 = arith.constant 6528 : index
    %swap3A_3457 = vector.load %arg3[%swap3A_3455, %swap3A_3456] : memref<256x8192xf32, #tpu.memory_space<vmem>>, vector<256x128xf32>
    tpu.vector_store %arg3[%swap3A_3455, %swap3A_3456], %add3A_3454 {strides = array<i32>} : memref<256x8192xf32, #tpu.memory_space<vmem>>, vector<256x128xf32>,
    %get3A_3458 = arith.constant 0 : index
    %get3A_3459 = arith.constant 6656 : index
    %get3A_3460 = vector.load %arg2[%get3A_3458, %get3A_3459] : memref<8x8192xf32, #tpu.memory_space<vmem>>, vector<1x128xf32>
    %get3A_3461 = vector.shape_cast %get3A_3460 : vector<1x128xf32> to vector<128xf32>
    %broadcast_in_dim3A_3462 = vector.shape_cast %get3A_3461 : vector<128xf32> to vector<1x128xf32>
    %mul3A_3463 = vector.broadcast %broadcast_in_dim3A_3462 : vector<1x128xf32> to vector<256x128xf32>
    %mul3A_3464 = arith.mulf %concatenate3A, %mul3A_3463 : vector<256x128xf32>
    %get3A_3465 = arith.constant 1 : index
    %get3A_3466 = arith.constant 6656 : index
    %get3A_3467 = vector.load %arg2[%get3A_3465, %get3A_3466] : memref<8x8192xf32, #tpu.memory_space<vmem>>, vector<1x128xf32>
    %get3A_3468 = vector.shape_cast %get3A_3467 : vector<1x128xf32> to vector<128xf32>
    %broadcast_in_dim3A_3469 = vector.shape_cast %get3A_3468 : vector<128xf32> to vector<1x128xf32>
    %mul3A_3470 = vector.broadcast %broadcast_in_dim3A_3469 : vector<1x128xf32> to vector<256x128xf32>
    %mul3A_3471 = arith.mulf %concatenate3A_5, %mul3A_3470 : vector<256x128xf32>
    %add3A_3472 = arith.addf %mul3A_3464, %mul3A_3471 : vector<256x128xf32>
    %get3A_3473 = arith.constant 2 : index
    %get3A_3474 = arith.constant 6656 : index
    %get3A_3475 = vector.load %arg2[%get3A_3473, %get3A_3474] : memref<8x8192xf32, #tpu.memory_space<vmem>>, vector<1x128xf32>
    %get3A_3476 = vector.shape_cast %get3A_3475 : vector<1x128xf32> to vector<128xf32>
    %broadcast_in_dim3A_3477 = vector.shape_cast %get3A_3476 : vector<128xf32> to vector<1x128xf32>
    %mul3A_3478 = vector.broadcast %broadcast_in_dim3A_3477 : vector<1x128xf32> to vector<256x128xf32>
    %mul3A_3479 = arith.mulf %concatenate3A_9, %mul3A_3478 : vector<256x128xf32>
    %add3A_3480 = arith.addf %add3A_3472, %mul3A_3479 : vector<256x128xf32>
    %get3A_3481 = arith.constant 3 : index
    %get3A_3482 = arith.constant 6656 : index
    %get3A_3483 = vector.load %arg2[%get3A_3481, %get3A_3482] : memref<8x8192xf32, #tpu.memory_space<vmem>>, vector<1x128xf32>
    %get3A_3484 = vector.shape_cast %get3A_3483 : vector<1x128xf32> to vector<128xf32>
    %broadcast_in_dim3A_3485 = vector.shape_cast %get3A_3484 : vector<128xf32> to vector<1x128xf32>
    %mul3A_3486 = vector.broadcast %broadcast_in_dim3A_3485 : vector<1x128xf32> to vector<256x128xf32>
    %mul3A_3487 = arith.mulf %concatenate3A_13, %mul3A_3486 : vector<256x128xf32>
    %add3A_3488 = arith.addf %add3A_3480, %mul3A_3487 : vector<256x128xf32>
    %get3A_3489 = arith.constant 4 : index
    %get3A_3490 = arith.constant 6656 : index
    %get3A_3491 = vector.load %arg2[%get3A_3489, %get3A_3490] : memref<8x8192xf32, #tpu.memory_space<vmem>>, vector<1x128xf32>
    %get3A_3492 = vector.shape_cast %get3A_3491 : vector<1x128xf32> to vector<128xf32>
    %broadcast_in_dim3A_3493 = vector.shape_cast %get3A_3492 : vector<128xf32> to vector<1x128xf32>
    %mul3A_3494 = vector.broadcast %broadcast_in_dim3A_3493 : vector<1x128xf32> to vector<256x128xf32>
    %mul3A_3495 = arith.mulf %concatenate3A_17, %mul3A_3494 : vector<256x128xf32>
    %add3A_3496 = arith.addf %add3A_3488, %mul3A_3495 : vector<256x128xf32>
    %get3A_3497 = arith.constant 5 : index
    %get3A_3498 = arith.constant 6656 : index
    %get3A_3499 = vector.load %arg2[%get3A_3497, %get3A_3498] : memref<8x8192xf32, #tpu.memory_space<vmem>>, vector<1x128xf32>
    %get3A_3500 = vector.shape_cast %get3A_3499 : vector<1x128xf32> to vector<128xf32>
    %broadcast_in_dim3A_3501 = vector.shape_cast %get3A_3500 : vector<128xf32> to vector<1x128xf32>
    %mul3A_3502 = vector.broadcast %broadcast_in_dim3A_3501 : vector<1x128xf32> to vector<256x128xf32>
    %mul3A_3503 = arith.mulf %concatenate3A_21, %mul3A_3502 : vector<256x128xf32>
    %add3A_3504 = arith.addf %add3A_3496, %mul3A_3503 : vector<256x128xf32>
    %get3A_3505 = arith.constant 6 : index
    %get3A_3506 = arith.constant 6656 : index
    %get3A_3507 = vector.load %arg2[%get3A_3505, %get3A_3506] : memref<8x8192xf32, #tpu.memory_space<vmem>>, vector<1x128xf32>
    %get3A_3508 = vector.shape_cast %get3A_3507 : vector<1x128xf32> to vector<128xf32>
    %broadcast_in_dim3A_3509 = vector.shape_cast %get3A_3508 : vector<128xf32> to vector<1x128xf32>
    %mul3A_3510 = vector.broadcast %broadcast_in_dim3A_3509 : vector<1x128xf32> to vector<256x128xf32>
    %mul3A_3511 = arith.mulf %concatenate3A_25, %mul3A_3510 : vector<256x128xf32>
    %add3A_3512 = arith.addf %add3A_3504, %mul3A_3511 : vector<256x128xf32>
    %get3A_3513 = arith.constant 7 : index
    %get3A_3514 = arith.constant 6656 : index
    %get3A_3515 = vector.load %arg2[%get3A_3513, %get3A_3514] : memref<8x8192xf32, #tpu.memory_space<vmem>>, vector<1x128xf32>
    %get3A_3516 = vector.shape_cast %get3A_3515 : vector<1x128xf32> to vector<128xf32>
    %broadcast_in_dim3A_3517 = vector.shape_cast %get3A_3516 : vector<128xf32> to vector<1x128xf32>
    %mul3A_3518 = vector.broadcast %broadcast_in_dim3A_3517 : vector<1x128xf32> to vector<256x128xf32>
    %mul3A_3519 = arith.mulf %concatenate3A_29, %mul3A_3518 : vector<256x128xf32>
    %add3A_3520 = arith.addf %add3A_3512, %mul3A_3519 : vector<256x128xf32>
    %swap3A_3521 = arith.constant 0 : index
    %swap3A_3522 = arith.constant 6656 : index
    %swap3A_3523 = vector.load %arg3[%swap3A_3521, %swap3A_3522] : memref<256x8192xf32, #tpu.memory_space<vmem>>, vector<256x128xf32>
    tpu.vector_store %arg3[%swap3A_3521, %swap3A_3522], %add3A_3520 {strides = array<i32>} : memref<256x8192xf32, #tpu.memory_space<vmem>>, vector<256x128xf32>,
    %get3A_3524 = arith.constant 0 : index
    %get3A_3525 = arith.constant 6784 : index
    %get3A_3526 = vector.load %arg2[%get3A_3524, %get3A_3525] : memref<8x8192xf32, #tpu.memory_space<vmem>>, vector<1x128xf32>
    %get3A_3527 = vector.shape_cast %get3A_3526 : vector<1x128xf32> to vector<128xf32>
    %broadcast_in_dim3A_3528 = vector.shape_cast %get3A_3527 : vector<128xf32> to vector<1x128xf32>
    %mul3A_3529 = vector.broadcast %broadcast_in_dim3A_3528 : vector<1x128xf32> to vector<256x128xf32>
    %mul3A_3530 = arith.mulf %concatenate3A, %mul3A_3529 : vector<256x128xf32>
    %get3A_3531 = arith.constant 1 : index
    %get3A_3532 = arith.constant 6784 : index
    %get3A_3533 = vector.load %arg2[%get3A_3531, %get3A_3532] : memref<8x8192xf32, #tpu.memory_space<vmem>>, vector<1x128xf32>
    %get3A_3534 = vector.shape_cast %get3A_3533 : vector<1x128xf32> to vector<128xf32>
    %broadcast_in_dim3A_3535 = vector.shape_cast %get3A_3534 : vector<128xf32> to vector<1x128xf32>
    %mul3A_3536 = vector.broadcast %broadcast_in_dim3A_3535 : vector<1x128xf32> to vector<256x128xf32>
    %mul3A_3537 = arith.mulf %concatenate3A_5, %mul3A_3536 : vector<256x128xf32>
    %add3A_3538 = arith.addf %mul3A_3530, %mul3A_3537 : vector<256x128xf32>
    %get3A_3539 = arith.constant 2 : index
    %get3A_3540 = arith.constant 6784 : index
    %get3A_3541 = vector.load %arg2[%get3A_3539, %get3A_3540] : memref<8x8192xf32, #tpu.memory_space<vmem>>, vector<1x128xf32>
    %get3A_3542 = vector.shape_cast %get3A_3541 : vector<1x128xf32> to vector<128xf32>
    %broadcast_in_dim3A_3543 = vector.shape_cast %get3A_3542 : vector<128xf32> to vector<1x128xf32>
    %mul3A_3544 = vector.broadcast %broadcast_in_dim3A_3543 : vector<1x128xf32> to vector<256x128xf32>
    %mul3A_3545 = arith.mulf %concatenate3A_9, %mul3A_3544 : vector<256x128xf32>
    %add3A_3546 = arith.addf %add3A_3538, %mul3A_3545 : vector<256x128xf32>
    %get3A_3547 = arith.constant 3 : index
    %get3A_3548 = arith.constant 6784 : index
    %get3A_3549 = vector.load %arg2[%get3A_3547, %get3A_3548] : memref<8x8192xf32, #tpu.memory_space<vmem>>, vector<1x128xf32>
    %get3A_3550 = vector.shape_cast %get3A_3549 : vector<1x128xf32> to vector<128xf32>
    %broadcast_in_dim3A_3551 = vector.shape_cast %get3A_3550 : vector<128xf32> to vector<1x128xf32>
    %mul3A_3552 = vector.broadcast %broadcast_in_dim3A_3551 : vector<1x128xf32> to vector<256x128xf32>
    %mul3A_3553 = arith.mulf %concatenate3A_13, %mul3A_3552 : vector<256x128xf32>
    %add3A_3554 = arith.addf %add3A_3546, %mul3A_3553 : vector<256x128xf32>
    %get3A_3555 = arith.constant 4 : index
    %get3A_3556 = arith.constant 6784 : index
    %get3A_3557 = vector.load %arg2[%get3A_3555, %get3A_3556] : memref<8x8192xf32, #tpu.memory_space<vmem>>, vector<1x128xf32>
    %get3A_3558 = vector.shape_cast %get3A_3557 : vector<1x128xf32> to vector<128xf32>
    %broadcast_in_dim3A_3559 = vector.shape_cast %get3A_3558 : vector<128xf32> to vector<1x128xf32>
    %mul3A_3560 = vector.broadcast %broadcast_in_dim3A_3559 : vector<1x128xf32> to vector<256x128xf32>
    %mul3A_3561 = arith.mulf %concatenate3A_17, %mul3A_3560 : vector<256x128xf32>
    %add3A_3562 = arith.addf %add3A_3554, %mul3A_3561 : vector<256x128xf32>
    %get3A_3563 = arith.constant 5 : index
    %get3A_3564 = arith.constant 6784 : index
    %get3A_3565 = vector.load %arg2[%get3A_3563, %get3A_3564] : memref<8x8192xf32, #tpu.memory_space<vmem>>, vector<1x128xf32>
    %get3A_3566 = vector.shape_cast %get3A_3565 : vector<1x128xf32> to vector<128xf32>
    %broadcast_in_dim3A_3567 = vector.shape_cast %get3A_3566 : vector<128xf32> to vector<1x128xf32>
    %mul3A_3568 = vector.broadcast %broadcast_in_dim3A_3567 : vector<1x128xf32> to vector<256x128xf32>
    %mul3A_3569 = arith.mulf %concatenate3A_21, %mul3A_3568 : vector<256x128xf32>
    %add3A_3570 = arith.addf %add3A_3562, %mul3A_3569 : vector<256x128xf32>
    %get3A_3571 = arith.constant 6 : index
    %get3A_3572 = arith.constant 6784 : index
    %get3A_3573 = vector.load %arg2[%get3A_3571, %get3A_3572] : memref<8x8192xf32, #tpu.memory_space<vmem>>, vector<1x128xf32>
    %get3A_3574 = vector.shape_cast %get3A_3573 : vector<1x128xf32> to vector<128xf32>
    %broadcast_in_dim3A_3575 = vector.shape_cast %get3A_3574 : vector<128xf32> to vector<1x128xf32>
    %mul3A_3576 = vector.broadcast %broadcast_in_dim3A_3575 : vector<1x128xf32> to vector<256x128xf32>
    %mul3A_3577 = arith.mulf %concatenate3A_25, %mul3A_3576 : vector<256x128xf32>
    %add3A_3578 = arith.addf %add3A_3570, %mul3A_3577 : vector<256x128xf32>
    %get3A_3579 = arith.constant 7 : index
    %get3A_3580 = arith.constant 6784 : index
    %get3A_3581 = vector.load %arg2[%get3A_3579, %get3A_3580] : memref<8x8192xf32, #tpu.memory_space<vmem>>, vector<1x128xf32>
    %get3A_3582 = vector.shape_cast %get3A_3581 : vector<1x128xf32> to vector<128xf32>
    %broadcast_in_dim3A_3583 = vector.shape_cast %get3A_3582 : vector<128xf32> to vector<1x128xf32>
    %mul3A_3584 = vector.broadcast %broadcast_in_dim3A_3583 : vector<1x128xf32> to vector<256x128xf32>
    %mul3A_3585 = arith.mulf %concatenate3A_29, %mul3A_3584 : vector<256x128xf32>
    %add3A_3586 = arith.addf %add3A_3578, %mul3A_3585 : vector<256x128xf32>
    %swap3A_3587 = arith.constant 0 : index
    %swap3A_3588 = arith.constant 6784 : index
    %swap3A_3589 = vector.load %arg3[%swap3A_3587, %swap3A_3588] : memref<256x8192xf32, #tpu.memory_space<vmem>>, vector<256x128xf32>
    tpu.vector_store %arg3[%swap3A_3587, %swap3A_3588], %add3A_3586 {strides = array<i32>} : memref<256x8192xf32, #tpu.memory_space<vmem>>, vector<256x128xf32>,
    %get3A_3590 = arith.constant 0 : index
    %get3A_3591 = arith.constant 6912 : index
    %get3A_3592 = vector.load %arg2[%get3A_3590, %get3A_3591] : memref<8x8192xf32, #tpu.memory_space<vmem>>, vector<1x128xf32>
    %get3A_3593 = vector.shape_cast %get3A_3592 : vector<1x128xf32> to vector<128xf32>
    %broadcast_in_dim3A_3594 = vector.shape_cast %get3A_3593 : vector<128xf32> to vector<1x128xf32>
    %mul3A_3595 = vector.broadcast %broadcast_in_dim3A_3594 : vector<1x128xf32> to vector<256x128xf32>
    %mul3A_3596 = arith.mulf %concatenate3A, %mul3A_3595 : vector<256x128xf32>
    %get3A_3597 = arith.constant 1 : index
    %get3A_3598 = arith.constant 6912 : index
    %get3A_3599 = vector.load %arg2[%get3A_3597, %get3A_3598] : memref<8x8192xf32, #tpu.memory_space<vmem>>, vector<1x128xf32>
    %get3A_3600 = vector.shape_cast %get3A_3599 : vector<1x128xf32> to vector<128xf32>
    %broadcast_in_dim3A_3601 = vector.shape_cast %get3A_3600 : vector<128xf32> to vector<1x128xf32>
    %mul3A_3602 = vector.broadcast %broadcast_in_dim3A_3601 : vector<1x128xf32> to vector<256x128xf32>
    %mul3A_3603 = arith.mulf %concatenate3A_5, %mul3A_3602 : vector<256x128xf32>
    %add3A_3604 = arith.addf %mul3A_3596, %mul3A_3603 : vector<256x128xf32>
    %get3A_3605 = arith.constant 2 : index
    %get3A_3606 = arith.constant 6912 : index
    %get3A_3607 = vector.load %arg2[%get3A_3605, %get3A_3606] : memref<8x8192xf32, #tpu.memory_space<vmem>>, vector<1x128xf32>
    %get3A_3608 = vector.shape_cast %get3A_3607 : vector<1x128xf32> to vector<128xf32>
    %broadcast_in_dim3A_3609 = vector.shape_cast %get3A_3608 : vector<128xf32> to vector<1x128xf32>
    %mul3A_3610 = vector.broadcast %broadcast_in_dim3A_3609 : vector<1x128xf32> to vector<256x128xf32>
    %mul3A_3611 = arith.mulf %concatenate3A_9, %mul3A_3610 : vector<256x128xf32>
    %add3A_3612 = arith.addf %add3A_3604, %mul3A_3611 : vector<256x128xf32>
    %get3A_3613 = arith.constant 3 : index
    %get3A_3614 = arith.constant 6912 : index
    %get3A_3615 = vector.load %arg2[%get3A_3613, %get3A_3614] : memref<8x8192xf32, #tpu.memory_space<vmem>>, vector<1x128xf32>
    %get3A_3616 = vector.shape_cast %get3A_3615 : vector<1x128xf32> to vector<128xf32>
    %broadcast_in_dim3A_3617 = vector.shape_cast %get3A_3616 : vector<128xf32> to vector<1x128xf32>
    %mul3A_3618 = vector.broadcast %broadcast_in_dim3A_3617 : vector<1x128xf32> to vector<256x128xf32>
    %mul3A_3619 = arith.mulf %concatenate3A_13, %mul3A_3618 : vector<256x128xf32>
    %add3A_3620 = arith.addf %add3A_3612, %mul3A_3619 : vector<256x128xf32>
    %get3A_3621 = arith.constant 4 : index
    %get3A_3622 = arith.constant 6912 : index
    %get3A_3623 = vector.load %arg2[%get3A_3621, %get3A_3622] : memref<8x8192xf32, #tpu.memory_space<vmem>>, vector<1x128xf32>
    %get3A_3624 = vector.shape_cast %get3A_3623 : vector<1x128xf32> to vector<128xf32>
    %broadcast_in_dim3A_3625 = vector.shape_cast %get3A_3624 : vector<128xf32> to vector<1x128xf32>
    %mul3A_3626 = vector.broadcast %broadcast_in_dim3A_3625 : vector<1x128xf32> to vector<256x128xf32>
    %mul3A_3627 = arith.mulf %concatenate3A_17, %mul3A_3626 : vector<256x128xf32>
    %add3A_3628 = arith.addf %add3A_3620, %mul3A_3627 : vector<256x128xf32>
    %get3A_3629 = arith.constant 5 : index
    %get3A_3630 = arith.constant 6912 : index
    %get3A_3631 = vector.load %arg2[%get3A_3629, %get3A_3630] : memref<8x8192xf32, #tpu.memory_space<vmem>>, vector<1x128xf32>
    %get3A_3632 = vector.shape_cast %get3A_3631 : vector<1x128xf32> to vector<128xf32>
    %broadcast_in_dim3A_3633 = vector.shape_cast %get3A_3632 : vector<128xf32> to vector<1x128xf32>
    %mul3A_3634 = vector.broadcast %broadcast_in_dim3A_3633 : vector<1x128xf32> to vector<256x128xf32>
    %mul3A_3635 = arith.mulf %concatenate3A_21, %mul3A_3634 : vector<256x128xf32>
    %add3A_3636 = arith.addf %add3A_3628, %mul3A_3635 : vector<256x128xf32>
    %get3A_3637 = arith.constant 6 : index
    %get3A_3638 = arith.constant 6912 : index
    %get3A_3639 = vector.load %arg2[%get3A_3637, %get3A_3638] : memref<8x8192xf32, #tpu.memory_space<vmem>>, vector<1x128xf32>
    %get3A_3640 = vector.shape_cast %get3A_3639 : vector<1x128xf32> to vector<128xf32>
    %broadcast_in_dim3A_3641 = vector.shape_cast %get3A_3640 : vector<128xf32> to vector<1x128xf32>
    %mul3A_3642 = vector.broadcast %broadcast_in_dim3A_3641 : vector<1x128xf32> to vector<256x128xf32>
    %mul3A_3643 = arith.mulf %concatenate3A_25, %mul3A_3642 : vector<256x128xf32>
    %add3A_3644 = arith.addf %add3A_3636, %mul3A_3643 : vector<256x128xf32>
    %get3A_3645 = arith.constant 7 : index
    %get3A_3646 = arith.constant 6912 : index
    %get3A_3647 = vector.load %arg2[%get3A_3645, %get3A_3646] : memref<8x8192xf32, #tpu.memory_space<vmem>>, vector<1x128xf32>
    %get3A_3648 = vector.shape_cast %get3A_3647 : vector<1x128xf32> to vector<128xf32>
    %broadcast_in_dim3A_3649 = vector.shape_cast %get3A_3648 : vector<128xf32> to vector<1x128xf32>
    %mul3A_3650 = vector.broadcast %broadcast_in_dim3A_3649 : vector<1x128xf32> to vector<256x128xf32>
    %mul3A_3651 = arith.mulf %concatenate3A_29, %mul3A_3650 : vector<256x128xf32>
    %add3A_3652 = arith.addf %add3A_3644, %mul3A_3651 : vector<256x128xf32>
    %swap3A_3653 = arith.constant 0 : index
    %swap3A_3654 = arith.constant 6912 : index
    %swap3A_3655 = vector.load %arg3[%swap3A_3653, %swap3A_3654] : memref<256x8192xf32, #tpu.memory_space<vmem>>, vector<256x128xf32>
    tpu.vector_store %arg3[%swap3A_3653, %swap3A_3654], %add3A_3652 {strides = array<i32>} : memref<256x8192xf32, #tpu.memory_space<vmem>>, vector<256x128xf32>,
    %get3A_3656 = arith.constant 0 : index
    %get3A_3657 = arith.constant 7040 : index
    %get3A_3658 = vector.load %arg2[%get3A_3656, %get3A_3657] : memref<8x8192xf32, #tpu.memory_space<vmem>>, vector<1x128xf32>
    %get3A_3659 = vector.shape_cast %get3A_3658 : vector<1x128xf32> to vector<128xf32>
    %broadcast_in_dim3A_3660 = vector.shape_cast %get3A_3659 : vector<128xf32> to vector<1x128xf32>
    %mul3A_3661 = vector.broadcast %broadcast_in_dim3A_3660 : vector<1x128xf32> to vector<256x128xf32>
    %mul3A_3662 = arith.mulf %concatenate3A, %mul3A_3661 : vector<256x128xf32>
    %get3A_3663 = arith.constant 1 : index
    %get3A_3664 = arith.constant 7040 : index
    %get3A_3665 = vector.load %arg2[%get3A_3663, %get3A_3664] : memref<8x8192xf32, #tpu.memory_space<vmem>>, vector<1x128xf32>
    %get3A_3666 = vector.shape_cast %get3A_3665 : vector<1x128xf32> to vector<128xf32>
    %broadcast_in_dim3A_3667 = vector.shape_cast %get3A_3666 : vector<128xf32> to vector<1x128xf32>
    %mul3A_3668 = vector.broadcast %broadcast_in_dim3A_3667 : vector<1x128xf32> to vector<256x128xf32>
    %mul3A_3669 = arith.mulf %concatenate3A_5, %mul3A_3668 : vector<256x128xf32>
    %add3A_3670 = arith.addf %mul3A_3662, %mul3A_3669 : vector<256x128xf32>
    %get3A_3671 = arith.constant 2 : index
    %get3A_3672 = arith.constant 7040 : index
    %get3A_3673 = vector.load %arg2[%get3A_3671, %get3A_3672] : memref<8x8192xf32, #tpu.memory_space<vmem>>, vector<1x128xf32>
    %get3A_3674 = vector.shape_cast %get3A_3673 : vector<1x128xf32> to vector<128xf32>
    %broadcast_in_dim3A_3675 = vector.shape_cast %get3A_3674 : vector<128xf32> to vector<1x128xf32>
    %mul3A_3676 = vector.broadcast %broadcast_in_dim3A_3675 : vector<1x128xf32> to vector<256x128xf32>
    %mul3A_3677 = arith.mulf %concatenate3A_9, %mul3A_3676 : vector<256x128xf32>
    %add3A_3678 = arith.addf %add3A_3670, %mul3A_3677 : vector<256x128xf32>
    %get3A_3679 = arith.constant 3 : index
    %get3A_3680 = arith.constant 7040 : index
    %get3A_3681 = vector.load %arg2[%get3A_3679, %get3A_3680] : memref<8x8192xf32, #tpu.memory_space<vmem>>, vector<1x128xf32>
    %get3A_3682 = vector.shape_cast %get3A_3681 : vector<1x128xf32> to vector<128xf32>
    %broadcast_in_dim3A_3683 = vector.shape_cast %get3A_3682 : vector<128xf32> to vector<1x128xf32>
    %mul3A_3684 = vector.broadcast %broadcast_in_dim3A_3683 : vector<1x128xf32> to vector<256x128xf32>
    %mul3A_3685 = arith.mulf %concatenate3A_13, %mul3A_3684 : vector<256x128xf32>
    %add3A_3686 = arith.addf %add3A_3678, %mul3A_3685 : vector<256x128xf32>
    %get3A_3687 = arith.constant 4 : index
    %get3A_3688 = arith.constant 7040 : index
    %get3A_3689 = vector.load %arg2[%get3A_3687, %get3A_3688] : memref<8x8192xf32, #tpu.memory_space<vmem>>, vector<1x128xf32>
    %get3A_3690 = vector.shape_cast %get3A_3689 : vector<1x128xf32> to vector<128xf32>
    %broadcast_in_dim3A_3691 = vector.shape_cast %get3A_3690 : vector<128xf32> to vector<1x128xf32>
    %mul3A_3692 = vector.broadcast %broadcast_in_dim3A_3691 : vector<1x128xf32> to vector<256x128xf32>
    %mul3A_3693 = arith.mulf %concatenate3A_17, %mul3A_3692 : vector<256x128xf32>
    %add3A_3694 = arith.addf %add3A_3686, %mul3A_3693 : vector<256x128xf32>
    %get3A_3695 = arith.constant 5 : index
    %get3A_3696 = arith.constant 7040 : index
    %get3A_3697 = vector.load %arg2[%get3A_3695, %get3A_3696] : memref<8x8192xf32, #tpu.memory_space<vmem>>, vector<1x128xf32>
    %get3A_3698 = vector.shape_cast %get3A_3697 : vector<1x128xf32> to vector<128xf32>
    %broadcast_in_dim3A_3699 = vector.shape_cast %get3A_3698 : vector<128xf32> to vector<1x128xf32>
    %mul3A_3700 = vector.broadcast %broadcast_in_dim3A_3699 : vector<1x128xf32> to vector<256x128xf32>
    %mul3A_3701 = arith.mulf %concatenate3A_21, %mul3A_3700 : vector<256x128xf32>
    %add3A_3702 = arith.addf %add3A_3694, %mul3A_3701 : vector<256x128xf32>
    %get3A_3703 = arith.constant 6 : index
    %get3A_3704 = arith.constant 7040 : index
    %get3A_3705 = vector.load %arg2[%get3A_3703, %get3A_3704] : memref<8x8192xf32, #tpu.memory_space<vmem>>, vector<1x128xf32>
    %get3A_3706 = vector.shape_cast %get3A_3705 : vector<1x128xf32> to vector<128xf32>
    %broadcast_in_dim3A_3707 = vector.shape_cast %get3A_3706 : vector<128xf32> to vector<1x128xf32>
    %mul3A_3708 = vector.broadcast %broadcast_in_dim3A_3707 : vector<1x128xf32> to vector<256x128xf32>
    %mul3A_3709 = arith.mulf %concatenate3A_25, %mul3A_3708 : vector<256x128xf32>
    %add3A_3710 = arith.addf %add3A_3702, %mul3A_3709 : vector<256x128xf32>
    %get3A_3711 = arith.constant 7 : index
    %get3A_3712 = arith.constant 7040 : index
    %get3A_3713 = vector.load %arg2[%get3A_3711, %get3A_3712] : memref<8x8192xf32, #tpu.memory_space<vmem>>, vector<1x128xf32>
    %get3A_3714 = vector.shape_cast %get3A_3713 : vector<1x128xf32> to vector<128xf32>
    %broadcast_in_dim3A_3715 = vector.shape_cast %get3A_3714 : vector<128xf32> to vector<1x128xf32>
    %mul3A_3716 = vector.broadcast %broadcast_in_dim3A_3715 : vector<1x128xf32> to vector<256x128xf32>
    %mul3A_3717 = arith.mulf %concatenate3A_29, %mul3A_3716 : vector<256x128xf32>
    %add3A_3718 = arith.addf %add3A_3710, %mul3A_3717 : vector<256x128xf32>
    %swap3A_3719 = arith.constant 0 : index
    %swap3A_3720 = arith.constant 7040 : index
    %swap3A_3721 = vector.load %arg3[%swap3A_3719, %swap3A_3720] : memref<256x8192xf32, #tpu.memory_space<vmem>>, vector<256x128xf32>
    tpu.vector_store %arg3[%swap3A_3719, %swap3A_3720], %add3A_3718 {strides = array<i32>} : memref<256x8192xf32, #tpu.memory_space<vmem>>, vector<256x128xf32>,
    %get3A_3722 = arith.constant 0 : index
    %get3A_3723 = arith.constant 7168 : index
    %get3A_3724 = vector.load %arg2[%get3A_3722, %get3A_3723] : memref<8x8192xf32, #tpu.memory_space<vmem>>, vector<1x128xf32>
    %get3A_3725 = vector.shape_cast %get3A_3724 : vector<1x128xf32> to vector<128xf32>
    %broadcast_in_dim3A_3726 = vector.shape_cast %get3A_3725 : vector<128xf32> to vector<1x128xf32>
    %mul3A_3727 = vector.broadcast %broadcast_in_dim3A_3726 : vector<1x128xf32> to vector<256x128xf32>
    %mul3A_3728 = arith.mulf %concatenate3A, %mul3A_3727 : vector<256x128xf32>
    %get3A_3729 = arith.constant 1 : index
    %get3A_3730 = arith.constant 7168 : index
    %get3A_3731 = vector.load %arg2[%get3A_3729, %get3A_3730] : memref<8x8192xf32, #tpu.memory_space<vmem>>, vector<1x128xf32>
    %get3A_3732 = vector.shape_cast %get3A_3731 : vector<1x128xf32> to vector<128xf32>
    %broadcast_in_dim3A_3733 = vector.shape_cast %get3A_3732 : vector<128xf32> to vector<1x128xf32>
    %mul3A_3734 = vector.broadcast %broadcast_in_dim3A_3733 : vector<1x128xf32> to vector<256x128xf32>
    %mul3A_3735 = arith.mulf %concatenate3A_5, %mul3A_3734 : vector<256x128xf32>
    %add3A_3736 = arith.addf %mul3A_3728, %mul3A_3735 : vector<256x128xf32>
    %get3A_3737 = arith.constant 2 : index
    %get3A_3738 = arith.constant 7168 : index
    %get3A_3739 = vector.load %arg2[%get3A_3737, %get3A_3738] : memref<8x8192xf32, #tpu.memory_space<vmem>>, vector<1x128xf32>
    %get3A_3740 = vector.shape_cast %get3A_3739 : vector<1x128xf32> to vector<128xf32>
    %broadcast_in_dim3A_3741 = vector.shape_cast %get3A_3740 : vector<128xf32> to vector<1x128xf32>
    %mul3A_3742 = vector.broadcast %broadcast_in_dim3A_3741 : vector<1x128xf32> to vector<256x128xf32>
    %mul3A_3743 = arith.mulf %concatenate3A_9, %mul3A_3742 : vector<256x128xf32>
    %add3A_3744 = arith.addf %add3A_3736, %mul3A_3743 : vector<256x128xf32>
    %get3A_3745 = arith.constant 3 : index
    %get3A_3746 = arith.constant 7168 : index
    %get3A_3747 = vector.load %arg2[%get3A_3745, %get3A_3746] : memref<8x8192xf32, #tpu.memory_space<vmem>>, vector<1x128xf32>
    %get3A_3748 = vector.shape_cast %get3A_3747 : vector<1x128xf32> to vector<128xf32>
    %broadcast_in_dim3A_3749 = vector.shape_cast %get3A_3748 : vector<128xf32> to vector<1x128xf32>
    %mul3A_3750 = vector.broadcast %broadcast_in_dim3A_3749 : vector<1x128xf32> to vector<256x128xf32>
    %mul3A_3751 = arith.mulf %concatenate3A_13, %mul3A_3750 : vector<256x128xf32>
    %add3A_3752 = arith.addf %add3A_3744, %mul3A_3751 : vector<256x128xf32>
    %get3A_3753 = arith.constant 4 : index
    %get3A_3754 = arith.constant 7168 : index
    %get3A_3755 = vector.load %arg2[%get3A_3753, %get3A_3754] : memref<8x8192xf32, #tpu.memory_space<vmem>>, vector<1x128xf32>
    %get3A_3756 = vector.shape_cast %get3A_3755 : vector<1x128xf32> to vector<128xf32>
    %broadcast_in_dim3A_3757 = vector.shape_cast %get3A_3756 : vector<128xf32> to vector<1x128xf32>
    %mul3A_3758 = vector.broadcast %broadcast_in_dim3A_3757 : vector<1x128xf32> to vector<256x128xf32>
    %mul3A_3759 = arith.mulf %concatenate3A_17, %mul3A_3758 : vector<256x128xf32>
    %add3A_3760 = arith.addf %add3A_3752, %mul3A_3759 : vector<256x128xf32>
    %get3A_3761 = arith.constant 5 : index
    %get3A_3762 = arith.constant 7168 : index
    %get3A_3763 = vector.load %arg2[%get3A_3761, %get3A_3762] : memref<8x8192xf32, #tpu.memory_space<vmem>>, vector<1x128xf32>
    %get3A_3764 = vector.shape_cast %get3A_3763 : vector<1x128xf32> to vector<128xf32>
    %broadcast_in_dim3A_3765 = vector.shape_cast %get3A_3764 : vector<128xf32> to vector<1x128xf32>
    %mul3A_3766 = vector.broadcast %broadcast_in_dim3A_3765 : vector<1x128xf32> to vector<256x128xf32>
    %mul3A_3767 = arith.mulf %concatenate3A_21, %mul3A_3766 : vector<256x128xf32>
    %add3A_3768 = arith.addf %add3A_3760, %mul3A_3767 : vector<256x128xf32>
    %get3A_3769 = arith.constant 6 : index
    %get3A_3770 = arith.constant 7168 : index
    %get3A_3771 = vector.load %arg2[%get3A_3769, %get3A_3770] : memref<8x8192xf32, #tpu.memory_space<vmem>>, vector<1x128xf32>
    %get3A_3772 = vector.shape_cast %get3A_3771 : vector<1x128xf32> to vector<128xf32>
    %broadcast_in_dim3A_3773 = vector.shape_cast %get3A_3772 : vector<128xf32> to vector<1x128xf32>
    %mul3A_3774 = vector.broadcast %broadcast_in_dim3A_3773 : vector<1x128xf32> to vector<256x128xf32>
    %mul3A_3775 = arith.mulf %concatenate3A_25, %mul3A_3774 : vector<256x128xf32>
    %add3A_3776 = arith.addf %add3A_3768, %mul3A_3775 : vector<256x128xf32>
    %get3A_3777 = arith.constant 7 : index
    %get3A_3778 = arith.constant 7168 : index
    %get3A_3779 = vector.load %arg2[%get3A_3777, %get3A_3778] : memref<8x8192xf32, #tpu.memory_space<vmem>>, vector<1x128xf32>
    %get3A_3780 = vector.shape_cast %get3A_3779 : vector<1x128xf32> to vector<128xf32>
    %broadcast_in_dim3A_3781 = vector.shape_cast %get3A_3780 : vector<128xf32> to vector<1x128xf32>
    %mul3A_3782 = vector.broadcast %broadcast_in_dim3A_3781 : vector<1x128xf32> to vector<256x128xf32>
    %mul3A_3783 = arith.mulf %concatenate3A_29, %mul3A_3782 : vector<256x128xf32>
    %add3A_3784 = arith.addf %add3A_3776, %mul3A_3783 : vector<256x128xf32>
    %swap3A_3785 = arith.constant 0 : index
    %swap3A_3786 = arith.constant 7168 : index
    %swap3A_3787 = vector.load %arg3[%swap3A_3785, %swap3A_3786] : memref<256x8192xf32, #tpu.memory_space<vmem>>, vector<256x128xf32>
    tpu.vector_store %arg3[%swap3A_3785, %swap3A_3786], %add3A_3784 {strides = array<i32>} : memref<256x8192xf32, #tpu.memory_space<vmem>>, vector<256x128xf32>,
    %get3A_3788 = arith.constant 0 : index
    %get3A_3789 = arith.constant 7296 : index
    %get3A_3790 = vector.load %arg2[%get3A_3788, %get3A_3789] : memref<8x8192xf32, #tpu.memory_space<vmem>>, vector<1x128xf32>
    %get3A_3791 = vector.shape_cast %get3A_3790 : vector<1x128xf32> to vector<128xf32>
    %broadcast_in_dim3A_3792 = vector.shape_cast %get3A_3791 : vector<128xf32> to vector<1x128xf32>
    %mul3A_3793 = vector.broadcast %broadcast_in_dim3A_3792 : vector<1x128xf32> to vector<256x128xf32>
    %mul3A_3794 = arith.mulf %concatenate3A, %mul3A_3793 : vector<256x128xf32>
    %get3A_3795 = arith.constant 1 : index
    %get3A_3796 = arith.constant 7296 : index
    %get3A_3797 = vector.load %arg2[%get3A_3795, %get3A_3796] : memref<8x8192xf32, #tpu.memory_space<vmem>>, vector<1x128xf32>
    %get3A_3798 = vector.shape_cast %get3A_3797 : vector<1x128xf32> to vector<128xf32>
    %broadcast_in_dim3A_3799 = vector.shape_cast %get3A_3798 : vector<128xf32> to vector<1x128xf32>
    %mul3A_3800 = vector.broadcast %broadcast_in_dim3A_3799 : vector<1x128xf32> to vector<256x128xf32>
    %mul3A_3801 = arith.mulf %concatenate3A_5, %mul3A_3800 : vector<256x128xf32>
    %add3A_3802 = arith.addf %mul3A_3794, %mul3A_3801 : vector<256x128xf32>
    %get3A_3803 = arith.constant 2 : index
    %get3A_3804 = arith.constant 7296 : index
    %get3A_3805 = vector.load %arg2[%get3A_3803, %get3A_3804] : memref<8x8192xf32, #tpu.memory_space<vmem>>, vector<1x128xf32>
    %get3A_3806 = vector.shape_cast %get3A_3805 : vector<1x128xf32> to vector<128xf32>
    %broadcast_in_dim3A_3807 = vector.shape_cast %get3A_3806 : vector<128xf32> to vector<1x128xf32>
    %mul3A_3808 = vector.broadcast %broadcast_in_dim3A_3807 : vector<1x128xf32> to vector<256x128xf32>
    %mul3A_3809 = arith.mulf %concatenate3A_9, %mul3A_3808 : vector<256x128xf32>
    %add3A_3810 = arith.addf %add3A_3802, %mul3A_3809 : vector<256x128xf32>
    %get3A_3811 = arith.constant 3 : index
    %get3A_3812 = arith.constant 7296 : index
    %get3A_3813 = vector.load %arg2[%get3A_3811, %get3A_3812] : memref<8x8192xf32, #tpu.memory_space<vmem>>, vector<1x128xf32>
    %get3A_3814 = vector.shape_cast %get3A_3813 : vector<1x128xf32> to vector<128xf32>
    %broadcast_in_dim3A_3815 = vector.shape_cast %get3A_3814 : vector<128xf32> to vector<1x128xf32>
    %mul3A_3816 = vector.broadcast %broadcast_in_dim3A_3815 : vector<1x128xf32> to vector<256x128xf32>
    %mul3A_3817 = arith.mulf %concatenate3A_13, %mul3A_3816 : vector<256x128xf32>
    %add3A_3818 = arith.addf %add3A_3810, %mul3A_3817 : vector<256x128xf32>
    %get3A_3819 = arith.constant 4 : index
    %get3A_3820 = arith.constant 7296 : index
    %get3A_3821 = vector.load %arg2[%get3A_3819, %get3A_3820] : memref<8x8192xf32, #tpu.memory_space<vmem>>, vector<1x128xf32>
    %get3A_3822 = vector.shape_cast %get3A_3821 : vector<1x128xf32> to vector<128xf32>
    %broadcast_in_dim3A_3823 = vector.shape_cast %get3A_3822 : vector<128xf32> to vector<1x128xf32>
    %mul3A_3824 = vector.broadcast %broadcast_in_dim3A_3823 : vector<1x128xf32> to vector<256x128xf32>
    %mul3A_3825 = arith.mulf %concatenate3A_17, %mul3A_3824 : vector<256x128xf32>
    %add3A_3826 = arith.addf %add3A_3818, %mul3A_3825 : vector<256x128xf32>
    %get3A_3827 = arith.constant 5 : index
    %get3A_3828 = arith.constant 7296 : index
    %get3A_3829 = vector.load %arg2[%get3A_3827, %get3A_3828] : memref<8x8192xf32, #tpu.memory_space<vmem>>, vector<1x128xf32>
    %get3A_3830 = vector.shape_cast %get3A_3829 : vector<1x128xf32> to vector<128xf32>
    %broadcast_in_dim3A_3831 = vector.shape_cast %get3A_3830 : vector<128xf32> to vector<1x128xf32>
    %mul3A_3832 = vector.broadcast %broadcast_in_dim3A_3831 : vector<1x128xf32> to vector<256x128xf32>
    %mul3A_3833 = arith.mulf %concatenate3A_21, %mul3A_3832 : vector<256x128xf32>
    %add3A_3834 = arith.addf %add3A_3826, %mul3A_3833 : vector<256x128xf32>
    %get3A_3835 = arith.constant 6 : index
    %get3A_3836 = arith.constant 7296 : index
    %get3A_3837 = vector.load %arg2[%get3A_3835, %get3A_3836] : memref<8x8192xf32, #tpu.memory_space<vmem>>, vector<1x128xf32>
    %get3A_3838 = vector.shape_cast %get3A_3837 : vector<1x128xf32> to vector<128xf32>
    %broadcast_in_dim3A_3839 = vector.shape_cast %get3A_3838 : vector<128xf32> to vector<1x128xf32>
    %mul3A_3840 = vector.broadcast %broadcast_in_dim3A_3839 : vector<1x128xf32> to vector<256x128xf32>
    %mul3A_3841 = arith.mulf %concatenate3A_25, %mul3A_3840 : vector<256x128xf32>
    %add3A_3842 = arith.addf %add3A_3834, %mul3A_3841 : vector<256x128xf32>
    %get3A_3843 = arith.constant 7 : index
    %get3A_3844 = arith.constant 7296 : index
    %get3A_3845 = vector.load %arg2[%get3A_3843, %get3A_3844] : memref<8x8192xf32, #tpu.memory_space<vmem>>, vector<1x128xf32>
    %get3A_3846 = vector.shape_cast %get3A_3845 : vector<1x128xf32> to vector<128xf32>
    %broadcast_in_dim3A_3847 = vector.shape_cast %get3A_3846 : vector<128xf32> to vector<1x128xf32>
    %mul3A_3848 = vector.broadcast %broadcast_in_dim3A_3847 : vector<1x128xf32> to vector<256x128xf32>
    %mul3A_3849 = arith.mulf %concatenate3A_29, %mul3A_3848 : vector<256x128xf32>
    %add3A_3850 = arith.addf %add3A_3842, %mul3A_3849 : vector<256x128xf32>
    %swap3A_3851 = arith.constant 0 : index
    %swap3A_3852 = arith.constant 7296 : index
    %swap3A_3853 = vector.load %arg3[%swap3A_3851, %swap3A_3852] : memref<256x8192xf32, #tpu.memory_space<vmem>>, vector<256x128xf32>
    tpu.vector_store %arg3[%swap3A_3851, %swap3A_3852], %add3A_3850 {strides = array<i32>} : memref<256x8192xf32, #tpu.memory_space<vmem>>, vector<256x128xf32>,
    %get3A_3854 = arith.constant 0 : index
    %get3A_3855 = arith.constant 7424 : index
    %get3A_3856 = vector.load %arg2[%get3A_3854, %get3A_3855] : memref<8x8192xf32, #tpu.memory_space<vmem>>, vector<1x128xf32>
    %get3A_3857 = vector.shape_cast %get3A_3856 : vector<1x128xf32> to vector<128xf32>
    %broadcast_in_dim3A_3858 = vector.shape_cast %get3A_3857 : vector<128xf32> to vector<1x128xf32>
    %mul3A_3859 = vector.broadcast %broadcast_in_dim3A_3858 : vector<1x128xf32> to vector<256x128xf32>
    %mul3A_3860 = arith.mulf %concatenate3A, %mul3A_3859 : vector<256x128xf32>
    %get3A_3861 = arith.constant 1 : index
    %get3A_3862 = arith.constant 7424 : index
    %get3A_3863 = vector.load %arg2[%get3A_3861, %get3A_3862] : memref<8x8192xf32, #tpu.memory_space<vmem>>, vector<1x128xf32>
    %get3A_3864 = vector.shape_cast %get3A_3863 : vector<1x128xf32> to vector<128xf32>
    %broadcast_in_dim3A_3865 = vector.shape_cast %get3A_3864 : vector<128xf32> to vector<1x128xf32>
    %mul3A_3866 = vector.broadcast %broadcast_in_dim3A_3865 : vector<1x128xf32> to vector<256x128xf32>
    %mul3A_3867 = arith.mulf %concatenate3A_5, %mul3A_3866 : vector<256x128xf32>
    %add3A_3868 = arith.addf %mul3A_3860, %mul3A_3867 : vector<256x128xf32>
    %get3A_3869 = arith.constant 2 : index
    %get3A_3870 = arith.constant 7424 : index
    %get3A_3871 = vector.load %arg2[%get3A_3869, %get3A_3870] : memref<8x8192xf32, #tpu.memory_space<vmem>>, vector<1x128xf32>
    %get3A_3872 = vector.shape_cast %get3A_3871 : vector<1x128xf32> to vector<128xf32>
    %broadcast_in_dim3A_3873 = vector.shape_cast %get3A_3872 : vector<128xf32> to vector<1x128xf32>
    %mul3A_3874 = vector.broadcast %broadcast_in_dim3A_3873 : vector<1x128xf32> to vector<256x128xf32>
    %mul3A_3875 = arith.mulf %concatenate3A_9, %mul3A_3874 : vector<256x128xf32>
    %add3A_3876 = arith.addf %add3A_3868, %mul3A_3875 : vector<256x128xf32>
    %get3A_3877 = arith.constant 3 : index
    %get3A_3878 = arith.constant 7424 : index
    %get3A_3879 = vector.load %arg2[%get3A_3877, %get3A_3878] : memref<8x8192xf32, #tpu.memory_space<vmem>>, vector<1x128xf32>
    %get3A_3880 = vector.shape_cast %get3A_3879 : vector<1x128xf32> to vector<128xf32>
    %broadcast_in_dim3A_3881 = vector.shape_cast %get3A_3880 : vector<128xf32> to vector<1x128xf32>
    %mul3A_3882 = vector.broadcast %broadcast_in_dim3A_3881 : vector<1x128xf32> to vector<256x128xf32>
    %mul3A_3883 = arith.mulf %concatenate3A_13, %mul3A_3882 : vector<256x128xf32>
    %add3A_3884 = arith.addf %add3A_3876, %mul3A_3883 : vector<256x128xf32>
    %get3A_3885 = arith.constant 4 : index
    %get3A_3886 = arith.constant 7424 : index
    %get3A_3887 = vector.load %arg2[%get3A_3885, %get3A_3886] : memref<8x8192xf32, #tpu.memory_space<vmem>>, vector<1x128xf32>
    %get3A_3888 = vector.shape_cast %get3A_3887 : vector<1x128xf32> to vector<128xf32>
    %broadcast_in_dim3A_3889 = vector.shape_cast %get3A_3888 : vector<128xf32> to vector<1x128xf32>
    %mul3A_3890 = vector.broadcast %broadcast_in_dim3A_3889 : vector<1x128xf32> to vector<256x128xf32>
    %mul3A_3891 = arith.mulf %concatenate3A_17, %mul3A_3890 : vector<256x128xf32>
    %add3A_3892 = arith.addf %add3A_3884, %mul3A_3891 : vector<256x128xf32>
    %get3A_3893 = arith.constant 5 : index
    %get3A_3894 = arith.constant 7424 : index
    %get3A_3895 = vector.load %arg2[%get3A_3893, %get3A_3894] : memref<8x8192xf32, #tpu.memory_space<vmem>>, vector<1x128xf32>
    %get3A_3896 = vector.shape_cast %get3A_3895 : vector<1x128xf32> to vector<128xf32>
    %broadcast_in_dim3A_3897 = vector.shape_cast %get3A_3896 : vector<128xf32> to vector<1x128xf32>
    %mul3A_3898 = vector.broadcast %broadcast_in_dim3A_3897 : vector<1x128xf32> to vector<256x128xf32>
    %mul3A_3899 = arith.mulf %concatenate3A_21, %mul3A_3898 : vector<256x128xf32>
    %add3A_3900 = arith.addf %add3A_3892, %mul3A_3899 : vector<256x128xf32>
    %get3A_3901 = arith.constant 6 : index
    %get3A_3902 = arith.constant 7424 : index
    %get3A_3903 = vector.load %arg2[%get3A_3901, %get3A_3902] : memref<8x8192xf32, #tpu.memory_space<vmem>>, vector<1x128xf32>
    %get3A_3904 = vector.shape_cast %get3A_3903 : vector<1x128xf32> to vector<128xf32>
    %broadcast_in_dim3A_3905 = vector.shape_cast %get3A_3904 : vector<128xf32> to vector<1x128xf32>
    %mul3A_3906 = vector.broadcast %broadcast_in_dim3A_3905 : vector<1x128xf32> to vector<256x128xf32>
    %mul3A_3907 = arith.mulf %concatenate3A_25, %mul3A_3906 : vector<256x128xf32>
    %add3A_3908 = arith.addf %add3A_3900, %mul3A_3907 : vector<256x128xf32>
    %get3A_3909 = arith.constant 7 : index
    %get3A_3910 = arith.constant 7424 : index
    %get3A_3911 = vector.load %arg2[%get3A_3909, %get3A_3910] : memref<8x8192xf32, #tpu.memory_space<vmem>>, vector<1x128xf32>
    %get3A_3912 = vector.shape_cast %get3A_3911 : vector<1x128xf32> to vector<128xf32>
    %broadcast_in_dim3A_3913 = vector.shape_cast %get3A_3912 : vector<128xf32> to vector<1x128xf32>
    %mul3A_3914 = vector.broadcast %broadcast_in_dim3A_3913 : vector<1x128xf32> to vector<256x128xf32>
    %mul3A_3915 = arith.mulf %concatenate3A_29, %mul3A_3914 : vector<256x128xf32>
    %add3A_3916 = arith.addf %add3A_3908, %mul3A_3915 : vector<256x128xf32>
    %swap3A_3917 = arith.constant 0 : index
    %swap3A_3918 = arith.constant 7424 : index
    %swap3A_3919 = vector.load %arg3[%swap3A_3917, %swap3A_3918] : memref<256x8192xf32, #tpu.memory_space<vmem>>, vector<256x128xf32>
    tpu.vector_store %arg3[%swap3A_3917, %swap3A_3918], %add3A_3916 {strides = array<i32>} : memref<256x8192xf32, #tpu.memory_space<vmem>>, vector<256x128xf32>,
    %get3A_3920 = arith.constant 0 : index
    %get3A_3921 = arith.constant 7552 : index
    %get3A_3922 = vector.load %arg2[%get3A_3920, %get3A_3921] : memref<8x8192xf32, #tpu.memory_space<vmem>>, vector<1x128xf32>
    %get3A_3923 = vector.shape_cast %get3A_3922 : vector<1x128xf32> to vector<128xf32>
    %broadcast_in_dim3A_3924 = vector.shape_cast %get3A_3923 : vector<128xf32> to vector<1x128xf32>
    %mul3A_3925 = vector.broadcast %broadcast_in_dim3A_3924 : vector<1x128xf32> to vector<256x128xf32>
    %mul3A_3926 = arith.mulf %concatenate3A, %mul3A_3925 : vector<256x128xf32>
    %get3A_3927 = arith.constant 1 : index
    %get3A_3928 = arith.constant 7552 : index
    %get3A_3929 = vector.load %arg2[%get3A_3927, %get3A_3928] : memref<8x8192xf32, #tpu.memory_space<vmem>>, vector<1x128xf32>
    %get3A_3930 = vector.shape_cast %get3A_3929 : vector<1x128xf32> to vector<128xf32>
    %broadcast_in_dim3A_3931 = vector.shape_cast %get3A_3930 : vector<128xf32> to vector<1x128xf32>
    %mul3A_3932 = vector.broadcast %broadcast_in_dim3A_3931 : vector<1x128xf32> to vector<256x128xf32>
    %mul3A_3933 = arith.mulf %concatenate3A_5, %mul3A_3932 : vector<256x128xf32>
    %add3A_3934 = arith.addf %mul3A_3926, %mul3A_3933 : vector<256x128xf32>
    %get3A_3935 = arith.constant 2 : index
    %get3A_3936 = arith.constant 7552 : index
    %get3A_3937 = vector.load %arg2[%get3A_3935, %get3A_3936] : memref<8x8192xf32, #tpu.memory_space<vmem>>, vector<1x128xf32>
    %get3A_3938 = vector.shape_cast %get3A_3937 : vector<1x128xf32> to vector<128xf32>
    %broadcast_in_dim3A_3939 = vector.shape_cast %get3A_3938 : vector<128xf32> to vector<1x128xf32>
    %mul3A_3940 = vector.broadcast %broadcast_in_dim3A_3939 : vector<1x128xf32> to vector<256x128xf32>
    %mul3A_3941 = arith.mulf %concatenate3A_9, %mul3A_3940 : vector<256x128xf32>
    %add3A_3942 = arith.addf %add3A_3934, %mul3A_3941 : vector<256x128xf32>
    %get3A_3943 = arith.constant 3 : index
    %get3A_3944 = arith.constant 7552 : index
    %get3A_3945 = vector.load %arg2[%get3A_3943, %get3A_3944] : memref<8x8192xf32, #tpu.memory_space<vmem>>, vector<1x128xf32>
    %get3A_3946 = vector.shape_cast %get3A_3945 : vector<1x128xf32> to vector<128xf32>
    %broadcast_in_dim3A_3947 = vector.shape_cast %get3A_3946 : vector<128xf32> to vector<1x128xf32>
    %mul3A_3948 = vector.broadcast %broadcast_in_dim3A_3947 : vector<1x128xf32> to vector<256x128xf32>
    %mul3A_3949 = arith.mulf %concatenate3A_13, %mul3A_3948 : vector<256x128xf32>
    %add3A_3950 = arith.addf %add3A_3942, %mul3A_3949 : vector<256x128xf32>
    %get3A_3951 = arith.constant 4 : index
    %get3A_3952 = arith.constant 7552 : index
    %get3A_3953 = vector.load %arg2[%get3A_3951, %get3A_3952] : memref<8x8192xf32, #tpu.memory_space<vmem>>, vector<1x128xf32>
    %get3A_3954 = vector.shape_cast %get3A_3953 : vector<1x128xf32> to vector<128xf32>
    %broadcast_in_dim3A_3955 = vector.shape_cast %get3A_3954 : vector<128xf32> to vector<1x128xf32>
    %mul3A_3956 = vector.broadcast %broadcast_in_dim3A_3955 : vector<1x128xf32> to vector<256x128xf32>
    %mul3A_3957 = arith.mulf %concatenate3A_17, %mul3A_3956 : vector<256x128xf32>
    %add3A_3958 = arith.addf %add3A_3950, %mul3A_3957 : vector<256x128xf32>
    %get3A_3959 = arith.constant 5 : index
    %get3A_3960 = arith.constant 7552 : index
    %get3A_3961 = vector.load %arg2[%get3A_3959, %get3A_3960] : memref<8x8192xf32, #tpu.memory_space<vmem>>, vector<1x128xf32>
    %get3A_3962 = vector.shape_cast %get3A_3961 : vector<1x128xf32> to vector<128xf32>
    %broadcast_in_dim3A_3963 = vector.shape_cast %get3A_3962 : vector<128xf32> to vector<1x128xf32>
    %mul3A_3964 = vector.broadcast %broadcast_in_dim3A_3963 : vector<1x128xf32> to vector<256x128xf32>
    %mul3A_3965 = arith.mulf %concatenate3A_21, %mul3A_3964 : vector<256x128xf32>
    %add3A_3966 = arith.addf %add3A_3958, %mul3A_3965 : vector<256x128xf32>
    %get3A_3967 = arith.constant 6 : index
    %get3A_3968 = arith.constant 7552 : index
    %get3A_3969 = vector.load %arg2[%get3A_3967, %get3A_3968] : memref<8x8192xf32, #tpu.memory_space<vmem>>, vector<1x128xf32>
    %get3A_3970 = vector.shape_cast %get3A_3969 : vector<1x128xf32> to vector<128xf32>
    %broadcast_in_dim3A_3971 = vector.shape_cast %get3A_3970 : vector<128xf32> to vector<1x128xf32>
    %mul3A_3972 = vector.broadcast %broadcast_in_dim3A_3971 : vector<1x128xf32> to vector<256x128xf32>
    %mul3A_3973 = arith.mulf %concatenate3A_25, %mul3A_3972 : vector<256x128xf32>
    %add3A_3974 = arith.addf %add3A_3966, %mul3A_3973 : vector<256x128xf32>
    %get3A_3975 = arith.constant 7 : index
    %get3A_3976 = arith.constant 7552 : index
    %get3A_3977 = vector.load %arg2[%get3A_3975, %get3A_3976] : memref<8x8192xf32, #tpu.memory_space<vmem>>, vector<1x128xf32>
    %get3A_3978 = vector.shape_cast %get3A_3977 : vector<1x128xf32> to vector<128xf32>
    %broadcast_in_dim3A_3979 = vector.shape_cast %get3A_3978 : vector<128xf32> to vector<1x128xf32>
    %mul3A_3980 = vector.broadcast %broadcast_in_dim3A_3979 : vector<1x128xf32> to vector<256x128xf32>
    %mul3A_3981 = arith.mulf %concatenate3A_29, %mul3A_3980 : vector<256x128xf32>
    %add3A_3982 = arith.addf %add3A_3974, %mul3A_3981 : vector<256x128xf32>
    %swap3A_3983 = arith.constant 0 : index
    %swap3A_3984 = arith.constant 7552 : index
    %swap3A_3985 = vector.load %arg3[%swap3A_3983, %swap3A_3984] : memref<256x8192xf32, #tpu.memory_space<vmem>>, vector<256x128xf32>
    tpu.vector_store %arg3[%swap3A_3983, %swap3A_3984], %add3A_3982 {strides = array<i32>} : memref<256x8192xf32, #tpu.memory_space<vmem>>, vector<256x128xf32>,
    %get3A_3986 = arith.constant 0 : index
    %get3A_3987 = arith.constant 7680 : index
    %get3A_3988 = vector.load %arg2[%get3A_3986, %get3A_3987] : memref<8x8192xf32, #tpu.memory_space<vmem>>, vector<1x128xf32>
    %get3A_3989 = vector.shape_cast %get3A_3988 : vector<1x128xf32> to vector<128xf32>
    %broadcast_in_dim3A_3990 = vector.shape_cast %get3A_3989 : vector<128xf32> to vector<1x128xf32>
    %mul3A_3991 = vector.broadcast %broadcast_in_dim3A_3990 : vector<1x128xf32> to vector<256x128xf32>
    %mul3A_3992 = arith.mulf %concatenate3A, %mul3A_3991 : vector<256x128xf32>
    %get3A_3993 = arith.constant 1 : index
    %get3A_3994 = arith.constant 7680 : index
    %get3A_3995 = vector.load %arg2[%get3A_3993, %get3A_3994] : memref<8x8192xf32, #tpu.memory_space<vmem>>, vector<1x128xf32>
    %get3A_3996 = vector.shape_cast %get3A_3995 : vector<1x128xf32> to vector<128xf32>
    %broadcast_in_dim3A_3997 = vector.shape_cast %get3A_3996 : vector<128xf32> to vector<1x128xf32>
    %mul3A_3998 = vector.broadcast %broadcast_in_dim3A_3997 : vector<1x128xf32> to vector<256x128xf32>
    %mul3A_3999 = arith.mulf %concatenate3A_5, %mul3A_3998 : vector<256x128xf32>
    %add3A_4000 = arith.addf %mul3A_3992, %mul3A_3999 : vector<256x128xf32>
    %get3A_4001 = arith.constant 2 : index
    %get3A_4002 = arith.constant 7680 : index
    %get3A_4003 = vector.load %arg2[%get3A_4001, %get3A_4002] : memref<8x8192xf32, #tpu.memory_space<vmem>>, vector<1x128xf32>
    %get3A_4004 = vector.shape_cast %get3A_4003 : vector<1x128xf32> to vector<128xf32>
    %broadcast_in_dim3A_4005 = vector.shape_cast %get3A_4004 : vector<128xf32> to vector<1x128xf32>
    %mul3A_4006 = vector.broadcast %broadcast_in_dim3A_4005 : vector<1x128xf32> to vector<256x128xf32>
    %mul3A_4007 = arith.mulf %concatenate3A_9, %mul3A_4006 : vector<256x128xf32>
    %add3A_4008 = arith.addf %add3A_4000, %mul3A_4007 : vector<256x128xf32>
    %get3A_4009 = arith.constant 3 : index
    %get3A_4010 = arith.constant 7680 : index
    %get3A_4011 = vector.load %arg2[%get3A_4009, %get3A_4010] : memref<8x8192xf32, #tpu.memory_space<vmem>>, vector<1x128xf32>
    %get3A_4012 = vector.shape_cast %get3A_4011 : vector<1x128xf32> to vector<128xf32>
    %broadcast_in_dim3A_4013 = vector.shape_cast %get3A_4012 : vector<128xf32> to vector<1x128xf32>
    %mul3A_4014 = vector.broadcast %broadcast_in_dim3A_4013 : vector<1x128xf32> to vector<256x128xf32>
    %mul3A_4015 = arith.mulf %concatenate3A_13, %mul3A_4014 : vector<256x128xf32>
    %add3A_4016 = arith.addf %add3A_4008, %mul3A_4015 : vector<256x128xf32>
    %get3A_4017 = arith.constant 4 : index
    %get3A_4018 = arith.constant 7680 : index
    %get3A_4019 = vector.load %arg2[%get3A_4017, %get3A_4018] : memref<8x8192xf32, #tpu.memory_space<vmem>>, vector<1x128xf32>
    %get3A_4020 = vector.shape_cast %get3A_4019 : vector<1x128xf32> to vector<128xf32>
    %broadcast_in_dim3A_4021 = vector.shape_cast %get3A_4020 : vector<128xf32> to vector<1x128xf32>
    %mul3A_4022 = vector.broadcast %broadcast_in_dim3A_4021 : vector<1x128xf32> to vector<256x128xf32>
    %mul3A_4023 = arith.mulf %concatenate3A_17, %mul3A_4022 : vector<256x128xf32>
    %add3A_4024 = arith.addf %add3A_4016, %mul3A_4023 : vector<256x128xf32>
    %get3A_4025 = arith.constant 5 : index
    %get3A_4026 = arith.constant 7680 : index
    %get3A_4027 = vector.load %arg2[%get3A_4025, %get3A_4026] : memref<8x8192xf32, #tpu.memory_space<vmem>>, vector<1x128xf32>
    %get3A_4028 = vector.shape_cast %get3A_4027 : vector<1x128xf32> to vector<128xf32>
    %broadcast_in_dim3A_4029 = vector.shape_cast %get3A_4028 : vector<128xf32> to vector<1x128xf32>
    %mul3A_4030 = vector.broadcast %broadcast_in_dim3A_4029 : vector<1x128xf32> to vector<256x128xf32>
    %mul3A_4031 = arith.mulf %concatenate3A_21, %mul3A_4030 : vector<256x128xf32>
    %add3A_4032 = arith.addf %add3A_4024, %mul3A_4031 : vector<256x128xf32>
    %get3A_4033 = arith.constant 6 : index
    %get3A_4034 = arith.constant 7680 : index
    %get3A_4035 = vector.load %arg2[%get3A_4033, %get3A_4034] : memref<8x8192xf32, #tpu.memory_space<vmem>>, vector<1x128xf32>
    %get3A_4036 = vector.shape_cast %get3A_4035 : vector<1x128xf32> to vector<128xf32>
    %broadcast_in_dim3A_4037 = vector.shape_cast %get3A_4036 : vector<128xf32> to vector<1x128xf32>
    %mul3A_4038 = vector.broadcast %broadcast_in_dim3A_4037 : vector<1x128xf32> to vector<256x128xf32>
    %mul3A_4039 = arith.mulf %concatenate3A_25, %mul3A_4038 : vector<256x128xf32>
    %add3A_4040 = arith.addf %add3A_4032, %mul3A_4039 : vector<256x128xf32>
    %get3A_4041 = arith.constant 7 : index
    %get3A_4042 = arith.constant 7680 : index
    %get3A_4043 = vector.load %arg2[%get3A_4041, %get3A_4042] : memref<8x8192xf32, #tpu.memory_space<vmem>>, vector<1x128xf32>
    %get3A_4044 = vector.shape_cast %get3A_4043 : vector<1x128xf32> to vector<128xf32>
    %broadcast_in_dim3A_4045 = vector.shape_cast %get3A_4044 : vector<128xf32> to vector<1x128xf32>
    %mul3A_4046 = vector.broadcast %broadcast_in_dim3A_4045 : vector<1x128xf32> to vector<256x128xf32>
    %mul3A_4047 = arith.mulf %concatenate3A_29, %mul3A_4046 : vector<256x128xf32>
    %add3A_4048 = arith.addf %add3A_4040, %mul3A_4047 : vector<256x128xf32>
    %swap3A_4049 = arith.constant 0 : index
    %swap3A_4050 = arith.constant 7680 : index
    %swap3A_4051 = vector.load %arg3[%swap3A_4049, %swap3A_4050] : memref<256x8192xf32, #tpu.memory_space<vmem>>, vector<256x128xf32>
    tpu.vector_store %arg3[%swap3A_4049, %swap3A_4050], %add3A_4048 {strides = array<i32>} : memref<256x8192xf32, #tpu.memory_space<vmem>>, vector<256x128xf32>,
    %get3A_4052 = arith.constant 0 : index
    %get3A_4053 = arith.constant 7808 : index
    %get3A_4054 = vector.load %arg2[%get3A_4052, %get3A_4053] : memref<8x8192xf32, #tpu.memory_space<vmem>>, vector<1x128xf32>
    %get3A_4055 = vector.shape_cast %get3A_4054 : vector<1x128xf32> to vector<128xf32>
    %broadcast_in_dim3A_4056 = vector.shape_cast %get3A_4055 : vector<128xf32> to vector<1x128xf32>
    %mul3A_4057 = vector.broadcast %broadcast_in_dim3A_4056 : vector<1x128xf32> to vector<256x128xf32>
    %mul3A_4058 = arith.mulf %concatenate3A, %mul3A_4057 : vector<256x128xf32>
    %get3A_4059 = arith.constant 1 : index
    %get3A_4060 = arith.constant 7808 : index
    %get3A_4061 = vector.load %arg2[%get3A_4059, %get3A_4060] : memref<8x8192xf32, #tpu.memory_space<vmem>>, vector<1x128xf32>
    %get3A_4062 = vector.shape_cast %get3A_4061 : vector<1x128xf32> to vector<128xf32>
    %broadcast_in_dim3A_4063 = vector.shape_cast %get3A_4062 : vector<128xf32> to vector<1x128xf32>
    %mul3A_4064 = vector.broadcast %broadcast_in_dim3A_4063 : vector<1x128xf32> to vector<256x128xf32>
    %mul3A_4065 = arith.mulf %concatenate3A_5, %mul3A_4064 : vector<256x128xf32>
    %add3A_4066 = arith.addf %mul3A_4058, %mul3A_4065 : vector<256x128xf32>
    %get3A_4067 = arith.constant 2 : index
    %get3A_4068 = arith.constant 7808 : index
    %get3A_4069 = vector.load %arg2[%get3A_4067, %get3A_4068] : memref<8x8192xf32, #tpu.memory_space<vmem>>, vector<1x128xf32>
    %get3A_4070 = vector.shape_cast %get3A_4069 : vector<1x128xf32> to vector<128xf32>
    %broadcast_in_dim3A_4071 = vector.shape_cast %get3A_4070 : vector<128xf32> to vector<1x128xf32>
    %mul3A_4072 = vector.broadcast %broadcast_in_dim3A_4071 : vector<1x128xf32> to vector<256x128xf32>
    %mul3A_4073 = arith.mulf %concatenate3A_9, %mul3A_4072 : vector<256x128xf32>
    %add3A_4074 = arith.addf %add3A_4066, %mul3A_4073 : vector<256x128xf32>
    %get3A_4075 = arith.constant 3 : index
    %get3A_4076 = arith.constant 7808 : index
    %get3A_4077 = vector.load %arg2[%get3A_4075, %get3A_4076] : memref<8x8192xf32, #tpu.memory_space<vmem>>, vector<1x128xf32>
    %get3A_4078 = vector.shape_cast %get3A_4077 : vector<1x128xf32> to vector<128xf32>
    %broadcast_in_dim3A_4079 = vector.shape_cast %get3A_4078 : vector<128xf32> to vector<1x128xf32>
    %mul3A_4080 = vector.broadcast %broadcast_in_dim3A_4079 : vector<1x128xf32> to vector<256x128xf32>
    %mul3A_4081 = arith.mulf %concatenate3A_13, %mul3A_4080 : vector<256x128xf32>
    %add3A_4082 = arith.addf %add3A_4074, %mul3A_4081 : vector<256x128xf32>
    %get3A_4083 = arith.constant 4 : index
    %get3A_4084 = arith.constant 7808 : index
    %get3A_4085 = vector.load %arg2[%get3A_4083, %get3A_4084] : memref<8x8192xf32, #tpu.memory_space<vmem>>, vector<1x128xf32>
    %get3A_4086 = vector.shape_cast %get3A_4085 : vector<1x128xf32> to vector<128xf32>
    %broadcast_in_dim3A_4087 = vector.shape_cast %get3A_4086 : vector<128xf32> to vector<1x128xf32>
    %mul3A_4088 = vector.broadcast %broadcast_in_dim3A_4087 : vector<1x128xf32> to vector<256x128xf32>
    %mul3A_4089 = arith.mulf %concatenate3A_17, %mul3A_4088 : vector<256x128xf32>
    %add3A_4090 = arith.addf %add3A_4082, %mul3A_4089 : vector<256x128xf32>
    %get3A_4091 = arith.constant 5 : index
    %get3A_4092 = arith.constant 7808 : index
    %get3A_4093 = vector.load %arg2[%get3A_4091, %get3A_4092] : memref<8x8192xf32, #tpu.memory_space<vmem>>, vector<1x128xf32>
    %get3A_4094 = vector.shape_cast %get3A_4093 : vector<1x128xf32> to vector<128xf32>
    %broadcast_in_dim3A_4095 = vector.shape_cast %get3A_4094 : vector<128xf32> to vector<1x128xf32>
    %mul3A_4096 = vector.broadcast %broadcast_in_dim3A_4095 : vector<1x128xf32> to vector<256x128xf32>
    %mul3A_4097 = arith.mulf %concatenate3A_21, %mul3A_4096 : vector<256x128xf32>
    %add3A_4098 = arith.addf %add3A_4090, %mul3A_4097 : vector<256x128xf32>
    %get3A_4099 = arith.constant 6 : index
    %get3A_4100 = arith.constant 7808 : index
    %get3A_4101 = vector.load %arg2[%get3A_4099, %get3A_4100] : memref<8x8192xf32, #tpu.memory_space<vmem>>, vector<1x128xf32>
    %get3A_4102 = vector.shape_cast %get3A_4101 : vector<1x128xf32> to vector<128xf32>
    %broadcast_in_dim3A_4103 = vector.shape_cast %get3A_4102 : vector<128xf32> to vector<1x128xf32>
    %mul3A_4104 = vector.broadcast %broadcast_in_dim3A_4103 : vector<1x128xf32> to vector<256x128xf32>
    %mul3A_4105 = arith.mulf %concatenate3A_25, %mul3A_4104 : vector<256x128xf32>
    %add3A_4106 = arith.addf %add3A_4098, %mul3A_4105 : vector<256x128xf32>
    %get3A_4107 = arith.constant 7 : index
    %get3A_4108 = arith.constant 7808 : index
    %get3A_4109 = vector.load %arg2[%get3A_4107, %get3A_4108] : memref<8x8192xf32, #tpu.memory_space<vmem>>, vector<1x128xf32>
    %get3A_4110 = vector.shape_cast %get3A_4109 : vector<1x128xf32> to vector<128xf32>
    %broadcast_in_dim3A_4111 = vector.shape_cast %get3A_4110 : vector<128xf32> to vector<1x128xf32>
    %mul3A_4112 = vector.broadcast %broadcast_in_dim3A_4111 : vector<1x128xf32> to vector<256x128xf32>
    %mul3A_4113 = arith.mulf %concatenate3A_29, %mul3A_4112 : vector<256x128xf32>
    %add3A_4114 = arith.addf %add3A_4106, %mul3A_4113 : vector<256x128xf32>
    %swap3A_4115 = arith.constant 0 : index
    %swap3A_4116 = arith.constant 7808 : index
    %swap3A_4117 = vector.load %arg3[%swap3A_4115, %swap3A_4116] : memref<256x8192xf32, #tpu.memory_space<vmem>>, vector<256x128xf32>
    tpu.vector_store %arg3[%swap3A_4115, %swap3A_4116], %add3A_4114 {strides = array<i32>} : memref<256x8192xf32, #tpu.memory_space<vmem>>, vector<256x128xf32>,
    %get3A_4118 = arith.constant 0 : index
    %get3A_4119 = arith.constant 7936 : index
    %get3A_4120 = vector.load %arg2[%get3A_4118, %get3A_4119] : memref<8x8192xf32, #tpu.memory_space<vmem>>, vector<1x128xf32>
    %get3A_4121 = vector.shape_cast %get3A_4120 : vector<1x128xf32> to vector<128xf32>
    %broadcast_in_dim3A_4122 = vector.shape_cast %get3A_4121 : vector<128xf32> to vector<1x128xf32>
    %mul3A_4123 = vector.broadcast %broadcast_in_dim3A_4122 : vector<1x128xf32> to vector<256x128xf32>
    %mul3A_4124 = arith.mulf %concatenate3A, %mul3A_4123 : vector<256x128xf32>
    %get3A_4125 = arith.constant 1 : index
    %get3A_4126 = arith.constant 7936 : index
    %get3A_4127 = vector.load %arg2[%get3A_4125, %get3A_4126] : memref<8x8192xf32, #tpu.memory_space<vmem>>, vector<1x128xf32>
    %get3A_4128 = vector.shape_cast %get3A_4127 : vector<1x128xf32> to vector<128xf32>
    %broadcast_in_dim3A_4129 = vector.shape_cast %get3A_4128 : vector<128xf32> to vector<1x128xf32>
    %mul3A_4130 = vector.broadcast %broadcast_in_dim3A_4129 : vector<1x128xf32> to vector<256x128xf32>
    %mul3A_4131 = arith.mulf %concatenate3A_5, %mul3A_4130 : vector<256x128xf32>
    %add3A_4132 = arith.addf %mul3A_4124, %mul3A_4131 : vector<256x128xf32>
    %get3A_4133 = arith.constant 2 : index
    %get3A_4134 = arith.constant 7936 : index
    %get3A_4135 = vector.load %arg2[%get3A_4133, %get3A_4134] : memref<8x8192xf32, #tpu.memory_space<vmem>>, vector<1x128xf32>
    %get3A_4136 = vector.shape_cast %get3A_4135 : vector<1x128xf32> to vector<128xf32>
    %broadcast_in_dim3A_4137 = vector.shape_cast %get3A_4136 : vector<128xf32> to vector<1x128xf32>
    %mul3A_4138 = vector.broadcast %broadcast_in_dim3A_4137 : vector<1x128xf32> to vector<256x128xf32>
    %mul3A_4139 = arith.mulf %concatenate3A_9, %mul3A_4138 : vector<256x128xf32>
    %add3A_4140 = arith.addf %add3A_4132, %mul3A_4139 : vector<256x128xf32>
    %get3A_4141 = arith.constant 3 : index
    %get3A_4142 = arith.constant 7936 : index
    %get3A_4143 = vector.load %arg2[%get3A_4141, %get3A_4142] : memref<8x8192xf32, #tpu.memory_space<vmem>>, vector<1x128xf32>
    %get3A_4144 = vector.shape_cast %get3A_4143 : vector<1x128xf32> to vector<128xf32>
    %broadcast_in_dim3A_4145 = vector.shape_cast %get3A_4144 : vector<128xf32> to vector<1x128xf32>
    %mul3A_4146 = vector.broadcast %broadcast_in_dim3A_4145 : vector<1x128xf32> to vector<256x128xf32>
    %mul3A_4147 = arith.mulf %concatenate3A_13, %mul3A_4146 : vector<256x128xf32>
    %add3A_4148 = arith.addf %add3A_4140, %mul3A_4147 : vector<256x128xf32>
    %get3A_4149 = arith.constant 4 : index
    %get3A_4150 = arith.constant 7936 : index
    %get3A_4151 = vector.load %arg2[%get3A_4149, %get3A_4150] : memref<8x8192xf32, #tpu.memory_space<vmem>>, vector<1x128xf32>
    %get3A_4152 = vector.shape_cast %get3A_4151 : vector<1x128xf32> to vector<128xf32>
    %broadcast_in_dim3A_4153 = vector.shape_cast %get3A_4152 : vector<128xf32> to vector<1x128xf32>
    %mul3A_4154 = vector.broadcast %broadcast_in_dim3A_4153 : vector<1x128xf32> to vector<256x128xf32>
    %mul3A_4155 = arith.mulf %concatenate3A_17, %mul3A_4154 : vector<256x128xf32>
    %add3A_4156 = arith.addf %add3A_4148, %mul3A_4155 : vector<256x128xf32>
    %get3A_4157 = arith.constant 5 : index
    %get3A_4158 = arith.constant 7936 : index
    %get3A_4159 = vector.load %arg2[%get3A_4157, %get3A_4158] : memref<8x8192xf32, #tpu.memory_space<vmem>>, vector<1x128xf32>
    %get3A_4160 = vector.shape_cast %get3A_4159 : vector<1x128xf32> to vector<128xf32>
    %broadcast_in_dim3A_4161 = vector.shape_cast %get3A_4160 : vector<128xf32> to vector<1x128xf32>
    %mul3A_4162 = vector.broadcast %broadcast_in_dim3A_4161 : vector<1x128xf32> to vector<256x128xf32>
    %mul3A_4163 = arith.mulf %concatenate3A_21, %mul3A_4162 : vector<256x128xf32>
    %add3A_4164 = arith.addf %add3A_4156, %mul3A_4163 : vector<256x128xf32>
    %get3A_4165 = arith.constant 6 : index
    %get3A_4166 = arith.constant 7936 : index
    %get3A_4167 = vector.load %arg2[%get3A_4165, %get3A_4166] : memref<8x8192xf32, #tpu.memory_space<vmem>>, vector<1x128xf32>
    %get3A_4168 = vector.shape_cast %get3A_4167 : vector<1x128xf32> to vector<128xf32>
    %broadcast_in_dim3A_4169 = vector.shape_cast %get3A_4168 : vector<128xf32> to vector<1x128xf32>
    %mul3A_4170 = vector.broadcast %broadcast_in_dim3A_4169 : vector<1x128xf32> to vector<256x128xf32>
    %mul3A_4171 = arith.mulf %concatenate3A_25, %mul3A_4170 : vector<256x128xf32>
    %add3A_4172 = arith.addf %add3A_4164, %mul3A_4171 : vector<256x128xf32>
    %get3A_4173 = arith.constant 7 : index
    %get3A_4174 = arith.constant 7936 : index
    %get3A_4175 = vector.load %arg2[%get3A_4173, %get3A_4174] : memref<8x8192xf32, #tpu.memory_space<vmem>>, vector<1x128xf32>
    %get3A_4176 = vector.shape_cast %get3A_4175 : vector<1x128xf32> to vector<128xf32>
    %broadcast_in_dim3A_4177 = vector.shape_cast %get3A_4176 : vector<128xf32> to vector<1x128xf32>
    %mul3A_4178 = vector.broadcast %broadcast_in_dim3A_4177 : vector<1x128xf32> to vector<256x128xf32>
    %mul3A_4179 = arith.mulf %concatenate3A_29, %mul3A_4178 : vector<256x128xf32>
    %add3A_4180 = arith.addf %add3A_4172, %mul3A_4179 : vector<256x128xf32>
    %swap3A_4181 = arith.constant 0 : index
    %swap3A_4182 = arith.constant 7936 : index
    %swap3A_4183 = vector.load %arg3[%swap3A_4181, %swap3A_4182] : memref<256x8192xf32, #tpu.memory_space<vmem>>, vector<256x128xf32>
    tpu.vector_store %arg3[%swap3A_4181, %swap3A_4182], %add3A_4180 {strides = array<i32>} : memref<256x8192xf32, #tpu.memory_space<vmem>>, vector<256x128xf32>,
    %get3A_4184 = arith.constant 0 : index
    %get3A_4185 = arith.constant 8064 : index
    %get3A_4186 = vector.load %arg2[%get3A_4184, %get3A_4185] : memref<8x8192xf32, #tpu.memory_space<vmem>>, vector<1x128xf32>
    %get3A_4187 = vector.shape_cast %get3A_4186 : vector<1x128xf32> to vector<128xf32>
    %broadcast_in_dim3A_4188 = vector.shape_cast %get3A_4187 : vector<128xf32> to vector<1x128xf32>
    %mul3A_4189 = vector.broadcast %broadcast_in_dim3A_4188 : vector<1x128xf32> to vector<256x128xf32>
    %mul3A_4190 = arith.mulf %concatenate3A, %mul3A_4189 : vector<256x128xf32>
    %get3A_4191 = arith.constant 1 : index
    %get3A_4192 = arith.constant 8064 : index
    %get3A_4193 = vector.load %arg2[%get3A_4191, %get3A_4192] : memref<8x8192xf32, #tpu.memory_space<vmem>>, vector<1x128xf32>
    %get3A_4194 = vector.shape_cast %get3A_4193 : vector<1x128xf32> to vector<128xf32>
    %broadcast_in_dim3A_4195 = vector.shape_cast %get3A_4194 : vector<128xf32> to vector<1x128xf32>
    %mul3A_4196 = vector.broadcast %broadcast_in_dim3A_4195 : vector<1x128xf32> to vector<256x128xf32>
    %mul3A_4197 = arith.mulf %concatenate3A_5, %mul3A_4196 : vector<256x128xf32>
    %add3A_4198 = arith.addf %mul3A_4190, %mul3A_4197 : vector<256x128xf32>
    %get3A_4199 = arith.constant 2 : index
    %get3A_4200 = arith.constant 8064 : index
    %get3A_4201 = vector.load %arg2[%get3A_4199, %get3A_4200] : memref<8x8192xf32, #tpu.memory_space<vmem>>, vector<1x128xf32>
    %get3A_4202 = vector.shape_cast %get3A_4201 : vector<1x128xf32> to vector<128xf32>
    %broadcast_in_dim3A_4203 = vector.shape_cast %get3A_4202 : vector<128xf32> to vector<1x128xf32>
    %mul3A_4204 = vector.broadcast %broadcast_in_dim3A_4203 : vector<1x128xf32> to vector<256x128xf32>
    %mul3A_4205 = arith.mulf %concatenate3A_9, %mul3A_4204 : vector<256x128xf32>
    %add3A_4206 = arith.addf %add3A_4198, %mul3A_4205 : vector<256x128xf32>
    %get3A_4207 = arith.constant 3 : index
    %get3A_4208 = arith.constant 8064 : index
    %get3A_4209 = vector.load %arg2[%get3A_4207, %get3A_4208] : memref<8x8192xf32, #tpu.memory_space<vmem>>, vector<1x128xf32>
    %get3A_4210 = vector.shape_cast %get3A_4209 : vector<1x128xf32> to vector<128xf32>
    %broadcast_in_dim3A_4211 = vector.shape_cast %get3A_4210 : vector<128xf32> to vector<1x128xf32>
    %mul3A_4212 = vector.broadcast %broadcast_in_dim3A_4211 : vector<1x128xf32> to vector<256x128xf32>
    %mul3A_4213 = arith.mulf %concatenate3A_13, %mul3A_4212 : vector<256x128xf32>
    %add3A_4214 = arith.addf %add3A_4206, %mul3A_4213 : vector<256x128xf32>
    %get3A_4215 = arith.constant 4 : index
    %get3A_4216 = arith.constant 8064 : index
    %get3A_4217 = vector.load %arg2[%get3A_4215, %get3A_4216] : memref<8x8192xf32, #tpu.memory_space<vmem>>, vector<1x128xf32>
    %get3A_4218 = vector.shape_cast %get3A_4217 : vector<1x128xf32> to vector<128xf32>
    %broadcast_in_dim3A_4219 = vector.shape_cast %get3A_4218 : vector<128xf32> to vector<1x128xf32>
    %mul3A_4220 = vector.broadcast %broadcast_in_dim3A_4219 : vector<1x128xf32> to vector<256x128xf32>
    %mul3A_4221 = arith.mulf %concatenate3A_17, %mul3A_4220 : vector<256x128xf32>
    %add3A_4222 = arith.addf %add3A_4214, %mul3A_4221 : vector<256x128xf32>
    %get3A_4223 = arith.constant 5 : index
    %get3A_4224 = arith.constant 8064 : index
    %get3A_4225 = vector.load %arg2[%get3A_4223, %get3A_4224] : memref<8x8192xf32, #tpu.memory_space<vmem>>, vector<1x128xf32>
    %get3A_4226 = vector.shape_cast %get3A_4225 : vector<1x128xf32> to vector<128xf32>
    %broadcast_in_dim3A_4227 = vector.shape_cast %get3A_4226 : vector<128xf32> to vector<1x128xf32>
    %mul3A_4228 = vector.broadcast %broadcast_in_dim3A_4227 : vector<1x128xf32> to vector<256x128xf32>
    %mul3A_4229 = arith.mulf %concatenate3A_21, %mul3A_4228 : vector<256x128xf32>
    %add3A_4230 = arith.addf %add3A_4222, %mul3A_4229 : vector<256x128xf32>
    %get3A_4231 = arith.constant 6 : index
    %get3A_4232 = arith.constant 8064 : index
    %get3A_4233 = vector.load %arg2[%get3A_4231, %get3A_4232] : memref<8x8192xf32, #tpu.memory_space<vmem>>, vector<1x128xf32>
    %get3A_4234 = vector.shape_cast %get3A_4233 : vector<1x128xf32> to vector<128xf32>
    %broadcast_in_dim3A_4235 = vector.shape_cast %get3A_4234 : vector<128xf32> to vector<1x128xf32>
    %mul3A_4236 = vector.broadcast %broadcast_in_dim3A_4235 : vector<1x128xf32> to vector<256x128xf32>
    %mul3A_4237 = arith.mulf %concatenate3A_25, %mul3A_4236 : vector<256x128xf32>
    %add3A_4238 = arith.addf %add3A_4230, %mul3A_4237 : vector<256x128xf32>
    %get3A_4239 = arith.constant 7 : index
    %get3A_4240 = arith.constant 8064 : index
    %get3A_4241 = vector.load %arg2[%get3A_4239, %get3A_4240] : memref<8x8192xf32, #tpu.memory_space<vmem>>, vector<1x128xf32>
    %get3A_4242 = vector.shape_cast %get3A_4241 : vector<1x128xf32> to vector<128xf32>
    %broadcast_in_dim3A_4243 = vector.shape_cast %get3A_4242 : vector<128xf32> to vector<1x128xf32>
    %mul3A_4244 = vector.broadcast %broadcast_in_dim3A_4243 : vector<1x128xf32> to vector<256x128xf32>
    %mul3A_4245 = arith.mulf %concatenate3A_29, %mul3A_4244 : vector<256x128xf32>
    %add3A_4246 = arith.addf %add3A_4238, %mul3A_4245 : vector<256x128xf32>
    %swap3A_4247 = arith.constant 0 : index
    %swap3A_4248 = arith.constant 8064 : index
    %swap3A_4249 = vector.load %arg3[%swap3A_4247, %swap3A_4248] : memref<256x8192xf32, #tpu.memory_space<vmem>>, vector<256x128xf32>
    tpu.vector_store %arg3[%swap3A_4247, %swap3A_4248], %add3A_4246 {strides = array<i32>} : memref<256x8192xf32, #tpu.memory_space<vmem>>, vector<256x128xf32>,
    return
  }
  func.func @transform_0(%arg0: i32) -> (i32, i32) {
    %c0_i32 = arith.constant 0 : i32
    %c0_i32_0 = arith.constant 0 : i32
    return %arg0, %c0_i32 : i32, i32
  }
  func.func @transform_1(%arg0: i32) -> (i32, i32) {
    %c0_i32 = arith.constant 0 : i32
    %c0_i32_0 = arith.constant 0 : i32
    %c0_i32_1 = arith.constant 0 : i32
    return %c0_i32, %c0_i32_0 : i32, i32
  }
  func.func @transform_2(%arg0: i32) -> (i32, i32) {
    %c0_i32 = arith.constant 0 : i32
    %c0_i32_0 = arith.constant 0 : i32
    return %arg0, %c0_i32 : i32, i32
  }
}

</mosaic_0001>

<sc_bundles>
// kernel: kernel.4.cloned.1.call-start
scs
__scs_entry_jumppad:
0x0: {  	(pc) =	sbr.rel $0x88, $3  }
0x1: {  	(tag) =	ssettag $0x0;
	lr =	simm.s32 $0x1  }
0x2: {  	[smem:$0x3F9E] =	sst lr;
	_ =	strace $0xD0000000  }
0x3: {  	_ = 	snop  }
0x4: {  	_ = 	snop  }
0x5: {  	_ = 	snop  }
0x6: {  	_ = 	snop  }
0x7: {  	_ = 	snop  }
__scs_overlays_trampoline_lowered:
0x8: {  	[smem:$0x3FAD] =	sst s0  }
0x9: {  	[smem:$0x3FAE] =	sst s1  }
0xa: {  	[smem:$0x3FAF] =	sst s2  }
0xb: {  	[smem:$0x3FB0] =	sst s3  }
0xc: {  	[smem:$0x3FB1] =	sst s4  }
0xd: {  	[smem:$0x3FB2] =	sst s5  }
0xe: {  	[smem:$0x3FB3] =	sst s6  }
0xf: {  	[smem:$0x3FB4] =	sst s7  }
0x10: {  	[smem:$0x3FB5] =	sst s8  }
0x11: {  	[smem:$0x3FB6] =	sst s9;
	s0 =	simm.s32 @!p0 $0x0  }
0x12: {  	s1 =	sld [smem:$0x3F9C];
	s0 =	simm.s32 @p0 $0x1  }
0x13: {  	[smem:$0x3FB7] =	sst s0;
	s0 =	simm.s32 @!p1 $0x0  }
0x14: {  	s2 =	sld [smem:$0x3F9B];
	s0 =	simm.s32 @p1 $0x1  }
0x15: {  	[smem:$0x3FB8] =	sst s0;
	s0 =	simm.s32 @!p2 $0x0  }
0x16: {  	s3 =	sld [smem:$0x3FDB];
	s0 =	simm.s32 @p2 $0x1  }
0x17: {  	s4 =	simm.s32 $0x1BF5;
	[smem:$0x3FBA] =	sst s0  }
0x18: {  	s0 =	sld [smem:$0x3F9D];
	_ =	swait.ge [sflag:s4], $0x0  }
0x19: {  	s7 =	sld [smem:$0x3F9E]  }
0x1a: {  	s8 =	sadd.s32 $0xFFFFE003, lr  }
0x1b: {  	s9 =	sadd.s32 $0xFFFFFEF7, lr;
	s5 =	simm.s32 $0xFFFFFFFF;
	p2 =	slt.u32 s8, $0xFFFFF086  }
0x1c: {  	p1 =	slt.u32 s9, $0xF7A;
	s5 =	simm.s32 @!p2 $0x0  }
0x1d: {  	s5 =	simm.s32 @p1 $0x1;
	p0 =	seq.s32 s7, s2  }
0x1e: {  	s7 =	smul.u32 @!p0 $0xF7A, s2;
	p2 =	seq.s32 @!p0 s5, $0x0  }
0x1f: {  	s9 =	smul.u32 $0xF7A, s1;
	s8 =	simm.s32 @!p0 $0x1BF5;
	p2 =	por !p2, p0  }
0x20: {  	[sflag:s8] =	ssyncset.s32 @!p0 $0xFFFFF086;
	s6 =	sadd.s32 @!p0 s3, s7;
	s7 =	simm.s32 @!p0 $0x108  }
0x21: {  	s3 =	sadd.s32 s3, s9;
	s6 =	sadd.s32 @!p0 $0x88, s6;
	s7 =	simm.s32 @p2 $0x1082  }
0x22: {  	[simem:s7], [sflag:s8] =	dma.local @!p0 [hbm:s6], $0xF7A  }
0x23: {  	s9 =	sor.u32 $0xD0000000, s2;
	s6 =	simm.s32 $0x108;
	_ =	swait.ge @!p0 [sflag:s8], $0x0  }
0x24: {  	s3 =	sadd.s32 $0x88, s3;
	s6 =	simm.s32 @!p1 $0x1082;
	[sflag:s4] =	ssyncset.s32 $0xFFFFF086  }
0x25: {  	[simem:s6], [sflag:s4] =	dma.local [hbm:s3], $0xF7A  }
0x26: {  	[smem:$0x3F9E] =	sst s1;
	(tag) =	ssettag s2;
	_ =	strace s9  }
0x27: {  	s1 =	sld [smem:$0x3FAE]  }
0x28: {  	s2 =	sld [smem:$0x3FAF]  }
0x29: {  	s4 =	sld [smem:$0x3FB1]  }
0x2a: {  	p0 =	seq.s32 s5, $0x0;
	s5 =	sld [smem:$0x3FB2]  }
0x2b: {  	s6 =	sld [smem:$0x3FB3]  }
0x2c: {  	s7 =	sld [smem:$0x3FB4]  }
0x2d: {  	s3 =	simm.s32 $0x108;
	s8 =	sld [smem:$0x3FB5]  }
0x2e: {  	s3 =	simm.s32 @!p0 $0x1082;
	s9 =	sld [smem:$0x3FB6]  }
0x2f: {  	lr =	sadd.s32 s0, s3;
	s0 =	sld [smem:$0x3FAD]  }
0x30: {  	s3 =	sld [smem:$0x3FB0]  }
0x31: {  	[smem:$0x3FB9] =	sst s10  }
0x32: {  	s10 =	sld [smem:$0x3FB7];
	_ =	sdelay $0x3  }
0x33: {  	p0 =	seq.s32 s10, $0x1;
	s10 =	sld [smem:$0x3FB9];
	_ =	sdelay $0x3  }
0x34: {  	[smem:$0x3FB9] =	sst s10  }
0x35: {  	s10 =	sld [smem:$0x3FB8];
	_ =	sdelay $0x3  }
0x36: {  	p1 =	seq.s32 s10, $0x1;
	s10 =	sld [smem:$0x3FB9];
	_ =	sdelay $0x3  }
0x37: {  	[smem:$0x3FB9] =	sst s10  }
0x38: {  	s10 =	sld [smem:$0x3FBA]  }
0x39: {  	_ = 	snop;
	(pc) =	sbr.ind lr, $3  }
0x3a: {  	_ = 	snop  }
0x3b: {  	_ = 	snop  }
0x3c: {  	p2 =	seq.s32 s10, $0x1;
	s10 =	sld [smem:$0x3FB9]  }
0x3d: {  	_ =	shalt  }
0x3e: {  	_ =	shalt  }
0x3f: {  	_ =	shalt  }
0x40: {  	_ =	shalt  }
0x41: {  	_ =	shalt  }
0x42: {  	_ =	shalt  }
0x43: {  	_ =	shalt  }
0x44: {  	_ =	shalt  }
0x45: {  	_ =	shalt  }
0x46: {  	_ =	shalt  }
0x47: {  	_ =	shalt  }
0x48: {  	_ =	shalt  }
0x49: {  	_ =	shalt  }
0x4a: {  	_ =	shalt  }
0x4b: {  	_ =	shalt  }
0x4c: {  	_ =	shalt  }
0x4d: {  	_ =	shalt  }
0x4e: {  	_ =	shalt  }
0x4f: {  	_ =	shalt  }
0x50: {  	_ =	shalt  }
0x51: {  	_ =	shalt  }
0x52: {  	_ =	shalt  }
0x53: {  	_ =	shalt  }
0x54: {  	_ =	shalt  }
0x55: {  	_ =	shalt  }
0x56: {  	_ =	shalt  }
0x57: {  	_ =	shalt  }
0x58: {  	_ =	shalt  }
0x59: {  	_ =	shalt  }
0x5a: {  	_ =	shalt  }
0x5b: {  	_ =	shalt  }
0x5c: {  	_ =	shalt  }
0x5d: {  	_ =	shalt  }
0x5e: {  	_ =	shalt  }
0x5f: {  	_ =	shalt  }
0x60: {  	_ =	shalt  }
0x61: {  	_ =	shalt  }
0x62: {  	_ =	shalt  }
0x63: {  	_ =	shalt  }
0x64: {  	_ =	shalt  }
0x65: {  	_ =	shalt  }
0x66: {  	_ =	shalt  }
0x67: {  	_ =	shalt  }
0x68: {  	_ =	shalt  }
0x69: {  	_ =	shalt  }
0x6a: {  	_ =	shalt  }
0x6b: {  	_ =	shalt  }
0x6c: {  	_ =	shalt  }
0x6d: {  	_ =	shalt  }
0x6e: {  	_ =	shalt  }
0x6f: {  	_ =	shalt  }
0x70: {  	_ =	shalt  }
0x71: {  	_ =	shalt  }
0x72: {  	_ =	shalt  }
0x73: {  	_ =	shalt  }
0x74: {  	_ =	shalt  }
0x75: {  	_ =	shalt  }
0x76: {  	_ =	shalt  }
0x77: {  	_ =	shalt  }
0x78: {  	_ =	shalt  }
0x79: {  	_ =	shalt  }
0x7a: {  	_ =	shalt  }
0x7b: {  	_ =	shalt  }
0x7c: {  	_ =	shalt  }
0x7d: {  	_ =	shalt  }
0x7e: {  	_ =	shalt  }
0x7f: {  	_ =	shalt  }
0x80: {  	_ =	shalt  }
0x81: {  	_ =	shalt  }
0x82: {  	_ =	shalt  }
0x83: {  	_ =	shalt  }
0x84: {  	_ =	shalt  }
0x85: {  	_ =	shalt  }
0x86: {  	_ =	shalt  }
0x87: {  	_ =	shalt  }
.Lfunc_end0:
.L_simem_size_0:
called_computation.1_lowered:
.L_overlay_start_0:
0x88: {  	s2 =	sld [smem:$0x3FD9]  }
0x89: {  	s3 =	sld [smem:$0x3FFE];
	_ =	sdelay $0x1  }
0x8a: {  	s1 =	srdreg.scid  }
0x8b: {  	s0 =	sand.u32 $0x1, s1  }
0x8c: {  	s17 =	sshll.u32 s0, $0xA;
	s2 =	sadd.s32 s3, s2  }
0x8d: {  	s2 =	sadd.s32 s2, s17  }
0x8e: {  	[smem:$0x3FC5] =	sst s2  }
0x8f: {  	_ = 	snop  }
0x90: {  	s2 =	sld [smem:$0x3FD0];
	(tm) =	ssettm $0x1  }
0x91: {  	s18 =	sld [smem:$0x3FFB];
	_ =	sdelay $0x3  }
0x92: {  	_ =	strace s18  }
0x93: {  	s3 =	sld [smem:$0x3FFC];
	_ =	sdelay $0x3  }
0x94: {  	_ =	strace s3  }
0x95: {  	s3 =	sld [smem:$0x3FFD];
	_ =	sdelay $0x3  }
0x96: {  	_ =	strace s3  }
0x97: {  	_ =	strace $0x8FFFFFFF  }
0x98: {  	s19 =	sld [smem:$0x3FDB];
	_ =	sdelay $0x1  }
0x99: {  	s4 =	simm.s32 $_scs_section_size  }
0x9a: {  	s5 =	simm.s32 $_size__tile_overlayer_lowered;
	s6 =	simm.s32 $_tile_overlayer_lowered  }
0x9b: {  	s22 =	simm.s32 $0x1BFF;
	s21 =	sshll.u32 s6, $0x1;
	s3 =	sadd.s32 s4, s19  }
0x9c: {  	s7 =	simm.s32 $0x0;
	s20 =	sshll.u32 s5, $0x1;
	s5 =	sadd.s32 s21, s3  }
0x9d: {  	[timem:s7], [sflag:s22] =	dma.local [hbm:s5], s20  }
0x9e: {  	_ =	swait.ge [sflag:s22], s20  }
0x9f: {  	s4 =	ssub.s32 $0x0, s20;
	[sflag:s22] =	ssyncset.done $0x0  }
0xa0: {  	[sflag:s22] =	ssyncadd.s32 s4;
	_ =	sdelay $0x1  }
0xa1: {  	s23 =	simm.s32 $0x1B8B  }
0xa2: {  	_ =	swait.ge [sflag:s23], $0x1  }
0xa3: {  	[sflag:s23] =	ssyncset.done $0x0  }
0xa4: {  	s25 =	simm.s32 $0x1B8E;
	s24 =	sld [smem:$0x3FFE];
	[sflag:s23] =	ssyncadd.s32 $0xFFFFFFFF  }
0xa5: {  	s26 =	simm.s32 $execute0_lowered;
	[smem:$0x3FD2] =	sst s25  }
0xa6: {  	s5 =	sshll.u32 s26, $0x1;
	_ =	strace $0x80000046;
	[dreg:$0x1] =	wrdreg $0xFFFFFFFF  }
0xa7: {  	s28 =	simm.s32 $_size_execute0_lowered;
	s3 =	sadd.s32 s3, s5;
	[dreg:$0x0] =	wrdreg $0x0  }
0xa8: {  	s5 =	sshll.u32 s28, $0x1;
	[dreg:$0x2] =	wrdreg s3  }
0xa9: {  	[dreg:$0x3] =	wrdreg s5  }
0xaa: {  	[dreg:$0x4] =	wrdreg $0xC0  }
0xab: {  	_ =	task [dreg:s7], $0x5FFFF  }
0xac: {  	[dreg:$0x1] =	wrdreg $0xFFFFFFFF  }
0xad: {  	[dreg:$0x0] =	wrdreg $0x60  }
0xae: {  	[dreg:$0x2] =	wrdreg s24  }
0xaf: {  	[dreg:$0x3] =	wrdreg s2  }
0xb0: {  	[dreg:$0x4] =	wrdreg $0x9  }
0xb1: {  	_ =	task.clear_ibuf [dreg:s7], $0x5FFFF;
	_ =	strace $0x90000046  }
0xb2: {  	s29 =	simm.s32 $0x9;
	_ =	strace $0x8000004F  }
0xb3: {  	_ =	swait.ge [sflag:s29], $0x1  }
0xb4: {  	[sflag:s29] =	ssyncadd.s32 $0xFFFFFFFF  }
0xb5: {  	_ =	strace $0x9000004F  }
0xb6: {  	_ =	sfence  }
0xb7: {  	s30 =	sld [smem:$0x0];
	_ =	sdelay $0x2  }
0xb8: {  	s31 =	sshll.u32 s1, $0xD;
	s1 =	sshrl.u32 s1, $0x2  }
0xb9: {  	s3 =	sand.u32 $0x4000, s31;
	s1 =	sadd.s32 s1, s30  }
0xba: {  	s0 =	sor.u32 s3, s0;
	s1 =	sshll.u32 s1, $0x11  }
0xbb: {  	s0 =	sor.u32 s1, s0  }
0xbc: {  	s0 =	sadd.s32 $0x8F2B, s0  }
0xbd: {  	[sflag:s0] =	ssyncadd.remote.s32 $0x1  }
0xbe: {  	_ =	sfence.sel $0xFFFF  }
0xbf: {  	[dreg:$0x0] =	wrdreg $0xFFFFFFFF;
	(pc) =	sbr.abs _section_cstart, $3  }
0xc0: {  	[dreg:$0x1] =	wrdreg $0xFFFFFFFF  }
0xc1: {  	_ =	task.clear_ibuf [dreg:s7], $0x2FFFF;
	_ =	strace $0x9FFFFFFF  }
0xc2: {  	(tm) =	ssettm $0x7FFFFFFF  }
0xc3: {  	_ =	shalt  }
tec
execute0_lowered:
.L_overlay_start_1:
0x0: {  	(tag) =	ssettag $0x1  }
0x1: {  	s0 =	srdreg.scid  }
0x2: {  	s20 =	sand.u32 $0x1, s0  }
0x3: {  	s7 =	rddreg [dreg:$0x0];
	s1 =	stileid.u32;
	s3 =	sshll.u32 s20, $0x4  }
0x4: {  	s10 =	rddreg [dreg:$0x1];
	s2 =	simm.s32 $0x0;
	s11 =	sor.u32 s1, s3  }
0x5: {  	[smem:$0x7FF] =	sst s2;
	s3 =	sshll.u32 s11, $0x6  }
0x6: {  	s0 =	rddreg [dreg:$0x2];
	_ =	strace $0x80000047;
	s16 =	sadd.s32 s3, s7  }
0x7: {  	_ =	strace $0x80000048;
	s3 =	sadd.s32 $0xC00, s16  }
0x8: {  	[tilespmem:s2], [sflag:$0x1] =	stream.linear.gather [hbm4b:s3+s2], $0x80, $0x200038;
	[tilespmem:$0x8100] =	vst v63  }
0x9: {  	_ =	strace $0x90000048  }
0xa: {  	s5 =	simm.s32 $0x80;
	s4 =	sadd.s32 $0xC10, s16;
	_ =	strace $0x80000049  }
0xb: {  	[tilespmem:s5], [sflag:$0x2] =	stream.linear.gather [hbm4b:s4+s2], $0x80, $0x200038;
	[tilespmem:$0x8100] =	vst v63  }
0xc: {  	_ =	strace $0x90000049  }
0xd: {  	s6 =	simm.s32 $0x1;
	_ =	strace $0x8000004A  }
0xe: {  	_ =	swait.ge [sflag:s6], $0x80  }
0xf: {  	[sflag:s6] =	ssyncset.done $0x0  }
0x10: {  	[sflag:s6] =	ssyncadd.s32 $0xFFFFFF80  }
0x11: {  	s8 =	simm.s32 $0x100;
	_ =	strace $0x9000004A  }
0x12: {  	s9 =	simm.s32 $0x5;
	s7 =	sadd.s32 $0xC35C00, s7;
	_ =	strace $0x8000004B  }
0x13: {  	[tilespmem:s8], [sflag:$0x5] =	stream.indirect.gather [hbm4b:s7+s5], $0x80, s2, s5, $0x2000b8;
	[tilespmem:$0x8100] =	vst v63  }
0x14: {  	_ =	swait.ge [sflag:s9], $0x4000  }
0x15: {  	[sflag:s9] =	ssyncset.done $0x0  }
0x16: {  	[sflag:s9] =	ssyncadd.s32 $0xFFFFC000  }
0x17: {  	s11 =	sshll.u32 s11, $0xD;
	_ =	strace $0x9000004B  }
0x18: {  	s10 =	sadd.s32 s10, s11;
	_ =	strace $0x8000004C  }
0x19: {  	[hbm4b:s10+s2] =	stream.linear.scatter [tilespmem:s8], [sflag:$0x3], $0x4000, $0x200038;
	[tilespmem:$0x8100] =	vst v63  }
0x1a: {  	_ =	strace $0x9000004C  }
0x1b: {  	s11 =	sadd.s32 $0xC20, s16;
	_ =	strace $0x80000049  }
0x1c: {  	[tilespmem:s2], [sflag:$0x1] =	stream.linear.gather [hbm4b:s11+s2], $0x80, $0x200038;
	[tilespmem:$0x8100] =	vst v63  }
0x1d: {  	_ =	strace $0x90000049  }
0x1e: {  	s12 =	simm.s32 $0x2;
	_ =	strace $0x8000004A  }
0x1f: {  	_ =	swait.ge [sflag:s12], $0x80  }
0x20: {  	[sflag:s12] =	ssyncset.done $0x0  }
0x21: {  	[sflag:s12] =	ssyncadd.s32 $0xFFFFFF80  }
0x22: {  	_ =	strace $0x9000004A  }
0x23: {  	s13 =	simm.s32 $0x4100;
	_ =	strace $0x8000004B  }
0x24: {  	[tilespmem:s13], [sflag:$0x5] =	stream.indirect.gather [hbm4b:s7+s5], $0x80, s5, s5, $0x2000b8;
	[tilespmem:$0x8100] =	vst v63  }
0x25: {  	_ =	swait.ge [sflag:s9], $0x4000  }
0x26: {  	[sflag:s9] =	ssyncset.done $0x0  }
0x27: {  	[sflag:s9] =	ssyncadd.s32 $0xFFFFC000  }
0x28: {  	_ =	strace $0x9000004B  }
0x29: {  	s14 =	sadd.s32 $0x800, s10;
	_ =	strace $0x8000004C  }
0x2a: {  	[hbm4b:s14+s2] =	stream.linear.scatter [tilespmem:s13], [sflag:$0x4], $0x4000, $0x200038;
	[tilespmem:$0x8100] =	vst v63  }
0x2b: {  	_ =	strace $0x9000004C  }
0x2c: {  	s15 =	simm.s32 $0x3;
	_ =	strace $0x8000004D  }
0x2d: {  	_ =	swait.ge [sflag:s15], $0x4000  }
0x2e: {  	[sflag:s15] =	ssyncset.done $0x0  }
0x2f: {  	[sflag:s15] =	ssyncadd.s32 $0xFFFFC000  }
0x30: {  	_ =	strace $0x9000004D  }
0x31: {  	s16 =	sadd.s32 $0xC30, s16;
	_ =	strace $0x80000049  }
0x32: {  	[tilespmem:s5], [sflag:$0x2] =	stream.linear.gather [hbm4b:s16+s2], $0x80, $0x200038;
	[tilespmem:$0x8100] =	vst v63  }
0x33: {  	_ =	strace $0x90000049  }
0x34: {  	_ =	strace $0x8000004A  }
0x35: {  	_ =	swait.ge [sflag:s6], $0x80  }
0x36: {  	[sflag:s6] =	ssyncset.done $0x0  }
0x37: {  	[sflag:s6] =	ssyncadd.s32 $0xFFFFFF80  }
0x38: {  	_ =	strace $0x9000004A  }
0x39: {  	_ =	strace $0x8000004B  }
0x3a: {  	[tilespmem:s8], [sflag:$0x5] =	stream.indirect.gather [hbm4b:s7+s5], $0x80, s2, s5, $0x2000b8;
	[tilespmem:$0x8100] =	vst v63  }
0x3b: {  	_ =	swait.ge [sflag:s9], $0x4000  }
0x3c: {  	[sflag:s9] =	ssyncset.done $0x0  }
0x3d: {  	[sflag:s9] =	ssyncadd.s32 $0xFFFFC000  }
0x3e: {  	_ =	strace $0x9000004B  }
0x3f: {  	s17 =	sadd.s32 $0x1000, s10;
	_ =	strace $0x8000004C  }
0x40: {  	[hbm4b:s17+s2] =	stream.linear.scatter [tilespmem:s8], [sflag:$0x3], $0x4000, $0x200038;
	[tilespmem:$0x8100] =	vst v63  }
0x41: {  	_ =	strace $0x9000004C  }
0x42: {  	s18 =	simm.s32 $0x4;
	_ =	strace $0x8000004D  }
0x43: {  	_ =	swait.ge [sflag:s18], $0x4000  }
0x44: {  	[sflag:s18] =	ssyncset.done $0x0  }
0x45: {  	[sflag:s18] =	ssyncadd.s32 $0xFFFFC000  }
0x46: {  	_ =	strace $0x9000004D  }
0x47: {  	_ =	strace $0x8000004A  }
0x48: {  	_ =	swait.ge [sflag:s12], $0x80  }
0x49: {  	[sflag:s12] =	ssyncset.done $0x0  }
0x4a: {  	[sflag:s12] =	ssyncadd.s32 $0xFFFFFF80  }
0x4b: {  	_ =	strace $0x9000004A  }
0x4c: {  	_ =	strace $0x8000004B  }
0x4d: {  	[tilespmem:s13], [sflag:$0x5] =	stream.indirect.gather [hbm4b:s7+s5], $0x80, s5, s5, $0x2000b8;
	[tilespmem:$0x8100] =	vst v63  }
0x4e: {  	_ =	swait.ge [sflag:s9], $0x4000  }
0x4f: {  	[sflag:s9] =	ssyncset.done $0x0  }
0x50: {  	[sflag:s9] =	ssyncadd.s32 $0xFFFFC000  }
0x51: {  	_ =	strace $0x9000004B  }
0x52: {  	s19 =	sadd.s32 $0x1800, s10;
	_ =	strace $0x8000004C  }
0x53: {  	[hbm4b:s19+s2] =	stream.linear.scatter [tilespmem:s13], [sflag:$0x4], $0x4000, $0x200038;
	[tilespmem:$0x8100] =	vst v63  }
0x54: {  	s20 =	ssub.s32 $0x2, s20;
	_ =	strace $0x9000004C  }
0x55: {  	s21 =	sshrl.u32 s20, $0x1;
	_ =	strace $0x8000004D  }
0x56: {  	s20 =	ssub.s32 s20, s21;
	_ =	swait.ge [sflag:s15], $0x4000  }
0x57: {  	s20 =	smax.u32 s20, $0x1;
	[sflag:s15] =	ssyncset.done $0x0  }
0x58: {  	p0 =	sne.s32 s20, $0x1;
	[sflag:s15] =	ssyncadd.s32 $0xFFFFC000  }
.Ltmp0:
0x59: {  	_ =	strace $0x9000004D;
	(pc) =	sbr.rel @!p0 .LBB2_2-.Ltmp0, $4  }
0x5a: {  	_ =	strace $0x8000004E  }
0x5b: {  	_ =	swait.ge [sflag:s18], $0x4000  }
0x5c: {  	[sflag:s18] =	ssyncset.done $0x0  }
0x5d: {  	s20 =	sadd.s32 $0xFFFFFFFF, s20;
	[sflag:s18] =	ssyncadd.s32 $0xFFFFC000  }
.LBB2_1:
0x5e: {  	p0 =	sne.s32 s20, $0x1;
	s20 =	sadd.s32 $0xFFFFFFFF, s20;
	_ =	strace $0x9000004E  }
0x5f: {  	_ =	strace $0x80000048  }
0x60: {  	[tilespmem:s2], [sflag:$0x1] =	stream.linear.gather [hbm4b:s3+s2], $0x80, $0x200038;
	[tilespmem:$0x8100] =	vst v63  }
0x61: {  	_ =	strace $0x90000048  }
0x62: {  	_ =	strace $0x80000049  }
0x63: {  	[tilespmem:s5], [sflag:$0x2] =	stream.linear.gather [hbm4b:s4+s2], $0x80, $0x200038;
	[tilespmem:$0x8100] =	vst v63  }
0x64: {  	_ =	strace $0x90000049  }
0x65: {  	_ =	strace $0x8000004A  }
0x66: {  	_ =	swait.ge [sflag:s6], $0x80  }
0x67: {  	[sflag:s6] =	ssyncset.done $0x0  }
0x68: {  	[sflag:s6] =	ssyncadd.s32 $0xFFFFFF80  }
0x69: {  	_ =	strace $0x9000004A  }
0x6a: {  	_ =	strace $0x8000004B  }
0x6b: {  	[tilespmem:s8], [sflag:$0x5] =	stream.indirect.gather [hbm4b:s7+s5], $0x80, s2, s5, $0x2000b8;
	[tilespmem:$0x8100] =	vst v63  }
0x6c: {  	_ =	swait.ge [sflag:s9], $0x4000  }
0x6d: {  	[sflag:s9] =	ssyncset.done $0x0  }
0x6e: {  	[sflag:s9] =	ssyncadd.s32 $0xFFFFC000  }
0x6f: {  	_ =	strace $0x9000004B  }
0x70: {  	_ =	strace $0x8000004C  }
0x71: {  	[hbm4b:s10+s2] =	stream.linear.scatter [tilespmem:s8], [sflag:$0x3], $0x4000, $0x200038;
	[tilespmem:$0x8100] =	vst v63  }
0x72: {  	_ =	strace $0x9000004C  }
0x73: {  	_ =	strace $0x80000049  }
0x74: {  	[tilespmem:s2], [sflag:$0x1] =	stream.linear.gather [hbm4b:s11+s2], $0x80, $0x200038;
	[tilespmem:$0x8100] =	vst v63  }
0x75: {  	_ =	strace $0x90000049  }
0x76: {  	_ =	strace $0x8000004A  }
0x77: {  	_ =	swait.ge [sflag:s12], $0x80  }
0x78: {  	[sflag:s12] =	ssyncset.done $0x0  }
0x79: {  	[sflag:s12] =	ssyncadd.s32 $0xFFFFFF80  }
0x7a: {  	_ =	strace $0x9000004A  }
0x7b: {  	_ =	strace $0x8000004B  }
0x7c: {  	[tilespmem:s13], [sflag:$0x5] =	stream.indirect.gather [hbm4b:s7+s5], $0x80, s5, s5, $0x2000b8;
	[tilespmem:$0x8100] =	vst v63  }
0x7d: {  	_ =	swait.ge [sflag:s9], $0x4000  }
0x7e: {  	[sflag:s9] =	ssyncset.done $0x0  }
0x7f: {  	[sflag:s9] =	ssyncadd.s32 $0xFFFFC000  }
0x80: {  	_ =	strace $0x9000004B  }
0x81: {  	_ =	strace $0x8000004C  }
0x82: {  	[hbm4b:s14+s2] =	stream.linear.scatter [tilespmem:s13], [sflag:$0x4], $0x4000, $0x200038;
	[tilespmem:$0x8100] =	vst v63  }
0x83: {  	_ =	strace $0x9000004C  }
0x84: {  	_ =	strace $0x8000004D  }
0x85: {  	_ =	swait.ge [sflag:s15], $0x4000  }
0x86: {  	[sflag:s15] =	ssyncset.done $0x0  }
0x87: {  	[sflag:s15] =	ssyncadd.s32 $0xFFFFC000  }
0x88: {  	_ =	strace $0x9000004D  }
0x89: {  	_ =	strace $0x80000049  }
0x8a: {  	[tilespmem:s5], [sflag:$0x2] =	stream.linear.gather [hbm4b:s16+s2], $0x80, $0x200038;
	[tilespmem:$0x8100] =	vst v63  }
0x8b: {  	_ =	strace $0x90000049  }
0x8c: {  	_ =	strace $0x8000004A  }
0x8d: {  	_ =	swait.ge [sflag:s6], $0x80  }
0x8e: {  	[sflag:s6] =	ssyncset.done $0x0  }
0x8f: {  	[sflag:s6] =	ssyncadd.s32 $0xFFFFFF80  }
0x90: {  	_ =	strace $0x9000004A  }
0x91: {  	_ =	strace $0x8000004B  }
0x92: {  	[tilespmem:s8], [sflag:$0x5] =	stream.indirect.gather [hbm4b:s7+s5], $0x80, s2, s5, $0x2000b8;
	[tilespmem:$0x8100] =	vst v63  }
0x93: {  	_ =	swait.ge [sflag:s9], $0x4000  }
0x94: {  	[sflag:s9] =	ssyncset.done $0x0  }
0x95: {  	[sflag:s9] =	ssyncadd.s32 $0xFFFFC000  }
0x96: {  	_ =	strace $0x9000004B  }
0x97: {  	_ =	strace $0x8000004C  }
0x98: {  	[hbm4b:s17+s2] =	stream.linear.scatter [tilespmem:s8], [sflag:$0x3], $0x4000, $0x200038;
	[tilespmem:$0x8100] =	vst v63  }
0x99: {  	_ =	strace $0x9000004C  }
0x9a: {  	_ =	strace $0x8000004D  }
0x9b: {  	_ =	swait.ge [sflag:s18], $0x4000  }
0x9c: {  	[sflag:s18] =	ssyncset.done $0x0  }
0x9d: {  	[sflag:s18] =	ssyncadd.s32 $0xFFFFC000  }
0x9e: {  	_ =	strace $0x9000004D  }
0x9f: {  	_ =	strace $0x8000004A  }
0xa0: {  	_ =	swait.ge [sflag:s12], $0x80  }
0xa1: {  	[sflag:s12] =	ssyncset.done $0x0  }
0xa2: {  	[sflag:s12] =	ssyncadd.s32 $0xFFFFFF80  }
0xa3: {  	_ =	strace $0x9000004A  }
0xa4: {  	_ =	strace $0x8000004B  }
0xa5: {  	[tilespmem:s13], [sflag:$0x5] =	stream.indirect.gather [hbm4b:s7+s5], $0x80, s5, s5, $0x2000b8;
	[tilespmem:$0x8100] =	vst v63  }
0xa6: {  	_ =	swait.ge [sflag:s9], $0x4000  }
0xa7: {  	[sflag:s9] =	ssyncset.done $0x0  }
0xa8: {  	[sflag:s9] =	ssyncadd.s32 $0xFFFFC000  }
0xa9: {  	_ =	strace $0x9000004B  }
0xaa: {  	_ =	strace $0x8000004C  }
0xab: {  	[hbm4b:s19+s2] =	stream.linear.scatter [tilespmem:s13], [sflag:$0x4], $0x4000, $0x200038;
	[tilespmem:$0x8100] =	vst v63  }
0xac: {  	_ =	strace $0x9000004C  }
0xad: {  	_ =	strace $0x8000004D  }
0xae: {  	_ =	swait.ge [sflag:s15], $0x4000  }
0xaf: {  	[sflag:s15] =	ssyncset.done $0x0  }
0xb0: {  	[sflag:s15] =	ssyncadd.s32 $0xFFFFC000  }
.Ltmp1:
0xb1: {  	_ =	strace $0x9000004D;
	(pc) =	sbr.rel @p0 .LBB2_1-.Ltmp1, $4  }
0xb2: {  	_ =	strace $0x8000004E  }
0xb3: {  	_ =	swait.ge [sflag:s18], $0x4000  }
0xb4: {  	[sflag:s18] =	ssyncset.done $0x0  }
0xb5: {  	[sflag:s18] =	ssyncadd.s32 $0xFFFFC000  }
.LBB2_2:
0xb6: {  	_ =	strace $0x9000004E  }
0xb7: {  	_ =	sfence.sel $0x180000  }
0xb8: {  	[bflag:$0x0] =	sbarrier.arrive $0xFFFF  }
0xb9: {  	p0 =	sne.s32 s1, $0x0;
	_ =	strace $0x90000047  }
0xba: {  	s0 =	sadd.s32 @!p0 $0x100000, s0;
	[bflag:$0x2] =	sbarrier.arrive $0xFFFF  }
0xbb: {  	[sflag:s0] =	ssyncadd.tile.s32 @!p0 $0x1;
	_ =	shalt  }
.Lfunc_end2:
_tile_overlayer_lowered:
.L_overlay_start_2:
0xbc: {  	(tag) =	ssettag $0x2  }
0xbd: {  	s0 =	rddreg [dreg:$0x0];
	s2 =	stileid.u32  }
0xbe: {  	s1 =	rddreg [dreg:$0x1];
	p0 =	sne.s32 s2, $0x0  }
0xbf: {  	s3 =	rddreg [dreg:$0x2];
	[bflag:$0x3] =	sbarrier.arrive $0xFFFF;
	s2 =	simm.s32 @!p0 $0x1C01  }
0xc0: {  	[timem:s3], [sflag:s2] =	dma.local @!p0 [hbm:s0], s1  }
0xc1: {  	s0 =	simm.s32 @!p0 $0x1  }
0xc2: {  	_ =	swait.ge @!p0 [sflag:s0], s1  }
0xc3: {  	s1 =	ssub.s32 @!p0 $0x0, s1;
	[sflag:s0] =	ssyncset.done @!p0 $0x0  }
0xc4: {  	[sflag:s0] =	ssyncadd.s32 @!p0 s1  }
0xc5: {  	[bflag:$0x3] =	sbarrier.arrive $0xFFFF  }
0xc6: {  	_ =	shalt  }

// kernel: sparse-core-data-format-call.cloned.1.call-start
scs
called_computation_lowered:
.L_overlay_start_0:
0x0: {  	s2 =	sld [smem:$0x3FD9]  }
0x1: {  	s3 =	sld [smem:$0x3FFE];
	_ =	sdelay $0x1  }
0x2: {  	s1 =	srdreg.scid  }
0x3: {  	s0 =	sand.u32 $0x1, s1  }
0x4: {  	s18 =	sshll.u32 s0, $0xA;
	s2 =	sadd.s32 s3, s2  }
0x5: {  	s2 =	sadd.s32 s2, s18  }
0x6: {  	[smem:$0x3FC5] =	sst s2  }
0x7: {  	_ = 	snop  }
0x8: {  	s2 =	sld [smem:$0x3FD0];
	(tm) =	ssettm $0x1  }
0x9: {  	s19 =	sld [smem:$0x3FFB];
	_ =	sdelay $0x3  }
0xa: {  	_ =	strace s19  }
0xb: {  	s3 =	sld [smem:$0x3FFC];
	_ =	sdelay $0x3  }
0xc: {  	_ =	strace s3  }
0xd: {  	s3 =	sld [smem:$0x3FFD];
	_ =	sdelay $0x3  }
0xe: {  	_ =	strace s3  }
0xf: {  	_ =	strace $0x8FFFFFFF  }
0x10: {  	s20 =	sld [smem:$0x3FDB];
	_ =	sdelay $0x1  }
0x11: {  	s4 =	simm.s32 $_scs_section_size  }
0x12: {  	s5 =	simm.s32 $_size__tile_overlayer_lowered;
	s6 =	simm.s32 $_tile_overlayer_lowered  }
0x13: {  	s23 =	simm.s32 $0x1BFF;
	s22 =	sshll.u32 s6, $0x1;
	s3 =	sadd.s32 s4, s20  }
0x14: {  	s7 =	simm.s32 $0x0;
	s21 =	sshll.u32 s5, $0x1;
	s5 =	sadd.s32 s22, s3  }
0x15: {  	[timem:s7], [sflag:s23] =	dma.local [hbm:s5], s21  }
0x16: {  	_ =	swait.ge [sflag:s23], s21  }
0x17: {  	s4 =	ssub.s32 $0x0, s21;
	[sflag:s23] =	ssyncset.done $0x0  }
0x18: {  	[sflag:s23] =	ssyncadd.s32 s4;
	_ =	sdelay $0x1  }
0x19: {  	s24 =	simm.s32 $0x1B8B  }
0x1a: {  	_ =	swait.ge [sflag:s24], $0x1  }
0x1b: {  	[sflag:s24] =	ssyncset.done $0x0  }
0x1c: {  	s26 =	simm.s32 $0x1B8E;
	s25 =	sld [smem:$0x3FFE];
	[sflag:s24] =	ssyncadd.s32 $0xFFFFFFFF  }
0x1d: {  	s27 =	simm.s32 $execute0_lowered;
	[smem:$0x3FD2] =	sst s26  }
0x1e: {  	s5 =	sshll.u32 s27, $0x1;
	_ =	strace $0x80000050;
	[dreg:$0x1] =	wrdreg $0xFFFFFFFF  }
0x1f: {  	s28 =	simm.s32 $_size_execute0_lowered;
	s3 =	sadd.s32 s3, s5;
	[dreg:$0x0] =	wrdreg $0x0  }
0x20: {  	s5 =	sshll.u32 s28, $0x1;
	[dreg:$0x2] =	wrdreg s3  }
0x21: {  	[dreg:$0x3] =	wrdreg s5  }
0x22: {  	[dreg:$0x4] =	wrdreg $0xC0  }
0x23: {  	_ =	task [dreg:s7], $0x5FFFF  }
0x24: {  	[dreg:$0x1] =	wrdreg $0xFFFFFFFF  }
0x25: {  	[dreg:$0x0] =	wrdreg $0x60  }
0x26: {  	[dreg:$0x2] =	wrdreg s25  }
0x27: {  	[dreg:$0x3] =	wrdreg s2  }
0x28: {  	[dreg:$0x4] =	wrdreg $0x9  }
0x29: {  	_ =	task.clear_ibuf [dreg:s7], $0x5FFFF;
	_ =	strace $0x90000050  }
0x2a: {  	s29 =	simm.s32 $0x9;
	_ =	strace $0x80000052  }
0x2b: {  	_ =	swait.ge [sflag:s29], $0x1  }
0x2c: {  	[sflag:s29] =	ssyncadd.s32 $0xFFFFFFFF  }
0x2d: {  	_ =	strace $0x90000052  }
0x2e: {  	_ =	sfence  }
0x2f: {  	s30 =	sld [smem:$0x0];
	_ =	sdelay $0x2  }
0x30: {  	s31 =	sshll.u32 s1, $0xD;
	s1 =	sshrl.u32 s1, $0x2  }
0x31: {  	s3 =	sand.u32 $0x4000, s31;
	s1 =	sadd.s32 s1, s30  }
0x32: {  	s0 =	sor.u32 s3, s0;
	s1 =	sshll.u32 s1, $0x11  }
0x33: {  	s0 =	sor.u32 s1, s0  }
0x34: {  	s0 =	sadd.s32 $0x8F2B, s0  }
0x35: {  	[sflag:s0] =	ssyncadd.remote.s32 $0x1  }
0x36: {  	_ =	sfence.sel $0xFFFF  }
0x37: {  	[dreg:$0x0] =	wrdreg $0xFFFFFFFF;
	(pc) =	sbr.abs _section_cstart, $3  }
0x38: {  	[dreg:$0x1] =	wrdreg $0xFFFFFFFF  }
0x39: {  	_ =	task.clear_ibuf [dreg:s7], $0x2FFFF;
	_ =	strace $0x9FFFFFFF  }
0x3a: {  	(tm) =	ssettm $0x7FFFFFFF  }
0x3b: {  	_ =	shalt  }
tec
execute0_lowered:
.L_overlay_start_1:
0x0: {  	(tag) =	ssettag $0x1  }
0x1: {  	s1 =	rddreg [dreg:$0x0]  }
0x2: {  	s2 =	rddreg [dreg:$0x1]  }
0x3: {  	s0 =	rddreg [dreg:$0x2]  }
0x4: {  	s4 =	srdreg.scid;
	_ =	strace $0x80000051;
	s6 =	simm.s32 $0x2  }
0x5: {  	s11 =	simm.s32 $0x0;
	p0 =	por $0x0, $0x0;
	s13 =	simm.s32 $0x0  }
.Ltmp0:
0x6: {  	s12 =	simm.s32 $0x0;
	s8 =	simm.s32 $0x0;
	(pc) =	sbr.rel .LBB1_1-.Ltmp0, $4  }
0x7: {  	s10 =	simm.s32 $0x0;
	s3 =	sadd.s32 $0xC00, s1;
	s4 =	sshll.u32 s4, $0x4  }
0x8: {  	s1 =	stileid.u32;
	s5 =	sand.u32 $0x10, s4;
	s4 =	simm.s32 $0x1  }
0x9: {  	s7 =	simm.s32 $0x0;
	s5 =	sor.u32 s1, s5;
	[sflag:s4] =	ssyncpa.u1 $0x0  }
0xa: {  	[sflag:s6] =	ssyncpa.u1 $0x0;
	s6 =	simm.s32 $0x2000;
	s9 =	smov.u32 s5  }
.LBB1_5:
0xb: {  	s14 =	sadd.s32 $0x80, s8  }
0xc: {  	s11 =	sadd.s32 $0x20, s9;
	s15 =	smov.u32 s9;
	p2 =	sgt.s32 s14, $0xFFF  }
0xd: {  	s15 =	smov.u32 @p2 s11  }
0xe: {  	s17 =	smov.u32 s10;
	s11 =	sadd.s32 $0x80, s10;
	p3 =	sgt.s32 s15, $0x3F  }
0xf: {  	p1 =	slt.u32 s7, $0x2;
	s17 =	smov.u32 @p3 s11  }
0x10: {  	s7 =	sadd.s32 $0x1, s7;
	s14 =	simm.s32 @p2 $0x0;
	p2 =	sgt.s32 s17, $0x7F  }
0x11: {  	s17 =	simm.s32 @p2 $0x0;
	p2 =	sne.s32 s7, $0x42  }
.Ltmp1:
0x12: {  	s16 =	simm.s32 @!p1 $0x2;
	(pc) =	sbr.rel @!p2 .LBB1_6-.Ltmp1, $4  }
0x13: {  	s13 =	smov.u32 s9;
	_ =	swait.ge @!p1 [sflag:s16], $0x4000  }
0x14: {  	s12 =	smov.u32 s10;
	p0 =	por !p0, !p0;
	[sflag:s16] =	ssyncset.done @!p1 $0x0  }
0x15: {  	s15 =	smov.u32 @p3 s5;
	s11 =	smov.u32 s8;
	[sflag:s16] =	ssyncadd.s32 @!p1 $0xFFFFC000  }
0x16: {  	s8 =	smov.u32 s14;
	s9 =	smov.u32 s15;
	s10 =	smov.u32 s17  }
.LBB1_1:
0x17: {  	p1 =	sgt.u32 s7, $0x3F  }
0x18: {  	s14 =	sxor.u32 @!p1 $0xFFFFFFFF, s7;
	s15 =	sand.u32 @!p1 $0x78, s8;
	s16 =	sshll.u32 @!p1 s9, $0xC  }
0x19: {  	s17 =	sshll.u32 @!p1 s9, $0x7;
	s18 =	sshll.u32 @!p1 s8, $0x3;
	s14 =	sshll.u32 @!p1 s14, $0xE  }
0x1a: {  	s16 =	sand.u32 @!p1 $0x38000, s16;
	s17 =	sand.u32 @!p1 $0x380, s17;
	s14 =	sand.u32 @!p1 $0x4000, s14  }
0x1b: {  	s16 =	sadd.s32 @!p1 s16, s18;
	s18 =	sand.u32 @!p1 $0xC00, s18;
	s15 =	sor.u32 @!p1 s17, s15  }
0x1c: {  	s17 =	sshll.u32 @!p1 s10, $0xF;
	s15 =	sor.u32 @!p1 s18, s15;
	s16 =	sshrl.u32 @!p1 s16, $0x3  }
0x1d: {  	s17 =	sadd.s32 @!p1 s3, s17;
	s18 =	sand.u32 @!p1 $0x7, s8;
	s16 =	sand.u32 @!p1 $0x7E00, s16  }
0x1e: {  	s15 =	sshrl.u32 @!p1 s15, $0x3;
	s16 =	sadd.s32 @!p1 s16, s17;
	s17 =	sshll.u32 @!p1 s18, $0x12  }
0x1f: {  	s15 =	sadd.s32 @!p1 s15, s16;
	s16 =	sor.u32 @!p1 $0x80, s17;
	s17 =	simm.s32 @!p1 $0x40000  }
0x20: {  	[tilespmem:s14], [sflag:$0x1] =	stream.strided.gather @!p1 [hbm4b:s15+s16], $0x4000, s17, s16, $0x38;
	[tilespmem:$0x10100] =	vst v63  }
0x21: {  	p1 =	seq.s32 s7, $0x0  }
0x22: {  	p2 =	seq.s32 @!p1 s7, $0x41  }
0x23: {  	p1 =	por p1, p2  }
.Ltmp2:
0x24: {  	_ = 	snop;
	(pc) =	sbr.rel @p1 .LBB1_5-.Ltmp2, $1  }
0x25: {  	_ =	sdelay $0x3  }
0x26: {  	s14 =	simm.s32 $0x1  }
0x27: {  	_ =	swait.ge [sflag:s4], $0x4000;
	s14 =	simm.s32 @!p0 $0x0  }
0x28: {  	[sflag:s4] =	ssyncset.done $0x0;
	s15 =	sshll.u32 s14, $0xE  }
0x29: {  	[sflag:s4] =	ssyncadd.s32 $0xFFFFC000;
	s16 =	sor.u32 $0x40, s15  }
0x2a: {  	s14 =	smul.u32 $0x10200, s14;
	v0 =	vld [tilespmem:s16+$0x30]  }
0x2b: {  	v3 =	vld [tilespmem:s16+$0xFFFFFFD0]  }
0x2c: {  	s14 =	sshrl.u32 s14, $0x2;
	v4 =	vld [tilespmem:s16+$0xFFFFFFE0]  }
0x2d: {  	v5 =	vld [tilespmem:s16+$0xFFFFFFF0];
	s15 =	sor.u32 $0x8000, s14  }
0x2e: {  	s31 =	sand.u32 $0x1, s7;
	v1 =	vld [tilespmem:s16+$0x0];
	s17 =	sadd.s32 $0x0, s15  }
0x2f: {  	v2 =	vld [tilespmem:s16+$0x10];
	s14 =	smul.u32 $0x10200, s31;
	[tilespmem:s17+$0x3870 ss:$0x81] =	vst.msk $0xffff, v0  }
0x30: {  	[tilespmem:s17+$0x810 ss:$0x81] =	vst.msk $0xffff, v3;
	v3 =	vld [tilespmem:s16+$0x20]  }
0x31: {  	s14 =	sshrl.u32 s14, $0x2;
	v0 =	vld [tilespmem:s16+$0xFFFFFFC0];
	[tilespmem:s17+$0x1020 ss:$0x81] =	vst.msk $0xffff, v4;
	s16 =	sadd.s32 $0x80, s16  }
0x32: {  	s18 =	simm.s32 $0x4;
	s19 =	simm.s32 $0x8;
	s14 =	sor.u32 $0x8000, s14;
	[tilespmem:s17+$0x1830 ss:$0x81] =	vst.msk $0xffff, v5;
	v4 =	vld [tilespmem:s16+$0x30]  }
.LBB1_3:
0x33: {  	p1 =	sne.s32 s19, $0x1FC;
	v5 =	vld [tilespmem:s16+$0xFFFFFFD0];
	[tilespmem:s17+$0x2040 ss:$0x81] =	vst.msk $0xffff, v1  }
0x34: {  	v6 =	vld [tilespmem:s16+$0xFFFFFFE0];
	[tilespmem:s17+$0x2850 ss:$0x81] =	vst.msk $0xffff, v2  }
0x35: {  	s20 =	sshra.s32 s18, $0x2;
	s18 =	smov.u32 s19;
	v7 =	vld [tilespmem:s16+$0xFFFFFFF0];
	[tilespmem:s17+$0x3060 ss:$0x81] =	vst.msk $0xffff, v3  }
.Ltmp3:
0x36: {  	v1 =	vld [tilespmem:s16+$0x0];
	[tilespmem:s17+$0x0 ss:$0x81] =	vst.msk $0xffff, v0;
	s17 =	sadd.s32 s20, s15;
	(pc) =	sbr.rel @p1 .LBB1_3-.Ltmp3, $4  }
0x37: {  	v2 =	vld [tilespmem:s16+$0x10];
	[tilespmem:s17+$0x3870 ss:$0x81] =	vst.msk $0xffff, v4  }
0x38: {  	[tilespmem:s17+$0x810 ss:$0x81] =	vst.msk $0xffff, v5;
	v3 =	vld [tilespmem:s16+$0x20]  }
0x39: {  	v0 =	vld [tilespmem:s16+$0xFFFFFFC0];
	[tilespmem:s17+$0x1020 ss:$0x81] =	vst.msk $0xffff, v6;
	s16 =	sadd.s32 $0x80, s16  }
0x3a: {  	s19 =	sadd.s32 $0x4, s19;
	v4 =	vld [tilespmem:s16+$0x30];
	[tilespmem:s17+$0x1830 ss:$0x81] =	vst.msk $0xffff, v7  }
0x3b: {  	v5 =	vld [tilespmem:s16+$0xFFFFFFD0];
	[tilespmem:s17+$0x2040 ss:$0x81] =	vst.msk $0xffff, v1  }
0x3c: {  	v58 =	vld [tilespmem:s16+$0xFFFFFFE0];
	[tilespmem:s17+$0x2850 ss:$0x81] =	vst.msk $0xffff, v2  }
0x3d: {  	s18 =	sshra.s32 s18, $0x2;
	v59 =	vld [tilespmem:s16+$0xFFFFFFF0];
	[tilespmem:s17+$0x3060 ss:$0x81] =	vst.msk $0xffff, v3  }
0x3e: {  	v60 =	vld [tilespmem:s16+$0x0];
	s15 =	sadd.s32 s18, s15;
	[tilespmem:s17+$0x0 ss:$0x81] =	vst.msk $0xffff, v0  }
0x3f: {  	v61 =	vld [tilespmem:s16+$0x10];
	[tilespmem:s15+$0x3870 ss:$0x81] =	vst.msk $0xffff, v4  }
0x40: {  	s13 =	sshll.u32 s13, $0x7;
	s27 =	sshll.u32 s12, $0x3;
	v62 =	vld [tilespmem:s16+$0x20];
	[tilespmem:s15+$0x810 ss:$0x81] =	vst.msk $0xffff, v5  }
0x41: {  	v63 =	vld [tilespmem:s16+$0xFFFFFFC0];
	s30 =	sshrl.u32 s12, $0x3;
	s28 =	sand.u32 $0x1C00, s13;
	s17 =	sand.u32 $0x1C00, s27;
	[tilespmem:s15+$0x1020 ss:$0x81] =	vst.msk $0xffff, v58  }
0x42: {  	s11 =	sshll.u32 s11, $0xA;
	s13 =	sand.u32 $0x380, s13;
	s29 =	sadd.s32 s17, s28;
	[tilespmem:s15+$0x1830 ss:$0x81] =	vst.msk $0xffff, v59  }
.Ltmp4:
0x43: {  	s16 =	sand.u32 $0xF, s30;
	s13 =	sor.u32 s13, s29;
	[tilespmem:s15+$0x2040 ss:$0x81] =	vst.msk $0xffff, v60;
	(pc) =	sbr.rel .LBB1_5-.Ltmp4, $4  }
0x44: {  	s31 =	sand.u32 $0x7, s12;
	s16 =	sadd.s32 s2, s16;
	[tilespmem:s15+$0x2850 ss:$0x81] =	vst.msk $0xffff, v61;
	s13 =	sshrl.u32 s13, $0x3  }
0x45: {  	s12 =	sshll.u32 s31, $0x12;
	s11 =	sadd.s32 s11, s16;
	[tilespmem:s15+$0x3060 ss:$0x81] =	vst.msk $0xffff, v62;
	s13 =	sand.u32 $0x3F0, s13  }
0x46: {  	s12 =	sor.u32 $0x80, s12;
	[tilespmem:s15+$0x0 ss:$0x81] =	vst.msk $0xffff, v63;
	s11 =	sadd.s32 s13, s11  }
0x47: {  	[hbm4b:s11+s12] =	stream.strided.scatter [tilespmem:s14], [sflag:$0x2], $0x4000, s6, s12, $0x20;
	[tilespmem:$0x10100] =	vst v63  }
.LBB1_6:
0x48: {  	_ =	sfence.sel $0x180000  }
0x49: {  	s2 =	simm.s32 $0x1;
	[bflag:$0x0] =	sbarrier.arrive $0xFFFF  }
0x4a: {  	s31 =	simm.s32 $0x2;
	[sflag:s2] =	ssyncpa.u1 $0x1  }
0x4b: {  	[sflag:s31] =	ssyncpa.u1 $0x1  }
0x4c: {  	p0 =	sne.s32 s1, $0x0;
	_ =	strace $0x90000051  }
0x4d: {  	s0 =	sadd.s32 @!p0 $0x100000, s0;
	[bflag:$0x2] =	sbarrier.arrive $0xFFFF  }
0x4e: {  	[sflag:s0] =	ssyncadd.tile.s32 @!p0 $0x1;
	_ =	shalt  }
.Lfunc_end1:
_tile_overlayer_lowered:
.L_overlay_start_2:
0x4f: {  	(tag) =	ssettag $0x2  }
0x50: {  	s0 =	rddreg [dreg:$0x0];
	s2 =	stileid.u32  }
0x51: {  	s1 =	rddreg [dreg:$0x1];
	p0 =	sne.s32 s2, $0x0  }
0x52: {  	s3 =	rddreg [dreg:$0x2];
	[bflag:$0x3] =	sbarrier.arrive $0xFFFF;
	s2 =	simm.s32 @!p0 $0x1C01  }
0x53: {  	[timem:s3], [sflag:s2] =	dma.local @!p0 [hbm:s0], s1  }
0x54: {  	s0 =	simm.s32 @!p0 $0x1  }
0x55: {  	_ =	swait.ge @!p0 [sflag:s0], s1  }
0x56: {  	s1 =	ssub.s32 @!p0 $0x0, s1;
	[sflag:s0] =	ssyncset.done @!p0 $0x0  }
0x57: {  	[sflag:s0] =	ssyncadd.s32 @!p0 s1  }
0x58: {  	[bflag:$0x3] =	sbarrier.arrive $0xFFFF  }
0x59: {  	_ =	shalt  }

</sc_bundles>
